<compile_context>
chip_gen: v7x
topology: tpu7x:2x2x1
jax: 0.10.2.dev20260603
libtpu: 0.0.44.dev20260713+nightly
codegen_flags: <defaults>
</compile_context>

<pallas_src>
import functools

import jax
import jax.numpy as jnp
from jax import lax
from jax.experimental import pallas as pl
from jax.experimental.pallas import tpu as pltpu
from jax.experimental.pallas import tpu_sc as plsc

N = 100_000
E = 6_400_000
LANES = 16
CHUNK = 1600
VPC = CHUNK // LANES
NC = 2
NS = 16
NW = NC * NS
CPW = E // CHUNK // NW
UNROLL = 4
STEPS = 30
TAIL = CPW - STEPS * UNROLL
SLICE = 6256
LAST_SLICE = N - (NS - 1) * SLICE
PIECE = CHUNK

_mesh = plsc.VectorSubcoreMesh(
    core_axis_name="c", subcore_axis_name="s", num_cores=NC, num_subcores=NS
)


@functools.partial(
    pl.kernel,
    out_type=jax.ShapeDtypeStruct((NC * N,), jnp.float32),
    mesh=_mesh,
    scratch_types=[
        pltpu.VMEM((N,), jnp.float32),
        pltpu.VMEM((CHUNK,), jnp.int32),
        pltpu.VMEM((CHUNK,), jnp.int32),
        pltpu.VMEM((CHUNK,), jnp.int32),
        pltpu.VMEM((CHUNK,), jnp.int32),
        pltpu.VMEM((CHUNK,), jnp.float32),
        pltpu.VMEM((CHUNK,), jnp.float32),
        pltpu.VMEM((CHUNK,), jnp.float32),
        pltpu.VMEM((CHUNK,), jnp.float32),
        pltpu.VMEM((CHUNK,), jnp.int32),
        pltpu.VMEM((CHUNK,), jnp.int32),
        pltpu.VMEM((CHUNK,), jnp.int32),
        pltpu.VMEM((CHUNK,), jnp.int32),
        pltpu.VMEM((CHUNK,), jnp.float32),
        pltpu.VMEM((CHUNK,), jnp.float32),
        pltpu.VMEM_SHARED((N,), jnp.float32),
        pltpu.SemaphoreType.DMA,
        pltpu.SemaphoreType.DMA,
        pltpu.SemaphoreType.DMA,
    ],
    compiler_params=pltpu.CompilerParams(needs_layout_passes=False),
)
def _spmv_sc(ed_hbm, row_hbm, col_hbm, b_hbm, out_hbm,
             b_v, col_v0, col_v1, col_v2, col_v3,
             ed_v0, ed_v1, ed_v2, ed_v3,
             row_v0, row_v1, row_v2, row_v3,
             prod_v0, prod_v1,
             acc, sem_in, sem_row, sem_sc):
    col_v = (col_v0, col_v1, col_v2, col_v3)
    ed_v = (ed_v0, ed_v1, ed_v2, ed_v3)
    row_v = (row_v0, row_v1, row_v2, row_v3)
    prod_v = (prod_v0, prod_v1)
    c = lax.axis_index("c")
    s = lax.axis_index("s")
    wid = s * NC + c

    @pl.when(s < NS - 1)
    def _():
        for p0 in range(0, SLICE, PIECE):
            w = min(PIECE, SLICE - p0)
            pltpu.sync_copy(b_hbm.at[pl.ds(s * SLICE + p0, w)],
                            prod_v0.at[pl.ds(0, w)])
            pltpu.sync_copy(prod_v0.at[pl.ds(0, w)],
                            acc.at[pl.ds(s * SLICE + p0, w)])

    @pl.when(s == NS - 1)
    def _():
        for p0 in range(0, LAST_SLICE, PIECE):
            w = min(PIECE, LAST_SLICE - p0)
            pltpu.sync_copy(b_hbm.at[pl.ds((NS - 1) * SLICE + p0, w)],
                            prod_v0.at[pl.ds(0, w)])
            pltpu.sync_copy(prod_v0.at[pl.ds(0, w)],
                            acc.at[pl.ds((NS - 1) * SLICE + p0, w)])

    plsc.subcore_barrier()
    pltpu.sync_copy(acc, b_v)
    plsc.subcore_barrier()

    def zero_body(k, carry):
        prod_v0[pl.ds(k * LANES, LANES)] = jnp.zeros((LANES,), jnp.float32)
        return carry

    lax.fori_loop(0, PIECE // LANES, zero_body, 0)

    @pl.when(s < NS - 1)
    def _():
        for p0 in range(0, SLICE, PIECE):
            w = min(PIECE, SLICE - p0)
            pltpu.sync_copy(prod_v0.at[pl.ds(0, w)],
                            acc.at[pl.ds(s * SLICE + p0, w)])

    @pl.when(s == NS - 1)
    def _():
        for p0 in range(0, LAST_SLICE, PIECE):
            w = min(PIECE, LAST_SLICE - p0)
            pltpu.sync_copy(prod_v0.at[pl.ds(0, w)],
                            acc.at[pl.ds((NS - 1) * SLICE + p0, w)])

    def fire_col_ed(i, b4):
        e0 = (wid * CPW + i) * CHUNK
        sl = pl.ds(e0, CHUNK)
        pltpu.async_copy(col_hbm.at[sl], col_v[b4], sem_in)
        pltpu.async_copy(ed_hbm.at[sl], ed_v[b4], sem_in)

    def fire_row(i, b4):
        e0 = (wid * CPW + i) * CHUNK
        pltpu.async_copy(row_hbm.at[pl.ds(e0, CHUNK)], row_v[b4], sem_row)

    def wait_loads():
        pltpu.make_async_copy(ed_hbm.at[pl.ds(0, 2 * CHUNK)],
                              b_v.at[pl.ds(0, 2 * CHUNK)], sem_in).wait()
        pltpu.make_async_copy(ed_hbm.at[pl.ds(0, CHUNK)],
                              prod_v1, sem_row).wait()

    def drain_scatter():
        pltpu.make_async_copy(ed_hbm.at[pl.ds(0, CHUNK)],
                              prod_v0, sem_sc).wait()

    def chunk_body(i, q, drain, fire3, fire2):
        wait_loads()
        if drain:
            drain_scatter()
        if fire3:
            fire_col_ed(i + 3, (q + 3) % 4)
        if fire2:
            fire_row(i + 2, (q + 2) % 4)
        b4, b2 = q % 4, q % 2

        @plsc.parallel_loop(0, VPC, unroll=8)
        def _(k):
            sl = pl.ds(k * LANES, LANES)
            bvals = plsc.load_gather(b_v, [col_v[b4][sl]])
            prod_v[b2][sl] = ed_v[b4][sl] * bvals

        pltpu.async_copy(prod_v[b2], acc.at[row_v[b4]], sem_sc, add=True)

    fire_col_ed(0, 0)
    fire_col_ed(1, 1)
    fire_col_ed(2, 2)
    fire_row(0, 0)
    fire_row(1, 1)
    plsc.subcore_barrier()

    for q in range(UNROLL):
        chunk_body(q, q, drain=q >= 2, fire3=True, fire2=True)

    def step_body(p, carry):
        base = p * UNROLL
        for q in range(UNROLL):
            chunk_body(base + q, q, drain=True, fire3=True, fire2=True)
        return carry

    lax.fori_loop(1, STEPS, step_body, 0)

    for q in range(TAIL):
        chunk_body(STEPS * UNROLL + q, q, drain=True,
                   fire3=q < TAIL - 3, fire2=q < TAIL - 2)
    drain_scatter()
    drain_scatter()

    plsc.subcore_barrier()

    @pl.when(s < NS - 1)
    def _():
        for p0 in range(0, SLICE, PIECE):
            w = min(PIECE, SLICE - p0)
            pltpu.sync_copy(acc.at[pl.ds(s * SLICE + p0, w)],
                            prod_v0.at[pl.ds(0, w)])
            pltpu.sync_copy(prod_v0.at[pl.ds(0, w)],
                            out_hbm.at[pl.ds(c * N + s * SLICE + p0, w)])

    @pl.when(s == NS - 1)
    def _():
        for p0 in range(0, LAST_SLICE, PIECE):
            w = min(PIECE, LAST_SLICE - p0)
            pltpu.sync_copy(acc.at[pl.ds((NS - 1) * SLICE + p0, w)],
                            prod_v0.at[pl.ds(0, w)])
            pltpu.sync_copy(
                prod_v0.at[pl.ds(0, w)],
                out_hbm.at[pl.ds(c * N + (NS - 1) * SLICE + p0, w)])


def _combine_body(p_ref, o_ref):
    o_ref[...] = p_ref[0:1, :] + p_ref[1:2, :]


def kernel(edata, row, col, B):
    partial = _spmv_sc(edata, row, col, B).reshape(NC, N)
    out = pl.pallas_call(
        _combine_body,
        out_shape=jax.ShapeDtypeStruct((1, N), jnp.float32),
    )(partial)
    return out.reshape(N)

# --- scband reference (transcript-rebuilt; emitter-appended) ---
"""Pipeline reference for scband-sparse-matrix-38414187496059 (READ-ONLY COPY).

The authoritative reference and input builder live on the scoring server;
editing this copy changes nothing except your own understanding.
"""

import jax, jax.numpy as jnp
import numpy as np

N = 100000
E = 6400000


def setup_inputs(seed: int = 0) -> dict:
    key = jax.random.key(seed)
    k1, k2, k3, k4 = jax.random.split(key, 4)
    edata = jax.random.normal(k1, (E,), dtype=jnp.float32)
    row = jax.random.randint(k2, (E,), 0, N, dtype=jnp.int32)
    col = jax.random.randint(k3, (E,), 0, N, dtype=jnp.int32)
    B = jax.random.normal(k4, (N,), dtype=jnp.float32)
    return {"edata": edata, "row": row, "col": col, "B": B}


def reference(edata, row, col, B):
    # SparseMatrix.__matmul__ with 1-D B -> spmv: C = A @ B where
    # A is COO sparse [N, N] with values edata at (row, col).
    # A @ B = scatter-add of edata * B[col] into output positions row.
    gathered = edata * jnp.take(B, col, axis=0)
    out = jax.ops.segment_sum(gathered, row, num_segments=N)
    return out

if __name__ == "__main__":
    import jax
    _d = setup_inputs()
    print(jax.jit(kernel)(*tuple(_d.values())))

</pallas_src>

<mosaic_0001>
#map = affine_map<(d0, d1) -> (0)>
module attributes {stable_mosaic.version = 14 : i64} {
  func.func @_spmv_sc(%arg0: i32, %arg1: i32, %arg2: memref<6400000xf32, #tpu.memory_space<hbm>>, %arg3: memref<6400000xi32, #tpu.memory_space<hbm>>, %arg4: memref<6400000xi32, #tpu.memory_space<hbm>>, %arg5: memref<100000xf32, #tpu.memory_space<hbm>>, %arg6: memref<200000xf32, #tpu.memory_space<hbm>>, %arg7: memref<100000xf32, #tpu.memory_space<vmem>>, %arg8: memref<1600xi32, #tpu.memory_space<vmem>>, %arg9: memref<1600xi32, #tpu.memory_space<vmem>>, %arg10: memref<1600xi32, #tpu.memory_space<vmem>>, %arg11: memref<1600xi32, #tpu.memory_space<vmem>>, %arg12: memref<1600xf32, #tpu.memory_space<vmem>>, %arg13: memref<1600xf32, #tpu.memory_space<vmem>>, %arg14: memref<1600xf32, #tpu.memory_space<vmem>>, %arg15: memref<1600xf32, #tpu.memory_space<vmem>>, %arg16: memref<1600xi32, #tpu.memory_space<vmem>>, %arg17: memref<1600xi32, #tpu.memory_space<vmem>>, %arg18: memref<1600xi32, #tpu.memory_space<vmem>>, %arg19: memref<1600xi32, #tpu.memory_space<vmem>>, %arg20: memref<1600xf32, #tpu.memory_space<vmem>>, %arg21: memref<1600xf32, #tpu.memory_space<vmem>>, %arg22: memref<100000xf32, #tpu.memory_space<vmem_shared>>, %arg23: memref<!tpu.dma_semaphore, #tpu.memory_space<semaphore_mem>>, %arg24: memref<!tpu.dma_semaphore, #tpu.memory_space<semaphore_mem>>, %arg25: memref<!tpu.dma_semaphore, #tpu.memory_space<semaphore_mem>>) attributes {dimension_semantics = [#tpu.dimension_semantics<core_parallel>, #tpu.dimension_semantics<subcore_parallel>], iteration_bounds = array<i64: 2, 16>, scalar_prefetch = 0 : i64, scratch_operands = 19 : i64, tpu.core_type = #tpu.core_type<sc_vector_subcore>, window_params = [{transform_indices = #map}, {transform_indices = #map}, {transform_indices = #map}, {transform_indices = #map}, {transform_indices = #map}]} {
    %mul3A = arith.constant 2 : i32
    %mul3A_0 = arith.muli %arg1, %mul3A : i32
    %add3A = arith.addi %mul3A_0, %arg0 : i32
    %lt3A = arith.constant 15 : i32
    %lt3A_1 = arith.cmpi slt, %arg1, %lt3A : i32
    %convert_element_type3A = arith.extui %lt3A_1 : i1 to i32
    %cond3A = arith.constant 0 : i32
    %cond3A_2 = arith.cmpi ne, %convert_element_type3A, %cond3A : i32
    scf.if %cond3A_2 {
      %mul3A_389 = arith.constant 6256 : i32
      %mul3A_390 = arith.muli %arg1, %mul3A_389 : i32
      %add3A_391 = arith.constant 0 : i32
      %add3A_392 = arith.addi %mul3A_390, %add3A_391 : i32
      "tpu.region"() ({
        %run_scoped3A = tpu.sem_alloc : memref<!tpu.dma_semaphore, #tpu.memory_space<semaphore_mem>>
        %dma_start3A_421 = arith.constant 0 : i32
        %dma_start3A_422 = tpu.memref_slice %arg20[%dma_start3A_421] : memref<1600xf32, #tpu.memory_space<vmem>> -> memref<1600xf32, #tpu.memory_space<vmem>>
        %dma_start3A_423 = tpu.memref_slice %arg5[%add3A_392] : memref<100000xf32, #tpu.memory_space<hbm>> -> memref<1600xf32, #tpu.memory_space<hbm>>
        %dma_start3A_424 = arith.constant 0 : i32
        %dma_start3A_425 = tpu.memref_slice %arg20[%dma_start3A_424] : memref<1600xf32, #tpu.memory_space<vmem>> -> memref<1600xf32, #tpu.memory_space<vmem>>
        %dma_start3A_426 = tpu.memref_slice %arg5[%add3A_392] : memref<100000xf32, #tpu.memory_space<hbm>> -> memref<1600xf32, #tpu.memory_space<hbm>>
        tpu.enqueue_dma source(%dma_start3A_426 : memref<1600xf32, #tpu.memory_space<hbm>>) target(%dma_start3A_425 : memref<1600xf32, #tpu.memory_space<vmem>>) target_semaphore(%run_scoped3A : memref<!tpu.dma_semaphore, #tpu.memory_space<semaphore_mem>>)
        %dma_wait3A_427 = arith.constant 0 : i32
        %dma_wait3A_428 = tpu.memref_slice %arg20[%dma_wait3A_427] : memref<1600xf32, #tpu.memory_space<vmem>> -> memref<1600xf32, #tpu.memory_space<vmem>>
        %dma_wait3A_429 = tpu.memref_slice %arg5[%add3A_392] : memref<100000xf32, #tpu.memory_space<hbm>> -> memref<1600xf32, #tpu.memory_space<hbm>>
        %dma_wait3A_430 = arith.constant 0 : i32
        %dma_wait3A_431 = tpu.memref_slice %arg20[%dma_wait3A_430] : memref<1600xf32, #tpu.memory_space<vmem>> -> memref<1600xf32, #tpu.memory_space<vmem>>
        %dma_wait3A_432 = tpu.memref_slice %arg5[%add3A_392] : memref<100000xf32, #tpu.memory_space<hbm>> -> memref<1600xf32, #tpu.memory_space<hbm>>
        tpu.wait_dma2 semaphore(%run_scoped3A : memref<!tpu.dma_semaphore, #tpu.memory_space<semaphore_mem>>) src(%dma_wait3A_432 : memref<1600xf32, #tpu.memory_space<hbm>>) dst(%dma_wait3A_431 : memref<1600xf32, #tpu.memory_space<vmem>>)
        tpu.yield
      }) : () -> ()
      %mul3A_393 = arith.constant 6256 : i32
      %mul3A_394 = arith.muli %arg1, %mul3A_393 : i32
      %add3A_395 = arith.constant 0 : i32
      %add3A_396 = arith.addi %mul3A_394, %add3A_395 : i32
      "tpu.region"() ({
        %run_scoped3A = tpu.sem_alloc : memref<!tpu.dma_semaphore, #tpu.memory_space<semaphore_mem>>
        %dma_start3A_421 = arith.constant 0 : i32
        %dma_start3A_422 = tpu.memref_slice %arg20[%dma_start3A_421] : memref<1600xf32, #tpu.memory_space<vmem>> -> memref<1600xf32, #tpu.memory_space<vmem>>
        %dma_start3A_423 = tpu.memref_slice %arg22[%add3A_396] : memref<100000xf32, #tpu.memory_space<vmem_shared>> -> memref<1600xf32, #tpu.memory_space<vmem_shared>>
        %dma_start3A_424 = tpu.memref_slice %arg22[%add3A_396] : memref<100000xf32, #tpu.memory_space<vmem_shared>> -> memref<1600xf32, #tpu.memory_space<vmem_shared>>
        %dma_start3A_425 = arith.constant 0 : i32
        %dma_start3A_426 = tpu.memref_slice %arg20[%dma_start3A_425] : memref<1600xf32, #tpu.memory_space<vmem>> -> memref<1600xf32, #tpu.memory_space<vmem>>
        tpu.enqueue_dma source(%dma_start3A_426 : memref<1600xf32, #tpu.memory_space<vmem>>) target(%dma_start3A_424 : memref<1600xf32, #tpu.memory_space<vmem_shared>>) target_semaphore(%run_scoped3A : memref<!tpu.dma_semaphore, #tpu.memory_space<semaphore_mem>>)
        %dma_wait3A_427 = arith.constant 0 : i32
        %dma_wait3A_428 = tpu.memref_slice %arg20[%dma_wait3A_427] : memref<1600xf32, #tpu.memory_space<vmem>> -> memref<1600xf32, #tpu.memory_space<vmem>>
        %dma_wait3A_429 = tpu.memref_slice %arg22[%add3A_396] : memref<100000xf32, #tpu.memory_space<vmem_shared>> -> memref<1600xf32, #tpu.memory_space<vmem_shared>>
        %dma_wait3A_430 = tpu.memref_slice %arg22[%add3A_396] : memref<100000xf32, #tpu.memory_space<vmem_shared>> -> memref<1600xf32, #tpu.memory_space<vmem_shared>>
        %dma_wait3A_431 = arith.constant 0 : i32
        %dma_wait3A_432 = tpu.memref_slice %arg20[%dma_wait3A_431] : memref<1600xf32, #tpu.memory_space<vmem>> -> memref<1600xf32, #tpu.memory_space<vmem>>
        tpu.wait_dma2 semaphore(%run_scoped3A : memref<!tpu.dma_semaphore, #tpu.memory_space<semaphore_mem>>) src(%dma_wait3A_432 : memref<1600xf32, #tpu.memory_space<vmem>>) dst(%dma_wait3A_430 : memref<1600xf32, #tpu.memory_space<vmem_shared>>)
        tpu.yield
      }) : () -> ()
      %mul3A_397 = arith.constant 6256 : i32
      %mul3A_398 = arith.muli %arg1, %mul3A_397 : i32
      %add3A_399 = arith.constant 1600 : i32
      %add3A_400 = arith.addi %mul3A_398, %add3A_399 : i32
      "tpu.region"() ({
        %run_scoped3A = tpu.sem_alloc : memref<!tpu.dma_semaphore, #tpu.memory_space<semaphore_mem>>
        %dma_start3A_421 = arith.constant 0 : i32
        %dma_start3A_422 = tpu.memref_slice %arg20[%dma_start3A_421] : memref<1600xf32, #tpu.memory_space<vmem>> -> memref<1600xf32, #tpu.memory_space<vmem>>
        %dma_start3A_423 = tpu.memref_slice %arg5[%add3A_400] : memref<100000xf32, #tpu.memory_space<hbm>> -> memref<1600xf32, #tpu.memory_space<hbm>>
        %dma_start3A_424 = arith.constant 0 : i32
        %dma_start3A_425 = tpu.memref_slice %arg20[%dma_start3A_424] : memref<1600xf32, #tpu.memory_space<vmem>> -> memref<1600xf32, #tpu.memory_space<vmem>>
        %dma_start3A_426 = tpu.memref_slice %arg5[%add3A_400] : memref<100000xf32, #tpu.memory_space<hbm>> -> memref<1600xf32, #tpu.memory_space<hbm>>
        tpu.enqueue_dma source(%dma_start3A_426 : memref<1600xf32, #tpu.memory_space<hbm>>) target(%dma_start3A_425 : memref<1600xf32, #tpu.memory_space<vmem>>) target_semaphore(%run_scoped3A : memref<!tpu.dma_semaphore, #tpu.memory_space<semaphore_mem>>)
        %dma_wait3A_427 = arith.constant 0 : i32
        %dma_wait3A_428 = tpu.memref_slice %arg20[%dma_wait3A_427] : memref<1600xf32, #tpu.memory_space<vmem>> -> memref<1600xf32, #tpu.memory_space<vmem>>
        %dma_wait3A_429 = tpu.memref_slice %arg5[%add3A_400] : memref<100000xf32, #tpu.memory_space<hbm>> -> memref<1600xf32, #tpu.memory_space<hbm>>
        %dma_wait3A_430 = arith.constant 0 : i32
        %dma_wait3A_431 = tpu.memref_slice %arg20[%dma_wait3A_430] : memref<1600xf32, #tpu.memory_space<vmem>> -> memref<1600xf32, #tpu.memory_space<vmem>>
        %dma_wait3A_432 = tpu.memref_slice %arg5[%add3A_400] : memref<100000xf32, #tpu.memory_space<hbm>> -> memref<1600xf32, #tpu.memory_space<hbm>>
        tpu.wait_dma2 semaphore(%run_scoped3A : memref<!tpu.dma_semaphore, #tpu.memory_space<semaphore_mem>>) src(%dma_wait3A_432 : memref<1600xf32, #tpu.memory_space<hbm>>) dst(%dma_wait3A_431 : memref<1600xf32, #tpu.memory_space<vmem>>)
        tpu.yield
      }) : () -> ()
      %mul3A_401 = arith.constant 6256 : i32
      %mul3A_402 = arith.muli %arg1, %mul3A_401 : i32
      %add3A_403 = arith.constant 1600 : i32
      %add3A_404 = arith.addi %mul3A_402, %add3A_403 : i32
      "tpu.region"() ({
        %run_scoped3A = tpu.sem_alloc : memref<!tpu.dma_semaphore, #tpu.memory_space<semaphore_mem>>
        %dma_start3A_421 = arith.constant 0 : i32
        %dma_start3A_422 = tpu.memref_slice %arg20[%dma_start3A_421] : memref<1600xf32, #tpu.memory_space<vmem>> -> memref<1600xf32, #tpu.memory_space<vmem>>
        %dma_start3A_423 = tpu.memref_slice %arg22[%add3A_404] : memref<100000xf32, #tpu.memory_space<vmem_shared>> -> memref<1600xf32, #tpu.memory_space<vmem_shared>>
        %dma_start3A_424 = tpu.memref_slice %arg22[%add3A_404] : memref<100000xf32, #tpu.memory_space<vmem_shared>> -> memref<1600xf32, #tpu.memory_space<vmem_shared>>
        %dma_start3A_425 = arith.constant 0 : i32
        %dma_start3A_426 = tpu.memref_slice %arg20[%dma_start3A_425] : memref<1600xf32, #tpu.memory_space<vmem>> -> memref<1600xf32, #tpu.memory_space<vmem>>
        tpu.enqueue_dma source(%dma_start3A_426 : memref<1600xf32, #tpu.memory_space<vmem>>) target(%dma_start3A_424 : memref<1600xf32, #tpu.memory_space<vmem_shared>>) target_semaphore(%run_scoped3A : memref<!tpu.dma_semaphore, #tpu.memory_space<semaphore_mem>>)
        %dma_wait3A_427 = arith.constant 0 : i32
        %dma_wait3A_428 = tpu.memref_slice %arg20[%dma_wait3A_427] : memref<1600xf32, #tpu.memory_space<vmem>> -> memref<1600xf32, #tpu.memory_space<vmem>>
        %dma_wait3A_429 = tpu.memref_slice %arg22[%add3A_404] : memref<100000xf32, #tpu.memory_space<vmem_shared>> -> memref<1600xf32, #tpu.memory_space<vmem_shared>>
        %dma_wait3A_430 = tpu.memref_slice %arg22[%add3A_404] : memref<100000xf32, #tpu.memory_space<vmem_shared>> -> memref<1600xf32, #tpu.memory_space<vmem_shared>>
        %dma_wait3A_431 = arith.constant 0 : i32
        %dma_wait3A_432 = tpu.memref_slice %arg20[%dma_wait3A_431] : memref<1600xf32, #tpu.memory_space<vmem>> -> memref<1600xf32, #tpu.memory_space<vmem>>
        tpu.wait_dma2 semaphore(%run_scoped3A : memref<!tpu.dma_semaphore, #tpu.memory_space<semaphore_mem>>) src(%dma_wait3A_432 : memref<1600xf32, #tpu.memory_space<vmem>>) dst(%dma_wait3A_430 : memref<1600xf32, #tpu.memory_space<vmem_shared>>)
        tpu.yield
      }) : () -> ()
      %mul3A_405 = arith.constant 6256 : i32
      %mul3A_406 = arith.muli %arg1, %mul3A_405 : i32
      %add3A_407 = arith.constant 3200 : i32
      %add3A_408 = arith.addi %mul3A_406, %add3A_407 : i32
      "tpu.region"() ({
        %run_scoped3A = tpu.sem_alloc : memref<!tpu.dma_semaphore, #tpu.memory_space<semaphore_mem>>
        %dma_start3A_421 = arith.constant 0 : i32
        %dma_start3A_422 = tpu.memref_slice %arg20[%dma_start3A_421] : memref<1600xf32, #tpu.memory_space<vmem>> -> memref<1600xf32, #tpu.memory_space<vmem>>
        %dma_start3A_423 = tpu.memref_slice %arg5[%add3A_408] : memref<100000xf32, #tpu.memory_space<hbm>> -> memref<1600xf32, #tpu.memory_space<hbm>>
        %dma_start3A_424 = arith.constant 0 : i32
        %dma_start3A_425 = tpu.memref_slice %arg20[%dma_start3A_424] : memref<1600xf32, #tpu.memory_space<vmem>> -> memref<1600xf32, #tpu.memory_space<vmem>>
        %dma_start3A_426 = tpu.memref_slice %arg5[%add3A_408] : memref<100000xf32, #tpu.memory_space<hbm>> -> memref<1600xf32, #tpu.memory_space<hbm>>
        tpu.enqueue_dma source(%dma_start3A_426 : memref<1600xf32, #tpu.memory_space<hbm>>) target(%dma_start3A_425 : memref<1600xf32, #tpu.memory_space<vmem>>) target_semaphore(%run_scoped3A : memref<!tpu.dma_semaphore, #tpu.memory_space<semaphore_mem>>)
        %dma_wait3A_427 = arith.constant 0 : i32
        %dma_wait3A_428 = tpu.memref_slice %arg20[%dma_wait3A_427] : memref<1600xf32, #tpu.memory_space<vmem>> -> memref<1600xf32, #tpu.memory_space<vmem>>
        %dma_wait3A_429 = tpu.memref_slice %arg5[%add3A_408] : memref<100000xf32, #tpu.memory_space<hbm>> -> memref<1600xf32, #tpu.memory_space<hbm>>
        %dma_wait3A_430 = arith.constant 0 : i32
        %dma_wait3A_431 = tpu.memref_slice %arg20[%dma_wait3A_430] : memref<1600xf32, #tpu.memory_space<vmem>> -> memref<1600xf32, #tpu.memory_space<vmem>>
        %dma_wait3A_432 = tpu.memref_slice %arg5[%add3A_408] : memref<100000xf32, #tpu.memory_space<hbm>> -> memref<1600xf32, #tpu.memory_space<hbm>>
        tpu.wait_dma2 semaphore(%run_scoped3A : memref<!tpu.dma_semaphore, #tpu.memory_space<semaphore_mem>>) src(%dma_wait3A_432 : memref<1600xf32, #tpu.memory_space<hbm>>) dst(%dma_wait3A_431 : memref<1600xf32, #tpu.memory_space<vmem>>)
        tpu.yield
      }) : () -> ()
      %mul3A_409 = arith.constant 6256 : i32
      %mul3A_410 = arith.muli %arg1, %mul3A_409 : i32
      %add3A_411 = arith.constant 3200 : i32
      %add3A_412 = arith.addi %mul3A_410, %add3A_411 : i32
      "tpu.region"() ({
        %run_scoped3A = tpu.sem_alloc : memref<!tpu.dma_semaphore, #tpu.memory_space<semaphore_mem>>
        %dma_start3A_421 = arith.constant 0 : i32
        %dma_start3A_422 = tpu.memref_slice %arg20[%dma_start3A_421] : memref<1600xf32, #tpu.memory_space<vmem>> -> memref<1600xf32, #tpu.memory_space<vmem>>
        %dma_start3A_423 = tpu.memref_slice %arg22[%add3A_412] : memref<100000xf32, #tpu.memory_space<vmem_shared>> -> memref<1600xf32, #tpu.memory_space<vmem_shared>>
        %dma_start3A_424 = tpu.memref_slice %arg22[%add3A_412] : memref<100000xf32, #tpu.memory_space<vmem_shared>> -> memref<1600xf32, #tpu.memory_space<vmem_shared>>
        %dma_start3A_425 = arith.constant 0 : i32
        %dma_start3A_426 = tpu.memref_slice %arg20[%dma_start3A_425] : memref<1600xf32, #tpu.memory_space<vmem>> -> memref<1600xf32, #tpu.memory_space<vmem>>
        tpu.enqueue_dma source(%dma_start3A_426 : memref<1600xf32, #tpu.memory_space<vmem>>) target(%dma_start3A_424 : memref<1600xf32, #tpu.memory_space<vmem_shared>>) target_semaphore(%run_scoped3A : memref<!tpu.dma_semaphore, #tpu.memory_space<semaphore_mem>>)
        %dma_wait3A_427 = arith.constant 0 : i32
        %dma_wait3A_428 = tpu.memref_slice %arg20[%dma_wait3A_427] : memref<1600xf32, #tpu.memory_space<vmem>> -> memref<1600xf32, #tpu.memory_space<vmem>>
        %dma_wait3A_429 = tpu.memref_slice %arg22[%add3A_412] : memref<100000xf32, #tpu.memory_space<vmem_shared>> -> memref<1600xf32, #tpu.memory_space<vmem_shared>>
        %dma_wait3A_430 = tpu.memref_slice %arg22[%add3A_412] : memref<100000xf32, #tpu.memory_space<vmem_shared>> -> memref<1600xf32, #tpu.memory_space<vmem_shared>>
        %dma_wait3A_431 = arith.constant 0 : i32
        %dma_wait3A_432 = tpu.memref_slice %arg20[%dma_wait3A_431] : memref<1600xf32, #tpu.memory_space<vmem>> -> memref<1600xf32, #tpu.memory_space<vmem>>
        tpu.wait_dma2 semaphore(%run_scoped3A : memref<!tpu.dma_semaphore, #tpu.memory_space<semaphore_mem>>) src(%dma_wait3A_432 : memref<1600xf32, #tpu.memory_space<vmem>>) dst(%dma_wait3A_430 : memref<1600xf32, #tpu.memory_space<vmem_shared>>)
        tpu.yield
      }) : () -> ()
      %mul3A_413 = arith.constant 6256 : i32
      %mul3A_414 = arith.muli %arg1, %mul3A_413 : i32
      %add3A_415 = arith.constant 4800 : i32
      %add3A_416 = arith.addi %mul3A_414, %add3A_415 : i32
      "tpu.region"() ({
        %run_scoped3A = tpu.sem_alloc : memref<!tpu.dma_semaphore, #tpu.memory_space<semaphore_mem>>
        %dma_start3A_421 = arith.constant 0 : i32
        %dma_start3A_422 = tpu.memref_slice %arg20[%dma_start3A_421] : memref<1600xf32, #tpu.memory_space<vmem>> -> memref<1456xf32, #tpu.memory_space<vmem>>
        %dma_start3A_423 = tpu.memref_slice %arg5[%add3A_416] : memref<100000xf32, #tpu.memory_space<hbm>> -> memref<1456xf32, #tpu.memory_space<hbm>>
        %dma_start3A_424 = arith.constant 0 : i32
        %dma_start3A_425 = tpu.memref_slice %arg20[%dma_start3A_424] : memref<1600xf32, #tpu.memory_space<vmem>> -> memref<1456xf32, #tpu.memory_space<vmem>>
        %dma_start3A_426 = tpu.memref_slice %arg5[%add3A_416] : memref<100000xf32, #tpu.memory_space<hbm>> -> memref<1456xf32, #tpu.memory_space<hbm>>
        tpu.enqueue_dma source(%dma_start3A_426 : memref<1456xf32, #tpu.memory_space<hbm>>) target(%dma_start3A_425 : memref<1456xf32, #tpu.memory_space<vmem>>) target_semaphore(%run_scoped3A : memref<!tpu.dma_semaphore, #tpu.memory_space<semaphore_mem>>)
        %dma_wait3A_427 = arith.constant 0 : i32
        %dma_wait3A_428 = tpu.memref_slice %arg20[%dma_wait3A_427] : memref<1600xf32, #tpu.memory_space<vmem>> -> memref<1456xf32, #tpu.memory_space<vmem>>
        %dma_wait3A_429 = tpu.memref_slice %arg5[%add3A_416] : memref<100000xf32, #tpu.memory_space<hbm>> -> memref<1456xf32, #tpu.memory_space<hbm>>
        %dma_wait3A_430 = arith.constant 0 : i32
        %dma_wait3A_431 = tpu.memref_slice %arg20[%dma_wait3A_430] : memref<1600xf32, #tpu.memory_space<vmem>> -> memref<1456xf32, #tpu.memory_space<vmem>>
        %dma_wait3A_432 = tpu.memref_slice %arg5[%add3A_416] : memref<100000xf32, #tpu.memory_space<hbm>> -> memref<1456xf32, #tpu.memory_space<hbm>>
        tpu.wait_dma2 semaphore(%run_scoped3A : memref<!tpu.dma_semaphore, #tpu.memory_space<semaphore_mem>>) src(%dma_wait3A_432 : memref<1456xf32, #tpu.memory_space<hbm>>) dst(%dma_wait3A_431 : memref<1456xf32, #tpu.memory_space<vmem>>)
        tpu.yield
      }) : () -> ()
      %mul3A_417 = arith.constant 6256 : i32
      %mul3A_418 = arith.muli %arg1, %mul3A_417 : i32
      %add3A_419 = arith.constant 4800 : i32
      %add3A_420 = arith.addi %mul3A_418, %add3A_419 : i32
      "tpu.region"() ({
        %run_scoped3A = tpu.sem_alloc : memref<!tpu.dma_semaphore, #tpu.memory_space<semaphore_mem>>
        %dma_start3A_421 = arith.constant 0 : i32
        %dma_start3A_422 = tpu.memref_slice %arg20[%dma_start3A_421] : memref<1600xf32, #tpu.memory_space<vmem>> -> memref<1456xf32, #tpu.memory_space<vmem>>
        %dma_start3A_423 = tpu.memref_slice %arg22[%add3A_420] : memref<100000xf32, #tpu.memory_space<vmem_shared>> -> memref<1456xf32, #tpu.memory_space<vmem_shared>>
        %dma_start3A_424 = tpu.memref_slice %arg22[%add3A_420] : memref<100000xf32, #tpu.memory_space<vmem_shared>> -> memref<1456xf32, #tpu.memory_space<vmem_shared>>
        %dma_start3A_425 = arith.constant 0 : i32
        %dma_start3A_426 = tpu.memref_slice %arg20[%dma_start3A_425] : memref<1600xf32, #tpu.memory_space<vmem>> -> memref<1456xf32, #tpu.memory_space<vmem>>
        tpu.enqueue_dma source(%dma_start3A_426 : memref<1456xf32, #tpu.memory_space<vmem>>) target(%dma_start3A_424 : memref<1456xf32, #tpu.memory_space<vmem_shared>>) target_semaphore(%run_scoped3A : memref<!tpu.dma_semaphore, #tpu.memory_space<semaphore_mem>>)
        %dma_wait3A_427 = arith.constant 0 : i32
        %dma_wait3A_428 = tpu.memref_slice %arg20[%dma_wait3A_427] : memref<1600xf32, #tpu.memory_space<vmem>> -> memref<1456xf32, #tpu.memory_space<vmem>>
        %dma_wait3A_429 = tpu.memref_slice %arg22[%add3A_420] : memref<100000xf32, #tpu.memory_space<vmem_shared>> -> memref<1456xf32, #tpu.memory_space<vmem_shared>>
        %dma_wait3A_430 = tpu.memref_slice %arg22[%add3A_420] : memref<100000xf32, #tpu.memory_space<vmem_shared>> -> memref<1456xf32, #tpu.memory_space<vmem_shared>>
        %dma_wait3A_431 = arith.constant 0 : i32
        %dma_wait3A_432 = tpu.memref_slice %arg20[%dma_wait3A_431] : memref<1600xf32, #tpu.memory_space<vmem>> -> memref<1456xf32, #tpu.memory_space<vmem>>
        tpu.wait_dma2 semaphore(%run_scoped3A : memref<!tpu.dma_semaphore, #tpu.memory_space<semaphore_mem>>) src(%dma_wait3A_432 : memref<1456xf32, #tpu.memory_space<vmem>>) dst(%dma_wait3A_430 : memref<1456xf32, #tpu.memory_space<vmem_shared>>)
        tpu.yield
      }) : () -> ()
    } else {
    }
    %eq3A = arith.constant 15 : i32
    %eq3A_3 = arith.cmpi eq, %arg1, %eq3A : i32
    %convert_element_type3A_4 = arith.extui %eq3A_3 : i1 to i32
    %cond3A_5 = arith.constant 0 : i32
    %cond3A_6 = arith.cmpi ne, %convert_element_type3A_4, %cond3A_5 : i32
    scf.if %cond3A_6 {
      "tpu.region"() ({
        %run_scoped3A = tpu.sem_alloc : memref<!tpu.dma_semaphore, #tpu.memory_space<semaphore_mem>>
        %dma_start3A_389 = arith.constant 0 : i32
        %dma_start3A_390 = tpu.memref_slice %arg20[%dma_start3A_389] : memref<1600xf32, #tpu.memory_space<vmem>> -> memref<1600xf32, #tpu.memory_space<vmem>>
        %dma_start3A_391 = arith.constant 93840 : i32
        %dma_start3A_392 = tpu.memref_slice %arg5[%dma_start3A_391] : memref<100000xf32, #tpu.memory_space<hbm>> -> memref<1600xf32, #tpu.memory_space<hbm>>
        %dma_start3A_393 = arith.constant 0 : i32
        %dma_start3A_394 = tpu.memref_slice %arg20[%dma_start3A_393] : memref<1600xf32, #tpu.memory_space<vmem>> -> memref<1600xf32, #tpu.memory_space<vmem>>
        %dma_start3A_395 = arith.constant 93840 : i32
        %dma_start3A_396 = tpu.memref_slice %arg5[%dma_start3A_395] : memref<100000xf32, #tpu.memory_space<hbm>> -> memref<1600xf32, #tpu.memory_space<hbm>>
        tpu.enqueue_dma source(%dma_start3A_396 : memref<1600xf32, #tpu.memory_space<hbm>>) target(%dma_start3A_394 : memref<1600xf32, #tpu.memory_space<vmem>>) target_semaphore(%run_scoped3A : memref<!tpu.dma_semaphore, #tpu.memory_space<semaphore_mem>>)
        %dma_wait3A_397 = arith.constant 0 : i32
        %dma_wait3A_398 = tpu.memref_slice %arg20[%dma_wait3A_397] : memref<1600xf32, #tpu.memory_space<vmem>> -> memref<1600xf32, #tpu.memory_space<vmem>>
        %dma_wait3A_399 = arith.constant 93840 : i32
        %dma_wait3A_400 = tpu.memref_slice %arg5[%dma_wait3A_399] : memref<100000xf32, #tpu.memory_space<hbm>> -> memref<1600xf32, #tpu.memory_space<hbm>>
        %dma_wait3A_401 = arith.constant 0 : i32
        %dma_wait3A_402 = tpu.memref_slice %arg20[%dma_wait3A_401] : memref<1600xf32, #tpu.memory_space<vmem>> -> memref<1600xf32, #tpu.memory_space<vmem>>
        %dma_wait3A_403 = arith.constant 93840 : i32
        %dma_wait3A_404 = tpu.memref_slice %arg5[%dma_wait3A_403] : memref<100000xf32, #tpu.memory_space<hbm>> -> memref<1600xf32, #tpu.memory_space<hbm>>
        tpu.wait_dma2 semaphore(%run_scoped3A : memref<!tpu.dma_semaphore, #tpu.memory_space<semaphore_mem>>) src(%dma_wait3A_404 : memref<1600xf32, #tpu.memory_space<hbm>>) dst(%dma_wait3A_402 : memref<1600xf32, #tpu.memory_space<vmem>>)
        tpu.yield
      }) : () -> ()
      "tpu.region"() ({
        %run_scoped3A = tpu.sem_alloc : memref<!tpu.dma_semaphore, #tpu.memory_space<semaphore_mem>>
        %dma_start3A_389 = arith.constant 0 : i32
        %dma_start3A_390 = tpu.memref_slice %arg20[%dma_start3A_389] : memref<1600xf32, #tpu.memory_space<vmem>> -> memref<1600xf32, #tpu.memory_space<vmem>>
        %dma_start3A_391 = arith.constant 93840 : i32
        %dma_start3A_392 = tpu.memref_slice %arg22[%dma_start3A_391] : memref<100000xf32, #tpu.memory_space<vmem_shared>> -> memref<1600xf32, #tpu.memory_space<vmem_shared>>
        %dma_start3A_393 = arith.constant 93840 : i32
        %dma_start3A_394 = tpu.memref_slice %arg22[%dma_start3A_393] : memref<100000xf32, #tpu.memory_space<vmem_shared>> -> memref<1600xf32, #tpu.memory_space<vmem_shared>>
        %dma_start3A_395 = arith.constant 0 : i32
        %dma_start3A_396 = tpu.memref_slice %arg20[%dma_start3A_395] : memref<1600xf32, #tpu.memory_space<vmem>> -> memref<1600xf32, #tpu.memory_space<vmem>>
        tpu.enqueue_dma source(%dma_start3A_396 : memref<1600xf32, #tpu.memory_space<vmem>>) target(%dma_start3A_394 : memref<1600xf32, #tpu.memory_space<vmem_shared>>) target_semaphore(%run_scoped3A : memref<!tpu.dma_semaphore, #tpu.memory_space<semaphore_mem>>)
        %dma_wait3A_397 = arith.constant 0 : i32
        %dma_wait3A_398 = tpu.memref_slice %arg20[%dma_wait3A_397] : memref<1600xf32, #tpu.memory_space<vmem>> -> memref<1600xf32, #tpu.memory_space<vmem>>
        %dma_wait3A_399 = arith.constant 93840 : i32
        %dma_wait3A_400 = tpu.memref_slice %arg22[%dma_wait3A_399] : memref<100000xf32, #tpu.memory_space<vmem_shared>> -> memref<1600xf32, #tpu.memory_space<vmem_shared>>
        %dma_wait3A_401 = arith.constant 93840 : i32
        %dma_wait3A_402 = tpu.memref_slice %arg22[%dma_wait3A_401] : memref<100000xf32, #tpu.memory_space<vmem_shared>> -> memref<1600xf32, #tpu.memory_space<vmem_shared>>
        %dma_wait3A_403 = arith.constant 0 : i32
        %dma_wait3A_404 = tpu.memref_slice %arg20[%dma_wait3A_403] : memref<1600xf32, #tpu.memory_space<vmem>> -> memref<1600xf32, #tpu.memory_space<vmem>>
        tpu.wait_dma2 semaphore(%run_scoped3A : memref<!tpu.dma_semaphore, #tpu.memory_space<semaphore_mem>>) src(%dma_wait3A_404 : memref<1600xf32, #tpu.memory_space<vmem>>) dst(%dma_wait3A_402 : memref<1600xf32, #tpu.memory_space<vmem_shared>>)
        tpu.yield
      }) : () -> ()
      "tpu.region"() ({
        %run_scoped3A = tpu.sem_alloc : memref<!tpu.dma_semaphore, #tpu.memory_space<semaphore_mem>>
        %dma_start3A_389 = arith.constant 0 : i32
        %dma_start3A_390 = tpu.memref_slice %arg20[%dma_start3A_389] : memref<1600xf32, #tpu.memory_space<vmem>> -> memref<1600xf32, #tpu.memory_space<vmem>>
        %dma_start3A_391 = arith.constant 95440 : i32
        %dma_start3A_392 = tpu.memref_slice %arg5[%dma_start3A_391] : memref<100000xf32, #tpu.memory_space<hbm>> -> memref<1600xf32, #tpu.memory_space<hbm>>
        %dma_start3A_393 = arith.constant 0 : i32
        %dma_start3A_394 = tpu.memref_slice %arg20[%dma_start3A_393] : memref<1600xf32, #tpu.memory_space<vmem>> -> memref<1600xf32, #tpu.memory_space<vmem>>
        %dma_start3A_395 = arith.constant 95440 : i32
        %dma_start3A_396 = tpu.memref_slice %arg5[%dma_start3A_395] : memref<100000xf32, #tpu.memory_space<hbm>> -> memref<1600xf32, #tpu.memory_space<hbm>>
        tpu.enqueue_dma source(%dma_start3A_396 : memref<1600xf32, #tpu.memory_space<hbm>>) target(%dma_start3A_394 : memref<1600xf32, #tpu.memory_space<vmem>>) target_semaphore(%run_scoped3A : memref<!tpu.dma_semaphore, #tpu.memory_space<semaphore_mem>>)
        %dma_wait3A_397 = arith.constant 0 : i32
        %dma_wait3A_398 = tpu.memref_slice %arg20[%dma_wait3A_397] : memref<1600xf32, #tpu.memory_space<vmem>> -> memref<1600xf32, #tpu.memory_space<vmem>>
        %dma_wait3A_399 = arith.constant 95440 : i32
        %dma_wait3A_400 = tpu.memref_slice %arg5[%dma_wait3A_399] : memref<100000xf32, #tpu.memory_space<hbm>> -> memref<1600xf32, #tpu.memory_space<hbm>>
        %dma_wait3A_401 = arith.constant 0 : i32
        %dma_wait3A_402 = tpu.memref_slice %arg20[%dma_wait3A_401] : memref<1600xf32, #tpu.memory_space<vmem>> -> memref<1600xf32, #tpu.memory_space<vmem>>
        %dma_wait3A_403 = arith.constant 95440 : i32
        %dma_wait3A_404 = tpu.memref_slice %arg5[%dma_wait3A_403] : memref<100000xf32, #tpu.memory_space<hbm>> -> memref<1600xf32, #tpu.memory_space<hbm>>
        tpu.wait_dma2 semaphore(%run_scoped3A : memref<!tpu.dma_semaphore, #tpu.memory_space<semaphore_mem>>) src(%dma_wait3A_404 : memref<1600xf32, #tpu.memory_space<hbm>>) dst(%dma_wait3A_402 : memref<1600xf32, #tpu.memory_space<vmem>>)
        tpu.yield
      }) : () -> ()
      "tpu.region"() ({
        %run_scoped3A = tpu.sem_alloc : memref<!tpu.dma_semaphore, #tpu.memory_space<semaphore_mem>>
        %dma_start3A_389 = arith.constant 0 : i32
        %dma_start3A_390 = tpu.memref_slice %arg20[%dma_start3A_389] : memref<1600xf32, #tpu.memory_space<vmem>> -> memref<1600xf32, #tpu.memory_space<vmem>>
        %dma_start3A_391 = arith.constant 95440 : i32
        %dma_start3A_392 = tpu.memref_slice %arg22[%dma_start3A_391] : memref<100000xf32, #tpu.memory_space<vmem_shared>> -> memref<1600xf32, #tpu.memory_space<vmem_shared>>
        %dma_start3A_393 = arith.constant 95440 : i32
        %dma_start3A_394 = tpu.memref_slice %arg22[%dma_start3A_393] : memref<100000xf32, #tpu.memory_space<vmem_shared>> -> memref<1600xf32, #tpu.memory_space<vmem_shared>>
        %dma_start3A_395 = arith.constant 0 : i32
        %dma_start3A_396 = tpu.memref_slice %arg20[%dma_start3A_395] : memref<1600xf32, #tpu.memory_space<vmem>> -> memref<1600xf32, #tpu.memory_space<vmem>>
        tpu.enqueue_dma source(%dma_start3A_396 : memref<1600xf32, #tpu.memory_space<vmem>>) target(%dma_start3A_394 : memref<1600xf32, #tpu.memory_space<vmem_shared>>) target_semaphore(%run_scoped3A : memref<!tpu.dma_semaphore, #tpu.memory_space<semaphore_mem>>)
        %dma_wait3A_397 = arith.constant 0 : i32
        %dma_wait3A_398 = tpu.memref_slice %arg20[%dma_wait3A_397] : memref<1600xf32, #tpu.memory_space<vmem>> -> memref<1600xf32, #tpu.memory_space<vmem>>
        %dma_wait3A_399 = arith.constant 95440 : i32
        %dma_wait3A_400 = tpu.memref_slice %arg22[%dma_wait3A_399] : memref<100000xf32, #tpu.memory_space<vmem_shared>> -> memref<1600xf32, #tpu.memory_space<vmem_shared>>
        %dma_wait3A_401 = arith.constant 95440 : i32
        %dma_wait3A_402 = tpu.memref_slice %arg22[%dma_wait3A_401] : memref<100000xf32, #tpu.memory_space<vmem_shared>> -> memref<1600xf32, #tpu.memory_space<vmem_shared>>
        %dma_wait3A_403 = arith.constant 0 : i32
        %dma_wait3A_404 = tpu.memref_slice %arg20[%dma_wait3A_403] : memref<1600xf32, #tpu.memory_space<vmem>> -> memref<1600xf32, #tpu.memory_space<vmem>>
        tpu.wait_dma2 semaphore(%run_scoped3A : memref<!tpu.dma_semaphore, #tpu.memory_space<semaphore_mem>>) src(%dma_wait3A_404 : memref<1600xf32, #tpu.memory_space<vmem>>) dst(%dma_wait3A_402 : memref<1600xf32, #tpu.memory_space<vmem_shared>>)
        tpu.yield
      }) : () -> ()
      "tpu.region"() ({
        %run_scoped3A = tpu.sem_alloc : memref<!tpu.dma_semaphore, #tpu.memory_space<semaphore_mem>>
        %dma_start3A_389 = arith.constant 0 : i32
        %dma_start3A_390 = tpu.memref_slice %arg20[%dma_start3A_389] : memref<1600xf32, #tpu.memory_space<vmem>> -> memref<1600xf32, #tpu.memory_space<vmem>>
        %dma_start3A_391 = arith.constant 97040 : i32
        %dma_start3A_392 = tpu.memref_slice %arg5[%dma_start3A_391] : memref<100000xf32, #tpu.memory_space<hbm>> -> memref<1600xf32, #tpu.memory_space<hbm>>
        %dma_start3A_393 = arith.constant 0 : i32
        %dma_start3A_394 = tpu.memref_slice %arg20[%dma_start3A_393] : memref<1600xf32, #tpu.memory_space<vmem>> -> memref<1600xf32, #tpu.memory_space<vmem>>
        %dma_start3A_395 = arith.constant 97040 : i32
        %dma_start3A_396 = tpu.memref_slice %arg5[%dma_start3A_395] : memref<100000xf32, #tpu.memory_space<hbm>> -> memref<1600xf32, #tpu.memory_space<hbm>>
        tpu.enqueue_dma source(%dma_start3A_396 : memref<1600xf32, #tpu.memory_space<hbm>>) target(%dma_start3A_394 : memref<1600xf32, #tpu.memory_space<vmem>>) target_semaphore(%run_scoped3A : memref<!tpu.dma_semaphore, #tpu.memory_space<semaphore_mem>>)
        %dma_wait3A_397 = arith.constant 0 : i32
        %dma_wait3A_398 = tpu.memref_slice %arg20[%dma_wait3A_397] : memref<1600xf32, #tpu.memory_space<vmem>> -> memref<1600xf32, #tpu.memory_space<vmem>>
        %dma_wait3A_399 = arith.constant 97040 : i32
        %dma_wait3A_400 = tpu.memref_slice %arg5[%dma_wait3A_399] : memref<100000xf32, #tpu.memory_space<hbm>> -> memref<1600xf32, #tpu.memory_space<hbm>>
        %dma_wait3A_401 = arith.constant 0 : i32
        %dma_wait3A_402 = tpu.memref_slice %arg20[%dma_wait3A_401] : memref<1600xf32, #tpu.memory_space<vmem>> -> memref<1600xf32, #tpu.memory_space<vmem>>
        %dma_wait3A_403 = arith.constant 97040 : i32
        %dma_wait3A_404 = tpu.memref_slice %arg5[%dma_wait3A_403] : memref<100000xf32, #tpu.memory_space<hbm>> -> memref<1600xf32, #tpu.memory_space<hbm>>
        tpu.wait_dma2 semaphore(%run_scoped3A : memref<!tpu.dma_semaphore, #tpu.memory_space<semaphore_mem>>) src(%dma_wait3A_404 : memref<1600xf32, #tpu.memory_space<hbm>>) dst(%dma_wait3A_402 : memref<1600xf32, #tpu.memory_space<vmem>>)
        tpu.yield
      }) : () -> ()
      "tpu.region"() ({
        %run_scoped3A = tpu.sem_alloc : memref<!tpu.dma_semaphore, #tpu.memory_space<semaphore_mem>>
        %dma_start3A_389 = arith.constant 0 : i32
        %dma_start3A_390 = tpu.memref_slice %arg20[%dma_start3A_389] : memref<1600xf32, #tpu.memory_space<vmem>> -> memref<1600xf32, #tpu.memory_space<vmem>>
        %dma_start3A_391 = arith.constant 97040 : i32
        %dma_start3A_392 = tpu.memref_slice %arg22[%dma_start3A_391] : memref<100000xf32, #tpu.memory_space<vmem_shared>> -> memref<1600xf32, #tpu.memory_space<vmem_shared>>
        %dma_start3A_393 = arith.constant 97040 : i32
        %dma_start3A_394 = tpu.memref_slice %arg22[%dma_start3A_393] : memref<100000xf32, #tpu.memory_space<vmem_shared>> -> memref<1600xf32, #tpu.memory_space<vmem_shared>>
        %dma_start3A_395 = arith.constant 0 : i32
        %dma_start3A_396 = tpu.memref_slice %arg20[%dma_start3A_395] : memref<1600xf32, #tpu.memory_space<vmem>> -> memref<1600xf32, #tpu.memory_space<vmem>>
        tpu.enqueue_dma source(%dma_start3A_396 : memref<1600xf32, #tpu.memory_space<vmem>>) target(%dma_start3A_394 : memref<1600xf32, #tpu.memory_space<vmem_shared>>) target_semaphore(%run_scoped3A : memref<!tpu.dma_semaphore, #tpu.memory_space<semaphore_mem>>)
        %dma_wait3A_397 = arith.constant 0 : i32
        %dma_wait3A_398 = tpu.memref_slice %arg20[%dma_wait3A_397] : memref<1600xf32, #tpu.memory_space<vmem>> -> memref<1600xf32, #tpu.memory_space<vmem>>
        %dma_wait3A_399 = arith.constant 97040 : i32
        %dma_wait3A_400 = tpu.memref_slice %arg22[%dma_wait3A_399] : memref<100000xf32, #tpu.memory_space<vmem_shared>> -> memref<1600xf32, #tpu.memory_space<vmem_shared>>
        %dma_wait3A_401 = arith.constant 97040 : i32
        %dma_wait3A_402 = tpu.memref_slice %arg22[%dma_wait3A_401] : memref<100000xf32, #tpu.memory_space<vmem_shared>> -> memref<1600xf32, #tpu.memory_space<vmem_shared>>
        %dma_wait3A_403 = arith.constant 0 : i32
        %dma_wait3A_404 = tpu.memref_slice %arg20[%dma_wait3A_403] : memref<1600xf32, #tpu.memory_space<vmem>> -> memref<1600xf32, #tpu.memory_space<vmem>>
        tpu.wait_dma2 semaphore(%run_scoped3A : memref<!tpu.dma_semaphore, #tpu.memory_space<semaphore_mem>>) src(%dma_wait3A_404 : memref<1600xf32, #tpu.memory_space<vmem>>) dst(%dma_wait3A_402 : memref<1600xf32, #tpu.memory_space<vmem_shared>>)
        tpu.yield
      }) : () -> ()
      "tpu.region"() ({
        %run_scoped3A = tpu.sem_alloc : memref<!tpu.dma_semaphore, #tpu.memory_space<semaphore_mem>>
        %dma_start3A_389 = arith.constant 0 : i32
        %dma_start3A_390 = tpu.memref_slice %arg20[%dma_start3A_389] : memref<1600xf32, #tpu.memory_space<vmem>> -> memref<1360xf32, #tpu.memory_space<vmem>>
        %dma_start3A_391 = arith.constant 98640 : i32
        %dma_start3A_392 = tpu.memref_slice %arg5[%dma_start3A_391] : memref<100000xf32, #tpu.memory_space<hbm>> -> memref<1360xf32, #tpu.memory_space<hbm>>
        %dma_start3A_393 = arith.constant 0 : i32
        %dma_start3A_394 = tpu.memref_slice %arg20[%dma_start3A_393] : memref<1600xf32, #tpu.memory_space<vmem>> -> memref<1360xf32, #tpu.memory_space<vmem>>
        %dma_start3A_395 = arith.constant 98640 : i32
        %dma_start3A_396 = tpu.memref_slice %arg5[%dma_start3A_395] : memref<100000xf32, #tpu.memory_space<hbm>> -> memref<1360xf32, #tpu.memory_space<hbm>>
        tpu.enqueue_dma source(%dma_start3A_396 : memref<1360xf32, #tpu.memory_space<hbm>>) target(%dma_start3A_394 : memref<1360xf32, #tpu.memory_space<vmem>>) target_semaphore(%run_scoped3A : memref<!tpu.dma_semaphore, #tpu.memory_space<semaphore_mem>>)
        %dma_wait3A_397 = arith.constant 0 : i32
        %dma_wait3A_398 = tpu.memref_slice %arg20[%dma_wait3A_397] : memref<1600xf32, #tpu.memory_space<vmem>> -> memref<1360xf32, #tpu.memory_space<vmem>>
        %dma_wait3A_399 = arith.constant 98640 : i32
        %dma_wait3A_400 = tpu.memref_slice %arg5[%dma_wait3A_399] : memref<100000xf32, #tpu.memory_space<hbm>> -> memref<1360xf32, #tpu.memory_space<hbm>>
        %dma_wait3A_401 = arith.constant 0 : i32
        %dma_wait3A_402 = tpu.memref_slice %arg20[%dma_wait3A_401] : memref<1600xf32, #tpu.memory_space<vmem>> -> memref<1360xf32, #tpu.memory_space<vmem>>
        %dma_wait3A_403 = arith.constant 98640 : i32
        %dma_wait3A_404 = tpu.memref_slice %arg5[%dma_wait3A_403] : memref<100000xf32, #tpu.memory_space<hbm>> -> memref<1360xf32, #tpu.memory_space<hbm>>
        tpu.wait_dma2 semaphore(%run_scoped3A : memref<!tpu.dma_semaphore, #tpu.memory_space<semaphore_mem>>) src(%dma_wait3A_404 : memref<1360xf32, #tpu.memory_space<hbm>>) dst(%dma_wait3A_402 : memref<1360xf32, #tpu.memory_space<vmem>>)
        tpu.yield
      }) : () -> ()
      "tpu.region"() ({
        %run_scoped3A = tpu.sem_alloc : memref<!tpu.dma_semaphore, #tpu.memory_space<semaphore_mem>>
        %dma_start3A_389 = arith.constant 0 : i32
        %dma_start3A_390 = tpu.memref_slice %arg20[%dma_start3A_389] : memref<1600xf32, #tpu.memory_space<vmem>> -> memref<1360xf32, #tpu.memory_space<vmem>>
        %dma_start3A_391 = arith.constant 98640 : i32
        %dma_start3A_392 = tpu.memref_slice %arg22[%dma_start3A_391] : memref<100000xf32, #tpu.memory_space<vmem_shared>> -> memref<1360xf32, #tpu.memory_space<vmem_shared>>
        %dma_start3A_393 = arith.constant 98640 : i32
        %dma_start3A_394 = tpu.memref_slice %arg22[%dma_start3A_393] : memref<100000xf32, #tpu.memory_space<vmem_shared>> -> memref<1360xf32, #tpu.memory_space<vmem_shared>>
        %dma_start3A_395 = arith.constant 0 : i32
        %dma_start3A_396 = tpu.memref_slice %arg20[%dma_start3A_395] : memref<1600xf32, #tpu.memory_space<vmem>> -> memref<1360xf32, #tpu.memory_space<vmem>>
        tpu.enqueue_dma source(%dma_start3A_396 : memref<1360xf32, #tpu.memory_space<vmem>>) target(%dma_start3A_394 : memref<1360xf32, #tpu.memory_space<vmem_shared>>) target_semaphore(%run_scoped3A : memref<!tpu.dma_semaphore, #tpu.memory_space<semaphore_mem>>)
        %dma_wait3A_397 = arith.constant 0 : i32
        %dma_wait3A_398 = tpu.memref_slice %arg20[%dma_wait3A_397] : memref<1600xf32, #tpu.memory_space<vmem>> -> memref<1360xf32, #tpu.memory_space<vmem>>
        %dma_wait3A_399 = arith.constant 98640 : i32
        %dma_wait3A_400 = tpu.memref_slice %arg22[%dma_wait3A_399] : memref<100000xf32, #tpu.memory_space<vmem_shared>> -> memref<1360xf32, #tpu.memory_space<vmem_shared>>
        %dma_wait3A_401 = arith.constant 98640 : i32
        %dma_wait3A_402 = tpu.memref_slice %arg22[%dma_wait3A_401] : memref<100000xf32, #tpu.memory_space<vmem_shared>> -> memref<1360xf32, #tpu.memory_space<vmem_shared>>
        %dma_wait3A_403 = arith.constant 0 : i32
        %dma_wait3A_404 = tpu.memref_slice %arg20[%dma_wait3A_403] : memref<1600xf32, #tpu.memory_space<vmem>> -> memref<1360xf32, #tpu.memory_space<vmem>>
        tpu.wait_dma2 semaphore(%run_scoped3A : memref<!tpu.dma_semaphore, #tpu.memory_space<semaphore_mem>>) src(%dma_wait3A_404 : memref<1360xf32, #tpu.memory_space<vmem>>) dst(%dma_wait3A_402 : memref<1360xf32, #tpu.memory_space<vmem_shared>>)
        tpu.yield
      }) : () -> ()
    } else {
    }
    %barrier3A = arith.constant 0 : index
    tpu.barrier barrier_id(%barrier3A)
    "tpu.region"() ({
      %run_scoped3A = tpu.sem_alloc : memref<!tpu.dma_semaphore, #tpu.memory_space<semaphore_mem>>
      tpu.enqueue_dma source(%arg22 : memref<100000xf32, #tpu.memory_space<vmem_shared>>) target(%arg7 : memref<100000xf32, #tpu.memory_space<vmem>>) target_semaphore(%run_scoped3A : memref<!tpu.dma_semaphore, #tpu.memory_space<semaphore_mem>>)
      tpu.wait_dma2 semaphore(%run_scoped3A : memref<!tpu.dma_semaphore, #tpu.memory_space<semaphore_mem>>) src(%arg22 : memref<100000xf32, #tpu.memory_space<vmem_shared>>) dst(%arg7 : memref<100000xf32, #tpu.memory_space<vmem>>)
      tpu.yield
    }) : () -> ()
    %barrier3A_7 = arith.constant 0 : index
    tpu.barrier barrier_id(%barrier3A_7)
    %scan3A = arith.constant 0 : i32
    %scan3A_8 = arith.constant 0 : i32
    %scan3A_9 = arith.constant 100 : i32
    %scan3A_10 = arith.addi %scan3A_8, %scan3A_9 : i32
    %scan3A_11 = arith.constant 1 : i32
    scf.for %scan3A_389 = %scan3A_8 to %scan3A_10 step %scan3A_11  : i32 {
      %broadcast_in_dim3A = arith.constant 0.000000e+00 : f32
      %broadcast_in_dim3A_390 = vector.broadcast %broadcast_in_dim3A : f32 to vector<16xf32>
      %mul3A_391 = arith.constant 16 : i32
      %mul3A_392 = arith.muli %scan3A_389, %mul3A_391 : i32
      %swap3A = arith.index_cast %mul3A_392 : i32 to index
      %swap3A_393 = tpu.vector_load %arg20[%swap3A] {strides = array<i32>} : memref<1600xf32, #tpu.memory_space<vmem>>, vector<16xf32>,
      tpu.vector_store %arg20[%swap3A], %broadcast_in_dim3A_390 {strides = array<i32>} : memref<1600xf32, #tpu.memory_space<vmem>>, vector<16xf32>,
    }
    %scan3A_12 = arith.constant 100 : i32
    %lt3A_13 = arith.constant 15 : i32
    %lt3A_14 = arith.cmpi slt, %arg1, %lt3A_13 : i32
    %convert_element_type3A_15 = arith.extui %lt3A_14 : i1 to i32
    %cond3A_16 = arith.constant 0 : i32
    %cond3A_17 = arith.cmpi ne, %convert_element_type3A_15, %cond3A_16 : i32
    scf.if %cond3A_17 {
      %mul3A_389 = arith.constant 6256 : i32
      %mul3A_390 = arith.muli %arg1, %mul3A_389 : i32
      %add3A_391 = arith.constant 0 : i32
      %add3A_392 = arith.addi %mul3A_390, %add3A_391 : i32
      "tpu.region"() ({
        %run_scoped3A = tpu.sem_alloc : memref<!tpu.dma_semaphore, #tpu.memory_space<semaphore_mem>>
        %dma_start3A_405 = arith.constant 0 : i32
        %dma_start3A_406 = tpu.memref_slice %arg20[%dma_start3A_405] : memref<1600xf32, #tpu.memory_space<vmem>> -> memref<1600xf32, #tpu.memory_space<vmem>>
        %dma_start3A_407 = tpu.memref_slice %arg22[%add3A_392] : memref<100000xf32, #tpu.memory_space<vmem_shared>> -> memref<1600xf32, #tpu.memory_space<vmem_shared>>
        %dma_start3A_408 = tpu.memref_slice %arg22[%add3A_392] : memref<100000xf32, #tpu.memory_space<vmem_shared>> -> memref<1600xf32, #tpu.memory_space<vmem_shared>>
        %dma_start3A_409 = arith.constant 0 : i32
        %dma_start3A_410 = tpu.memref_slice %arg20[%dma_start3A_409] : memref<1600xf32, #tpu.memory_space<vmem>> -> memref<1600xf32, #tpu.memory_space<vmem>>
        tpu.enqueue_dma source(%dma_start3A_410 : memref<1600xf32, #tpu.memory_space<vmem>>) target(%dma_start3A_408 : memref<1600xf32, #tpu.memory_space<vmem_shared>>) target_semaphore(%run_scoped3A : memref<!tpu.dma_semaphore, #tpu.memory_space<semaphore_mem>>)
        %dma_wait3A_411 = arith.constant 0 : i32
        %dma_wait3A_412 = tpu.memref_slice %arg20[%dma_wait3A_411] : memref<1600xf32, #tpu.memory_space<vmem>> -> memref<1600xf32, #tpu.memory_space<vmem>>
        %dma_wait3A_413 = tpu.memref_slice %arg22[%add3A_392] : memref<100000xf32, #tpu.memory_space<vmem_shared>> -> memref<1600xf32, #tpu.memory_space<vmem_shared>>
        %dma_wait3A_414 = tpu.memref_slice %arg22[%add3A_392] : memref<100000xf32, #tpu.memory_space<vmem_shared>> -> memref<1600xf32, #tpu.memory_space<vmem_shared>>
        %dma_wait3A_415 = arith.constant 0 : i32
        %dma_wait3A_416 = tpu.memref_slice %arg20[%dma_wait3A_415] : memref<1600xf32, #tpu.memory_space<vmem>> -> memref<1600xf32, #tpu.memory_space<vmem>>
        tpu.wait_dma2 semaphore(%run_scoped3A : memref<!tpu.dma_semaphore, #tpu.memory_space<semaphore_mem>>) src(%dma_wait3A_416 : memref<1600xf32, #tpu.memory_space<vmem>>) dst(%dma_wait3A_414 : memref<1600xf32, #tpu.memory_space<vmem_shared>>)
        tpu.yield
      }) : () -> ()
      %mul3A_393 = arith.constant 6256 : i32
      %mul3A_394 = arith.muli %arg1, %mul3A_393 : i32
      %add3A_395 = arith.constant 1600 : i32
      %add3A_396 = arith.addi %mul3A_394, %add3A_395 : i32
      "tpu.region"() ({
        %run_scoped3A = tpu.sem_alloc : memref<!tpu.dma_semaphore, #tpu.memory_space<semaphore_mem>>
        %dma_start3A_405 = arith.constant 0 : i32
        %dma_start3A_406 = tpu.memref_slice %arg20[%dma_start3A_405] : memref<1600xf32, #tpu.memory_space<vmem>> -> memref<1600xf32, #tpu.memory_space<vmem>>
        %dma_start3A_407 = tpu.memref_slice %arg22[%add3A_396] : memref<100000xf32, #tpu.memory_space<vmem_shared>> -> memref<1600xf32, #tpu.memory_space<vmem_shared>>
        %dma_start3A_408 = tpu.memref_slice %arg22[%add3A_396] : memref<100000xf32, #tpu.memory_space<vmem_shared>> -> memref<1600xf32, #tpu.memory_space<vmem_shared>>
        %dma_start3A_409 = arith.constant 0 : i32
        %dma_start3A_410 = tpu.memref_slice %arg20[%dma_start3A_409] : memref<1600xf32, #tpu.memory_space<vmem>> -> memref<1600xf32, #tpu.memory_space<vmem>>
        tpu.enqueue_dma source(%dma_start3A_410 : memref<1600xf32, #tpu.memory_space<vmem>>) target(%dma_start3A_408 : memref<1600xf32, #tpu.memory_space<vmem_shared>>) target_semaphore(%run_scoped3A : memref<!tpu.dma_semaphore, #tpu.memory_space<semaphore_mem>>)
        %dma_wait3A_411 = arith.constant 0 : i32
        %dma_wait3A_412 = tpu.memref_slice %arg20[%dma_wait3A_411] : memref<1600xf32, #tpu.memory_space<vmem>> -> memref<1600xf32, #tpu.memory_space<vmem>>
        %dma_wait3A_413 = tpu.memref_slice %arg22[%add3A_396] : memref<100000xf32, #tpu.memory_space<vmem_shared>> -> memref<1600xf32, #tpu.memory_space<vmem_shared>>
        %dma_wait3A_414 = tpu.memref_slice %arg22[%add3A_396] : memref<100000xf32, #tpu.memory_space<vmem_shared>> -> memref<1600xf32, #tpu.memory_space<vmem_shared>>
        %dma_wait3A_415 = arith.constant 0 : i32
        %dma_wait3A_416 = tpu.memref_slice %arg20[%dma_wait3A_415] : memref<1600xf32, #tpu.memory_space<vmem>> -> memref<1600xf32, #tpu.memory_space<vmem>>
        tpu.wait_dma2 semaphore(%run_scoped3A : memref<!tpu.dma_semaphore, #tpu.memory_space<semaphore_mem>>) src(%dma_wait3A_416 : memref<1600xf32, #tpu.memory_space<vmem>>) dst(%dma_wait3A_414 : memref<1600xf32, #tpu.memory_space<vmem_shared>>)
        tpu.yield
      }) : () -> ()
      %mul3A_397 = arith.constant 6256 : i32
      %mul3A_398 = arith.muli %arg1, %mul3A_397 : i32
      %add3A_399 = arith.constant 3200 : i32
      %add3A_400 = arith.addi %mul3A_398, %add3A_399 : i32
      "tpu.region"() ({
        %run_scoped3A = tpu.sem_alloc : memref<!tpu.dma_semaphore, #tpu.memory_space<semaphore_mem>>
        %dma_start3A_405 = arith.constant 0 : i32
        %dma_start3A_406 = tpu.memref_slice %arg20[%dma_start3A_405] : memref<1600xf32, #tpu.memory_space<vmem>> -> memref<1600xf32, #tpu.memory_space<vmem>>
        %dma_start3A_407 = tpu.memref_slice %arg22[%add3A_400] : memref<100000xf32, #tpu.memory_space<vmem_shared>> -> memref<1600xf32, #tpu.memory_space<vmem_shared>>
        %dma_start3A_408 = tpu.memref_slice %arg22[%add3A_400] : memref<100000xf32, #tpu.memory_space<vmem_shared>> -> memref<1600xf32, #tpu.memory_space<vmem_shared>>
        %dma_start3A_409 = arith.constant 0 : i32
        %dma_start3A_410 = tpu.memref_slice %arg20[%dma_start3A_409] : memref<1600xf32, #tpu.memory_space<vmem>> -> memref<1600xf32, #tpu.memory_space<vmem>>
        tpu.enqueue_dma source(%dma_start3A_410 : memref<1600xf32, #tpu.memory_space<vmem>>) target(%dma_start3A_408 : memref<1600xf32, #tpu.memory_space<vmem_shared>>) target_semaphore(%run_scoped3A : memref<!tpu.dma_semaphore, #tpu.memory_space<semaphore_mem>>)
        %dma_wait3A_411 = arith.constant 0 : i32
        %dma_wait3A_412 = tpu.memref_slice %arg20[%dma_wait3A_411] : memref<1600xf32, #tpu.memory_space<vmem>> -> memref<1600xf32, #tpu.memory_space<vmem>>
        %dma_wait3A_413 = tpu.memref_slice %arg22[%add3A_400] : memref<100000xf32, #tpu.memory_space<vmem_shared>> -> memref<1600xf32, #tpu.memory_space<vmem_shared>>
        %dma_wait3A_414 = tpu.memref_slice %arg22[%add3A_400] : memref<100000xf32, #tpu.memory_space<vmem_shared>> -> memref<1600xf32, #tpu.memory_space<vmem_shared>>
        %dma_wait3A_415 = arith.constant 0 : i32
        %dma_wait3A_416 = tpu.memref_slice %arg20[%dma_wait3A_415] : memref<1600xf32, #tpu.memory_space<vmem>> -> memref<1600xf32, #tpu.memory_space<vmem>>
        tpu.wait_dma2 semaphore(%run_scoped3A : memref<!tpu.dma_semaphore, #tpu.memory_space<semaphore_mem>>) src(%dma_wait3A_416 : memref<1600xf32, #tpu.memory_space<vmem>>) dst(%dma_wait3A_414 : memref<1600xf32, #tpu.memory_space<vmem_shared>>)
        tpu.yield
      }) : () -> ()
      %mul3A_401 = arith.constant 6256 : i32
      %mul3A_402 = arith.muli %arg1, %mul3A_401 : i32
      %add3A_403 = arith.constant 4800 : i32
      %add3A_404 = arith.addi %mul3A_402, %add3A_403 : i32
      "tpu.region"() ({
        %run_scoped3A = tpu.sem_alloc : memref<!tpu.dma_semaphore, #tpu.memory_space<semaphore_mem>>
        %dma_start3A_405 = arith.constant 0 : i32
        %dma_start3A_406 = tpu.memref_slice %arg20[%dma_start3A_405] : memref<1600xf32, #tpu.memory_space<vmem>> -> memref<1456xf32, #tpu.memory_space<vmem>>
        %dma_start3A_407 = tpu.memref_slice %arg22[%add3A_404] : memref<100000xf32, #tpu.memory_space<vmem_shared>> -> memref<1456xf32, #tpu.memory_space<vmem_shared>>
        %dma_start3A_408 = tpu.memref_slice %arg22[%add3A_404] : memref<100000xf32, #tpu.memory_space<vmem_shared>> -> memref<1456xf32, #tpu.memory_space<vmem_shared>>
        %dma_start3A_409 = arith.constant 0 : i32
        %dma_start3A_410 = tpu.memref_slice %arg20[%dma_start3A_409] : memref<1600xf32, #tpu.memory_space<vmem>> -> memref<1456xf32, #tpu.memory_space<vmem>>
        tpu.enqueue_dma source(%dma_start3A_410 : memref<1456xf32, #tpu.memory_space<vmem>>) target(%dma_start3A_408 : memref<1456xf32, #tpu.memory_space<vmem_shared>>) target_semaphore(%run_scoped3A : memref<!tpu.dma_semaphore, #tpu.memory_space<semaphore_mem>>)
        %dma_wait3A_411 = arith.constant 0 : i32
        %dma_wait3A_412 = tpu.memref_slice %arg20[%dma_wait3A_411] : memref<1600xf32, #tpu.memory_space<vmem>> -> memref<1456xf32, #tpu.memory_space<vmem>>
        %dma_wait3A_413 = tpu.memref_slice %arg22[%add3A_404] : memref<100000xf32, #tpu.memory_space<vmem_shared>> -> memref<1456xf32, #tpu.memory_space<vmem_shared>>
        %dma_wait3A_414 = tpu.memref_slice %arg22[%add3A_404] : memref<100000xf32, #tpu.memory_space<vmem_shared>> -> memref<1456xf32, #tpu.memory_space<vmem_shared>>
        %dma_wait3A_415 = arith.constant 0 : i32
        %dma_wait3A_416 = tpu.memref_slice %arg20[%dma_wait3A_415] : memref<1600xf32, #tpu.memory_space<vmem>> -> memref<1456xf32, #tpu.memory_space<vmem>>
        tpu.wait_dma2 semaphore(%run_scoped3A : memref<!tpu.dma_semaphore, #tpu.memory_space<semaphore_mem>>) src(%dma_wait3A_416 : memref<1456xf32, #tpu.memory_space<vmem>>) dst(%dma_wait3A_414 : memref<1456xf32, #tpu.memory_space<vmem_shared>>)
        tpu.yield
      }) : () -> ()
    } else {
    }
    %eq3A_18 = arith.constant 15 : i32
    %eq3A_19 = arith.cmpi eq, %arg1, %eq3A_18 : i32
    %convert_element_type3A_20 = arith.extui %eq3A_19 : i1 to i32
    %cond3A_21 = arith.constant 0 : i32
    %cond3A_22 = arith.cmpi ne, %convert_element_type3A_20, %cond3A_21 : i32
    scf.if %cond3A_22 {
      "tpu.region"() ({
        %run_scoped3A = tpu.sem_alloc : memref<!tpu.dma_semaphore, #tpu.memory_space<semaphore_mem>>
        %dma_start3A_389 = arith.constant 0 : i32
        %dma_start3A_390 = tpu.memref_slice %arg20[%dma_start3A_389] : memref<1600xf32, #tpu.memory_space<vmem>> -> memref<1600xf32, #tpu.memory_space<vmem>>
        %dma_start3A_391 = arith.constant 93840 : i32
        %dma_start3A_392 = tpu.memref_slice %arg22[%dma_start3A_391] : memref<100000xf32, #tpu.memory_space<vmem_shared>> -> memref<1600xf32, #tpu.memory_space<vmem_shared>>
        %dma_start3A_393 = arith.constant 93840 : i32
        %dma_start3A_394 = tpu.memref_slice %arg22[%dma_start3A_393] : memref<100000xf32, #tpu.memory_space<vmem_shared>> -> memref<1600xf32, #tpu.memory_space<vmem_shared>>
        %dma_start3A_395 = arith.constant 0 : i32
        %dma_start3A_396 = tpu.memref_slice %arg20[%dma_start3A_395] : memref<1600xf32, #tpu.memory_space<vmem>> -> memref<1600xf32, #tpu.memory_space<vmem>>
        tpu.enqueue_dma source(%dma_start3A_396 : memref<1600xf32, #tpu.memory_space<vmem>>) target(%dma_start3A_394 : memref<1600xf32, #tpu.memory_space<vmem_shared>>) target_semaphore(%run_scoped3A : memref<!tpu.dma_semaphore, #tpu.memory_space<semaphore_mem>>)
        %dma_wait3A_397 = arith.constant 0 : i32
        %dma_wait3A_398 = tpu.memref_slice %arg20[%dma_wait3A_397] : memref<1600xf32, #tpu.memory_space<vmem>> -> memref<1600xf32, #tpu.memory_space<vmem>>
        %dma_wait3A_399 = arith.constant 93840 : i32
        %dma_wait3A_400 = tpu.memref_slice %arg22[%dma_wait3A_399] : memref<100000xf32, #tpu.memory_space<vmem_shared>> -> memref<1600xf32, #tpu.memory_space<vmem_shared>>
        %dma_wait3A_401 = arith.constant 93840 : i32
        %dma_wait3A_402 = tpu.memref_slice %arg22[%dma_wait3A_401] : memref<100000xf32, #tpu.memory_space<vmem_shared>> -> memref<1600xf32, #tpu.memory_space<vmem_shared>>
        %dma_wait3A_403 = arith.constant 0 : i32
        %dma_wait3A_404 = tpu.memref_slice %arg20[%dma_wait3A_403] : memref<1600xf32, #tpu.memory_space<vmem>> -> memref<1600xf32, #tpu.memory_space<vmem>>
        tpu.wait_dma2 semaphore(%run_scoped3A : memref<!tpu.dma_semaphore, #tpu.memory_space<semaphore_mem>>) src(%dma_wait3A_404 : memref<1600xf32, #tpu.memory_space<vmem>>) dst(%dma_wait3A_402 : memref<1600xf32, #tpu.memory_space<vmem_shared>>)
        tpu.yield
      }) : () -> ()
      "tpu.region"() ({
        %run_scoped3A = tpu.sem_alloc : memref<!tpu.dma_semaphore, #tpu.memory_space<semaphore_mem>>
        %dma_start3A_389 = arith.constant 0 : i32
        %dma_start3A_390 = tpu.memref_slice %arg20[%dma_start3A_389] : memref<1600xf32, #tpu.memory_space<vmem>> -> memref<1600xf32, #tpu.memory_space<vmem>>
        %dma_start3A_391 = arith.constant 95440 : i32
        %dma_start3A_392 = tpu.memref_slice %arg22[%dma_start3A_391] : memref<100000xf32, #tpu.memory_space<vmem_shared>> -> memref<1600xf32, #tpu.memory_space<vmem_shared>>
        %dma_start3A_393 = arith.constant 95440 : i32
        %dma_start3A_394 = tpu.memref_slice %arg22[%dma_start3A_393] : memref<100000xf32, #tpu.memory_space<vmem_shared>> -> memref<1600xf32, #tpu.memory_space<vmem_shared>>
        %dma_start3A_395 = arith.constant 0 : i32
        %dma_start3A_396 = tpu.memref_slice %arg20[%dma_start3A_395] : memref<1600xf32, #tpu.memory_space<vmem>> -> memref<1600xf32, #tpu.memory_space<vmem>>
        tpu.enqueue_dma source(%dma_start3A_396 : memref<1600xf32, #tpu.memory_space<vmem>>) target(%dma_start3A_394 : memref<1600xf32, #tpu.memory_space<vmem_shared>>) target_semaphore(%run_scoped3A : memref<!tpu.dma_semaphore, #tpu.memory_space<semaphore_mem>>)
        %dma_wait3A_397 = arith.constant 0 : i32
        %dma_wait3A_398 = tpu.memref_slice %arg20[%dma_wait3A_397] : memref<1600xf32, #tpu.memory_space<vmem>> -> memref<1600xf32, #tpu.memory_space<vmem>>
        %dma_wait3A_399 = arith.constant 95440 : i32
        %dma_wait3A_400 = tpu.memref_slice %arg22[%dma_wait3A_399] : memref<100000xf32, #tpu.memory_space<vmem_shared>> -> memref<1600xf32, #tpu.memory_space<vmem_shared>>
        %dma_wait3A_401 = arith.constant 95440 : i32
        %dma_wait3A_402 = tpu.memref_slice %arg22[%dma_wait3A_401] : memref<100000xf32, #tpu.memory_space<vmem_shared>> -> memref<1600xf32, #tpu.memory_space<vmem_shared>>
        %dma_wait3A_403 = arith.constant 0 : i32
        %dma_wait3A_404 = tpu.memref_slice %arg20[%dma_wait3A_403] : memref<1600xf32, #tpu.memory_space<vmem>> -> memref<1600xf32, #tpu.memory_space<vmem>>
        tpu.wait_dma2 semaphore(%run_scoped3A : memref<!tpu.dma_semaphore, #tpu.memory_space<semaphore_mem>>) src(%dma_wait3A_404 : memref<1600xf32, #tpu.memory_space<vmem>>) dst(%dma_wait3A_402 : memref<1600xf32, #tpu.memory_space<vmem_shared>>)
        tpu.yield
      }) : () -> ()
      "tpu.region"() ({
        %run_scoped3A = tpu.sem_alloc : memref<!tpu.dma_semaphore, #tpu.memory_space<semaphore_mem>>
        %dma_start3A_389 = arith.constant 0 : i32
        %dma_start3A_390 = tpu.memref_slice %arg20[%dma_start3A_389] : memref<1600xf32, #tpu.memory_space<vmem>> -> memref<1600xf32, #tpu.memory_space<vmem>>
        %dma_start3A_391 = arith.constant 97040 : i32
        %dma_start3A_392 = tpu.memref_slice %arg22[%dma_start3A_391] : memref<100000xf32, #tpu.memory_space<vmem_shared>> -> memref<1600xf32, #tpu.memory_space<vmem_shared>>
        %dma_start3A_393 = arith.constant 97040 : i32
        %dma_start3A_394 = tpu.memref_slice %arg22[%dma_start3A_393] : memref<100000xf32, #tpu.memory_space<vmem_shared>> -> memref<1600xf32, #tpu.memory_space<vmem_shared>>
        %dma_start3A_395 = arith.constant 0 : i32
        %dma_start3A_396 = tpu.memref_slice %arg20[%dma_start3A_395] : memref<1600xf32, #tpu.memory_space<vmem>> -> memref<1600xf32, #tpu.memory_space<vmem>>
        tpu.enqueue_dma source(%dma_start3A_396 : memref<1600xf32, #tpu.memory_space<vmem>>) target(%dma_start3A_394 : memref<1600xf32, #tpu.memory_space<vmem_shared>>) target_semaphore(%run_scoped3A : memref<!tpu.dma_semaphore, #tpu.memory_space<semaphore_mem>>)
        %dma_wait3A_397 = arith.constant 0 : i32
        %dma_wait3A_398 = tpu.memref_slice %arg20[%dma_wait3A_397] : memref<1600xf32, #tpu.memory_space<vmem>> -> memref<1600xf32, #tpu.memory_space<vmem>>
        %dma_wait3A_399 = arith.constant 97040 : i32
        %dma_wait3A_400 = tpu.memref_slice %arg22[%dma_wait3A_399] : memref<100000xf32, #tpu.memory_space<vmem_shared>> -> memref<1600xf32, #tpu.memory_space<vmem_shared>>
        %dma_wait3A_401 = arith.constant 97040 : i32
        %dma_wait3A_402 = tpu.memref_slice %arg22[%dma_wait3A_401] : memref<100000xf32, #tpu.memory_space<vmem_shared>> -> memref<1600xf32, #tpu.memory_space<vmem_shared>>
        %dma_wait3A_403 = arith.constant 0 : i32
        %dma_wait3A_404 = tpu.memref_slice %arg20[%dma_wait3A_403] : memref<1600xf32, #tpu.memory_space<vmem>> -> memref<1600xf32, #tpu.memory_space<vmem>>
        tpu.wait_dma2 semaphore(%run_scoped3A : memref<!tpu.dma_semaphore, #tpu.memory_space<semaphore_mem>>) src(%dma_wait3A_404 : memref<1600xf32, #tpu.memory_space<vmem>>) dst(%dma_wait3A_402 : memref<1600xf32, #tpu.memory_space<vmem_shared>>)
        tpu.yield
      }) : () -> ()
      "tpu.region"() ({
        %run_scoped3A = tpu.sem_alloc : memref<!tpu.dma_semaphore, #tpu.memory_space<semaphore_mem>>
        %dma_start3A_389 = arith.constant 0 : i32
        %dma_start3A_390 = tpu.memref_slice %arg20[%dma_start3A_389] : memref<1600xf32, #tpu.memory_space<vmem>> -> memref<1360xf32, #tpu.memory_space<vmem>>
        %dma_start3A_391 = arith.constant 98640 : i32
        %dma_start3A_392 = tpu.memref_slice %arg22[%dma_start3A_391] : memref<100000xf32, #tpu.memory_space<vmem_shared>> -> memref<1360xf32, #tpu.memory_space<vmem_shared>>
        %dma_start3A_393 = arith.constant 98640 : i32
        %dma_start3A_394 = tpu.memref_slice %arg22[%dma_start3A_393] : memref<100000xf32, #tpu.memory_space<vmem_shared>> -> memref<1360xf32, #tpu.memory_space<vmem_shared>>
        %dma_start3A_395 = arith.constant 0 : i32
        %dma_start3A_396 = tpu.memref_slice %arg20[%dma_start3A_395] : memref<1600xf32, #tpu.memory_space<vmem>> -> memref<1360xf32, #tpu.memory_space<vmem>>
        tpu.enqueue_dma source(%dma_start3A_396 : memref<1360xf32, #tpu.memory_space<vmem>>) target(%dma_start3A_394 : memref<1360xf32, #tpu.memory_space<vmem_shared>>) target_semaphore(%run_scoped3A : memref<!tpu.dma_semaphore, #tpu.memory_space<semaphore_mem>>)
        %dma_wait3A_397 = arith.constant 0 : i32
        %dma_wait3A_398 = tpu.memref_slice %arg20[%dma_wait3A_397] : memref<1600xf32, #tpu.memory_space<vmem>> -> memref<1360xf32, #tpu.memory_space<vmem>>
        %dma_wait3A_399 = arith.constant 98640 : i32
        %dma_wait3A_400 = tpu.memref_slice %arg22[%dma_wait3A_399] : memref<100000xf32, #tpu.memory_space<vmem_shared>> -> memref<1360xf32, #tpu.memory_space<vmem_shared>>
        %dma_wait3A_401 = arith.constant 98640 : i32
        %dma_wait3A_402 = tpu.memref_slice %arg22[%dma_wait3A_401] : memref<100000xf32, #tpu.memory_space<vmem_shared>> -> memref<1360xf32, #tpu.memory_space<vmem_shared>>
        %dma_wait3A_403 = arith.constant 0 : i32
        %dma_wait3A_404 = tpu.memref_slice %arg20[%dma_wait3A_403] : memref<1600xf32, #tpu.memory_space<vmem>> -> memref<1360xf32, #tpu.memory_space<vmem>>
        tpu.wait_dma2 semaphore(%run_scoped3A : memref<!tpu.dma_semaphore, #tpu.memory_space<semaphore_mem>>) src(%dma_wait3A_404 : memref<1360xf32, #tpu.memory_space<vmem>>) dst(%dma_wait3A_402 : memref<1360xf32, #tpu.memory_space<vmem_shared>>)
        tpu.yield
      }) : () -> ()
    } else {
    }
    %mul3A_23 = arith.constant 125 : i32
    %mul3A_24 = arith.muli %add3A, %mul3A_23 : i32
    %add3A_25 = arith.constant 0 : i32
    %add3A_26 = arith.addi %mul3A_24, %add3A_25 : i32
    %mul3A_27 = arith.constant 1600 : i32
    %mul3A_28 = arith.muli %add3A_26, %mul3A_27 : i32
    %dma_start3A = tpu.memref_slice %arg4[%mul3A_28] : memref<6400000xi32, #tpu.memory_space<hbm>> -> memref<1600xi32, #tpu.memory_space<hbm>>
    %dma_start3A_29 = tpu.memref_slice %arg4[%mul3A_28] : memref<6400000xi32, #tpu.memory_space<hbm>> -> memref<1600xi32, #tpu.memory_space<hbm>>
    tpu.enqueue_dma source(%dma_start3A_29 : memref<1600xi32, #tpu.memory_space<hbm>>) target(%arg8 : memref<1600xi32, #tpu.memory_space<vmem>>) target_semaphore(%arg23 : memref<!tpu.dma_semaphore, #tpu.memory_space<semaphore_mem>>)
    %dma_start3A_30 = tpu.memref_slice %arg2[%mul3A_28] : memref<6400000xf32, #tpu.memory_space<hbm>> -> memref<1600xf32, #tpu.memory_space<hbm>>
    %dma_start3A_31 = tpu.memref_slice %arg2[%mul3A_28] : memref<6400000xf32, #tpu.memory_space<hbm>> -> memref<1600xf32, #tpu.memory_space<hbm>>
    tpu.enqueue_dma source(%dma_start3A_31 : memref<1600xf32, #tpu.memory_space<hbm>>) target(%arg12 : memref<1600xf32, #tpu.memory_space<vmem>>) target_semaphore(%arg23 : memref<!tpu.dma_semaphore, #tpu.memory_space<semaphore_mem>>)
    %mul3A_32 = arith.constant 125 : i32
    %mul3A_33 = arith.muli %add3A, %mul3A_32 : i32
    %add3A_34 = arith.constant 1 : i32
    %add3A_35 = arith.addi %mul3A_33, %add3A_34 : i32
    %mul3A_36 = arith.constant 1600 : i32
    %mul3A_37 = arith.muli %add3A_35, %mul3A_36 : i32
    %dma_start3A_38 = tpu.memref_slice %arg4[%mul3A_37] : memref<6400000xi32, #tpu.memory_space<hbm>> -> memref<1600xi32, #tpu.memory_space<hbm>>
    %dma_start3A_39 = tpu.memref_slice %arg4[%mul3A_37] : memref<6400000xi32, #tpu.memory_space<hbm>> -> memref<1600xi32, #tpu.memory_space<hbm>>
    tpu.enqueue_dma source(%dma_start3A_39 : memref<1600xi32, #tpu.memory_space<hbm>>) target(%arg9 : memref<1600xi32, #tpu.memory_space<vmem>>) target_semaphore(%arg23 : memref<!tpu.dma_semaphore, #tpu.memory_space<semaphore_mem>>)
    %dma_start3A_40 = tpu.memref_slice %arg2[%mul3A_37] : memref<6400000xf32, #tpu.memory_space<hbm>> -> memref<1600xf32, #tpu.memory_space<hbm>>
    %dma_start3A_41 = tpu.memref_slice %arg2[%mul3A_37] : memref<6400000xf32, #tpu.memory_space<hbm>> -> memref<1600xf32, #tpu.memory_space<hbm>>
    tpu.enqueue_dma source(%dma_start3A_41 : memref<1600xf32, #tpu.memory_space<hbm>>) target(%arg13 : memref<1600xf32, #tpu.memory_space<vmem>>) target_semaphore(%arg23 : memref<!tpu.dma_semaphore, #tpu.memory_space<semaphore_mem>>)
    %mul3A_42 = arith.constant 125 : i32
    %mul3A_43 = arith.muli %add3A, %mul3A_42 : i32
    %add3A_44 = arith.constant 2 : i32
    %add3A_45 = arith.addi %mul3A_43, %add3A_44 : i32
    %mul3A_46 = arith.constant 1600 : i32
    %mul3A_47 = arith.muli %add3A_45, %mul3A_46 : i32
    %dma_start3A_48 = tpu.memref_slice %arg4[%mul3A_47] : memref<6400000xi32, #tpu.memory_space<hbm>> -> memref<1600xi32, #tpu.memory_space<hbm>>
    %dma_start3A_49 = tpu.memref_slice %arg4[%mul3A_47] : memref<6400000xi32, #tpu.memory_space<hbm>> -> memref<1600xi32, #tpu.memory_space<hbm>>
    tpu.enqueue_dma source(%dma_start3A_49 : memref<1600xi32, #tpu.memory_space<hbm>>) target(%arg10 : memref<1600xi32, #tpu.memory_space<vmem>>) target_semaphore(%arg23 : memref<!tpu.dma_semaphore, #tpu.memory_space<semaphore_mem>>)
    %dma_start3A_50 = tpu.memref_slice %arg2[%mul3A_47] : memref<6400000xf32, #tpu.memory_space<hbm>> -> memref<1600xf32, #tpu.memory_space<hbm>>
    %dma_start3A_51 = tpu.memref_slice %arg2[%mul3A_47] : memref<6400000xf32, #tpu.memory_space<hbm>> -> memref<1600xf32, #tpu.memory_space<hbm>>
    tpu.enqueue_dma source(%dma_start3A_51 : memref<1600xf32, #tpu.memory_space<hbm>>) target(%arg14 : memref<1600xf32, #tpu.memory_space<vmem>>) target_semaphore(%arg23 : memref<!tpu.dma_semaphore, #tpu.memory_space<semaphore_mem>>)
    %mul3A_52 = arith.constant 125 : i32
    %mul3A_53 = arith.muli %add3A, %mul3A_52 : i32
    %add3A_54 = arith.constant 0 : i32
    %add3A_55 = arith.addi %mul3A_53, %add3A_54 : i32
    %mul3A_56 = arith.constant 1600 : i32
    %mul3A_57 = arith.muli %add3A_55, %mul3A_56 : i32
    %dma_start3A_58 = tpu.memref_slice %arg3[%mul3A_57] : memref<6400000xi32, #tpu.memory_space<hbm>> -> memref<1600xi32, #tpu.memory_space<hbm>>
    %dma_start3A_59 = tpu.memref_slice %arg3[%mul3A_57] : memref<6400000xi32, #tpu.memory_space<hbm>> -> memref<1600xi32, #tpu.memory_space<hbm>>
    tpu.enqueue_dma source(%dma_start3A_59 : memref<1600xi32, #tpu.memory_space<hbm>>) target(%arg16 : memref<1600xi32, #tpu.memory_space<vmem>>) target_semaphore(%arg24 : memref<!tpu.dma_semaphore, #tpu.memory_space<semaphore_mem>>)
    %mul3A_60 = arith.constant 125 : i32
    %mul3A_61 = arith.muli %add3A, %mul3A_60 : i32
    %add3A_62 = arith.constant 1 : i32
    %add3A_63 = arith.addi %mul3A_61, %add3A_62 : i32
    %mul3A_64 = arith.constant 1600 : i32
    %mul3A_65 = arith.muli %add3A_63, %mul3A_64 : i32
    %dma_start3A_66 = tpu.memref_slice %arg3[%mul3A_65] : memref<6400000xi32, #tpu.memory_space<hbm>> -> memref<1600xi32, #tpu.memory_space<hbm>>
    %dma_start3A_67 = tpu.memref_slice %arg3[%mul3A_65] : memref<6400000xi32, #tpu.memory_space<hbm>> -> memref<1600xi32, #tpu.memory_space<hbm>>
    tpu.enqueue_dma source(%dma_start3A_67 : memref<1600xi32, #tpu.memory_space<hbm>>) target(%arg17 : memref<1600xi32, #tpu.memory_space<vmem>>) target_semaphore(%arg24 : memref<!tpu.dma_semaphore, #tpu.memory_space<semaphore_mem>>)
    %barrier3A_68 = arith.constant 0 : index
    tpu.barrier barrier_id(%barrier3A_68)
    %dma_wait3A = arith.constant 0 : i32
    %dma_wait3A_69 = tpu.memref_slice %arg7[%dma_wait3A] : memref<100000xf32, #tpu.memory_space<vmem>> -> memref<3200xf32, #tpu.memory_space<vmem>>
    %dma_wait3A_70 = arith.constant 0 : i32
    %dma_wait3A_71 = tpu.memref_slice %arg2[%dma_wait3A_70] : memref<6400000xf32, #tpu.memory_space<hbm>> -> memref<3200xf32, #tpu.memory_space<hbm>>
    %dma_wait3A_72 = arith.constant 0 : i32
    %dma_wait3A_73 = tpu.memref_slice %arg7[%dma_wait3A_72] : memref<100000xf32, #tpu.memory_space<vmem>> -> memref<3200xf32, #tpu.memory_space<vmem>>
    %dma_wait3A_74 = arith.constant 0 : i32
    %dma_wait3A_75 = tpu.memref_slice %arg2[%dma_wait3A_74] : memref<6400000xf32, #tpu.memory_space<hbm>> -> memref<3200xf32, #tpu.memory_space<hbm>>
    tpu.wait_dma2 semaphore(%arg23 : memref<!tpu.dma_semaphore, #tpu.memory_space<semaphore_mem>>) src(%dma_wait3A_75 : memref<3200xf32, #tpu.memory_space<hbm>>) dst(%dma_wait3A_73 : memref<3200xf32, #tpu.memory_space<vmem>>)
    %dma_wait3A_76 = arith.constant 0 : i32
    %dma_wait3A_77 = tpu.memref_slice %arg2[%dma_wait3A_76] : memref<6400000xf32, #tpu.memory_space<hbm>> -> memref<1600xf32, #tpu.memory_space<hbm>>
    %dma_wait3A_78 = arith.constant 0 : i32
    %dma_wait3A_79 = tpu.memref_slice %arg2[%dma_wait3A_78] : memref<6400000xf32, #tpu.memory_space<hbm>> -> memref<1600xf32, #tpu.memory_space<hbm>>
    tpu.wait_dma2 semaphore(%arg24 : memref<!tpu.dma_semaphore, #tpu.memory_space<semaphore_mem>>) src(%dma_wait3A_79 : memref<1600xf32, #tpu.memory_space<hbm>>) dst(%arg21 : memref<1600xf32, #tpu.memory_space<vmem>>)
    %mul3A_80 = arith.constant 125 : i32
    %mul3A_81 = arith.muli %add3A, %mul3A_80 : i32
    %add3A_82 = arith.constant 3 : i32
    %add3A_83 = arith.addi %mul3A_81, %add3A_82 : i32
    %mul3A_84 = arith.constant 1600 : i32
    %mul3A_85 = arith.muli %add3A_83, %mul3A_84 : i32
    %dma_start3A_86 = tpu.memref_slice %arg4[%mul3A_85] : memref<6400000xi32, #tpu.memory_space<hbm>> -> memref<1600xi32, #tpu.memory_space<hbm>>
    %dma_start3A_87 = tpu.memref_slice %arg4[%mul3A_85] : memref<6400000xi32, #tpu.memory_space<hbm>> -> memref<1600xi32, #tpu.memory_space<hbm>>
    tpu.enqueue_dma source(%dma_start3A_87 : memref<1600xi32, #tpu.memory_space<hbm>>) target(%arg11 : memref<1600xi32, #tpu.memory_space<vmem>>) target_semaphore(%arg23 : memref<!tpu.dma_semaphore, #tpu.memory_space<semaphore_mem>>)
    %dma_start3A_88 = tpu.memref_slice %arg2[%mul3A_85] : memref<6400000xf32, #tpu.memory_space<hbm>> -> memref<1600xf32, #tpu.memory_space<hbm>>
    %dma_start3A_89 = tpu.memref_slice %arg2[%mul3A_85] : memref<6400000xf32, #tpu.memory_space<hbm>> -> memref<1600xf32, #tpu.memory_space<hbm>>
    tpu.enqueue_dma source(%dma_start3A_89 : memref<1600xf32, #tpu.memory_space<hbm>>) target(%arg15 : memref<1600xf32, #tpu.memory_space<vmem>>) target_semaphore(%arg23 : memref<!tpu.dma_semaphore, #tpu.memory_space<semaphore_mem>>)
    %mul3A_90 = arith.constant 125 : i32
    %mul3A_91 = arith.muli %add3A, %mul3A_90 : i32
    %add3A_92 = arith.constant 2 : i32
    %add3A_93 = arith.addi %mul3A_91, %add3A_92 : i32
    %mul3A_94 = arith.constant 1600 : i32
    %mul3A_95 = arith.muli %add3A_93, %mul3A_94 : i32
    %dma_start3A_96 = tpu.memref_slice %arg3[%mul3A_95] : memref<6400000xi32, #tpu.memory_space<hbm>> -> memref<1600xi32, #tpu.memory_space<hbm>>
    %dma_start3A_97 = tpu.memref_slice %arg3[%mul3A_95] : memref<6400000xi32, #tpu.memory_space<hbm>> -> memref<1600xi32, #tpu.memory_space<hbm>>
    tpu.enqueue_dma source(%dma_start3A_97 : memref<1600xi32, #tpu.memory_space<hbm>>) target(%arg18 : memref<1600xi32, #tpu.memory_space<vmem>>) target_semaphore(%arg24 : memref<!tpu.dma_semaphore, #tpu.memory_space<semaphore_mem>>)
    %parallel_loop3A = arith.constant 0 : i32
    %parallel_loop3A_98 = arith.constant 100 : i32
    %parallel_loop3A_99 = arith.constant 1 : i32
    scf.for %parallel_loop3A_389 = %parallel_loop3A to %parallel_loop3A_98 step %parallel_loop3A_99  : i32 {
      %parallel_loop3A_390 = arith.constant 16 : i32
      %parallel_loop3A_391 = arith.muli %parallel_loop3A_389, %parallel_loop3A_390 : i32
      %parallel_loop3A_392 = arith.index_cast %parallel_loop3A_391 : i32 to index
      %parallel_loop3A_393 = tpu.vector_load %arg8[%parallel_loop3A_392] {strides = array<i32>} : memref<1600xi32, #tpu.memory_space<vmem>>, vector<16xi32>,
      %parallel_loop3A_394 = tpu.vector_load_idx %arg7[%parallel_loop3A_393] : memref<100000xf32, #tpu.memory_space<vmem>>[vector<16xi32>], vector<16xf32>,
      %parallel_loop3A_395 = arith.index_cast %parallel_loop3A_391 : i32 to index
      %parallel_loop3A_396 = tpu.vector_load %arg12[%parallel_loop3A_395] {strides = array<i32>} : memref<1600xf32, #tpu.memory_space<vmem>>, vector<16xf32>,
      %parallel_loop3A_397 = arith.mulf %parallel_loop3A_396, %parallel_loop3A_394 : vector<16xf32>
      %parallel_loop3A_398 = arith.index_cast %parallel_loop3A_391 : i32 to index
      %parallel_loop3A_399 = tpu.vector_load %arg20[%parallel_loop3A_398] {strides = array<i32>} : memref<1600xf32, #tpu.memory_space<vmem>>, vector<16xf32>,
      tpu.vector_store %arg20[%parallel_loop3A_398], %parallel_loop3A_397 {strides = array<i32>} : memref<1600xf32, #tpu.memory_space<vmem>>, vector<16xf32>,
    } {sc.loop_unroll_factor = 8 : i64, sc.parallel_access}
    %dma_start3A_100 = arith.constant 0 : i32
    %dma_start3A_101 = tpu.memref_slice %arg22[%dma_start3A_100] : memref<100000xf32, #tpu.memory_space<vmem_shared>> -> memref<100000xf32, #tpu.memory_space<vmem_shared>>
    tpu.enqueue_indirect_dma source(%arg20 : memref<1600xf32, #tpu.memory_space<vmem>>) target(%dma_start3A_101 : memref<100000xf32, #tpu.memory_space<vmem_shared>>) offsets(%arg16 : memref<1600xi32, #tpu.memory_space<vmem>>) semaphore(%arg25 : memref<!tpu.dma_semaphore, #tpu.memory_space<semaphore_mem>>) {add = true}
    %dma_wait3A_102 = arith.constant 0 : i32
    %dma_wait3A_103 = tpu.memref_slice %arg7[%dma_wait3A_102] : memref<100000xf32, #tpu.memory_space<vmem>> -> memref<3200xf32, #tpu.memory_space<vmem>>
    %dma_wait3A_104 = arith.constant 0 : i32
    %dma_wait3A_105 = tpu.memref_slice %arg2[%dma_wait3A_104] : memref<6400000xf32, #tpu.memory_space<hbm>> -> memref<3200xf32, #tpu.memory_space<hbm>>
    %dma_wait3A_106 = arith.constant 0 : i32
    %dma_wait3A_107 = tpu.memref_slice %arg7[%dma_wait3A_106] : memref<100000xf32, #tpu.memory_space<vmem>> -> memref<3200xf32, #tpu.memory_space<vmem>>
    %dma_wait3A_108 = arith.constant 0 : i32
    %dma_wait3A_109 = tpu.memref_slice %arg2[%dma_wait3A_108] : memref<6400000xf32, #tpu.memory_space<hbm>> -> memref<3200xf32, #tpu.memory_space<hbm>>
    tpu.wait_dma2 semaphore(%arg23 : memref<!tpu.dma_semaphore, #tpu.memory_space<semaphore_mem>>) src(%dma_wait3A_109 : memref<3200xf32, #tpu.memory_space<hbm>>) dst(%dma_wait3A_107 : memref<3200xf32, #tpu.memory_space<vmem>>)
    %dma_wait3A_110 = arith.constant 0 : i32
    %dma_wait3A_111 = tpu.memref_slice %arg2[%dma_wait3A_110] : memref<6400000xf32, #tpu.memory_space<hbm>> -> memref<1600xf32, #tpu.memory_space<hbm>>
    %dma_wait3A_112 = arith.constant 0 : i32
    %dma_wait3A_113 = tpu.memref_slice %arg2[%dma_wait3A_112] : memref<6400000xf32, #tpu.memory_space<hbm>> -> memref<1600xf32, #tpu.memory_space<hbm>>
    tpu.wait_dma2 semaphore(%arg24 : memref<!tpu.dma_semaphore, #tpu.memory_space<semaphore_mem>>) src(%dma_wait3A_113 : memref<1600xf32, #tpu.memory_space<hbm>>) dst(%arg21 : memref<1600xf32, #tpu.memory_space<vmem>>)
    %mul3A_114 = arith.constant 125 : i32
    %mul3A_115 = arith.muli %add3A, %mul3A_114 : i32
    %add3A_116 = arith.constant 4 : i32
    %add3A_117 = arith.addi %mul3A_115, %add3A_116 : i32
    %mul3A_118 = arith.constant 1600 : i32
    %mul3A_119 = arith.muli %add3A_117, %mul3A_118 : i32
    %dma_start3A_120 = tpu.memref_slice %arg4[%mul3A_119] : memref<6400000xi32, #tpu.memory_space<hbm>> -> memref<1600xi32, #tpu.memory_space<hbm>>
    %dma_start3A_121 = tpu.memref_slice %arg4[%mul3A_119] : memref<6400000xi32, #tpu.memory_space<hbm>> -> memref<1600xi32, #tpu.memory_space<hbm>>
    tpu.enqueue_dma source(%dma_start3A_121 : memref<1600xi32, #tpu.memory_space<hbm>>) target(%arg8 : memref<1600xi32, #tpu.memory_space<vmem>>) target_semaphore(%arg23 : memref<!tpu.dma_semaphore, #tpu.memory_space<semaphore_mem>>)
    %dma_start3A_122 = tpu.memref_slice %arg2[%mul3A_119] : memref<6400000xf32, #tpu.memory_space<hbm>> -> memref<1600xf32, #tpu.memory_space<hbm>>
    %dma_start3A_123 = tpu.memref_slice %arg2[%mul3A_119] : memref<6400000xf32, #tpu.memory_space<hbm>> -> memref<1600xf32, #tpu.memory_space<hbm>>
    tpu.enqueue_dma source(%dma_start3A_123 : memref<1600xf32, #tpu.memory_space<hbm>>) target(%arg12 : memref<1600xf32, #tpu.memory_space<vmem>>) target_semaphore(%arg23 : memref<!tpu.dma_semaphore, #tpu.memory_space<semaphore_mem>>)
    %mul3A_124 = arith.constant 125 : i32
    %mul3A_125 = arith.muli %add3A, %mul3A_124 : i32
    %add3A_126 = arith.constant 3 : i32
    %add3A_127 = arith.addi %mul3A_125, %add3A_126 : i32
    %mul3A_128 = arith.constant 1600 : i32
    %mul3A_129 = arith.muli %add3A_127, %mul3A_128 : i32
    %dma_start3A_130 = tpu.memref_slice %arg3[%mul3A_129] : memref<6400000xi32, #tpu.memory_space<hbm>> -> memref<1600xi32, #tpu.memory_space<hbm>>
    %dma_start3A_131 = tpu.memref_slice %arg3[%mul3A_129] : memref<6400000xi32, #tpu.memory_space<hbm>> -> memref<1600xi32, #tpu.memory_space<hbm>>
    tpu.enqueue_dma source(%dma_start3A_131 : memref<1600xi32, #tpu.memory_space<hbm>>) target(%arg19 : memref<1600xi32, #tpu.memory_space<vmem>>) target_semaphore(%arg24 : memref<!tpu.dma_semaphore, #tpu.memory_space<semaphore_mem>>)
    %parallel_loop3A_132 = arith.constant 0 : i32
    %parallel_loop3A_133 = arith.constant 100 : i32
    %parallel_loop3A_134 = arith.constant 1 : i32
    scf.for %parallel_loop3A_389 = %parallel_loop3A_132 to %parallel_loop3A_133 step %parallel_loop3A_134  : i32 {
      %parallel_loop3A_390 = arith.constant 16 : i32
      %parallel_loop3A_391 = arith.muli %parallel_loop3A_389, %parallel_loop3A_390 : i32
      %parallel_loop3A_392 = arith.index_cast %parallel_loop3A_391 : i32 to index
      %parallel_loop3A_393 = tpu.vector_load %arg9[%parallel_loop3A_392] {strides = array<i32>} : memref<1600xi32, #tpu.memory_space<vmem>>, vector<16xi32>,
      %parallel_loop3A_394 = tpu.vector_load_idx %arg7[%parallel_loop3A_393] : memref<100000xf32, #tpu.memory_space<vmem>>[vector<16xi32>], vector<16xf32>,
      %parallel_loop3A_395 = arith.index_cast %parallel_loop3A_391 : i32 to index
      %parallel_loop3A_396 = tpu.vector_load %arg13[%parallel_loop3A_395] {strides = array<i32>} : memref<1600xf32, #tpu.memory_space<vmem>>, vector<16xf32>,
      %parallel_loop3A_397 = arith.mulf %parallel_loop3A_396, %parallel_loop3A_394 : vector<16xf32>
      %parallel_loop3A_398 = arith.index_cast %parallel_loop3A_391 : i32 to index
      %parallel_loop3A_399 = tpu.vector_load %arg21[%parallel_loop3A_398] {strides = array<i32>} : memref<1600xf32, #tpu.memory_space<vmem>>, vector<16xf32>,
      tpu.vector_store %arg21[%parallel_loop3A_398], %parallel_loop3A_397 {strides = array<i32>} : memref<1600xf32, #tpu.memory_space<vmem>>, vector<16xf32>,
    } {sc.loop_unroll_factor = 8 : i64, sc.parallel_access}
    %dma_start3A_135 = arith.constant 0 : i32
    %dma_start3A_136 = tpu.memref_slice %arg22[%dma_start3A_135] : memref<100000xf32, #tpu.memory_space<vmem_shared>> -> memref<100000xf32, #tpu.memory_space<vmem_shared>>
    tpu.enqueue_indirect_dma source(%arg21 : memref<1600xf32, #tpu.memory_space<vmem>>) target(%dma_start3A_136 : memref<100000xf32, #tpu.memory_space<vmem_shared>>) offsets(%arg17 : memref<1600xi32, #tpu.memory_space<vmem>>) semaphore(%arg25 : memref<!tpu.dma_semaphore, #tpu.memory_space<semaphore_mem>>) {add = true}
    %dma_wait3A_137 = arith.constant 0 : i32
    %dma_wait3A_138 = tpu.memref_slice %arg7[%dma_wait3A_137] : memref<100000xf32, #tpu.memory_space<vmem>> -> memref<3200xf32, #tpu.memory_space<vmem>>
    %dma_wait3A_139 = arith.constant 0 : i32
    %dma_wait3A_140 = tpu.memref_slice %arg2[%dma_wait3A_139] : memref<6400000xf32, #tpu.memory_space<hbm>> -> memref<3200xf32, #tpu.memory_space<hbm>>
    %dma_wait3A_141 = arith.constant 0 : i32
    %dma_wait3A_142 = tpu.memref_slice %arg7[%dma_wait3A_141] : memref<100000xf32, #tpu.memory_space<vmem>> -> memref<3200xf32, #tpu.memory_space<vmem>>
    %dma_wait3A_143 = arith.constant 0 : i32
    %dma_wait3A_144 = tpu.memref_slice %arg2[%dma_wait3A_143] : memref<6400000xf32, #tpu.memory_space<hbm>> -> memref<3200xf32, #tpu.memory_space<hbm>>
    tpu.wait_dma2 semaphore(%arg23 : memref<!tpu.dma_semaphore, #tpu.memory_space<semaphore_mem>>) src(%dma_wait3A_144 : memref<3200xf32, #tpu.memory_space<hbm>>) dst(%dma_wait3A_142 : memref<3200xf32, #tpu.memory_space<vmem>>)
    %dma_wait3A_145 = arith.constant 0 : i32
    %dma_wait3A_146 = tpu.memref_slice %arg2[%dma_wait3A_145] : memref<6400000xf32, #tpu.memory_space<hbm>> -> memref<1600xf32, #tpu.memory_space<hbm>>
    %dma_wait3A_147 = arith.constant 0 : i32
    %dma_wait3A_148 = tpu.memref_slice %arg2[%dma_wait3A_147] : memref<6400000xf32, #tpu.memory_space<hbm>> -> memref<1600xf32, #tpu.memory_space<hbm>>
    tpu.wait_dma2 semaphore(%arg24 : memref<!tpu.dma_semaphore, #tpu.memory_space<semaphore_mem>>) src(%dma_wait3A_148 : memref<1600xf32, #tpu.memory_space<hbm>>) dst(%arg21 : memref<1600xf32, #tpu.memory_space<vmem>>)
    %dma_wait3A_149 = arith.constant 0 : i32
    %dma_wait3A_150 = tpu.memref_slice %arg2[%dma_wait3A_149] : memref<6400000xf32, #tpu.memory_space<hbm>> -> memref<1600xf32, #tpu.memory_space<hbm>>
    %dma_wait3A_151 = arith.constant 0 : i32
    %dma_wait3A_152 = tpu.memref_slice %arg2[%dma_wait3A_151] : memref<6400000xf32, #tpu.memory_space<hbm>> -> memref<1600xf32, #tpu.memory_space<hbm>>
    tpu.wait_dma2 semaphore(%arg25 : memref<!tpu.dma_semaphore, #tpu.memory_space<semaphore_mem>>) src(%dma_wait3A_152 : memref<1600xf32, #tpu.memory_space<hbm>>) dst(%arg20 : memref<1600xf32, #tpu.memory_space<vmem>>)
    %mul3A_153 = arith.constant 125 : i32
    %mul3A_154 = arith.muli %add3A, %mul3A_153 : i32
    %add3A_155 = arith.constant 5 : i32
    %add3A_156 = arith.addi %mul3A_154, %add3A_155 : i32
    %mul3A_157 = arith.constant 1600 : i32
    %mul3A_158 = arith.muli %add3A_156, %mul3A_157 : i32
    %dma_start3A_159 = tpu.memref_slice %arg4[%mul3A_158] : memref<6400000xi32, #tpu.memory_space<hbm>> -> memref<1600xi32, #tpu.memory_space<hbm>>
    %dma_start3A_160 = tpu.memref_slice %arg4[%mul3A_158] : memref<6400000xi32, #tpu.memory_space<hbm>> -> memref<1600xi32, #tpu.memory_space<hbm>>
    tpu.enqueue_dma source(%dma_start3A_160 : memref<1600xi32, #tpu.memory_space<hbm>>) target(%arg9 : memref<1600xi32, #tpu.memory_space<vmem>>) target_semaphore(%arg23 : memref<!tpu.dma_semaphore, #tpu.memory_space<semaphore_mem>>)
    %dma_start3A_161 = tpu.memref_slice %arg2[%mul3A_158] : memref<6400000xf32, #tpu.memory_space<hbm>> -> memref<1600xf32, #tpu.memory_space<hbm>>
    %dma_start3A_162 = tpu.memref_slice %arg2[%mul3A_158] : memref<6400000xf32, #tpu.memory_space<hbm>> -> memref<1600xf32, #tpu.memory_space<hbm>>
    tpu.enqueue_dma source(%dma_start3A_162 : memref<1600xf32, #tpu.memory_space<hbm>>) target(%arg13 : memref<1600xf32, #tpu.memory_space<vmem>>) target_semaphore(%arg23 : memref<!tpu.dma_semaphore, #tpu.memory_space<semaphore_mem>>)
    %mul3A_163 = arith.constant 125 : i32
    %mul3A_164 = arith.muli %add3A, %mul3A_163 : i32
    %add3A_165 = arith.constant 4 : i32
    %add3A_166 = arith.addi %mul3A_164, %add3A_165 : i32
    %mul3A_167 = arith.constant 1600 : i32
    %mul3A_168 = arith.muli %add3A_166, %mul3A_167 : i32
    %dma_start3A_169 = tpu.memref_slice %arg3[%mul3A_168] : memref<6400000xi32, #tpu.memory_space<hbm>> -> memref<1600xi32, #tpu.memory_space<hbm>>
    %dma_start3A_170 = tpu.memref_slice %arg3[%mul3A_168] : memref<6400000xi32, #tpu.memory_space<hbm>> -> memref<1600xi32, #tpu.memory_space<hbm>>
    tpu.enqueue_dma source(%dma_start3A_170 : memref<1600xi32, #tpu.memory_space<hbm>>) target(%arg16 : memref<1600xi32, #tpu.memory_space<vmem>>) target_semaphore(%arg24 : memref<!tpu.dma_semaphore, #tpu.memory_space<semaphore_mem>>)
    %parallel_loop3A_171 = arith.constant 0 : i32
    %parallel_loop3A_172 = arith.constant 100 : i32
    %parallel_loop3A_173 = arith.constant 1 : i32
    scf.for %parallel_loop3A_389 = %parallel_loop3A_171 to %parallel_loop3A_172 step %parallel_loop3A_173  : i32 {
      %parallel_loop3A_390 = arith.constant 16 : i32
      %parallel_loop3A_391 = arith.muli %parallel_loop3A_389, %parallel_loop3A_390 : i32
      %parallel_loop3A_392 = arith.index_cast %parallel_loop3A_391 : i32 to index
      %parallel_loop3A_393 = tpu.vector_load %arg10[%parallel_loop3A_392] {strides = array<i32>} : memref<1600xi32, #tpu.memory_space<vmem>>, vector<16xi32>,
      %parallel_loop3A_394 = tpu.vector_load_idx %arg7[%parallel_loop3A_393] : memref<100000xf32, #tpu.memory_space<vmem>>[vector<16xi32>], vector<16xf32>,
      %parallel_loop3A_395 = arith.index_cast %parallel_loop3A_391 : i32 to index
      %parallel_loop3A_396 = tpu.vector_load %arg14[%parallel_loop3A_395] {strides = array<i32>} : memref<1600xf32, #tpu.memory_space<vmem>>, vector<16xf32>,
      %parallel_loop3A_397 = arith.mulf %parallel_loop3A_396, %parallel_loop3A_394 : vector<16xf32>
      %parallel_loop3A_398 = arith.index_cast %parallel_loop3A_391 : i32 to index
      %parallel_loop3A_399 = tpu.vector_load %arg20[%parallel_loop3A_398] {strides = array<i32>} : memref<1600xf32, #tpu.memory_space<vmem>>, vector<16xf32>,
      tpu.vector_store %arg20[%parallel_loop3A_398], %parallel_loop3A_397 {strides = array<i32>} : memref<1600xf32, #tpu.memory_space<vmem>>, vector<16xf32>,
    } {sc.loop_unroll_factor = 8 : i64, sc.parallel_access}
    %dma_start3A_174 = arith.constant 0 : i32
    %dma_start3A_175 = tpu.memref_slice %arg22[%dma_start3A_174] : memref<100000xf32, #tpu.memory_space<vmem_shared>> -> memref<100000xf32, #tpu.memory_space<vmem_shared>>
    tpu.enqueue_indirect_dma source(%arg20 : memref<1600xf32, #tpu.memory_space<vmem>>) target(%dma_start3A_175 : memref<100000xf32, #tpu.memory_space<vmem_shared>>) offsets(%arg18 : memref<1600xi32, #tpu.memory_space<vmem>>) semaphore(%arg25 : memref<!tpu.dma_semaphore, #tpu.memory_space<semaphore_mem>>) {add = true}
    %dma_wait3A_176 = arith.constant 0 : i32
    %dma_wait3A_177 = tpu.memref_slice %arg7[%dma_wait3A_176] : memref<100000xf32, #tpu.memory_space<vmem>> -> memref<3200xf32, #tpu.memory_space<vmem>>
    %dma_wait3A_178 = arith.constant 0 : i32
    %dma_wait3A_179 = tpu.memref_slice %arg2[%dma_wait3A_178] : memref<6400000xf32, #tpu.memory_space<hbm>> -> memref<3200xf32, #tpu.memory_space<hbm>>
    %dma_wait3A_180 = arith.constant 0 : i32
    %dma_wait3A_181 = tpu.memref_slice %arg7[%dma_wait3A_180] : memref<100000xf32, #tpu.memory_space<vmem>> -> memref<3200xf32, #tpu.memory_space<vmem>>
    %dma_wait3A_182 = arith.constant 0 : i32
    %dma_wait3A_183 = tpu.memref_slice %arg2[%dma_wait3A_182] : memref<6400000xf32, #tpu.memory_space<hbm>> -> memref<3200xf32, #tpu.memory_space<hbm>>
    tpu.wait_dma2 semaphore(%arg23 : memref<!tpu.dma_semaphore, #tpu.memory_space<semaphore_mem>>) src(%dma_wait3A_183 : memref<3200xf32, #tpu.memory_space<hbm>>) dst(%dma_wait3A_181 : memref<3200xf32, #tpu.memory_space<vmem>>)
    %dma_wait3A_184 = arith.constant 0 : i32
    %dma_wait3A_185 = tpu.memref_slice %arg2[%dma_wait3A_184] : memref<6400000xf32, #tpu.memory_space<hbm>> -> memref<1600xf32, #tpu.memory_space<hbm>>
    %dma_wait3A_186 = arith.constant 0 : i32
    %dma_wait3A_187 = tpu.memref_slice %arg2[%dma_wait3A_186] : memref<6400000xf32, #tpu.memory_space<hbm>> -> memref<1600xf32, #tpu.memory_space<hbm>>
    tpu.wait_dma2 semaphore(%arg24 : memref<!tpu.dma_semaphore, #tpu.memory_space<semaphore_mem>>) src(%dma_wait3A_187 : memref<1600xf32, #tpu.memory_space<hbm>>) dst(%arg21 : memref<1600xf32, #tpu.memory_space<vmem>>)
    %dma_wait3A_188 = arith.constant 0 : i32
    %dma_wait3A_189 = tpu.memref_slice %arg2[%dma_wait3A_188] : memref<6400000xf32, #tpu.memory_space<hbm>> -> memref<1600xf32, #tpu.memory_space<hbm>>
    %dma_wait3A_190 = arith.constant 0 : i32
    %dma_wait3A_191 = tpu.memref_slice %arg2[%dma_wait3A_190] : memref<6400000xf32, #tpu.memory_space<hbm>> -> memref<1600xf32, #tpu.memory_space<hbm>>
    tpu.wait_dma2 semaphore(%arg25 : memref<!tpu.dma_semaphore, #tpu.memory_space<semaphore_mem>>) src(%dma_wait3A_191 : memref<1600xf32, #tpu.memory_space<hbm>>) dst(%arg20 : memref<1600xf32, #tpu.memory_space<vmem>>)
    %mul3A_192 = arith.constant 125 : i32
    %mul3A_193 = arith.muli %add3A, %mul3A_192 : i32
    %add3A_194 = arith.constant 6 : i32
    %add3A_195 = arith.addi %mul3A_193, %add3A_194 : i32
    %mul3A_196 = arith.constant 1600 : i32
    %mul3A_197 = arith.muli %add3A_195, %mul3A_196 : i32
    %dma_start3A_198 = tpu.memref_slice %arg4[%mul3A_197] : memref<6400000xi32, #tpu.memory_space<hbm>> -> memref<1600xi32, #tpu.memory_space<hbm>>
    %dma_start3A_199 = tpu.memref_slice %arg4[%mul3A_197] : memref<6400000xi32, #tpu.memory_space<hbm>> -> memref<1600xi32, #tpu.memory_space<hbm>>
    tpu.enqueue_dma source(%dma_start3A_199 : memref<1600xi32, #tpu.memory_space<hbm>>) target(%arg10 : memref<1600xi32, #tpu.memory_space<vmem>>) target_semaphore(%arg23 : memref<!tpu.dma_semaphore, #tpu.memory_space<semaphore_mem>>)
    %dma_start3A_200 = tpu.memref_slice %arg2[%mul3A_197] : memref<6400000xf32, #tpu.memory_space<hbm>> -> memref<1600xf32, #tpu.memory_space<hbm>>
    %dma_start3A_201 = tpu.memref_slice %arg2[%mul3A_197] : memref<6400000xf32, #tpu.memory_space<hbm>> -> memref<1600xf32, #tpu.memory_space<hbm>>
    tpu.enqueue_dma source(%dma_start3A_201 : memref<1600xf32, #tpu.memory_space<hbm>>) target(%arg14 : memref<1600xf32, #tpu.memory_space<vmem>>) target_semaphore(%arg23 : memref<!tpu.dma_semaphore, #tpu.memory_space<semaphore_mem>>)
    %mul3A_202 = arith.constant 125 : i32
    %mul3A_203 = arith.muli %add3A, %mul3A_202 : i32
    %add3A_204 = arith.constant 5 : i32
    %add3A_205 = arith.addi %mul3A_203, %add3A_204 : i32
    %mul3A_206 = arith.constant 1600 : i32
    %mul3A_207 = arith.muli %add3A_205, %mul3A_206 : i32
    %dma_start3A_208 = tpu.memref_slice %arg3[%mul3A_207] : memref<6400000xi32, #tpu.memory_space<hbm>> -> memref<1600xi32, #tpu.memory_space<hbm>>
    %dma_start3A_209 = tpu.memref_slice %arg3[%mul3A_207] : memref<6400000xi32, #tpu.memory_space<hbm>> -> memref<1600xi32, #tpu.memory_space<hbm>>
    tpu.enqueue_dma source(%dma_start3A_209 : memref<1600xi32, #tpu.memory_space<hbm>>) target(%arg17 : memref<1600xi32, #tpu.memory_space<vmem>>) target_semaphore(%arg24 : memref<!tpu.dma_semaphore, #tpu.memory_space<semaphore_mem>>)
    %parallel_loop3A_210 = arith.constant 0 : i32
    %parallel_loop3A_211 = arith.constant 100 : i32
    %parallel_loop3A_212 = arith.constant 1 : i32
    scf.for %parallel_loop3A_389 = %parallel_loop3A_210 to %parallel_loop3A_211 step %parallel_loop3A_212  : i32 {
      %parallel_loop3A_390 = arith.constant 16 : i32
      %parallel_loop3A_391 = arith.muli %parallel_loop3A_389, %parallel_loop3A_390 : i32
      %parallel_loop3A_392 = arith.index_cast %parallel_loop3A_391 : i32 to index
      %parallel_loop3A_393 = tpu.vector_load %arg11[%parallel_loop3A_392] {strides = array<i32>} : memref<1600xi32, #tpu.memory_space<vmem>>, vector<16xi32>,
      %parallel_loop3A_394 = tpu.vector_load_idx %arg7[%parallel_loop3A_393] : memref<100000xf32, #tpu.memory_space<vmem>>[vector<16xi32>], vector<16xf32>,
      %parallel_loop3A_395 = arith.index_cast %parallel_loop3A_391 : i32 to index
      %parallel_loop3A_396 = tpu.vector_load %arg15[%parallel_loop3A_395] {strides = array<i32>} : memref<1600xf32, #tpu.memory_space<vmem>>, vector<16xf32>,
      %parallel_loop3A_397 = arith.mulf %parallel_loop3A_396, %parallel_loop3A_394 : vector<16xf32>
      %parallel_loop3A_398 = arith.index_cast %parallel_loop3A_391 : i32 to index
      %parallel_loop3A_399 = tpu.vector_load %arg21[%parallel_loop3A_398] {strides = array<i32>} : memref<1600xf32, #tpu.memory_space<vmem>>, vector<16xf32>,
      tpu.vector_store %arg21[%parallel_loop3A_398], %parallel_loop3A_397 {strides = array<i32>} : memref<1600xf32, #tpu.memory_space<vmem>>, vector<16xf32>,
    } {sc.loop_unroll_factor = 8 : i64, sc.parallel_access}
    %dma_start3A_213 = arith.constant 0 : i32
    %dma_start3A_214 = tpu.memref_slice %arg22[%dma_start3A_213] : memref<100000xf32, #tpu.memory_space<vmem_shared>> -> memref<100000xf32, #tpu.memory_space<vmem_shared>>
    tpu.enqueue_indirect_dma source(%arg21 : memref<1600xf32, #tpu.memory_space<vmem>>) target(%dma_start3A_214 : memref<100000xf32, #tpu.memory_space<vmem_shared>>) offsets(%arg19 : memref<1600xi32, #tpu.memory_space<vmem>>) semaphore(%arg25 : memref<!tpu.dma_semaphore, #tpu.memory_space<semaphore_mem>>) {add = true}
    %scan3A_215 = arith.constant 0 : i32
    %scan3A_216 = arith.constant 1 : i32
    %scan3A_217 = arith.constant 29 : i32
    %scan3A_218 = arith.addi %scan3A_216, %scan3A_217 : i32
    %scan3A_219 = arith.constant 1 : i32
    scf.for %scan3A_389 = %scan3A_216 to %scan3A_218 step %scan3A_219  : i32 {
      %mul3A_390 = arith.constant 4 : i32
      %mul3A_391 = arith.muli %scan3A_389, %mul3A_390 : i32
      %add3A_392 = arith.constant 0 : i32
      %add3A_393 = arith.addi %mul3A_391, %add3A_392 : i32
      %dma_wait3A_394 = arith.constant 0 : i32
      %dma_wait3A_395 = tpu.memref_slice %arg7[%dma_wait3A_394] : memref<100000xf32, #tpu.memory_space<vmem>> -> memref<3200xf32, #tpu.memory_space<vmem>>
      %dma_wait3A_396 = arith.constant 0 : i32
      %dma_wait3A_397 = tpu.memref_slice %arg2[%dma_wait3A_396] : memref<6400000xf32, #tpu.memory_space<hbm>> -> memref<3200xf32, #tpu.memory_space<hbm>>
      %dma_wait3A_398 = arith.constant 0 : i32
      %dma_wait3A_399 = tpu.memref_slice %arg7[%dma_wait3A_398] : memref<100000xf32, #tpu.memory_space<vmem>> -> memref<3200xf32, #tpu.memory_space<vmem>>
      %dma_wait3A_400 = arith.constant 0 : i32
      %dma_wait3A_401 = tpu.memref_slice %arg2[%dma_wait3A_400] : memref<6400000xf32, #tpu.memory_space<hbm>> -> memref<3200xf32, #tpu.memory_space<hbm>>
      tpu.wait_dma2 semaphore(%arg23 : memref<!tpu.dma_semaphore, #tpu.memory_space<semaphore_mem>>) src(%dma_wait3A_401 : memref<3200xf32, #tpu.memory_space<hbm>>) dst(%dma_wait3A_399 : memref<3200xf32, #tpu.memory_space<vmem>>)
      %dma_wait3A_402 = arith.constant 0 : i32
      %dma_wait3A_403 = tpu.memref_slice %arg2[%dma_wait3A_402] : memref<6400000xf32, #tpu.memory_space<hbm>> -> memref<1600xf32, #tpu.memory_space<hbm>>
      %dma_wait3A_404 = arith.constant 0 : i32
      %dma_wait3A_405 = tpu.memref_slice %arg2[%dma_wait3A_404] : memref<6400000xf32, #tpu.memory_space<hbm>> -> memref<1600xf32, #tpu.memory_space<hbm>>
      tpu.wait_dma2 semaphore(%arg24 : memref<!tpu.dma_semaphore, #tpu.memory_space<semaphore_mem>>) src(%dma_wait3A_405 : memref<1600xf32, #tpu.memory_space<hbm>>) dst(%arg21 : memref<1600xf32, #tpu.memory_space<vmem>>)
      %dma_wait3A_406 = arith.constant 0 : i32
      %dma_wait3A_407 = tpu.memref_slice %arg2[%dma_wait3A_406] : memref<6400000xf32, #tpu.memory_space<hbm>> -> memref<1600xf32, #tpu.memory_space<hbm>>
      %dma_wait3A_408 = arith.constant 0 : i32
      %dma_wait3A_409 = tpu.memref_slice %arg2[%dma_wait3A_408] : memref<6400000xf32, #tpu.memory_space<hbm>> -> memref<1600xf32, #tpu.memory_space<hbm>>
      tpu.wait_dma2 semaphore(%arg25 : memref<!tpu.dma_semaphore, #tpu.memory_space<semaphore_mem>>) src(%dma_wait3A_409 : memref<1600xf32, #tpu.memory_space<hbm>>) dst(%arg20 : memref<1600xf32, #tpu.memory_space<vmem>>)
      %add3A_410 = arith.constant 3 : i32
      %add3A_411 = arith.addi %add3A_393, %add3A_410 : i32
      %mul3A_412 = arith.constant 125 : i32
      %mul3A_413 = arith.muli %add3A, %mul3A_412 : i32
      %add3A_414 = arith.addi %mul3A_413, %add3A_411 : i32
      %mul3A_415 = arith.constant 1600 : i32
      %mul3A_416 = arith.muli %add3A_414, %mul3A_415 : i32
      %dma_start3A_417 = tpu.memref_slice %arg4[%mul3A_416] : memref<6400000xi32, #tpu.memory_space<hbm>> -> memref<1600xi32, #tpu.memory_space<hbm>>
      %dma_start3A_418 = tpu.memref_slice %arg4[%mul3A_416] : memref<6400000xi32, #tpu.memory_space<hbm>> -> memref<1600xi32, #tpu.memory_space<hbm>>
      tpu.enqueue_dma source(%dma_start3A_418 : memref<1600xi32, #tpu.memory_space<hbm>>) target(%arg11 : memref<1600xi32, #tpu.memory_space<vmem>>) target_semaphore(%arg23 : memref<!tpu.dma_semaphore, #tpu.memory_space<semaphore_mem>>)
      %dma_start3A_419 = tpu.memref_slice %arg2[%mul3A_416] : memref<6400000xf32, #tpu.memory_space<hbm>> -> memref<1600xf32, #tpu.memory_space<hbm>>
      %dma_start3A_420 = tpu.memref_slice %arg2[%mul3A_416] : memref<6400000xf32, #tpu.memory_space<hbm>> -> memref<1600xf32, #tpu.memory_space<hbm>>
      tpu.enqueue_dma source(%dma_start3A_420 : memref<1600xf32, #tpu.memory_space<hbm>>) target(%arg15 : memref<1600xf32, #tpu.memory_space<vmem>>) target_semaphore(%arg23 : memref<!tpu.dma_semaphore, #tpu.memory_space<semaphore_mem>>)
      %add3A_421 = arith.constant 2 : i32
      %add3A_422 = arith.addi %add3A_393, %add3A_421 : i32
      %mul3A_423 = arith.constant 125 : i32
      %mul3A_424 = arith.muli %add3A, %mul3A_423 : i32
      %add3A_425 = arith.addi %mul3A_424, %add3A_422 : i32
      %mul3A_426 = arith.constant 1600 : i32
      %mul3A_427 = arith.muli %add3A_425, %mul3A_426 : i32
      %dma_start3A_428 = tpu.memref_slice %arg3[%mul3A_427] : memref<6400000xi32, #tpu.memory_space<hbm>> -> memref<1600xi32, #tpu.memory_space<hbm>>
      %dma_start3A_429 = tpu.memref_slice %arg3[%mul3A_427] : memref<6400000xi32, #tpu.memory_space<hbm>> -> memref<1600xi32, #tpu.memory_space<hbm>>
      tpu.enqueue_dma source(%dma_start3A_429 : memref<1600xi32, #tpu.memory_space<hbm>>) target(%arg18 : memref<1600xi32, #tpu.memory_space<vmem>>) target_semaphore(%arg24 : memref<!tpu.dma_semaphore, #tpu.memory_space<semaphore_mem>>)
      %parallel_loop3A_430 = arith.constant 0 : i32
      %parallel_loop3A_431 = arith.constant 100 : i32
      %parallel_loop3A_432 = arith.constant 1 : i32
      scf.for %parallel_loop3A_564 = %parallel_loop3A_430 to %parallel_loop3A_431 step %parallel_loop3A_432  : i32 {
        %parallel_loop3A_565 = arith.constant 16 : i32
        %parallel_loop3A_566 = arith.muli %parallel_loop3A_564, %parallel_loop3A_565 : i32
        %parallel_loop3A_567 = arith.index_cast %parallel_loop3A_566 : i32 to index
        %parallel_loop3A_568 = tpu.vector_load %arg8[%parallel_loop3A_567] {strides = array<i32>} : memref<1600xi32, #tpu.memory_space<vmem>>, vector<16xi32>,
        %parallel_loop3A_569 = tpu.vector_load_idx %arg7[%parallel_loop3A_568] : memref<100000xf32, #tpu.memory_space<vmem>>[vector<16xi32>], vector<16xf32>,
        %parallel_loop3A_570 = arith.index_cast %parallel_loop3A_566 : i32 to index
        %parallel_loop3A_571 = tpu.vector_load %arg12[%parallel_loop3A_570] {strides = array<i32>} : memref<1600xf32, #tpu.memory_space<vmem>>, vector<16xf32>,
        %parallel_loop3A_572 = arith.mulf %parallel_loop3A_571, %parallel_loop3A_569 : vector<16xf32>
        %parallel_loop3A_573 = arith.index_cast %parallel_loop3A_566 : i32 to index
        %parallel_loop3A_574 = tpu.vector_load %arg20[%parallel_loop3A_573] {strides = array<i32>} : memref<1600xf32, #tpu.memory_space<vmem>>, vector<16xf32>,
        tpu.vector_store %arg20[%parallel_loop3A_573], %parallel_loop3A_572 {strides = array<i32>} : memref<1600xf32, #tpu.memory_space<vmem>>, vector<16xf32>,
      } {sc.loop_unroll_factor = 8 : i64, sc.parallel_access}
      %dma_start3A_433 = arith.constant 0 : i32
      %dma_start3A_434 = tpu.memref_slice %arg22[%dma_start3A_433] : memref<100000xf32, #tpu.memory_space<vmem_shared>> -> memref<100000xf32, #tpu.memory_space<vmem_shared>>
      tpu.enqueue_indirect_dma source(%arg20 : memref<1600xf32, #tpu.memory_space<vmem>>) target(%dma_start3A_434 : memref<100000xf32, #tpu.memory_space<vmem_shared>>) offsets(%arg16 : memref<1600xi32, #tpu.memory_space<vmem>>) semaphore(%arg25 : memref<!tpu.dma_semaphore, #tpu.memory_space<semaphore_mem>>) {add = true}
      %add3A_435 = arith.constant 1 : i32
      %add3A_436 = arith.addi %mul3A_391, %add3A_435 : i32
      %dma_wait3A_437 = arith.constant 0 : i32
      %dma_wait3A_438 = tpu.memref_slice %arg7[%dma_wait3A_437] : memref<100000xf32, #tpu.memory_space<vmem>> -> memref<3200xf32, #tpu.memory_space<vmem>>
      %dma_wait3A_439 = arith.constant 0 : i32
      %dma_wait3A_440 = tpu.memref_slice %arg2[%dma_wait3A_439] : memref<6400000xf32, #tpu.memory_space<hbm>> -> memref<3200xf32, #tpu.memory_space<hbm>>
      %dma_wait3A_441 = arith.constant 0 : i32
      %dma_wait3A_442 = tpu.memref_slice %arg7[%dma_wait3A_441] : memref<100000xf32, #tpu.memory_space<vmem>> -> memref<3200xf32, #tpu.memory_space<vmem>>
      %dma_wait3A_443 = arith.constant 0 : i32
      %dma_wait3A_444 = tpu.memref_slice %arg2[%dma_wait3A_443] : memref<6400000xf32, #tpu.memory_space<hbm>> -> memref<3200xf32, #tpu.memory_space<hbm>>
      tpu.wait_dma2 semaphore(%arg23 : memref<!tpu.dma_semaphore, #tpu.memory_space<semaphore_mem>>) src(%dma_wait3A_444 : memref<3200xf32, #tpu.memory_space<hbm>>) dst(%dma_wait3A_442 : memref<3200xf32, #tpu.memory_space<vmem>>)
      %dma_wait3A_445 = arith.constant 0 : i32
      %dma_wait3A_446 = tpu.memref_slice %arg2[%dma_wait3A_445] : memref<6400000xf32, #tpu.memory_space<hbm>> -> memref<1600xf32, #tpu.memory_space<hbm>>
      %dma_wait3A_447 = arith.constant 0 : i32
      %dma_wait3A_448 = tpu.memref_slice %arg2[%dma_wait3A_447] : memref<6400000xf32, #tpu.memory_space<hbm>> -> memref<1600xf32, #tpu.memory_space<hbm>>
      tpu.wait_dma2 semaphore(%arg24 : memref<!tpu.dma_semaphore, #tpu.memory_space<semaphore_mem>>) src(%dma_wait3A_448 : memref<1600xf32, #tpu.memory_space<hbm>>) dst(%arg21 : memref<1600xf32, #tpu.memory_space<vmem>>)
      %dma_wait3A_449 = arith.constant 0 : i32
      %dma_wait3A_450 = tpu.memref_slice %arg2[%dma_wait3A_449] : memref<6400000xf32, #tpu.memory_space<hbm>> -> memref<1600xf32, #tpu.memory_space<hbm>>
      %dma_wait3A_451 = arith.constant 0 : i32
      %dma_wait3A_452 = tpu.memref_slice %arg2[%dma_wait3A_451] : memref<6400000xf32, #tpu.memory_space<hbm>> -> memref<1600xf32, #tpu.memory_space<hbm>>
      tpu.wait_dma2 semaphore(%arg25 : memref<!tpu.dma_semaphore, #tpu.memory_space<semaphore_mem>>) src(%dma_wait3A_452 : memref<1600xf32, #tpu.memory_space<hbm>>) dst(%arg20 : memref<1600xf32, #tpu.memory_space<vmem>>)
      %add3A_453 = arith.constant 3 : i32
      %add3A_454 = arith.addi %add3A_436, %add3A_453 : i32
      %mul3A_455 = arith.constant 125 : i32
      %mul3A_456 = arith.muli %add3A, %mul3A_455 : i32
      %add3A_457 = arith.addi %mul3A_456, %add3A_454 : i32
      %mul3A_458 = arith.constant 1600 : i32
      %mul3A_459 = arith.muli %add3A_457, %mul3A_458 : i32
      %dma_start3A_460 = tpu.memref_slice %arg4[%mul3A_459] : memref<6400000xi32, #tpu.memory_space<hbm>> -> memref<1600xi32, #tpu.memory_space<hbm>>
      %dma_start3A_461 = tpu.memref_slice %arg4[%mul3A_459] : memref<6400000xi32, #tpu.memory_space<hbm>> -> memref<1600xi32, #tpu.memory_space<hbm>>
      tpu.enqueue_dma source(%dma_start3A_461 : memref<1600xi32, #tpu.memory_space<hbm>>) target(%arg8 : memref<1600xi32, #tpu.memory_space<vmem>>) target_semaphore(%arg23 : memref<!tpu.dma_semaphore, #tpu.memory_space<semaphore_mem>>)
      %dma_start3A_462 = tpu.memref_slice %arg2[%mul3A_459] : memref<6400000xf32, #tpu.memory_space<hbm>> -> memref<1600xf32, #tpu.memory_space<hbm>>
      %dma_start3A_463 = tpu.memref_slice %arg2[%mul3A_459] : memref<6400000xf32, #tpu.memory_space<hbm>> -> memref<1600xf32, #tpu.memory_space<hbm>>
      tpu.enqueue_dma source(%dma_start3A_463 : memref<1600xf32, #tpu.memory_space<hbm>>) target(%arg12 : memref<1600xf32, #tpu.memory_space<vmem>>) target_semaphore(%arg23 : memref<!tpu.dma_semaphore, #tpu.memory_space<semaphore_mem>>)
      %add3A_464 = arith.constant 2 : i32
      %add3A_465 = arith.addi %add3A_436, %add3A_464 : i32
      %mul3A_466 = arith.constant 125 : i32
      %mul3A_467 = arith.muli %add3A, %mul3A_466 : i32
      %add3A_468 = arith.addi %mul3A_467, %add3A_465 : i32
      %mul3A_469 = arith.constant 1600 : i32
      %mul3A_470 = arith.muli %add3A_468, %mul3A_469 : i32
      %dma_start3A_471 = tpu.memref_slice %arg3[%mul3A_470] : memref<6400000xi32, #tpu.memory_space<hbm>> -> memref<1600xi32, #tpu.memory_space<hbm>>
      %dma_start3A_472 = tpu.memref_slice %arg3[%mul3A_470] : memref<6400000xi32, #tpu.memory_space<hbm>> -> memref<1600xi32, #tpu.memory_space<hbm>>
      tpu.enqueue_dma source(%dma_start3A_472 : memref<1600xi32, #tpu.memory_space<hbm>>) target(%arg19 : memref<1600xi32, #tpu.memory_space<vmem>>) target_semaphore(%arg24 : memref<!tpu.dma_semaphore, #tpu.memory_space<semaphore_mem>>)
      %parallel_loop3A_473 = arith.constant 0 : i32
      %parallel_loop3A_474 = arith.constant 100 : i32
      %parallel_loop3A_475 = arith.constant 1 : i32
      scf.for %parallel_loop3A_564 = %parallel_loop3A_473 to %parallel_loop3A_474 step %parallel_loop3A_475  : i32 {
        %parallel_loop3A_565 = arith.constant 16 : i32
        %parallel_loop3A_566 = arith.muli %parallel_loop3A_564, %parallel_loop3A_565 : i32
        %parallel_loop3A_567 = arith.index_cast %parallel_loop3A_566 : i32 to index
        %parallel_loop3A_568 = tpu.vector_load %arg9[%parallel_loop3A_567] {strides = array<i32>} : memref<1600xi32, #tpu.memory_space<vmem>>, vector<16xi32>,
        %parallel_loop3A_569 = tpu.vector_load_idx %arg7[%parallel_loop3A_568] : memref<100000xf32, #tpu.memory_space<vmem>>[vector<16xi32>], vector<16xf32>,
        %parallel_loop3A_570 = arith.index_cast %parallel_loop3A_566 : i32 to index
        %parallel_loop3A_571 = tpu.vector_load %arg13[%parallel_loop3A_570] {strides = array<i32>} : memref<1600xf32, #tpu.memory_space<vmem>>, vector<16xf32>,
        %parallel_loop3A_572 = arith.mulf %parallel_loop3A_571, %parallel_loop3A_569 : vector<16xf32>
        %parallel_loop3A_573 = arith.index_cast %parallel_loop3A_566 : i32 to index
        %parallel_loop3A_574 = tpu.vector_load %arg21[%parallel_loop3A_573] {strides = array<i32>} : memref<1600xf32, #tpu.memory_space<vmem>>, vector<16xf32>,
        tpu.vector_store %arg21[%parallel_loop3A_573], %parallel_loop3A_572 {strides = array<i32>} : memref<1600xf32, #tpu.memory_space<vmem>>, vector<16xf32>,
      } {sc.loop_unroll_factor = 8 : i64, sc.parallel_access}
      %dma_start3A_476 = arith.constant 0 : i32
      %dma_start3A_477 = tpu.memref_slice %arg22[%dma_start3A_476] : memref<100000xf32, #tpu.memory_space<vmem_shared>> -> memref<100000xf32, #tpu.memory_space<vmem_shared>>
      tpu.enqueue_indirect_dma source(%arg21 : memref<1600xf32, #tpu.memory_space<vmem>>) target(%dma_start3A_477 : memref<100000xf32, #tpu.memory_space<vmem_shared>>) offsets(%arg17 : memref<1600xi32, #tpu.memory_space<vmem>>) semaphore(%arg25 : memref<!tpu.dma_semaphore, #tpu.memory_space<semaphore_mem>>) {add = true}
      %add3A_478 = arith.constant 2 : i32
      %add3A_479 = arith.addi %mul3A_391, %add3A_478 : i32
      %dma_wait3A_480 = arith.constant 0 : i32
      %dma_wait3A_481 = tpu.memref_slice %arg7[%dma_wait3A_480] : memref<100000xf32, #tpu.memory_space<vmem>> -> memref<3200xf32, #tpu.memory_space<vmem>>
      %dma_wait3A_482 = arith.constant 0 : i32
      %dma_wait3A_483 = tpu.memref_slice %arg2[%dma_wait3A_482] : memref<6400000xf32, #tpu.memory_space<hbm>> -> memref<3200xf32, #tpu.memory_space<hbm>>
      %dma_wait3A_484 = arith.constant 0 : i32
      %dma_wait3A_485 = tpu.memref_slice %arg7[%dma_wait3A_484] : memref<100000xf32, #tpu.memory_space<vmem>> -> memref<3200xf32, #tpu.memory_space<vmem>>
      %dma_wait3A_486 = arith.constant 0 : i32
      %dma_wait3A_487 = tpu.memref_slice %arg2[%dma_wait3A_486] : memref<6400000xf32, #tpu.memory_space<hbm>> -> memref<3200xf32, #tpu.memory_space<hbm>>
      tpu.wait_dma2 semaphore(%arg23 : memref<!tpu.dma_semaphore, #tpu.memory_space<semaphore_mem>>) src(%dma_wait3A_487 : memref<3200xf32, #tpu.memory_space<hbm>>) dst(%dma_wait3A_485 : memref<3200xf32, #tpu.memory_space<vmem>>)
      %dma_wait3A_488 = arith.constant 0 : i32
      %dma_wait3A_489 = tpu.memref_slice %arg2[%dma_wait3A_488] : memref<6400000xf32, #tpu.memory_space<hbm>> -> memref<1600xf32, #tpu.memory_space<hbm>>
      %dma_wait3A_490 = arith.constant 0 : i32
      %dma_wait3A_491 = tpu.memref_slice %arg2[%dma_wait3A_490] : memref<6400000xf32, #tpu.memory_space<hbm>> -> memref<1600xf32, #tpu.memory_space<hbm>>
      tpu.wait_dma2 semaphore(%arg24 : memref<!tpu.dma_semaphore, #tpu.memory_space<semaphore_mem>>) src(%dma_wait3A_491 : memref<1600xf32, #tpu.memory_space<hbm>>) dst(%arg21 : memref<1600xf32, #tpu.memory_space<vmem>>)
      %dma_wait3A_492 = arith.constant 0 : i32
      %dma_wait3A_493 = tpu.memref_slice %arg2[%dma_wait3A_492] : memref<6400000xf32, #tpu.memory_space<hbm>> -> memref<1600xf32, #tpu.memory_space<hbm>>
      %dma_wait3A_494 = arith.constant 0 : i32
      %dma_wait3A_495 = tpu.memref_slice %arg2[%dma_wait3A_494] : memref<6400000xf32, #tpu.memory_space<hbm>> -> memref<1600xf32, #tpu.memory_space<hbm>>
      tpu.wait_dma2 semaphore(%arg25 : memref<!tpu.dma_semaphore, #tpu.memory_space<semaphore_mem>>) src(%dma_wait3A_495 : memref<1600xf32, #tpu.memory_space<hbm>>) dst(%arg20 : memref<1600xf32, #tpu.memory_space<vmem>>)
      %add3A_496 = arith.constant 3 : i32
      %add3A_497 = arith.addi %add3A_479, %add3A_496 : i32
      %mul3A_498 = arith.constant 125 : i32
      %mul3A_499 = arith.muli %add3A, %mul3A_498 : i32
      %add3A_500 = arith.addi %mul3A_499, %add3A_497 : i32
      %mul3A_501 = arith.constant 1600 : i32
      %mul3A_502 = arith.muli %add3A_500, %mul3A_501 : i32
      %dma_start3A_503 = tpu.memref_slice %arg4[%mul3A_502] : memref<6400000xi32, #tpu.memory_space<hbm>> -> memref<1600xi32, #tpu.memory_space<hbm>>
      %dma_start3A_504 = tpu.memref_slice %arg4[%mul3A_502] : memref<6400000xi32, #tpu.memory_space<hbm>> -> memref<1600xi32, #tpu.memory_space<hbm>>
      tpu.enqueue_dma source(%dma_start3A_504 : memref<1600xi32, #tpu.memory_space<hbm>>) target(%arg9 : memref<1600xi32, #tpu.memory_space<vmem>>) target_semaphore(%arg23 : memref<!tpu.dma_semaphore, #tpu.memory_space<semaphore_mem>>)
      %dma_start3A_505 = tpu.memref_slice %arg2[%mul3A_502] : memref<6400000xf32, #tpu.memory_space<hbm>> -> memref<1600xf32, #tpu.memory_space<hbm>>
      %dma_start3A_506 = tpu.memref_slice %arg2[%mul3A_502] : memref<6400000xf32, #tpu.memory_space<hbm>> -> memref<1600xf32, #tpu.memory_space<hbm>>
      tpu.enqueue_dma source(%dma_start3A_506 : memref<1600xf32, #tpu.memory_space<hbm>>) target(%arg13 : memref<1600xf32, #tpu.memory_space<vmem>>) target_semaphore(%arg23 : memref<!tpu.dma_semaphore, #tpu.memory_space<semaphore_mem>>)
      %add3A_507 = arith.constant 2 : i32
      %add3A_508 = arith.addi %add3A_479, %add3A_507 : i32
      %mul3A_509 = arith.constant 125 : i32
      %mul3A_510 = arith.muli %add3A, %mul3A_509 : i32
      %add3A_511 = arith.addi %mul3A_510, %add3A_508 : i32
      %mul3A_512 = arith.constant 1600 : i32
      %mul3A_513 = arith.muli %add3A_511, %mul3A_512 : i32
      %dma_start3A_514 = tpu.memref_slice %arg3[%mul3A_513] : memref<6400000xi32, #tpu.memory_space<hbm>> -> memref<1600xi32, #tpu.memory_space<hbm>>
      %dma_start3A_515 = tpu.memref_slice %arg3[%mul3A_513] : memref<6400000xi32, #tpu.memory_space<hbm>> -> memref<1600xi32, #tpu.memory_space<hbm>>
      tpu.enqueue_dma source(%dma_start3A_515 : memref<1600xi32, #tpu.memory_space<hbm>>) target(%arg16 : memref<1600xi32, #tpu.memory_space<vmem>>) target_semaphore(%arg24 : memref<!tpu.dma_semaphore, #tpu.memory_space<semaphore_mem>>)
      %parallel_loop3A_516 = arith.constant 0 : i32
      %parallel_loop3A_517 = arith.constant 100 : i32
      %parallel_loop3A_518 = arith.constant 1 : i32
      scf.for %parallel_loop3A_564 = %parallel_loop3A_516 to %parallel_loop3A_517 step %parallel_loop3A_518  : i32 {
        %parallel_loop3A_565 = arith.constant 16 : i32
        %parallel_loop3A_566 = arith.muli %parallel_loop3A_564, %parallel_loop3A_565 : i32
        %parallel_loop3A_567 = arith.index_cast %parallel_loop3A_566 : i32 to index
        %parallel_loop3A_568 = tpu.vector_load %arg10[%parallel_loop3A_567] {strides = array<i32>} : memref<1600xi32, #tpu.memory_space<vmem>>, vector<16xi32>,
        %parallel_loop3A_569 = tpu.vector_load_idx %arg7[%parallel_loop3A_568] : memref<100000xf32, #tpu.memory_space<vmem>>[vector<16xi32>], vector<16xf32>,
        %parallel_loop3A_570 = arith.index_cast %parallel_loop3A_566 : i32 to index
        %parallel_loop3A_571 = tpu.vector_load %arg14[%parallel_loop3A_570] {strides = array<i32>} : memref<1600xf32, #tpu.memory_space<vmem>>, vector<16xf32>,
        %parallel_loop3A_572 = arith.mulf %parallel_loop3A_571, %parallel_loop3A_569 : vector<16xf32>
        %parallel_loop3A_573 = arith.index_cast %parallel_loop3A_566 : i32 to index
        %parallel_loop3A_574 = tpu.vector_load %arg20[%parallel_loop3A_573] {strides = array<i32>} : memref<1600xf32, #tpu.memory_space<vmem>>, vector<16xf32>,
        tpu.vector_store %arg20[%parallel_loop3A_573], %parallel_loop3A_572 {strides = array<i32>} : memref<1600xf32, #tpu.memory_space<vmem>>, vector<16xf32>,
      } {sc.loop_unroll_factor = 8 : i64, sc.parallel_access}
      %dma_start3A_519 = arith.constant 0 : i32
      %dma_start3A_520 = tpu.memref_slice %arg22[%dma_start3A_519] : memref<100000xf32, #tpu.memory_space<vmem_shared>> -> memref<100000xf32, #tpu.memory_space<vmem_shared>>
      tpu.enqueue_indirect_dma source(%arg20 : memref<1600xf32, #tpu.memory_space<vmem>>) target(%dma_start3A_520 : memref<100000xf32, #tpu.memory_space<vmem_shared>>) offsets(%arg18 : memref<1600xi32, #tpu.memory_space<vmem>>) semaphore(%arg25 : memref<!tpu.dma_semaphore, #tpu.memory_space<semaphore_mem>>) {add = true}
      %add3A_521 = arith.constant 3 : i32
      %add3A_522 = arith.addi %mul3A_391, %add3A_521 : i32
      %dma_wait3A_523 = arith.constant 0 : i32
      %dma_wait3A_524 = tpu.memref_slice %arg7[%dma_wait3A_523] : memref<100000xf32, #tpu.memory_space<vmem>> -> memref<3200xf32, #tpu.memory_space<vmem>>
      %dma_wait3A_525 = arith.constant 0 : i32
      %dma_wait3A_526 = tpu.memref_slice %arg2[%dma_wait3A_525] : memref<6400000xf32, #tpu.memory_space<hbm>> -> memref<3200xf32, #tpu.memory_space<hbm>>
      %dma_wait3A_527 = arith.constant 0 : i32
      %dma_wait3A_528 = tpu.memref_slice %arg7[%dma_wait3A_527] : memref<100000xf32, #tpu.memory_space<vmem>> -> memref<3200xf32, #tpu.memory_space<vmem>>
      %dma_wait3A_529 = arith.constant 0 : i32
      %dma_wait3A_530 = tpu.memref_slice %arg2[%dma_wait3A_529] : memref<6400000xf32, #tpu.memory_space<hbm>> -> memref<3200xf32, #tpu.memory_space<hbm>>
      tpu.wait_dma2 semaphore(%arg23 : memref<!tpu.dma_semaphore, #tpu.memory_space<semaphore_mem>>) src(%dma_wait3A_530 : memref<3200xf32, #tpu.memory_space<hbm>>) dst(%dma_wait3A_528 : memref<3200xf32, #tpu.memory_space<vmem>>)
      %dma_wait3A_531 = arith.constant 0 : i32
      %dma_wait3A_532 = tpu.memref_slice %arg2[%dma_wait3A_531] : memref<6400000xf32, #tpu.memory_space<hbm>> -> memref<1600xf32, #tpu.memory_space<hbm>>
      %dma_wait3A_533 = arith.constant 0 : i32
      %dma_wait3A_534 = tpu.memref_slice %arg2[%dma_wait3A_533] : memref<6400000xf32, #tpu.memory_space<hbm>> -> memref<1600xf32, #tpu.memory_space<hbm>>
      tpu.wait_dma2 semaphore(%arg24 : memref<!tpu.dma_semaphore, #tpu.memory_space<semaphore_mem>>) src(%dma_wait3A_534 : memref<1600xf32, #tpu.memory_space<hbm>>) dst(%arg21 : memref<1600xf32, #tpu.memory_space<vmem>>)
      %dma_wait3A_535 = arith.constant 0 : i32
      %dma_wait3A_536 = tpu.memref_slice %arg2[%dma_wait3A_535] : memref<6400000xf32, #tpu.memory_space<hbm>> -> memref<1600xf32, #tpu.memory_space<hbm>>
      %dma_wait3A_537 = arith.constant 0 : i32
      %dma_wait3A_538 = tpu.memref_slice %arg2[%dma_wait3A_537] : memref<6400000xf32, #tpu.memory_space<hbm>> -> memref<1600xf32, #tpu.memory_space<hbm>>
      tpu.wait_dma2 semaphore(%arg25 : memref<!tpu.dma_semaphore, #tpu.memory_space<semaphore_mem>>) src(%dma_wait3A_538 : memref<1600xf32, #tpu.memory_space<hbm>>) dst(%arg20 : memref<1600xf32, #tpu.memory_space<vmem>>)
      %add3A_539 = arith.constant 3 : i32
      %add3A_540 = arith.addi %add3A_522, %add3A_539 : i32
      %mul3A_541 = arith.constant 125 : i32
      %mul3A_542 = arith.muli %add3A, %mul3A_541 : i32
      %add3A_543 = arith.addi %mul3A_542, %add3A_540 : i32
      %mul3A_544 = arith.constant 1600 : i32
      %mul3A_545 = arith.muli %add3A_543, %mul3A_544 : i32
      %dma_start3A_546 = tpu.memref_slice %arg4[%mul3A_545] : memref<6400000xi32, #tpu.memory_space<hbm>> -> memref<1600xi32, #tpu.memory_space<hbm>>
      %dma_start3A_547 = tpu.memref_slice %arg4[%mul3A_545] : memref<6400000xi32, #tpu.memory_space<hbm>> -> memref<1600xi32, #tpu.memory_space<hbm>>
      tpu.enqueue_dma source(%dma_start3A_547 : memref<1600xi32, #tpu.memory_space<hbm>>) target(%arg10 : memref<1600xi32, #tpu.memory_space<vmem>>) target_semaphore(%arg23 : memref<!tpu.dma_semaphore, #tpu.memory_space<semaphore_mem>>)
      %dma_start3A_548 = tpu.memref_slice %arg2[%mul3A_545] : memref<6400000xf32, #tpu.memory_space<hbm>> -> memref<1600xf32, #tpu.memory_space<hbm>>
      %dma_start3A_549 = tpu.memref_slice %arg2[%mul3A_545] : memref<6400000xf32, #tpu.memory_space<hbm>> -> memref<1600xf32, #tpu.memory_space<hbm>>
      tpu.enqueue_dma source(%dma_start3A_549 : memref<1600xf32, #tpu.memory_space<hbm>>) target(%arg14 : memref<1600xf32, #tpu.memory_space<vmem>>) target_semaphore(%arg23 : memref<!tpu.dma_semaphore, #tpu.memory_space<semaphore_mem>>)
      %add3A_550 = arith.constant 2 : i32
      %add3A_551 = arith.addi %add3A_522, %add3A_550 : i32
      %mul3A_552 = arith.constant 125 : i32
      %mul3A_553 = arith.muli %add3A, %mul3A_552 : i32
      %add3A_554 = arith.addi %mul3A_553, %add3A_551 : i32
      %mul3A_555 = arith.constant 1600 : i32
      %mul3A_556 = arith.muli %add3A_554, %mul3A_555 : i32
      %dma_start3A_557 = tpu.memref_slice %arg3[%mul3A_556] : memref<6400000xi32, #tpu.memory_space<hbm>> -> memref<1600xi32, #tpu.memory_space<hbm>>
      %dma_start3A_558 = tpu.memref_slice %arg3[%mul3A_556] : memref<6400000xi32, #tpu.memory_space<hbm>> -> memref<1600xi32, #tpu.memory_space<hbm>>
      tpu.enqueue_dma source(%dma_start3A_558 : memref<1600xi32, #tpu.memory_space<hbm>>) target(%arg17 : memref<1600xi32, #tpu.memory_space<vmem>>) target_semaphore(%arg24 : memref<!tpu.dma_semaphore, #tpu.memory_space<semaphore_mem>>)
      %parallel_loop3A_559 = arith.constant 0 : i32
      %parallel_loop3A_560 = arith.constant 100 : i32
      %parallel_loop3A_561 = arith.constant 1 : i32
      scf.for %parallel_loop3A_564 = %parallel_loop3A_559 to %parallel_loop3A_560 step %parallel_loop3A_561  : i32 {
        %parallel_loop3A_565 = arith.constant 16 : i32
        %parallel_loop3A_566 = arith.muli %parallel_loop3A_564, %parallel_loop3A_565 : i32
        %parallel_loop3A_567 = arith.index_cast %parallel_loop3A_566 : i32 to index
        %parallel_loop3A_568 = tpu.vector_load %arg11[%parallel_loop3A_567] {strides = array<i32>} : memref<1600xi32, #tpu.memory_space<vmem>>, vector<16xi32>,
        %parallel_loop3A_569 = tpu.vector_load_idx %arg7[%parallel_loop3A_568] : memref<100000xf32, #tpu.memory_space<vmem>>[vector<16xi32>], vector<16xf32>,
        %parallel_loop3A_570 = arith.index_cast %parallel_loop3A_566 : i32 to index
        %parallel_loop3A_571 = tpu.vector_load %arg15[%parallel_loop3A_570] {strides = array<i32>} : memref<1600xf32, #tpu.memory_space<vmem>>, vector<16xf32>,
        %parallel_loop3A_572 = arith.mulf %parallel_loop3A_571, %parallel_loop3A_569 : vector<16xf32>
        %parallel_loop3A_573 = arith.index_cast %parallel_loop3A_566 : i32 to index
        %parallel_loop3A_574 = tpu.vector_load %arg21[%parallel_loop3A_573] {strides = array<i32>} : memref<1600xf32, #tpu.memory_space<vmem>>, vector<16xf32>,
        tpu.vector_store %arg21[%parallel_loop3A_573], %parallel_loop3A_572 {strides = array<i32>} : memref<1600xf32, #tpu.memory_space<vmem>>, vector<16xf32>,
      } {sc.loop_unroll_factor = 8 : i64, sc.parallel_access}
      %dma_start3A_562 = arith.constant 0 : i32
      %dma_start3A_563 = tpu.memref_slice %arg22[%dma_start3A_562] : memref<100000xf32, #tpu.memory_space<vmem_shared>> -> memref<100000xf32, #tpu.memory_space<vmem_shared>>
      tpu.enqueue_indirect_dma source(%arg21 : memref<1600xf32, #tpu.memory_space<vmem>>) target(%dma_start3A_563 : memref<100000xf32, #tpu.memory_space<vmem_shared>>) offsets(%arg19 : memref<1600xi32, #tpu.memory_space<vmem>>) semaphore(%arg25 : memref<!tpu.dma_semaphore, #tpu.memory_space<semaphore_mem>>) {add = true}
    }
    %scan3A_220 = arith.constant 29 : i32
    %dma_wait3A_221 = arith.constant 0 : i32
    %dma_wait3A_222 = tpu.memref_slice %arg7[%dma_wait3A_221] : memref<100000xf32, #tpu.memory_space<vmem>> -> memref<3200xf32, #tpu.memory_space<vmem>>
    %dma_wait3A_223 = arith.constant 0 : i32
    %dma_wait3A_224 = tpu.memref_slice %arg2[%dma_wait3A_223] : memref<6400000xf32, #tpu.memory_space<hbm>> -> memref<3200xf32, #tpu.memory_space<hbm>>
    %dma_wait3A_225 = arith.constant 0 : i32
    %dma_wait3A_226 = tpu.memref_slice %arg7[%dma_wait3A_225] : memref<100000xf32, #tpu.memory_space<vmem>> -> memref<3200xf32, #tpu.memory_space<vmem>>
    %dma_wait3A_227 = arith.constant 0 : i32
    %dma_wait3A_228 = tpu.memref_slice %arg2[%dma_wait3A_227] : memref<6400000xf32, #tpu.memory_space<hbm>> -> memref<3200xf32, #tpu.memory_space<hbm>>
    tpu.wait_dma2 semaphore(%arg23 : memref<!tpu.dma_semaphore, #tpu.memory_space<semaphore_mem>>) src(%dma_wait3A_228 : memref<3200xf32, #tpu.memory_space<hbm>>) dst(%dma_wait3A_226 : memref<3200xf32, #tpu.memory_space<vmem>>)
    %dma_wait3A_229 = arith.constant 0 : i32
    %dma_wait3A_230 = tpu.memref_slice %arg2[%dma_wait3A_229] : memref<6400000xf32, #tpu.memory_space<hbm>> -> memref<1600xf32, #tpu.memory_space<hbm>>
    %dma_wait3A_231 = arith.constant 0 : i32
    %dma_wait3A_232 = tpu.memref_slice %arg2[%dma_wait3A_231] : memref<6400000xf32, #tpu.memory_space<hbm>> -> memref<1600xf32, #tpu.memory_space<hbm>>
    tpu.wait_dma2 semaphore(%arg24 : memref<!tpu.dma_semaphore, #tpu.memory_space<semaphore_mem>>) src(%dma_wait3A_232 : memref<1600xf32, #tpu.memory_space<hbm>>) dst(%arg21 : memref<1600xf32, #tpu.memory_space<vmem>>)
    %dma_wait3A_233 = arith.constant 0 : i32
    %dma_wait3A_234 = tpu.memref_slice %arg2[%dma_wait3A_233] : memref<6400000xf32, #tpu.memory_space<hbm>> -> memref<1600xf32, #tpu.memory_space<hbm>>
    %dma_wait3A_235 = arith.constant 0 : i32
    %dma_wait3A_236 = tpu.memref_slice %arg2[%dma_wait3A_235] : memref<6400000xf32, #tpu.memory_space<hbm>> -> memref<1600xf32, #tpu.memory_space<hbm>>
    tpu.wait_dma2 semaphore(%arg25 : memref<!tpu.dma_semaphore, #tpu.memory_space<semaphore_mem>>) src(%dma_wait3A_236 : memref<1600xf32, #tpu.memory_space<hbm>>) dst(%arg20 : memref<1600xf32, #tpu.memory_space<vmem>>)
    %mul3A_237 = arith.constant 125 : i32
    %mul3A_238 = arith.muli %add3A, %mul3A_237 : i32
    %add3A_239 = arith.constant 123 : i32
    %add3A_240 = arith.addi %mul3A_238, %add3A_239 : i32
    %mul3A_241 = arith.constant 1600 : i32
    %mul3A_242 = arith.muli %add3A_240, %mul3A_241 : i32
    %dma_start3A_243 = tpu.memref_slice %arg4[%mul3A_242] : memref<6400000xi32, #tpu.memory_space<hbm>> -> memref<1600xi32, #tpu.memory_space<hbm>>
    %dma_start3A_244 = tpu.memref_slice %arg4[%mul3A_242] : memref<6400000xi32, #tpu.memory_space<hbm>> -> memref<1600xi32, #tpu.memory_space<hbm>>
    tpu.enqueue_dma source(%dma_start3A_244 : memref<1600xi32, #tpu.memory_space<hbm>>) target(%arg11 : memref<1600xi32, #tpu.memory_space<vmem>>) target_semaphore(%arg23 : memref<!tpu.dma_semaphore, #tpu.memory_space<semaphore_mem>>)
    %dma_start3A_245 = tpu.memref_slice %arg2[%mul3A_242] : memref<6400000xf32, #tpu.memory_space<hbm>> -> memref<1600xf32, #tpu.memory_space<hbm>>
    %dma_start3A_246 = tpu.memref_slice %arg2[%mul3A_242] : memref<6400000xf32, #tpu.memory_space<hbm>> -> memref<1600xf32, #tpu.memory_space<hbm>>
    tpu.enqueue_dma source(%dma_start3A_246 : memref<1600xf32, #tpu.memory_space<hbm>>) target(%arg15 : memref<1600xf32, #tpu.memory_space<vmem>>) target_semaphore(%arg23 : memref<!tpu.dma_semaphore, #tpu.memory_space<semaphore_mem>>)
    %mul3A_247 = arith.constant 125 : i32
    %mul3A_248 = arith.muli %add3A, %mul3A_247 : i32
    %add3A_249 = arith.constant 122 : i32
    %add3A_250 = arith.addi %mul3A_248, %add3A_249 : i32
    %mul3A_251 = arith.constant 1600 : i32
    %mul3A_252 = arith.muli %add3A_250, %mul3A_251 : i32
    %dma_start3A_253 = tpu.memref_slice %arg3[%mul3A_252] : memref<6400000xi32, #tpu.memory_space<hbm>> -> memref<1600xi32, #tpu.memory_space<hbm>>
    %dma_start3A_254 = tpu.memref_slice %arg3[%mul3A_252] : memref<6400000xi32, #tpu.memory_space<hbm>> -> memref<1600xi32, #tpu.memory_space<hbm>>
    tpu.enqueue_dma source(%dma_start3A_254 : memref<1600xi32, #tpu.memory_space<hbm>>) target(%arg18 : memref<1600xi32, #tpu.memory_space<vmem>>) target_semaphore(%arg24 : memref<!tpu.dma_semaphore, #tpu.memory_space<semaphore_mem>>)
    %parallel_loop3A_255 = arith.constant 0 : i32
    %parallel_loop3A_256 = arith.constant 100 : i32
    %parallel_loop3A_257 = arith.constant 1 : i32
    scf.for %parallel_loop3A_389 = %parallel_loop3A_255 to %parallel_loop3A_256 step %parallel_loop3A_257  : i32 {
      %parallel_loop3A_390 = arith.constant 16 : i32
      %parallel_loop3A_391 = arith.muli %parallel_loop3A_389, %parallel_loop3A_390 : i32
      %parallel_loop3A_392 = arith.index_cast %parallel_loop3A_391 : i32 to index
      %parallel_loop3A_393 = tpu.vector_load %arg8[%parallel_loop3A_392] {strides = array<i32>} : memref<1600xi32, #tpu.memory_space<vmem>>, vector<16xi32>,
      %parallel_loop3A_394 = tpu.vector_load_idx %arg7[%parallel_loop3A_393] : memref<100000xf32, #tpu.memory_space<vmem>>[vector<16xi32>], vector<16xf32>,
      %parallel_loop3A_395 = arith.index_cast %parallel_loop3A_391 : i32 to index
      %parallel_loop3A_396 = tpu.vector_load %arg12[%parallel_loop3A_395] {strides = array<i32>} : memref<1600xf32, #tpu.memory_space<vmem>>, vector<16xf32>,
      %parallel_loop3A_397 = arith.mulf %parallel_loop3A_396, %parallel_loop3A_394 : vector<16xf32>
      %parallel_loop3A_398 = arith.index_cast %parallel_loop3A_391 : i32 to index
      %parallel_loop3A_399 = tpu.vector_load %arg20[%parallel_loop3A_398] {strides = array<i32>} : memref<1600xf32, #tpu.memory_space<vmem>>, vector<16xf32>,
      tpu.vector_store %arg20[%parallel_loop3A_398], %parallel_loop3A_397 {strides = array<i32>} : memref<1600xf32, #tpu.memory_space<vmem>>, vector<16xf32>,
    } {sc.loop_unroll_factor = 8 : i64, sc.parallel_access}
    %dma_start3A_258 = arith.constant 0 : i32
    %dma_start3A_259 = tpu.memref_slice %arg22[%dma_start3A_258] : memref<100000xf32, #tpu.memory_space<vmem_shared>> -> memref<100000xf32, #tpu.memory_space<vmem_shared>>
    tpu.enqueue_indirect_dma source(%arg20 : memref<1600xf32, #tpu.memory_space<vmem>>) target(%dma_start3A_259 : memref<100000xf32, #tpu.memory_space<vmem_shared>>) offsets(%arg16 : memref<1600xi32, #tpu.memory_space<vmem>>) semaphore(%arg25 : memref<!tpu.dma_semaphore, #tpu.memory_space<semaphore_mem>>) {add = true}
    %dma_wait3A_260 = arith.constant 0 : i32
    %dma_wait3A_261 = tpu.memref_slice %arg7[%dma_wait3A_260] : memref<100000xf32, #tpu.memory_space<vmem>> -> memref<3200xf32, #tpu.memory_space<vmem>>
    %dma_wait3A_262 = arith.constant 0 : i32
    %dma_wait3A_263 = tpu.memref_slice %arg2[%dma_wait3A_262] : memref<6400000xf32, #tpu.memory_space<hbm>> -> memref<3200xf32, #tpu.memory_space<hbm>>
    %dma_wait3A_264 = arith.constant 0 : i32
    %dma_wait3A_265 = tpu.memref_slice %arg7[%dma_wait3A_264] : memref<100000xf32, #tpu.memory_space<vmem>> -> memref<3200xf32, #tpu.memory_space<vmem>>
    %dma_wait3A_266 = arith.constant 0 : i32
    %dma_wait3A_267 = tpu.memref_slice %arg2[%dma_wait3A_266] : memref<6400000xf32, #tpu.memory_space<hbm>> -> memref<3200xf32, #tpu.memory_space<hbm>>
    tpu.wait_dma2 semaphore(%arg23 : memref<!tpu.dma_semaphore, #tpu.memory_space<semaphore_mem>>) src(%dma_wait3A_267 : memref<3200xf32, #tpu.memory_space<hbm>>) dst(%dma_wait3A_265 : memref<3200xf32, #tpu.memory_space<vmem>>)
    %dma_wait3A_268 = arith.constant 0 : i32
    %dma_wait3A_269 = tpu.memref_slice %arg2[%dma_wait3A_268] : memref<6400000xf32, #tpu.memory_space<hbm>> -> memref<1600xf32, #tpu.memory_space<hbm>>
    %dma_wait3A_270 = arith.constant 0 : i32
    %dma_wait3A_271 = tpu.memref_slice %arg2[%dma_wait3A_270] : memref<6400000xf32, #tpu.memory_space<hbm>> -> memref<1600xf32, #tpu.memory_space<hbm>>
    tpu.wait_dma2 semaphore(%arg24 : memref<!tpu.dma_semaphore, #tpu.memory_space<semaphore_mem>>) src(%dma_wait3A_271 : memref<1600xf32, #tpu.memory_space<hbm>>) dst(%arg21 : memref<1600xf32, #tpu.memory_space<vmem>>)
    %dma_wait3A_272 = arith.constant 0 : i32
    %dma_wait3A_273 = tpu.memref_slice %arg2[%dma_wait3A_272] : memref<6400000xf32, #tpu.memory_space<hbm>> -> memref<1600xf32, #tpu.memory_space<hbm>>
    %dma_wait3A_274 = arith.constant 0 : i32
    %dma_wait3A_275 = tpu.memref_slice %arg2[%dma_wait3A_274] : memref<6400000xf32, #tpu.memory_space<hbm>> -> memref<1600xf32, #tpu.memory_space<hbm>>
    tpu.wait_dma2 semaphore(%arg25 : memref<!tpu.dma_semaphore, #tpu.memory_space<semaphore_mem>>) src(%dma_wait3A_275 : memref<1600xf32, #tpu.memory_space<hbm>>) dst(%arg20 : memref<1600xf32, #tpu.memory_space<vmem>>)
    %mul3A_276 = arith.constant 125 : i32
    %mul3A_277 = arith.muli %add3A, %mul3A_276 : i32
    %add3A_278 = arith.constant 124 : i32
    %add3A_279 = arith.addi %mul3A_277, %add3A_278 : i32
    %mul3A_280 = arith.constant 1600 : i32
    %mul3A_281 = arith.muli %add3A_279, %mul3A_280 : i32
    %dma_start3A_282 = tpu.memref_slice %arg4[%mul3A_281] : memref<6400000xi32, #tpu.memory_space<hbm>> -> memref<1600xi32, #tpu.memory_space<hbm>>
    %dma_start3A_283 = tpu.memref_slice %arg4[%mul3A_281] : memref<6400000xi32, #tpu.memory_space<hbm>> -> memref<1600xi32, #tpu.memory_space<hbm>>
    tpu.enqueue_dma source(%dma_start3A_283 : memref<1600xi32, #tpu.memory_space<hbm>>) target(%arg8 : memref<1600xi32, #tpu.memory_space<vmem>>) target_semaphore(%arg23 : memref<!tpu.dma_semaphore, #tpu.memory_space<semaphore_mem>>)
    %dma_start3A_284 = tpu.memref_slice %arg2[%mul3A_281] : memref<6400000xf32, #tpu.memory_space<hbm>> -> memref<1600xf32, #tpu.memory_space<hbm>>
    %dma_start3A_285 = tpu.memref_slice %arg2[%mul3A_281] : memref<6400000xf32, #tpu.memory_space<hbm>> -> memref<1600xf32, #tpu.memory_space<hbm>>
    tpu.enqueue_dma source(%dma_start3A_285 : memref<1600xf32, #tpu.memory_space<hbm>>) target(%arg12 : memref<1600xf32, #tpu.memory_space<vmem>>) target_semaphore(%arg23 : memref<!tpu.dma_semaphore, #tpu.memory_space<semaphore_mem>>)
    %mul3A_286 = arith.constant 125 : i32
    %mul3A_287 = arith.muli %add3A, %mul3A_286 : i32
    %add3A_288 = arith.constant 123 : i32
    %add3A_289 = arith.addi %mul3A_287, %add3A_288 : i32
    %mul3A_290 = arith.constant 1600 : i32
    %mul3A_291 = arith.muli %add3A_289, %mul3A_290 : i32
    %dma_start3A_292 = tpu.memref_slice %arg3[%mul3A_291] : memref<6400000xi32, #tpu.memory_space<hbm>> -> memref<1600xi32, #tpu.memory_space<hbm>>
    %dma_start3A_293 = tpu.memref_slice %arg3[%mul3A_291] : memref<6400000xi32, #tpu.memory_space<hbm>> -> memref<1600xi32, #tpu.memory_space<hbm>>
    tpu.enqueue_dma source(%dma_start3A_293 : memref<1600xi32, #tpu.memory_space<hbm>>) target(%arg19 : memref<1600xi32, #tpu.memory_space<vmem>>) target_semaphore(%arg24 : memref<!tpu.dma_semaphore, #tpu.memory_space<semaphore_mem>>)
    %parallel_loop3A_294 = arith.constant 0 : i32
    %parallel_loop3A_295 = arith.constant 100 : i32
    %parallel_loop3A_296 = arith.constant 1 : i32
    scf.for %parallel_loop3A_389 = %parallel_loop3A_294 to %parallel_loop3A_295 step %parallel_loop3A_296  : i32 {
      %parallel_loop3A_390 = arith.constant 16 : i32
      %parallel_loop3A_391 = arith.muli %parallel_loop3A_389, %parallel_loop3A_390 : i32
      %parallel_loop3A_392 = arith.index_cast %parallel_loop3A_391 : i32 to index
      %parallel_loop3A_393 = tpu.vector_load %arg9[%parallel_loop3A_392] {strides = array<i32>} : memref<1600xi32, #tpu.memory_space<vmem>>, vector<16xi32>,
      %parallel_loop3A_394 = tpu.vector_load_idx %arg7[%parallel_loop3A_393] : memref<100000xf32, #tpu.memory_space<vmem>>[vector<16xi32>], vector<16xf32>,
      %parallel_loop3A_395 = arith.index_cast %parallel_loop3A_391 : i32 to index
      %parallel_loop3A_396 = tpu.vector_load %arg13[%parallel_loop3A_395] {strides = array<i32>} : memref<1600xf32, #tpu.memory_space<vmem>>, vector<16xf32>,
      %parallel_loop3A_397 = arith.mulf %parallel_loop3A_396, %parallel_loop3A_394 : vector<16xf32>
      %parallel_loop3A_398 = arith.index_cast %parallel_loop3A_391 : i32 to index
      %parallel_loop3A_399 = tpu.vector_load %arg21[%parallel_loop3A_398] {strides = array<i32>} : memref<1600xf32, #tpu.memory_space<vmem>>, vector<16xf32>,
      tpu.vector_store %arg21[%parallel_loop3A_398], %parallel_loop3A_397 {strides = array<i32>} : memref<1600xf32, #tpu.memory_space<vmem>>, vector<16xf32>,
    } {sc.loop_unroll_factor = 8 : i64, sc.parallel_access}
    %dma_start3A_297 = arith.constant 0 : i32
    %dma_start3A_298 = tpu.memref_slice %arg22[%dma_start3A_297] : memref<100000xf32, #tpu.memory_space<vmem_shared>> -> memref<100000xf32, #tpu.memory_space<vmem_shared>>
    tpu.enqueue_indirect_dma source(%arg21 : memref<1600xf32, #tpu.memory_space<vmem>>) target(%dma_start3A_298 : memref<100000xf32, #tpu.memory_space<vmem_shared>>) offsets(%arg17 : memref<1600xi32, #tpu.memory_space<vmem>>) semaphore(%arg25 : memref<!tpu.dma_semaphore, #tpu.memory_space<semaphore_mem>>) {add = true}
    %dma_wait3A_299 = arith.constant 0 : i32
    %dma_wait3A_300 = tpu.memref_slice %arg7[%dma_wait3A_299] : memref<100000xf32, #tpu.memory_space<vmem>> -> memref<3200xf32, #tpu.memory_space<vmem>>
    %dma_wait3A_301 = arith.constant 0 : i32
    %dma_wait3A_302 = tpu.memref_slice %arg2[%dma_wait3A_301] : memref<6400000xf32, #tpu.memory_space<hbm>> -> memref<3200xf32, #tpu.memory_space<hbm>>
    %dma_wait3A_303 = arith.constant 0 : i32
    %dma_wait3A_304 = tpu.memref_slice %arg7[%dma_wait3A_303] : memref<100000xf32, #tpu.memory_space<vmem>> -> memref<3200xf32, #tpu.memory_space<vmem>>
    %dma_wait3A_305 = arith.constant 0 : i32
    %dma_wait3A_306 = tpu.memref_slice %arg2[%dma_wait3A_305] : memref<6400000xf32, #tpu.memory_space<hbm>> -> memref<3200xf32, #tpu.memory_space<hbm>>
    tpu.wait_dma2 semaphore(%arg23 : memref<!tpu.dma_semaphore, #tpu.memory_space<semaphore_mem>>) src(%dma_wait3A_306 : memref<3200xf32, #tpu.memory_space<hbm>>) dst(%dma_wait3A_304 : memref<3200xf32, #tpu.memory_space<vmem>>)
    %dma_wait3A_307 = arith.constant 0 : i32
    %dma_wait3A_308 = tpu.memref_slice %arg2[%dma_wait3A_307] : memref<6400000xf32, #tpu.memory_space<hbm>> -> memref<1600xf32, #tpu.memory_space<hbm>>
    %dma_wait3A_309 = arith.constant 0 : i32
    %dma_wait3A_310 = tpu.memref_slice %arg2[%dma_wait3A_309] : memref<6400000xf32, #tpu.memory_space<hbm>> -> memref<1600xf32, #tpu.memory_space<hbm>>
    tpu.wait_dma2 semaphore(%arg24 : memref<!tpu.dma_semaphore, #tpu.memory_space<semaphore_mem>>) src(%dma_wait3A_310 : memref<1600xf32, #tpu.memory_space<hbm>>) dst(%arg21 : memref<1600xf32, #tpu.memory_space<vmem>>)
    %dma_wait3A_311 = arith.constant 0 : i32
    %dma_wait3A_312 = tpu.memref_slice %arg2[%dma_wait3A_311] : memref<6400000xf32, #tpu.memory_space<hbm>> -> memref<1600xf32, #tpu.memory_space<hbm>>
    %dma_wait3A_313 = arith.constant 0 : i32
    %dma_wait3A_314 = tpu.memref_slice %arg2[%dma_wait3A_313] : memref<6400000xf32, #tpu.memory_space<hbm>> -> memref<1600xf32, #tpu.memory_space<hbm>>
    tpu.wait_dma2 semaphore(%arg25 : memref<!tpu.dma_semaphore, #tpu.memory_space<semaphore_mem>>) src(%dma_wait3A_314 : memref<1600xf32, #tpu.memory_space<hbm>>) dst(%arg20 : memref<1600xf32, #tpu.memory_space<vmem>>)
    %mul3A_315 = arith.constant 125 : i32
    %mul3A_316 = arith.muli %add3A, %mul3A_315 : i32
    %add3A_317 = arith.constant 124 : i32
    %add3A_318 = arith.addi %mul3A_316, %add3A_317 : i32
    %mul3A_319 = arith.constant 1600 : i32
    %mul3A_320 = arith.muli %add3A_318, %mul3A_319 : i32
    %dma_start3A_321 = tpu.memref_slice %arg3[%mul3A_320] : memref<6400000xi32, #tpu.memory_space<hbm>> -> memref<1600xi32, #tpu.memory_space<hbm>>
    %dma_start3A_322 = tpu.memref_slice %arg3[%mul3A_320] : memref<6400000xi32, #tpu.memory_space<hbm>> -> memref<1600xi32, #tpu.memory_space<hbm>>
    tpu.enqueue_dma source(%dma_start3A_322 : memref<1600xi32, #tpu.memory_space<hbm>>) target(%arg16 : memref<1600xi32, #tpu.memory_space<vmem>>) target_semaphore(%arg24 : memref<!tpu.dma_semaphore, #tpu.memory_space<semaphore_mem>>)
    %parallel_loop3A_323 = arith.constant 0 : i32
    %parallel_loop3A_324 = arith.constant 100 : i32
    %parallel_loop3A_325 = arith.constant 1 : i32
    scf.for %parallel_loop3A_389 = %parallel_loop3A_323 to %parallel_loop3A_324 step %parallel_loop3A_325  : i32 {
      %parallel_loop3A_390 = arith.constant 16 : i32
      %parallel_loop3A_391 = arith.muli %parallel_loop3A_389, %parallel_loop3A_390 : i32
      %parallel_loop3A_392 = arith.index_cast %parallel_loop3A_391 : i32 to index
      %parallel_loop3A_393 = tpu.vector_load %arg10[%parallel_loop3A_392] {strides = array<i32>} : memref<1600xi32, #tpu.memory_space<vmem>>, vector<16xi32>,
      %parallel_loop3A_394 = tpu.vector_load_idx %arg7[%parallel_loop3A_393] : memref<100000xf32, #tpu.memory_space<vmem>>[vector<16xi32>], vector<16xf32>,
      %parallel_loop3A_395 = arith.index_cast %parallel_loop3A_391 : i32 to index
      %parallel_loop3A_396 = tpu.vector_load %arg14[%parallel_loop3A_395] {strides = array<i32>} : memref<1600xf32, #tpu.memory_space<vmem>>, vector<16xf32>,
      %parallel_loop3A_397 = arith.mulf %parallel_loop3A_396, %parallel_loop3A_394 : vector<16xf32>
      %parallel_loop3A_398 = arith.index_cast %parallel_loop3A_391 : i32 to index
      %parallel_loop3A_399 = tpu.vector_load %arg20[%parallel_loop3A_398] {strides = array<i32>} : memref<1600xf32, #tpu.memory_space<vmem>>, vector<16xf32>,
      tpu.vector_store %arg20[%parallel_loop3A_398], %parallel_loop3A_397 {strides = array<i32>} : memref<1600xf32, #tpu.memory_space<vmem>>, vector<16xf32>,
    } {sc.loop_unroll_factor = 8 : i64, sc.parallel_access}
    %dma_start3A_326 = arith.constant 0 : i32
    %dma_start3A_327 = tpu.memref_slice %arg22[%dma_start3A_326] : memref<100000xf32, #tpu.memory_space<vmem_shared>> -> memref<100000xf32, #tpu.memory_space<vmem_shared>>
    tpu.enqueue_indirect_dma source(%arg20 : memref<1600xf32, #tpu.memory_space<vmem>>) target(%dma_start3A_327 : memref<100000xf32, #tpu.memory_space<vmem_shared>>) offsets(%arg18 : memref<1600xi32, #tpu.memory_space<vmem>>) semaphore(%arg25 : memref<!tpu.dma_semaphore, #tpu.memory_space<semaphore_mem>>) {add = true}
    %dma_wait3A_328 = arith.constant 0 : i32
    %dma_wait3A_329 = tpu.memref_slice %arg7[%dma_wait3A_328] : memref<100000xf32, #tpu.memory_space<vmem>> -> memref<3200xf32, #tpu.memory_space<vmem>>
    %dma_wait3A_330 = arith.constant 0 : i32
    %dma_wait3A_331 = tpu.memref_slice %arg2[%dma_wait3A_330] : memref<6400000xf32, #tpu.memory_space<hbm>> -> memref<3200xf32, #tpu.memory_space<hbm>>
    %dma_wait3A_332 = arith.constant 0 : i32
    %dma_wait3A_333 = tpu.memref_slice %arg7[%dma_wait3A_332] : memref<100000xf32, #tpu.memory_space<vmem>> -> memref<3200xf32, #tpu.memory_space<vmem>>
    %dma_wait3A_334 = arith.constant 0 : i32
    %dma_wait3A_335 = tpu.memref_slice %arg2[%dma_wait3A_334] : memref<6400000xf32, #tpu.memory_space<hbm>> -> memref<3200xf32, #tpu.memory_space<hbm>>
    tpu.wait_dma2 semaphore(%arg23 : memref<!tpu.dma_semaphore, #tpu.memory_space<semaphore_mem>>) src(%dma_wait3A_335 : memref<3200xf32, #tpu.memory_space<hbm>>) dst(%dma_wait3A_333 : memref<3200xf32, #tpu.memory_space<vmem>>)
    %dma_wait3A_336 = arith.constant 0 : i32
    %dma_wait3A_337 = tpu.memref_slice %arg2[%dma_wait3A_336] : memref<6400000xf32, #tpu.memory_space<hbm>> -> memref<1600xf32, #tpu.memory_space<hbm>>
    %dma_wait3A_338 = arith.constant 0 : i32
    %dma_wait3A_339 = tpu.memref_slice %arg2[%dma_wait3A_338] : memref<6400000xf32, #tpu.memory_space<hbm>> -> memref<1600xf32, #tpu.memory_space<hbm>>
    tpu.wait_dma2 semaphore(%arg24 : memref<!tpu.dma_semaphore, #tpu.memory_space<semaphore_mem>>) src(%dma_wait3A_339 : memref<1600xf32, #tpu.memory_space<hbm>>) dst(%arg21 : memref<1600xf32, #tpu.memory_space<vmem>>)
    %dma_wait3A_340 = arith.constant 0 : i32
    %dma_wait3A_341 = tpu.memref_slice %arg2[%dma_wait3A_340] : memref<6400000xf32, #tpu.memory_space<hbm>> -> memref<1600xf32, #tpu.memory_space<hbm>>
    %dma_wait3A_342 = arith.constant 0 : i32
    %dma_wait3A_343 = tpu.memref_slice %arg2[%dma_wait3A_342] : memref<6400000xf32, #tpu.memory_space<hbm>> -> memref<1600xf32, #tpu.memory_space<hbm>>
    tpu.wait_dma2 semaphore(%arg25 : memref<!tpu.dma_semaphore, #tpu.memory_space<semaphore_mem>>) src(%dma_wait3A_343 : memref<1600xf32, #tpu.memory_space<hbm>>) dst(%arg20 : memref<1600xf32, #tpu.memory_space<vmem>>)
    %parallel_loop3A_344 = arith.constant 0 : i32
    %parallel_loop3A_345 = arith.constant 100 : i32
    %parallel_loop3A_346 = arith.constant 1 : i32
    scf.for %parallel_loop3A_389 = %parallel_loop3A_344 to %parallel_loop3A_345 step %parallel_loop3A_346  : i32 {
      %parallel_loop3A_390 = arith.constant 16 : i32
      %parallel_loop3A_391 = arith.muli %parallel_loop3A_389, %parallel_loop3A_390 : i32
      %parallel_loop3A_392 = arith.index_cast %parallel_loop3A_391 : i32 to index
      %parallel_loop3A_393 = tpu.vector_load %arg11[%parallel_loop3A_392] {strides = array<i32>} : memref<1600xi32, #tpu.memory_space<vmem>>, vector<16xi32>,
      %parallel_loop3A_394 = tpu.vector_load_idx %arg7[%parallel_loop3A_393] : memref<100000xf32, #tpu.memory_space<vmem>>[vector<16xi32>], vector<16xf32>,
      %parallel_loop3A_395 = arith.index_cast %parallel_loop3A_391 : i32 to index
      %parallel_loop3A_396 = tpu.vector_load %arg15[%parallel_loop3A_395] {strides = array<i32>} : memref<1600xf32, #tpu.memory_space<vmem>>, vector<16xf32>,
      %parallel_loop3A_397 = arith.mulf %parallel_loop3A_396, %parallel_loop3A_394 : vector<16xf32>
      %parallel_loop3A_398 = arith.index_cast %parallel_loop3A_391 : i32 to index
      %parallel_loop3A_399 = tpu.vector_load %arg21[%parallel_loop3A_398] {strides = array<i32>} : memref<1600xf32, #tpu.memory_space<vmem>>, vector<16xf32>,
      tpu.vector_store %arg21[%parallel_loop3A_398], %parallel_loop3A_397 {strides = array<i32>} : memref<1600xf32, #tpu.memory_space<vmem>>, vector<16xf32>,
    } {sc.loop_unroll_factor = 8 : i64, sc.parallel_access}
    %dma_start3A_347 = arith.constant 0 : i32
    %dma_start3A_348 = tpu.memref_slice %arg22[%dma_start3A_347] : memref<100000xf32, #tpu.memory_space<vmem_shared>> -> memref<100000xf32, #tpu.memory_space<vmem_shared>>
    tpu.enqueue_indirect_dma source(%arg21 : memref<1600xf32, #tpu.memory_space<vmem>>) target(%dma_start3A_348 : memref<100000xf32, #tpu.memory_space<vmem_shared>>) offsets(%arg19 : memref<1600xi32, #tpu.memory_space<vmem>>) semaphore(%arg25 : memref<!tpu.dma_semaphore, #tpu.memory_space<semaphore_mem>>) {add = true}
    %dma_wait3A_349 = arith.constant 0 : i32
    %dma_wait3A_350 = tpu.memref_slice %arg7[%dma_wait3A_349] : memref<100000xf32, #tpu.memory_space<vmem>> -> memref<3200xf32, #tpu.memory_space<vmem>>
    %dma_wait3A_351 = arith.constant 0 : i32
    %dma_wait3A_352 = tpu.memref_slice %arg2[%dma_wait3A_351] : memref<6400000xf32, #tpu.memory_space<hbm>> -> memref<3200xf32, #tpu.memory_space<hbm>>
    %dma_wait3A_353 = arith.constant 0 : i32
    %dma_wait3A_354 = tpu.memref_slice %arg7[%dma_wait3A_353] : memref<100000xf32, #tpu.memory_space<vmem>> -> memref<3200xf32, #tpu.memory_space<vmem>>
    %dma_wait3A_355 = arith.constant 0 : i32
    %dma_wait3A_356 = tpu.memref_slice %arg2[%dma_wait3A_355] : memref<6400000xf32, #tpu.memory_space<hbm>> -> memref<3200xf32, #tpu.memory_space<hbm>>
    tpu.wait_dma2 semaphore(%arg23 : memref<!tpu.dma_semaphore, #tpu.memory_space<semaphore_mem>>) src(%dma_wait3A_356 : memref<3200xf32, #tpu.memory_space<hbm>>) dst(%dma_wait3A_354 : memref<3200xf32, #tpu.memory_space<vmem>>)
    %dma_wait3A_357 = arith.constant 0 : i32
    %dma_wait3A_358 = tpu.memref_slice %arg2[%dma_wait3A_357] : memref<6400000xf32, #tpu.memory_space<hbm>> -> memref<1600xf32, #tpu.memory_space<hbm>>
    %dma_wait3A_359 = arith.constant 0 : i32
    %dma_wait3A_360 = tpu.memref_slice %arg2[%dma_wait3A_359] : memref<6400000xf32, #tpu.memory_space<hbm>> -> memref<1600xf32, #tpu.memory_space<hbm>>
    tpu.wait_dma2 semaphore(%arg24 : memref<!tpu.dma_semaphore, #tpu.memory_space<semaphore_mem>>) src(%dma_wait3A_360 : memref<1600xf32, #tpu.memory_space<hbm>>) dst(%arg21 : memref<1600xf32, #tpu.memory_space<vmem>>)
    %dma_wait3A_361 = arith.constant 0 : i32
    %dma_wait3A_362 = tpu.memref_slice %arg2[%dma_wait3A_361] : memref<6400000xf32, #tpu.memory_space<hbm>> -> memref<1600xf32, #tpu.memory_space<hbm>>
    %dma_wait3A_363 = arith.constant 0 : i32
    %dma_wait3A_364 = tpu.memref_slice %arg2[%dma_wait3A_363] : memref<6400000xf32, #tpu.memory_space<hbm>> -> memref<1600xf32, #tpu.memory_space<hbm>>
    tpu.wait_dma2 semaphore(%arg25 : memref<!tpu.dma_semaphore, #tpu.memory_space<semaphore_mem>>) src(%dma_wait3A_364 : memref<1600xf32, #tpu.memory_space<hbm>>) dst(%arg20 : memref<1600xf32, #tpu.memory_space<vmem>>)
    %parallel_loop3A_365 = arith.constant 0 : i32
    %parallel_loop3A_366 = arith.constant 100 : i32
    %parallel_loop3A_367 = arith.constant 1 : i32
    scf.for %parallel_loop3A_389 = %parallel_loop3A_365 to %parallel_loop3A_366 step %parallel_loop3A_367  : i32 {
      %parallel_loop3A_390 = arith.constant 16 : i32
      %parallel_loop3A_391 = arith.muli %parallel_loop3A_389, %parallel_loop3A_390 : i32
      %parallel_loop3A_392 = arith.index_cast %parallel_loop3A_391 : i32 to index
      %parallel_loop3A_393 = tpu.vector_load %arg8[%parallel_loop3A_392] {strides = array<i32>} : memref<1600xi32, #tpu.memory_space<vmem>>, vector<16xi32>,
      %parallel_loop3A_394 = tpu.vector_load_idx %arg7[%parallel_loop3A_393] : memref<100000xf32, #tpu.memory_space<vmem>>[vector<16xi32>], vector<16xf32>,
      %parallel_loop3A_395 = arith.index_cast %parallel_loop3A_391 : i32 to index
      %parallel_loop3A_396 = tpu.vector_load %arg12[%parallel_loop3A_395] {strides = array<i32>} : memref<1600xf32, #tpu.memory_space<vmem>>, vector<16xf32>,
      %parallel_loop3A_397 = arith.mulf %parallel_loop3A_396, %parallel_loop3A_394 : vector<16xf32>
      %parallel_loop3A_398 = arith.index_cast %parallel_loop3A_391 : i32 to index
      %parallel_loop3A_399 = tpu.vector_load %arg20[%parallel_loop3A_398] {strides = array<i32>} : memref<1600xf32, #tpu.memory_space<vmem>>, vector<16xf32>,
      tpu.vector_store %arg20[%parallel_loop3A_398], %parallel_loop3A_397 {strides = array<i32>} : memref<1600xf32, #tpu.memory_space<vmem>>, vector<16xf32>,
    } {sc.loop_unroll_factor = 8 : i64, sc.parallel_access}
    %dma_start3A_368 = arith.constant 0 : i32
    %dma_start3A_369 = tpu.memref_slice %arg22[%dma_start3A_368] : memref<100000xf32, #tpu.memory_space<vmem_shared>> -> memref<100000xf32, #tpu.memory_space<vmem_shared>>
    tpu.enqueue_indirect_dma source(%arg20 : memref<1600xf32, #tpu.memory_space<vmem>>) target(%dma_start3A_369 : memref<100000xf32, #tpu.memory_space<vmem_shared>>) offsets(%arg16 : memref<1600xi32, #tpu.memory_space<vmem>>) semaphore(%arg25 : memref<!tpu.dma_semaphore, #tpu.memory_space<semaphore_mem>>) {add = true}
    %dma_wait3A_370 = arith.constant 0 : i32
    %dma_wait3A_371 = tpu.memref_slice %arg2[%dma_wait3A_370] : memref<6400000xf32, #tpu.memory_space<hbm>> -> memref<1600xf32, #tpu.memory_space<hbm>>
    %dma_wait3A_372 = arith.constant 0 : i32
    %dma_wait3A_373 = tpu.memref_slice %arg2[%dma_wait3A_372] : memref<6400000xf32, #tpu.memory_space<hbm>> -> memref<1600xf32, #tpu.memory_space<hbm>>
    tpu.wait_dma2 semaphore(%arg25 : memref<!tpu.dma_semaphore, #tpu.memory_space<semaphore_mem>>) src(%dma_wait3A_373 : memref<1600xf32, #tpu.memory_space<hbm>>) dst(%arg20 : memref<1600xf32, #tpu.memory_space<vmem>>)
    %dma_wait3A_374 = arith.constant 0 : i32
    %dma_wait3A_375 = tpu.memref_slice %arg2[%dma_wait3A_374] : memref<6400000xf32, #tpu.memory_space<hbm>> -> memref<1600xf32, #tpu.memory_space<hbm>>
    %dma_wait3A_376 = arith.constant 0 : i32
    %dma_wait3A_377 = tpu.memref_slice %arg2[%dma_wait3A_376] : memref<6400000xf32, #tpu.memory_space<hbm>> -> memref<1600xf32, #tpu.memory_space<hbm>>
    tpu.wait_dma2 semaphore(%arg25 : memref<!tpu.dma_semaphore, #tpu.memory_space<semaphore_mem>>) src(%dma_wait3A_377 : memref<1600xf32, #tpu.memory_space<hbm>>) dst(%arg20 : memref<1600xf32, #tpu.memory_space<vmem>>)
    %barrier3A_378 = arith.constant 0 : index
    tpu.barrier barrier_id(%barrier3A_378)
    %lt3A_379 = arith.constant 15 : i32
    %lt3A_380 = arith.cmpi slt, %arg1, %lt3A_379 : i32
    %convert_element_type3A_381 = arith.extui %lt3A_380 : i1 to i32
    %cond3A_382 = arith.constant 0 : i32
    %cond3A_383 = arith.cmpi ne, %convert_element_type3A_381, %cond3A_382 : i32
    scf.if %cond3A_383 {
      %mul3A_389 = arith.constant 6256 : i32
      %mul3A_390 = arith.muli %arg1, %mul3A_389 : i32
      %add3A_391 = arith.constant 0 : i32
      %add3A_392 = arith.addi %mul3A_390, %add3A_391 : i32
      "tpu.region"() ({
        %run_scoped3A = tpu.sem_alloc : memref<!tpu.dma_semaphore, #tpu.memory_space<semaphore_mem>>
        %dma_start3A_433 = arith.constant 0 : i32
        %dma_start3A_434 = tpu.memref_slice %arg20[%dma_start3A_433] : memref<1600xf32, #tpu.memory_space<vmem>> -> memref<1600xf32, #tpu.memory_space<vmem>>
        %dma_start3A_435 = tpu.memref_slice %arg22[%add3A_392] : memref<100000xf32, #tpu.memory_space<vmem_shared>> -> memref<1600xf32, #tpu.memory_space<vmem_shared>>
        %dma_start3A_436 = arith.constant 0 : i32
        %dma_start3A_437 = tpu.memref_slice %arg20[%dma_start3A_436] : memref<1600xf32, #tpu.memory_space<vmem>> -> memref<1600xf32, #tpu.memory_space<vmem>>
        %dma_start3A_438 = tpu.memref_slice %arg22[%add3A_392] : memref<100000xf32, #tpu.memory_space<vmem_shared>> -> memref<1600xf32, #tpu.memory_space<vmem_shared>>
        tpu.enqueue_dma source(%dma_start3A_438 : memref<1600xf32, #tpu.memory_space<vmem_shared>>) target(%dma_start3A_437 : memref<1600xf32, #tpu.memory_space<vmem>>) target_semaphore(%run_scoped3A : memref<!tpu.dma_semaphore, #tpu.memory_space<semaphore_mem>>)
        %dma_wait3A_439 = arith.constant 0 : i32
        %dma_wait3A_440 = tpu.memref_slice %arg20[%dma_wait3A_439] : memref<1600xf32, #tpu.memory_space<vmem>> -> memref<1600xf32, #tpu.memory_space<vmem>>
        %dma_wait3A_441 = tpu.memref_slice %arg22[%add3A_392] : memref<100000xf32, #tpu.memory_space<vmem_shared>> -> memref<1600xf32, #tpu.memory_space<vmem_shared>>
        %dma_wait3A_442 = arith.constant 0 : i32
        %dma_wait3A_443 = tpu.memref_slice %arg20[%dma_wait3A_442] : memref<1600xf32, #tpu.memory_space<vmem>> -> memref<1600xf32, #tpu.memory_space<vmem>>
        %dma_wait3A_444 = tpu.memref_slice %arg22[%add3A_392] : memref<100000xf32, #tpu.memory_space<vmem_shared>> -> memref<1600xf32, #tpu.memory_space<vmem_shared>>
        tpu.wait_dma2 semaphore(%run_scoped3A : memref<!tpu.dma_semaphore, #tpu.memory_space<semaphore_mem>>) src(%dma_wait3A_444 : memref<1600xf32, #tpu.memory_space<vmem_shared>>) dst(%dma_wait3A_443 : memref<1600xf32, #tpu.memory_space<vmem>>)
        tpu.yield
      }) : () -> ()
      %mul3A_393 = arith.constant 100000 : i32
      %mul3A_394 = arith.muli %arg0, %mul3A_393 : i32
      %mul3A_395 = arith.constant 6256 : i32
      %mul3A_396 = arith.muli %arg1, %mul3A_395 : i32
      %add3A_397 = arith.addi %mul3A_394, %mul3A_396 : i32
      %add3A_398 = arith.constant 0 : i32
      %add3A_399 = arith.addi %add3A_397, %add3A_398 : i32
      "tpu.region"() ({
        %run_scoped3A = tpu.sem_alloc : memref<!tpu.dma_semaphore, #tpu.memory_space<semaphore_mem>>
        %dma_start3A_433 = arith.constant 0 : i32
        %dma_start3A_434 = tpu.memref_slice %arg20[%dma_start3A_433] : memref<1600xf32, #tpu.memory_space<vmem>> -> memref<1600xf32, #tpu.memory_space<vmem>>
        %dma_start3A_435 = tpu.memref_slice %arg6[%add3A_399] : memref<200000xf32, #tpu.memory_space<hbm>> -> memref<1600xf32, #tpu.memory_space<hbm>>
        %dma_start3A_436 = tpu.memref_slice %arg6[%add3A_399] : memref<200000xf32, #tpu.memory_space<hbm>> -> memref<1600xf32, #tpu.memory_space<hbm>>
        %dma_start3A_437 = arith.constant 0 : i32
        %dma_start3A_438 = tpu.memref_slice %arg20[%dma_start3A_437] : memref<1600xf32, #tpu.memory_space<vmem>> -> memref<1600xf32, #tpu.memory_space<vmem>>
        tpu.enqueue_dma source(%dma_start3A_438 : memref<1600xf32, #tpu.memory_space<vmem>>) target(%dma_start3A_436 : memref<1600xf32, #tpu.memory_space<hbm>>) target_semaphore(%run_scoped3A : memref<!tpu.dma_semaphore, #tpu.memory_space<semaphore_mem>>)
        %dma_wait3A_439 = arith.constant 0 : i32
        %dma_wait3A_440 = tpu.memref_slice %arg20[%dma_wait3A_439] : memref<1600xf32, #tpu.memory_space<vmem>> -> memref<1600xf32, #tpu.memory_space<vmem>>
        %dma_wait3A_441 = tpu.memref_slice %arg6[%add3A_399] : memref<200000xf32, #tpu.memory_space<hbm>> -> memref<1600xf32, #tpu.memory_space<hbm>>
        %dma_wait3A_442 = tpu.memref_slice %arg6[%add3A_399] : memref<200000xf32, #tpu.memory_space<hbm>> -> memref<1600xf32, #tpu.memory_space<hbm>>
        %dma_wait3A_443 = arith.constant 0 : i32
        %dma_wait3A_444 = tpu.memref_slice %arg20[%dma_wait3A_443] : memref<1600xf32, #tpu.memory_space<vmem>> -> memref<1600xf32, #tpu.memory_space<vmem>>
        tpu.wait_dma2 semaphore(%run_scoped3A : memref<!tpu.dma_semaphore, #tpu.memory_space<semaphore_mem>>) src(%dma_wait3A_444 : memref<1600xf32, #tpu.memory_space<vmem>>) dst(%dma_wait3A_442 : memref<1600xf32, #tpu.memory_space<hbm>>)
        tpu.yield
      }) : () -> ()
      %mul3A_400 = arith.constant 6256 : i32
      %mul3A_401 = arith.muli %arg1, %mul3A_400 : i32
      %add3A_402 = arith.constant 1600 : i32
      %add3A_403 = arith.addi %mul3A_401, %add3A_402 : i32
      "tpu.region"() ({
        %run_scoped3A = tpu.sem_alloc : memref<!tpu.dma_semaphore, #tpu.memory_space<semaphore_mem>>
        %dma_start3A_433 = arith.constant 0 : i32
        %dma_start3A_434 = tpu.memref_slice %arg20[%dma_start3A_433] : memref<1600xf32, #tpu.memory_space<vmem>> -> memref<1600xf32, #tpu.memory_space<vmem>>
        %dma_start3A_435 = tpu.memref_slice %arg22[%add3A_403] : memref<100000xf32, #tpu.memory_space<vmem_shared>> -> memref<1600xf32, #tpu.memory_space<vmem_shared>>
        %dma_start3A_436 = arith.constant 0 : i32
        %dma_start3A_437 = tpu.memref_slice %arg20[%dma_start3A_436] : memref<1600xf32, #tpu.memory_space<vmem>> -> memref<1600xf32, #tpu.memory_space<vmem>>
        %dma_start3A_438 = tpu.memref_slice %arg22[%add3A_403] : memref<100000xf32, #tpu.memory_space<vmem_shared>> -> memref<1600xf32, #tpu.memory_space<vmem_shared>>
        tpu.enqueue_dma source(%dma_start3A_438 : memref<1600xf32, #tpu.memory_space<vmem_shared>>) target(%dma_start3A_437 : memref<1600xf32, #tpu.memory_space<vmem>>) target_semaphore(%run_scoped3A : memref<!tpu.dma_semaphore, #tpu.memory_space<semaphore_mem>>)
        %dma_wait3A_439 = arith.constant 0 : i32
        %dma_wait3A_440 = tpu.memref_slice %arg20[%dma_wait3A_439] : memref<1600xf32, #tpu.memory_space<vmem>> -> memref<1600xf32, #tpu.memory_space<vmem>>
        %dma_wait3A_441 = tpu.memref_slice %arg22[%add3A_403] : memref<100000xf32, #tpu.memory_space<vmem_shared>> -> memref<1600xf32, #tpu.memory_space<vmem_shared>>
        %dma_wait3A_442 = arith.constant 0 : i32
        %dma_wait3A_443 = tpu.memref_slice %arg20[%dma_wait3A_442] : memref<1600xf32, #tpu.memory_space<vmem>> -> memref<1600xf32, #tpu.memory_space<vmem>>
        %dma_wait3A_444 = tpu.memref_slice %arg22[%add3A_403] : memref<100000xf32, #tpu.memory_space<vmem_shared>> -> memref<1600xf32, #tpu.memory_space<vmem_shared>>
        tpu.wait_dma2 semaphore(%run_scoped3A : memref<!tpu.dma_semaphore, #tpu.memory_space<semaphore_mem>>) src(%dma_wait3A_444 : memref<1600xf32, #tpu.memory_space<vmem_shared>>) dst(%dma_wait3A_443 : memref<1600xf32, #tpu.memory_space<vmem>>)
        tpu.yield
      }) : () -> ()
      %mul3A_404 = arith.constant 100000 : i32
      %mul3A_405 = arith.muli %arg0, %mul3A_404 : i32
      %mul3A_406 = arith.constant 6256 : i32
      %mul3A_407 = arith.muli %arg1, %mul3A_406 : i32
      %add3A_408 = arith.addi %mul3A_405, %mul3A_407 : i32
      %add3A_409 = arith.constant 1600 : i32
      %add3A_410 = arith.addi %add3A_408, %add3A_409 : i32
      "tpu.region"() ({
        %run_scoped3A = tpu.sem_alloc : memref<!tpu.dma_semaphore, #tpu.memory_space<semaphore_mem>>
        %dma_start3A_433 = arith.constant 0 : i32
        %dma_start3A_434 = tpu.memref_slice %arg20[%dma_start3A_433] : memref<1600xf32, #tpu.memory_space<vmem>> -> memref<1600xf32, #tpu.memory_space<vmem>>
        %dma_start3A_435 = tpu.memref_slice %arg6[%add3A_410] : memref<200000xf32, #tpu.memory_space<hbm>> -> memref<1600xf32, #tpu.memory_space<hbm>>
        %dma_start3A_436 = tpu.memref_slice %arg6[%add3A_410] : memref<200000xf32, #tpu.memory_space<hbm>> -> memref<1600xf32, #tpu.memory_space<hbm>>
        %dma_start3A_437 = arith.constant 0 : i32
        %dma_start3A_438 = tpu.memref_slice %arg20[%dma_start3A_437] : memref<1600xf32, #tpu.memory_space<vmem>> -> memref<1600xf32, #tpu.memory_space<vmem>>
        tpu.enqueue_dma source(%dma_start3A_438 : memref<1600xf32, #tpu.memory_space<vmem>>) target(%dma_start3A_436 : memref<1600xf32, #tpu.memory_space<hbm>>) target_semaphore(%run_scoped3A : memref<!tpu.dma_semaphore, #tpu.memory_space<semaphore_mem>>)
        %dma_wait3A_439 = arith.constant 0 : i32
        %dma_wait3A_440 = tpu.memref_slice %arg20[%dma_wait3A_439] : memref<1600xf32, #tpu.memory_space<vmem>> -> memref<1600xf32, #tpu.memory_space<vmem>>
        %dma_wait3A_441 = tpu.memref_slice %arg6[%add3A_410] : memref<200000xf32, #tpu.memory_space<hbm>> -> memref<1600xf32, #tpu.memory_space<hbm>>
        %dma_wait3A_442 = tpu.memref_slice %arg6[%add3A_410] : memref<200000xf32, #tpu.memory_space<hbm>> -> memref<1600xf32, #tpu.memory_space<hbm>>
        %dma_wait3A_443 = arith.constant 0 : i32
        %dma_wait3A_444 = tpu.memref_slice %arg20[%dma_wait3A_443] : memref<1600xf32, #tpu.memory_space<vmem>> -> memref<1600xf32, #tpu.memory_space<vmem>>
        tpu.wait_dma2 semaphore(%run_scoped3A : memref<!tpu.dma_semaphore, #tpu.memory_space<semaphore_mem>>) src(%dma_wait3A_444 : memref<1600xf32, #tpu.memory_space<vmem>>) dst(%dma_wait3A_442 : memref<1600xf32, #tpu.memory_space<hbm>>)
        tpu.yield
      }) : () -> ()
      %mul3A_411 = arith.constant 6256 : i32
      %mul3A_412 = arith.muli %arg1, %mul3A_411 : i32
      %add3A_413 = arith.constant 3200 : i32
      %add3A_414 = arith.addi %mul3A_412, %add3A_413 : i32
      "tpu.region"() ({
        %run_scoped3A = tpu.sem_alloc : memref<!tpu.dma_semaphore, #tpu.memory_space<semaphore_mem>>
        %dma_start3A_433 = arith.constant 0 : i32
        %dma_start3A_434 = tpu.memref_slice %arg20[%dma_start3A_433] : memref<1600xf32, #tpu.memory_space<vmem>> -> memref<1600xf32, #tpu.memory_space<vmem>>
        %dma_start3A_435 = tpu.memref_slice %arg22[%add3A_414] : memref<100000xf32, #tpu.memory_space<vmem_shared>> -> memref<1600xf32, #tpu.memory_space<vmem_shared>>
        %dma_start3A_436 = arith.constant 0 : i32
        %dma_start3A_437 = tpu.memref_slice %arg20[%dma_start3A_436] : memref<1600xf32, #tpu.memory_space<vmem>> -> memref<1600xf32, #tpu.memory_space<vmem>>
        %dma_start3A_438 = tpu.memref_slice %arg22[%add3A_414] : memref<100000xf32, #tpu.memory_space<vmem_shared>> -> memref<1600xf32, #tpu.memory_space<vmem_shared>>
        tpu.enqueue_dma source(%dma_start3A_438 : memref<1600xf32, #tpu.memory_space<vmem_shared>>) target(%dma_start3A_437 : memref<1600xf32, #tpu.memory_space<vmem>>) target_semaphore(%run_scoped3A : memref<!tpu.dma_semaphore, #tpu.memory_space<semaphore_mem>>)
        %dma_wait3A_439 = arith.constant 0 : i32
        %dma_wait3A_440 = tpu.memref_slice %arg20[%dma_wait3A_439] : memref<1600xf32, #tpu.memory_space<vmem>> -> memref<1600xf32, #tpu.memory_space<vmem>>
        %dma_wait3A_441 = tpu.memref_slice %arg22[%add3A_414] : memref<100000xf32, #tpu.memory_space<vmem_shared>> -> memref<1600xf32, #tpu.memory_space<vmem_shared>>
        %dma_wait3A_442 = arith.constant 0 : i32
        %dma_wait3A_443 = tpu.memref_slice %arg20[%dma_wait3A_442] : memref<1600xf32, #tpu.memory_space<vmem>> -> memref<1600xf32, #tpu.memory_space<vmem>>
        %dma_wait3A_444 = tpu.memref_slice %arg22[%add3A_414] : memref<100000xf32, #tpu.memory_space<vmem_shared>> -> memref<1600xf32, #tpu.memory_space<vmem_shared>>
        tpu.wait_dma2 semaphore(%run_scoped3A : memref<!tpu.dma_semaphore, #tpu.memory_space<semaphore_mem>>) src(%dma_wait3A_444 : memref<1600xf32, #tpu.memory_space<vmem_shared>>) dst(%dma_wait3A_443 : memref<1600xf32, #tpu.memory_space<vmem>>)
        tpu.yield
      }) : () -> ()
      %mul3A_415 = arith.constant 100000 : i32
      %mul3A_416 = arith.muli %arg0, %mul3A_415 : i32
      %mul3A_417 = arith.constant 6256 : i32
      %mul3A_418 = arith.muli %arg1, %mul3A_417 : i32
      %add3A_419 = arith.addi %mul3A_416, %mul3A_418 : i32
      %add3A_420 = arith.constant 3200 : i32
      %add3A_421 = arith.addi %add3A_419, %add3A_420 : i32
      "tpu.region"() ({
        %run_scoped3A = tpu.sem_alloc : memref<!tpu.dma_semaphore, #tpu.memory_space<semaphore_mem>>
        %dma_start3A_433 = arith.constant 0 : i32
        %dma_start3A_434 = tpu.memref_slice %arg20[%dma_start3A_433] : memref<1600xf32, #tpu.memory_space<vmem>> -> memref<1600xf32, #tpu.memory_space<vmem>>
        %dma_start3A_435 = tpu.memref_slice %arg6[%add3A_421] : memref<200000xf32, #tpu.memory_space<hbm>> -> memref<1600xf32, #tpu.memory_space<hbm>>
        %dma_start3A_436 = tpu.memref_slice %arg6[%add3A_421] : memref<200000xf32, #tpu.memory_space<hbm>> -> memref<1600xf32, #tpu.memory_space<hbm>>
        %dma_start3A_437 = arith.constant 0 : i32
        %dma_start3A_438 = tpu.memref_slice %arg20[%dma_start3A_437] : memref<1600xf32, #tpu.memory_space<vmem>> -> memref<1600xf32, #tpu.memory_space<vmem>>
        tpu.enqueue_dma source(%dma_start3A_438 : memref<1600xf32, #tpu.memory_space<vmem>>) target(%dma_start3A_436 : memref<1600xf32, #tpu.memory_space<hbm>>) target_semaphore(%run_scoped3A : memref<!tpu.dma_semaphore, #tpu.memory_space<semaphore_mem>>)
        %dma_wait3A_439 = arith.constant 0 : i32
        %dma_wait3A_440 = tpu.memref_slice %arg20[%dma_wait3A_439] : memref<1600xf32, #tpu.memory_space<vmem>> -> memref<1600xf32, #tpu.memory_space<vmem>>
        %dma_wait3A_441 = tpu.memref_slice %arg6[%add3A_421] : memref<200000xf32, #tpu.memory_space<hbm>> -> memref<1600xf32, #tpu.memory_space<hbm>>
        %dma_wait3A_442 = tpu.memref_slice %arg6[%add3A_421] : memref<200000xf32, #tpu.memory_space<hbm>> -> memref<1600xf32, #tpu.memory_space<hbm>>
        %dma_wait3A_443 = arith.constant 0 : i32
        %dma_wait3A_444 = tpu.memref_slice %arg20[%dma_wait3A_443] : memref<1600xf32, #tpu.memory_space<vmem>> -> memref<1600xf32, #tpu.memory_space<vmem>>
        tpu.wait_dma2 semaphore(%run_scoped3A : memref<!tpu.dma_semaphore, #tpu.memory_space<semaphore_mem>>) src(%dma_wait3A_444 : memref<1600xf32, #tpu.memory_space<vmem>>) dst(%dma_wait3A_442 : memref<1600xf32, #tpu.memory_space<hbm>>)
        tpu.yield
      }) : () -> ()
      %mul3A_422 = arith.constant 6256 : i32
      %mul3A_423 = arith.muli %arg1, %mul3A_422 : i32
      %add3A_424 = arith.constant 4800 : i32
      %add3A_425 = arith.addi %mul3A_423, %add3A_424 : i32
      "tpu.region"() ({
        %run_scoped3A = tpu.sem_alloc : memref<!tpu.dma_semaphore, #tpu.memory_space<semaphore_mem>>
        %dma_start3A_433 = arith.constant 0 : i32
        %dma_start3A_434 = tpu.memref_slice %arg20[%dma_start3A_433] : memref<1600xf32, #tpu.memory_space<vmem>> -> memref<1456xf32, #tpu.memory_space<vmem>>
        %dma_start3A_435 = tpu.memref_slice %arg22[%add3A_425] : memref<100000xf32, #tpu.memory_space<vmem_shared>> -> memref<1456xf32, #tpu.memory_space<vmem_shared>>
        %dma_start3A_436 = arith.constant 0 : i32
        %dma_start3A_437 = tpu.memref_slice %arg20[%dma_start3A_436] : memref<1600xf32, #tpu.memory_space<vmem>> -> memref<1456xf32, #tpu.memory_space<vmem>>
        %dma_start3A_438 = tpu.memref_slice %arg22[%add3A_425] : memref<100000xf32, #tpu.memory_space<vmem_shared>> -> memref<1456xf32, #tpu.memory_space<vmem_shared>>
        tpu.enqueue_dma source(%dma_start3A_438 : memref<1456xf32, #tpu.memory_space<vmem_shared>>) target(%dma_start3A_437 : memref<1456xf32, #tpu.memory_space<vmem>>) target_semaphore(%run_scoped3A : memref<!tpu.dma_semaphore, #tpu.memory_space<semaphore_mem>>)
        %dma_wait3A_439 = arith.constant 0 : i32
        %dma_wait3A_440 = tpu.memref_slice %arg20[%dma_wait3A_439] : memref<1600xf32, #tpu.memory_space<vmem>> -> memref<1456xf32, #tpu.memory_space<vmem>>
        %dma_wait3A_441 = tpu.memref_slice %arg22[%add3A_425] : memref<100000xf32, #tpu.memory_space<vmem_shared>> -> memref<1456xf32, #tpu.memory_space<vmem_shared>>
        %dma_wait3A_442 = arith.constant 0 : i32
        %dma_wait3A_443 = tpu.memref_slice %arg20[%dma_wait3A_442] : memref<1600xf32, #tpu.memory_space<vmem>> -> memref<1456xf32, #tpu.memory_space<vmem>>
        %dma_wait3A_444 = tpu.memref_slice %arg22[%add3A_425] : memref<100000xf32, #tpu.memory_space<vmem_shared>> -> memref<1456xf32, #tpu.memory_space<vmem_shared>>
        tpu.wait_dma2 semaphore(%run_scoped3A : memref<!tpu.dma_semaphore, #tpu.memory_space<semaphore_mem>>) src(%dma_wait3A_444 : memref<1456xf32, #tpu.memory_space<vmem_shared>>) dst(%dma_wait3A_443 : memref<1456xf32, #tpu.memory_space<vmem>>)
        tpu.yield
      }) : () -> ()
      %mul3A_426 = arith.constant 100000 : i32
      %mul3A_427 = arith.muli %arg0, %mul3A_426 : i32
      %mul3A_428 = arith.constant 6256 : i32
      %mul3A_429 = arith.muli %arg1, %mul3A_428 : i32
      %add3A_430 = arith.addi %mul3A_427, %mul3A_429 : i32
      %add3A_431 = arith.constant 4800 : i32
      %add3A_432 = arith.addi %add3A_430, %add3A_431 : i32
      "tpu.region"() ({
        %run_scoped3A = tpu.sem_alloc : memref<!tpu.dma_semaphore, #tpu.memory_space<semaphore_mem>>
        %dma_start3A_433 = arith.constant 0 : i32
        %dma_start3A_434 = tpu.memref_slice %arg20[%dma_start3A_433] : memref<1600xf32, #tpu.memory_space<vmem>> -> memref<1456xf32, #tpu.memory_space<vmem>>
        %dma_start3A_435 = tpu.memref_slice %arg6[%add3A_432] : memref<200000xf32, #tpu.memory_space<hbm>> -> memref<1456xf32, #tpu.memory_space<hbm>>
        %dma_start3A_436 = tpu.memref_slice %arg6[%add3A_432] : memref<200000xf32, #tpu.memory_space<hbm>> -> memref<1456xf32, #tpu.memory_space<hbm>>
        %dma_start3A_437 = arith.constant 0 : i32
        %dma_start3A_438 = tpu.memref_slice %arg20[%dma_start3A_437] : memref<1600xf32, #tpu.memory_space<vmem>> -> memref<1456xf32, #tpu.memory_space<vmem>>
        tpu.enqueue_dma source(%dma_start3A_438 : memref<1456xf32, #tpu.memory_space<vmem>>) target(%dma_start3A_436 : memref<1456xf32, #tpu.memory_space<hbm>>) target_semaphore(%run_scoped3A : memref<!tpu.dma_semaphore, #tpu.memory_space<semaphore_mem>>)
        %dma_wait3A_439 = arith.constant 0 : i32
        %dma_wait3A_440 = tpu.memref_slice %arg20[%dma_wait3A_439] : memref<1600xf32, #tpu.memory_space<vmem>> -> memref<1456xf32, #tpu.memory_space<vmem>>
        %dma_wait3A_441 = tpu.memref_slice %arg6[%add3A_432] : memref<200000xf32, #tpu.memory_space<hbm>> -> memref<1456xf32, #tpu.memory_space<hbm>>
        %dma_wait3A_442 = tpu.memref_slice %arg6[%add3A_432] : memref<200000xf32, #tpu.memory_space<hbm>> -> memref<1456xf32, #tpu.memory_space<hbm>>
        %dma_wait3A_443 = arith.constant 0 : i32
        %dma_wait3A_444 = tpu.memref_slice %arg20[%dma_wait3A_443] : memref<1600xf32, #tpu.memory_space<vmem>> -> memref<1456xf32, #tpu.memory_space<vmem>>
        tpu.wait_dma2 semaphore(%run_scoped3A : memref<!tpu.dma_semaphore, #tpu.memory_space<semaphore_mem>>) src(%dma_wait3A_444 : memref<1456xf32, #tpu.memory_space<vmem>>) dst(%dma_wait3A_442 : memref<1456xf32, #tpu.memory_space<hbm>>)
        tpu.yield
      }) : () -> ()
    } else {
    }
    %eq3A_384 = arith.constant 15 : i32
    %eq3A_385 = arith.cmpi eq, %arg1, %eq3A_384 : i32
    %convert_element_type3A_386 = arith.extui %eq3A_385 : i1 to i32
    %cond3A_387 = arith.constant 0 : i32
    %cond3A_388 = arith.cmpi ne, %convert_element_type3A_386, %cond3A_387 : i32
    scf.if %cond3A_388 {
      "tpu.region"() ({
        %run_scoped3A = tpu.sem_alloc : memref<!tpu.dma_semaphore, #tpu.memory_space<semaphore_mem>>
        %dma_start3A_413 = arith.constant 0 : i32
        %dma_start3A_414 = tpu.memref_slice %arg20[%dma_start3A_413] : memref<1600xf32, #tpu.memory_space<vmem>> -> memref<1600xf32, #tpu.memory_space<vmem>>
        %dma_start3A_415 = arith.constant 93840 : i32
        %dma_start3A_416 = tpu.memref_slice %arg22[%dma_start3A_415] : memref<100000xf32, #tpu.memory_space<vmem_shared>> -> memref<1600xf32, #tpu.memory_space<vmem_shared>>
        %dma_start3A_417 = arith.constant 0 : i32
        %dma_start3A_418 = tpu.memref_slice %arg20[%dma_start3A_417] : memref<1600xf32, #tpu.memory_space<vmem>> -> memref<1600xf32, #tpu.memory_space<vmem>>
        %dma_start3A_419 = arith.constant 93840 : i32
        %dma_start3A_420 = tpu.memref_slice %arg22[%dma_start3A_419] : memref<100000xf32, #tpu.memory_space<vmem_shared>> -> memref<1600xf32, #tpu.memory_space<vmem_shared>>
        tpu.enqueue_dma source(%dma_start3A_420 : memref<1600xf32, #tpu.memory_space<vmem_shared>>) target(%dma_start3A_418 : memref<1600xf32, #tpu.memory_space<vmem>>) target_semaphore(%run_scoped3A : memref<!tpu.dma_semaphore, #tpu.memory_space<semaphore_mem>>)
        %dma_wait3A_421 = arith.constant 0 : i32
        %dma_wait3A_422 = tpu.memref_slice %arg20[%dma_wait3A_421] : memref<1600xf32, #tpu.memory_space<vmem>> -> memref<1600xf32, #tpu.memory_space<vmem>>
        %dma_wait3A_423 = arith.constant 93840 : i32
        %dma_wait3A_424 = tpu.memref_slice %arg22[%dma_wait3A_423] : memref<100000xf32, #tpu.memory_space<vmem_shared>> -> memref<1600xf32, #tpu.memory_space<vmem_shared>>
        %dma_wait3A_425 = arith.constant 0 : i32
        %dma_wait3A_426 = tpu.memref_slice %arg20[%dma_wait3A_425] : memref<1600xf32, #tpu.memory_space<vmem>> -> memref<1600xf32, #tpu.memory_space<vmem>>
        %dma_wait3A_427 = arith.constant 93840 : i32
        %dma_wait3A_428 = tpu.memref_slice %arg22[%dma_wait3A_427] : memref<100000xf32, #tpu.memory_space<vmem_shared>> -> memref<1600xf32, #tpu.memory_space<vmem_shared>>
        tpu.wait_dma2 semaphore(%run_scoped3A : memref<!tpu.dma_semaphore, #tpu.memory_space<semaphore_mem>>) src(%dma_wait3A_428 : memref<1600xf32, #tpu.memory_space<vmem_shared>>) dst(%dma_wait3A_426 : memref<1600xf32, #tpu.memory_space<vmem>>)
        tpu.yield
      }) : () -> ()
      %mul3A_389 = arith.constant 100000 : i32
      %mul3A_390 = arith.muli %arg0, %mul3A_389 : i32
      %add3A_391 = arith.constant 93840 : i32
      %add3A_392 = arith.addi %mul3A_390, %add3A_391 : i32
      %add3A_393 = arith.constant 0 : i32
      %add3A_394 = arith.addi %add3A_392, %add3A_393 : i32
      "tpu.region"() ({
        %run_scoped3A = tpu.sem_alloc : memref<!tpu.dma_semaphore, #tpu.memory_space<semaphore_mem>>
        %dma_start3A_413 = arith.constant 0 : i32
        %dma_start3A_414 = tpu.memref_slice %arg20[%dma_start3A_413] : memref<1600xf32, #tpu.memory_space<vmem>> -> memref<1600xf32, #tpu.memory_space<vmem>>
        %dma_start3A_415 = tpu.memref_slice %arg6[%add3A_394] : memref<200000xf32, #tpu.memory_space<hbm>> -> memref<1600xf32, #tpu.memory_space<hbm>>
        %dma_start3A_416 = tpu.memref_slice %arg6[%add3A_394] : memref<200000xf32, #tpu.memory_space<hbm>> -> memref<1600xf32, #tpu.memory_space<hbm>>
        %dma_start3A_417 = arith.constant 0 : i32
        %dma_start3A_418 = tpu.memref_slice %arg20[%dma_start3A_417] : memref<1600xf32, #tpu.memory_space<vmem>> -> memref<1600xf32, #tpu.memory_space<vmem>>
        tpu.enqueue_dma source(%dma_start3A_418 : memref<1600xf32, #tpu.memory_space<vmem>>) target(%dma_start3A_416 : memref<1600xf32, #tpu.memory_space<hbm>>) target_semaphore(%run_scoped3A : memref<!tpu.dma_semaphore, #tpu.memory_space<semaphore_mem>>)
        %dma_wait3A_419 = arith.constant 0 : i32
        %dma_wait3A_420 = tpu.memref_slice %arg20[%dma_wait3A_419] : memref<1600xf32, #tpu.memory_space<vmem>> -> memref<1600xf32, #tpu.memory_space<vmem>>
        %dma_wait3A_421 = tpu.memref_slice %arg6[%add3A_394] : memref<200000xf32, #tpu.memory_space<hbm>> -> memref<1600xf32, #tpu.memory_space<hbm>>
        %dma_wait3A_422 = tpu.memref_slice %arg6[%add3A_394] : memref<200000xf32, #tpu.memory_space<hbm>> -> memref<1600xf32, #tpu.memory_space<hbm>>
        %dma_wait3A_423 = arith.constant 0 : i32
        %dma_wait3A_424 = tpu.memref_slice %arg20[%dma_wait3A_423] : memref<1600xf32, #tpu.memory_space<vmem>> -> memref<1600xf32, #tpu.memory_space<vmem>>
        tpu.wait_dma2 semaphore(%run_scoped3A : memref<!tpu.dma_semaphore, #tpu.memory_space<semaphore_mem>>) src(%dma_wait3A_424 : memref<1600xf32, #tpu.memory_space<vmem>>) dst(%dma_wait3A_422 : memref<1600xf32, #tpu.memory_space<hbm>>)
        tpu.yield
      }) : () -> ()
      "tpu.region"() ({
        %run_scoped3A = tpu.sem_alloc : memref<!tpu.dma_semaphore, #tpu.memory_space<semaphore_mem>>
        %dma_start3A_413 = arith.constant 0 : i32
        %dma_start3A_414 = tpu.memref_slice %arg20[%dma_start3A_413] : memref<1600xf32, #tpu.memory_space<vmem>> -> memref<1600xf32, #tpu.memory_space<vmem>>
        %dma_start3A_415 = arith.constant 95440 : i32
        %dma_start3A_416 = tpu.memref_slice %arg22[%dma_start3A_415] : memref<100000xf32, #tpu.memory_space<vmem_shared>> -> memref<1600xf32, #tpu.memory_space<vmem_shared>>
        %dma_start3A_417 = arith.constant 0 : i32
        %dma_start3A_418 = tpu.memref_slice %arg20[%dma_start3A_417] : memref<1600xf32, #tpu.memory_space<vmem>> -> memref<1600xf32, #tpu.memory_space<vmem>>
        %dma_start3A_419 = arith.constant 95440 : i32
        %dma_start3A_420 = tpu.memref_slice %arg22[%dma_start3A_419] : memref<100000xf32, #tpu.memory_space<vmem_shared>> -> memref<1600xf32, #tpu.memory_space<vmem_shared>>
        tpu.enqueue_dma source(%dma_start3A_420 : memref<1600xf32, #tpu.memory_space<vmem_shared>>) target(%dma_start3A_418 : memref<1600xf32, #tpu.memory_space<vmem>>) target_semaphore(%run_scoped3A : memref<!tpu.dma_semaphore, #tpu.memory_space<semaphore_mem>>)
        %dma_wait3A_421 = arith.constant 0 : i32
        %dma_wait3A_422 = tpu.memref_slice %arg20[%dma_wait3A_421] : memref<1600xf32, #tpu.memory_space<vmem>> -> memref<1600xf32, #tpu.memory_space<vmem>>
        %dma_wait3A_423 = arith.constant 95440 : i32
        %dma_wait3A_424 = tpu.memref_slice %arg22[%dma_wait3A_423] : memref<100000xf32, #tpu.memory_space<vmem_shared>> -> memref<1600xf32, #tpu.memory_space<vmem_shared>>
        %dma_wait3A_425 = arith.constant 0 : i32
        %dma_wait3A_426 = tpu.memref_slice %arg20[%dma_wait3A_425] : memref<1600xf32, #tpu.memory_space<vmem>> -> memref<1600xf32, #tpu.memory_space<vmem>>
        %dma_wait3A_427 = arith.constant 95440 : i32
        %dma_wait3A_428 = tpu.memref_slice %arg22[%dma_wait3A_427] : memref<100000xf32, #tpu.memory_space<vmem_shared>> -> memref<1600xf32, #tpu.memory_space<vmem_shared>>
        tpu.wait_dma2 semaphore(%run_scoped3A : memref<!tpu.dma_semaphore, #tpu.memory_space<semaphore_mem>>) src(%dma_wait3A_428 : memref<1600xf32, #tpu.memory_space<vmem_shared>>) dst(%dma_wait3A_426 : memref<1600xf32, #tpu.memory_space<vmem>>)
        tpu.yield
      }) : () -> ()
      %mul3A_395 = arith.constant 100000 : i32
      %mul3A_396 = arith.muli %arg0, %mul3A_395 : i32
      %add3A_397 = arith.constant 93840 : i32
      %add3A_398 = arith.addi %mul3A_396, %add3A_397 : i32
      %add3A_399 = arith.constant 1600 : i32
      %add3A_400 = arith.addi %add3A_398, %add3A_399 : i32
      "tpu.region"() ({
        %run_scoped3A = tpu.sem_alloc : memref<!tpu.dma_semaphore, #tpu.memory_space<semaphore_mem>>
        %dma_start3A_413 = arith.constant 0 : i32
        %dma_start3A_414 = tpu.memref_slice %arg20[%dma_start3A_413] : memref<1600xf32, #tpu.memory_space<vmem>> -> memref<1600xf32, #tpu.memory_space<vmem>>
        %dma_start3A_415 = tpu.memref_slice %arg6[%add3A_400] : memref<200000xf32, #tpu.memory_space<hbm>> -> memref<1600xf32, #tpu.memory_space<hbm>>
        %dma_start3A_416 = tpu.memref_slice %arg6[%add3A_400] : memref<200000xf32, #tpu.memory_space<hbm>> -> memref<1600xf32, #tpu.memory_space<hbm>>
        %dma_start3A_417 = arith.constant 0 : i32
        %dma_start3A_418 = tpu.memref_slice %arg20[%dma_start3A_417] : memref<1600xf32, #tpu.memory_space<vmem>> -> memref<1600xf32, #tpu.memory_space<vmem>>
        tpu.enqueue_dma source(%dma_start3A_418 : memref<1600xf32, #tpu.memory_space<vmem>>) target(%dma_start3A_416 : memref<1600xf32, #tpu.memory_space<hbm>>) target_semaphore(%run_scoped3A : memref<!tpu.dma_semaphore, #tpu.memory_space<semaphore_mem>>)
        %dma_wait3A_419 = arith.constant 0 : i32
        %dma_wait3A_420 = tpu.memref_slice %arg20[%dma_wait3A_419] : memref<1600xf32, #tpu.memory_space<vmem>> -> memref<1600xf32, #tpu.memory_space<vmem>>
        %dma_wait3A_421 = tpu.memref_slice %arg6[%add3A_400] : memref<200000xf32, #tpu.memory_space<hbm>> -> memref<1600xf32, #tpu.memory_space<hbm>>
        %dma_wait3A_422 = tpu.memref_slice %arg6[%add3A_400] : memref<200000xf32, #tpu.memory_space<hbm>> -> memref<1600xf32, #tpu.memory_space<hbm>>
        %dma_wait3A_423 = arith.constant 0 : i32
        %dma_wait3A_424 = tpu.memref_slice %arg20[%dma_wait3A_423] : memref<1600xf32, #tpu.memory_space<vmem>> -> memref<1600xf32, #tpu.memory_space<vmem>>
        tpu.wait_dma2 semaphore(%run_scoped3A : memref<!tpu.dma_semaphore, #tpu.memory_space<semaphore_mem>>) src(%dma_wait3A_424 : memref<1600xf32, #tpu.memory_space<vmem>>) dst(%dma_wait3A_422 : memref<1600xf32, #tpu.memory_space<hbm>>)
        tpu.yield
      }) : () -> ()
      "tpu.region"() ({
        %run_scoped3A = tpu.sem_alloc : memref<!tpu.dma_semaphore, #tpu.memory_space<semaphore_mem>>
        %dma_start3A_413 = arith.constant 0 : i32
        %dma_start3A_414 = tpu.memref_slice %arg20[%dma_start3A_413] : memref<1600xf32, #tpu.memory_space<vmem>> -> memref<1600xf32, #tpu.memory_space<vmem>>
        %dma_start3A_415 = arith.constant 97040 : i32
        %dma_start3A_416 = tpu.memref_slice %arg22[%dma_start3A_415] : memref<100000xf32, #tpu.memory_space<vmem_shared>> -> memref<1600xf32, #tpu.memory_space<vmem_shared>>
        %dma_start3A_417 = arith.constant 0 : i32
        %dma_start3A_418 = tpu.memref_slice %arg20[%dma_start3A_417] : memref<1600xf32, #tpu.memory_space<vmem>> -> memref<1600xf32, #tpu.memory_space<vmem>>
        %dma_start3A_419 = arith.constant 97040 : i32
        %dma_start3A_420 = tpu.memref_slice %arg22[%dma_start3A_419] : memref<100000xf32, #tpu.memory_space<vmem_shared>> -> memref<1600xf32, #tpu.memory_space<vmem_shared>>
        tpu.enqueue_dma source(%dma_start3A_420 : memref<1600xf32, #tpu.memory_space<vmem_shared>>) target(%dma_start3A_418 : memref<1600xf32, #tpu.memory_space<vmem>>) target_semaphore(%run_scoped3A : memref<!tpu.dma_semaphore, #tpu.memory_space<semaphore_mem>>)
        %dma_wait3A_421 = arith.constant 0 : i32
        %dma_wait3A_422 = tpu.memref_slice %arg20[%dma_wait3A_421] : memref<1600xf32, #tpu.memory_space<vmem>> -> memref<1600xf32, #tpu.memory_space<vmem>>
        %dma_wait3A_423 = arith.constant 97040 : i32
        %dma_wait3A_424 = tpu.memref_slice %arg22[%dma_wait3A_423] : memref<100000xf32, #tpu.memory_space<vmem_shared>> -> memref<1600xf32, #tpu.memory_space<vmem_shared>>
        %dma_wait3A_425 = arith.constant 0 : i32
        %dma_wait3A_426 = tpu.memref_slice %arg20[%dma_wait3A_425] : memref<1600xf32, #tpu.memory_space<vmem>> -> memref<1600xf32, #tpu.memory_space<vmem>>
        %dma_wait3A_427 = arith.constant 97040 : i32
        %dma_wait3A_428 = tpu.memref_slice %arg22[%dma_wait3A_427] : memref<100000xf32, #tpu.memory_space<vmem_shared>> -> memref<1600xf32, #tpu.memory_space<vmem_shared>>
        tpu.wait_dma2 semaphore(%run_scoped3A : memref<!tpu.dma_semaphore, #tpu.memory_space<semaphore_mem>>) src(%dma_wait3A_428 : memref<1600xf32, #tpu.memory_space<vmem_shared>>) dst(%dma_wait3A_426 : memref<1600xf32, #tpu.memory_space<vmem>>)
        tpu.yield
      }) : () -> ()
      %mul3A_401 = arith.constant 100000 : i32
      %mul3A_402 = arith.muli %arg0, %mul3A_401 : i32
      %add3A_403 = arith.constant 93840 : i32
      %add3A_404 = arith.addi %mul3A_402, %add3A_403 : i32
      %add3A_405 = arith.constant 3200 : i32
      %add3A_406 = arith.addi %add3A_404, %add3A_405 : i32
      "tpu.region"() ({
        %run_scoped3A = tpu.sem_alloc : memref<!tpu.dma_semaphore, #tpu.memory_space<semaphore_mem>>
        %dma_start3A_413 = arith.constant 0 : i32
        %dma_start3A_414 = tpu.memref_slice %arg20[%dma_start3A_413] : memref<1600xf32, #tpu.memory_space<vmem>> -> memref<1600xf32, #tpu.memory_space<vmem>>
        %dma_start3A_415 = tpu.memref_slice %arg6[%add3A_406] : memref<200000xf32, #tpu.memory_space<hbm>> -> memref<1600xf32, #tpu.memory_space<hbm>>
        %dma_start3A_416 = tpu.memref_slice %arg6[%add3A_406] : memref<200000xf32, #tpu.memory_space<hbm>> -> memref<1600xf32, #tpu.memory_space<hbm>>
        %dma_start3A_417 = arith.constant 0 : i32
        %dma_start3A_418 = tpu.memref_slice %arg20[%dma_start3A_417] : memref<1600xf32, #tpu.memory_space<vmem>> -> memref<1600xf32, #tpu.memory_space<vmem>>
        tpu.enqueue_dma source(%dma_start3A_418 : memref<1600xf32, #tpu.memory_space<vmem>>) target(%dma_start3A_416 : memref<1600xf32, #tpu.memory_space<hbm>>) target_semaphore(%run_scoped3A : memref<!tpu.dma_semaphore, #tpu.memory_space<semaphore_mem>>)
        %dma_wait3A_419 = arith.constant 0 : i32
        %dma_wait3A_420 = tpu.memref_slice %arg20[%dma_wait3A_419] : memref<1600xf32, #tpu.memory_space<vmem>> -> memref<1600xf32, #tpu.memory_space<vmem>>
        %dma_wait3A_421 = tpu.memref_slice %arg6[%add3A_406] : memref<200000xf32, #tpu.memory_space<hbm>> -> memref<1600xf32, #tpu.memory_space<hbm>>
        %dma_wait3A_422 = tpu.memref_slice %arg6[%add3A_406] : memref<200000xf32, #tpu.memory_space<hbm>> -> memref<1600xf32, #tpu.memory_space<hbm>>
        %dma_wait3A_423 = arith.constant 0 : i32
        %dma_wait3A_424 = tpu.memref_slice %arg20[%dma_wait3A_423] : memref<1600xf32, #tpu.memory_space<vmem>> -> memref<1600xf32, #tpu.memory_space<vmem>>
        tpu.wait_dma2 semaphore(%run_scoped3A : memref<!tpu.dma_semaphore, #tpu.memory_space<semaphore_mem>>) src(%dma_wait3A_424 : memref<1600xf32, #tpu.memory_space<vmem>>) dst(%dma_wait3A_422 : memref<1600xf32, #tpu.memory_space<hbm>>)
        tpu.yield
      }) : () -> ()
      "tpu.region"() ({
        %run_scoped3A = tpu.sem_alloc : memref<!tpu.dma_semaphore, #tpu.memory_space<semaphore_mem>>
        %dma_start3A_413 = arith.constant 0 : i32
        %dma_start3A_414 = tpu.memref_slice %arg20[%dma_start3A_413] : memref<1600xf32, #tpu.memory_space<vmem>> -> memref<1360xf32, #tpu.memory_space<vmem>>
        %dma_start3A_415 = arith.constant 98640 : i32
        %dma_start3A_416 = tpu.memref_slice %arg22[%dma_start3A_415] : memref<100000xf32, #tpu.memory_space<vmem_shared>> -> memref<1360xf32, #tpu.memory_space<vmem_shared>>
        %dma_start3A_417 = arith.constant 0 : i32
        %dma_start3A_418 = tpu.memref_slice %arg20[%dma_start3A_417] : memref<1600xf32, #tpu.memory_space<vmem>> -> memref<1360xf32, #tpu.memory_space<vmem>>
        %dma_start3A_419 = arith.constant 98640 : i32
        %dma_start3A_420 = tpu.memref_slice %arg22[%dma_start3A_419] : memref<100000xf32, #tpu.memory_space<vmem_shared>> -> memref<1360xf32, #tpu.memory_space<vmem_shared>>
        tpu.enqueue_dma source(%dma_start3A_420 : memref<1360xf32, #tpu.memory_space<vmem_shared>>) target(%dma_start3A_418 : memref<1360xf32, #tpu.memory_space<vmem>>) target_semaphore(%run_scoped3A : memref<!tpu.dma_semaphore, #tpu.memory_space<semaphore_mem>>)
        %dma_wait3A_421 = arith.constant 0 : i32
        %dma_wait3A_422 = tpu.memref_slice %arg20[%dma_wait3A_421] : memref<1600xf32, #tpu.memory_space<vmem>> -> memref<1360xf32, #tpu.memory_space<vmem>>
        %dma_wait3A_423 = arith.constant 98640 : i32
        %dma_wait3A_424 = tpu.memref_slice %arg22[%dma_wait3A_423] : memref<100000xf32, #tpu.memory_space<vmem_shared>> -> memref<1360xf32, #tpu.memory_space<vmem_shared>>
        %dma_wait3A_425 = arith.constant 0 : i32
        %dma_wait3A_426 = tpu.memref_slice %arg20[%dma_wait3A_425] : memref<1600xf32, #tpu.memory_space<vmem>> -> memref<1360xf32, #tpu.memory_space<vmem>>
        %dma_wait3A_427 = arith.constant 98640 : i32
        %dma_wait3A_428 = tpu.memref_slice %arg22[%dma_wait3A_427] : memref<100000xf32, #tpu.memory_space<vmem_shared>> -> memref<1360xf32, #tpu.memory_space<vmem_shared>>
        tpu.wait_dma2 semaphore(%run_scoped3A : memref<!tpu.dma_semaphore, #tpu.memory_space<semaphore_mem>>) src(%dma_wait3A_428 : memref<1360xf32, #tpu.memory_space<vmem_shared>>) dst(%dma_wait3A_426 : memref<1360xf32, #tpu.memory_space<vmem>>)
        tpu.yield
      }) : () -> ()
      %mul3A_407 = arith.constant 100000 : i32
      %mul3A_408 = arith.muli %arg0, %mul3A_407 : i32
      %add3A_409 = arith.constant 93840 : i32
      %add3A_410 = arith.addi %mul3A_408, %add3A_409 : i32
      %add3A_411 = arith.constant 4800 : i32
      %add3A_412 = arith.addi %add3A_410, %add3A_411 : i32
      "tpu.region"() ({
        %run_scoped3A = tpu.sem_alloc : memref<!tpu.dma_semaphore, #tpu.memory_space<semaphore_mem>>
        %dma_start3A_413 = arith.constant 0 : i32
        %dma_start3A_414 = tpu.memref_slice %arg20[%dma_start3A_413] : memref<1600xf32, #tpu.memory_space<vmem>> -> memref<1360xf32, #tpu.memory_space<vmem>>
        %dma_start3A_415 = tpu.memref_slice %arg6[%add3A_412] : memref<200000xf32, #tpu.memory_space<hbm>> -> memref<1360xf32, #tpu.memory_space<hbm>>
        %dma_start3A_416 = tpu.memref_slice %arg6[%add3A_412] : memref<200000xf32, #tpu.memory_space<hbm>> -> memref<1360xf32, #tpu.memory_space<hbm>>
        %dma_start3A_417 = arith.constant 0 : i32
        %dma_start3A_418 = tpu.memref_slice %arg20[%dma_start3A_417] : memref<1600xf32, #tpu.memory_space<vmem>> -> memref<1360xf32, #tpu.memory_space<vmem>>
        tpu.enqueue_dma source(%dma_start3A_418 : memref<1360xf32, #tpu.memory_space<vmem>>) target(%dma_start3A_416 : memref<1360xf32, #tpu.memory_space<hbm>>) target_semaphore(%run_scoped3A : memref<!tpu.dma_semaphore, #tpu.memory_space<semaphore_mem>>)
        %dma_wait3A_419 = arith.constant 0 : i32
        %dma_wait3A_420 = tpu.memref_slice %arg20[%dma_wait3A_419] : memref<1600xf32, #tpu.memory_space<vmem>> -> memref<1360xf32, #tpu.memory_space<vmem>>
        %dma_wait3A_421 = tpu.memref_slice %arg6[%add3A_412] : memref<200000xf32, #tpu.memory_space<hbm>> -> memref<1360xf32, #tpu.memory_space<hbm>>
        %dma_wait3A_422 = tpu.memref_slice %arg6[%add3A_412] : memref<200000xf32, #tpu.memory_space<hbm>> -> memref<1360xf32, #tpu.memory_space<hbm>>
        %dma_wait3A_423 = arith.constant 0 : i32
        %dma_wait3A_424 = tpu.memref_slice %arg20[%dma_wait3A_423] : memref<1600xf32, #tpu.memory_space<vmem>> -> memref<1360xf32, #tpu.memory_space<vmem>>
        tpu.wait_dma2 semaphore(%run_scoped3A : memref<!tpu.dma_semaphore, #tpu.memory_space<semaphore_mem>>) src(%dma_wait3A_424 : memref<1360xf32, #tpu.memory_space<vmem>>) dst(%dma_wait3A_422 : memref<1360xf32, #tpu.memory_space<hbm>>)
        tpu.yield
      }) : () -> ()
    } else {
    }
    return
  }
}

module attributes {stable_mosaic.version = 14 : i64} {
  func.func @_combine_body(%arg0: memref<2x100000xf32, #tpu.memory_space<vmem>>, %arg1: memref<1x100000xf32, #tpu.memory_space<vmem>>) attributes {dimension_semantics = [], scalar_prefetch = 0 : i64, scratch_operands = 0 : i64, tpu.core_type = #tpu.core_type<tc>} {
    %get3A = arith.constant 0 : index
    %get3A_0 = arith.constant 0 : index
    %get3A_1 = vector.load %arg0[%get3A, %get3A_0] : memref<2x100000xf32, #tpu.memory_space<vmem>>, vector<1x100000xf32>
    %get3A_2 = arith.constant 1 : index
    %get3A_3 = arith.constant 0 : index
    %get3A_4 = vector.load %arg0[%get3A_2, %get3A_3] : memref<2x100000xf32, #tpu.memory_space<vmem>>, vector<1x100000xf32>
    %add3A = arith.addf %get3A_1, %get3A_4 : vector<1x100000xf32>
    %swap3A = arith.constant 0 : index
    %swap3A_5 = arith.constant 0 : index
    %swap3A_6 = vector.load %arg1[%swap3A, %swap3A_5] : memref<1x100000xf32, #tpu.memory_space<vmem>>, vector<1x100000xf32>
    tpu.vector_store %arg1[%swap3A, %swap3A_5], %add3A {strides = array<i32>} : memref<1x100000xf32, #tpu.memory_space<vmem>>, vector<1x100000xf32>,
    return
  }
}

</mosaic_0001>

<sc_bundles>
// kernel: kernel.4.cloned.1.call-start
scs
__scs_entry_jumppad:
0x0: {  	(pc) =	sbr.rel $0x88, $3  }
0x1: {  	(tag) =	ssettag $0x0;
	lr =	simm.s32 $0x1  }
0x2: {  	[smem:$0x3F9D] =	sst lr;
	_ =	strace $0xD0000000  }
0x3: {  	_ = 	snop  }
0x4: {  	_ = 	snop  }
0x5: {  	_ = 	snop  }
0x6: {  	_ = 	snop  }
0x7: {  	_ = 	snop  }
__scs_overlays_trampoline_lowered:
0x8: {  	[smem:$0x3FAC] =	sst s0  }
0x9: {  	[smem:$0x3FAD] =	sst s1  }
0xa: {  	[smem:$0x3FAE] =	sst s2  }
0xb: {  	[smem:$0x3FAF] =	sst s3  }
0xc: {  	[smem:$0x3FB0] =	sst s4  }
0xd: {  	[smem:$0x3FB1] =	sst s5  }
0xe: {  	[smem:$0x3FB2] =	sst s6  }
0xf: {  	[smem:$0x3FB3] =	sst s7  }
0x10: {  	[smem:$0x3FB4] =	sst s8  }
0x11: {  	[smem:$0x3FB5] =	sst s9;
	s0 =	simm.s32 @!p0 $0x0  }
0x12: {  	s1 =	sld [smem:$0x3F9B];
	s0 =	simm.s32 @p0 $0x1  }
0x13: {  	[smem:$0x3FB6] =	sst s0;
	s0 =	simm.s32 @!p1 $0x0  }
0x14: {  	s2 =	sld [smem:$0x3F9A];
	s0 =	simm.s32 @p1 $0x1  }
0x15: {  	[smem:$0x3FB7] =	sst s0;
	s0 =	simm.s32 @!p2 $0x0  }
0x16: {  	s3 =	sld [smem:$0x3FDB];
	s0 =	simm.s32 @p2 $0x1  }
0x17: {  	s4 =	simm.s32 $0x1BF5;
	[smem:$0x3FB9] =	sst s0  }
0x18: {  	s0 =	sld [smem:$0x3F9C];
	_ =	swait.ge [sflag:s4], $0x0  }
0x19: {  	s7 =	sld [smem:$0x3F9D]  }
0x1a: {  	s8 =	sadd.s32 $0xFFFFE003, lr  }
0x1b: {  	s9 =	sadd.s32 $0xFFFFFEF7, lr;
	s5 =	simm.s32 $0xFFFFFFFF;
	p2 =	slt.u32 s8, $0xFFFFF086  }
0x1c: {  	p1 =	slt.u32 s9, $0xF7A;
	s5 =	simm.s32 @!p2 $0x0  }
0x1d: {  	s5 =	simm.s32 @p1 $0x1;
	p0 =	seq.s32 s7, s2  }
0x1e: {  	s7 =	smul.u32 @!p0 $0xF7A, s2;
	p2 =	seq.s32 @!p0 s5, $0x0  }
0x1f: {  	s9 =	smul.u32 $0xF7A, s1;
	s8 =	simm.s32 @!p0 $0x1BF5;
	p2 =	por !p2, p0  }
0x20: {  	[sflag:s8] =	ssyncset.s32 @!p0 $0xFFFFF086;
	s6 =	sadd.s32 @!p0 s3, s7;
	s7 =	simm.s32 @!p0 $0x108  }
0x21: {  	s3 =	sadd.s32 s3, s9;
	s6 =	sadd.s32 @!p0 $0x88, s6;
	s7 =	simm.s32 @p2 $0x1082  }
0x22: {  	[simem:s7], [sflag:s8] =	dma.local @!p0 [hbm:s6], $0xF7A  }
0x23: {  	s9 =	sor.u32 $0xD0000000, s2;
	s6 =	simm.s32 $0x108;
	_ =	swait.ge @!p0 [sflag:s8], $0x0  }
0x24: {  	s3 =	sadd.s32 $0x88, s3;
	s6 =	simm.s32 @!p1 $0x1082;
	[sflag:s4] =	ssyncset.s32 $0xFFFFF086  }
0x25: {  	[simem:s6], [sflag:s4] =	dma.local [hbm:s3], $0xF7A  }
0x26: {  	[smem:$0x3F9D] =	sst s1;
	(tag) =	ssettag s2;
	_ =	strace s9  }
0x27: {  	s1 =	sld [smem:$0x3FAD]  }
0x28: {  	s2 =	sld [smem:$0x3FAE]  }
0x29: {  	s4 =	sld [smem:$0x3FB0]  }
0x2a: {  	p0 =	seq.s32 s5, $0x0;
	s5 =	sld [smem:$0x3FB1]  }
0x2b: {  	s6 =	sld [smem:$0x3FB2]  }
0x2c: {  	s7 =	sld [smem:$0x3FB3]  }
0x2d: {  	s3 =	simm.s32 $0x108;
	s8 =	sld [smem:$0x3FB4]  }
0x2e: {  	s3 =	simm.s32 @!p0 $0x1082;
	s9 =	sld [smem:$0x3FB5]  }
0x2f: {  	lr =	sadd.s32 s0, s3;
	s0 =	sld [smem:$0x3FAC]  }
0x30: {  	s3 =	sld [smem:$0x3FAF]  }
0x31: {  	[smem:$0x3FB8] =	sst s10  }
0x32: {  	s10 =	sld [smem:$0x3FB6];
	_ =	sdelay $0x3  }
0x33: {  	p0 =	seq.s32 s10, $0x1;
	s10 =	sld [smem:$0x3FB8];
	_ =	sdelay $0x3  }
0x34: {  	[smem:$0x3FB8] =	sst s10  }
0x35: {  	s10 =	sld [smem:$0x3FB7];
	_ =	sdelay $0x3  }
0x36: {  	p1 =	seq.s32 s10, $0x1;
	s10 =	sld [smem:$0x3FB8];
	_ =	sdelay $0x3  }
0x37: {  	[smem:$0x3FB8] =	sst s10  }
0x38: {  	s10 =	sld [smem:$0x3FB9]  }
0x39: {  	_ = 	snop;
	(pc) =	sbr.ind lr, $3  }
0x3a: {  	_ = 	snop  }
0x3b: {  	_ = 	snop  }
0x3c: {  	p2 =	seq.s32 s10, $0x1;
	s10 =	sld [smem:$0x3FB8]  }
0x3d: {  	_ =	shalt  }
0x3e: {  	_ =	shalt  }
0x3f: {  	_ =	shalt  }
0x40: {  	_ =	shalt  }
0x41: {  	_ =	shalt  }
0x42: {  	_ =	shalt  }
0x43: {  	_ =	shalt  }
0x44: {  	_ =	shalt  }
0x45: {  	_ =	shalt  }
0x46: {  	_ =	shalt  }
0x47: {  	_ =	shalt  }
0x48: {  	_ =	shalt  }
0x49: {  	_ =	shalt  }
0x4a: {  	_ =	shalt  }
0x4b: {  	_ =	shalt  }
0x4c: {  	_ =	shalt  }
0x4d: {  	_ =	shalt  }
0x4e: {  	_ =	shalt  }
0x4f: {  	_ =	shalt  }
0x50: {  	_ =	shalt  }
0x51: {  	_ =	shalt  }
0x52: {  	_ =	shalt  }
0x53: {  	_ =	shalt  }
0x54: {  	_ =	shalt  }
0x55: {  	_ =	shalt  }
0x56: {  	_ =	shalt  }
0x57: {  	_ =	shalt  }
0x58: {  	_ =	shalt  }
0x59: {  	_ =	shalt  }
0x5a: {  	_ =	shalt  }
0x5b: {  	_ =	shalt  }
0x5c: {  	_ =	shalt  }
0x5d: {  	_ =	shalt  }
0x5e: {  	_ =	shalt  }
0x5f: {  	_ =	shalt  }
0x60: {  	_ =	shalt  }
0x61: {  	_ =	shalt  }
0x62: {  	_ =	shalt  }
0x63: {  	_ =	shalt  }
0x64: {  	_ =	shalt  }
0x65: {  	_ =	shalt  }
0x66: {  	_ =	shalt  }
0x67: {  	_ =	shalt  }
0x68: {  	_ =	shalt  }
0x69: {  	_ =	shalt  }
0x6a: {  	_ =	shalt  }
0x6b: {  	_ =	shalt  }
0x6c: {  	_ =	shalt  }
0x6d: {  	_ =	shalt  }
0x6e: {  	_ =	shalt  }
0x6f: {  	_ =	shalt  }
0x70: {  	_ =	shalt  }
0x71: {  	_ =	shalt  }
0x72: {  	_ =	shalt  }
0x73: {  	_ =	shalt  }
0x74: {  	_ =	shalt  }
0x75: {  	_ =	shalt  }
0x76: {  	_ =	shalt  }
0x77: {  	_ =	shalt  }
0x78: {  	_ =	shalt  }
0x79: {  	_ =	shalt  }
0x7a: {  	_ =	shalt  }
0x7b: {  	_ =	shalt  }
0x7c: {  	_ =	shalt  }
0x7d: {  	_ =	shalt  }
0x7e: {  	_ =	shalt  }
0x7f: {  	_ =	shalt  }
0x80: {  	_ =	shalt  }
0x81: {  	_ =	shalt  }
0x82: {  	_ =	shalt  }
0x83: {  	_ =	shalt  }
0x84: {  	_ =	shalt  }
0x85: {  	_ =	shalt  }
0x86: {  	_ =	shalt  }
0x87: {  	_ =	shalt  }
.Lfunc_end0:
.L_simem_size_0:
called_computation_lowered:
.L_overlay_start_0:
0x88: {  	s2 =	sld [smem:$0x3FD9]  }
0x89: {  	s3 =	sld [smem:$0x3FFE];
	_ =	sdelay $0x1  }
0x8a: {  	s1 =	srdreg.scid  }
0x8b: {  	s0 =	sand.u32 $0x1, s1  }
0x8c: {  	s17 =	sshll.u32 s0, $0xA;
	s2 =	sadd.s32 s3, s2  }
0x8d: {  	s2 =	sadd.s32 s2, s17  }
0x8e: {  	[smem:$0x3FC4] =	sst s2  }
0x8f: {  	_ = 	snop  }
0x90: {  	s2 =	sld [smem:$0x3FC9]  }
0x91: {  	s18 =	sld [smem:$0x3FC8]  }
0x92: {  	s4 =	sld [smem:$0x3FC7]  }
0x93: {  	s5 =	sld [smem:$0x3FC6];
	(tm) =	ssettm $0x1  }
0x94: {  	s6 =	sld [smem:$0x3FFB];
	_ =	sdelay $0x3  }
0x95: {  	_ =	strace s6  }
0x96: {  	s6 =	sld [smem:$0x3FFC];
	_ =	sdelay $0x3  }
0x97: {  	_ =	strace s6  }
0x98: {  	s6 =	sld [smem:$0x3FFD];
	_ =	sdelay $0x3  }
0x99: {  	_ =	strace s6  }
0x9a: {  	_ =	strace $0x8FFFFFFF  }
0x9b: {  	s19 =	sld [smem:$0x3FDB];
	_ =	sdelay $0x1  }
0x9c: {  	s7 =	simm.s32 $_scs_section_size  }
0x9d: {  	s8 =	simm.s32 $_size__tile_overlayer_lowered;
	s9 =	simm.s32 $_tile_overlayer_lowered  }
0x9e: {  	s22 =	simm.s32 $0x1BFF;
	s21 =	sshll.u32 s9, $0x1;
	s6 =	sadd.s32 s7, s19  }
0x9f: {  	s10 =	simm.s32 $0x0;
	s20 =	sshll.u32 s8, $0x1;
	s8 =	sadd.s32 s21, s6  }
0xa0: {  	[timem:s10], [sflag:s22] =	dma.local [hbm:s8], s20  }
0xa1: {  	_ =	swait.ge [sflag:s22], s20  }
0xa2: {  	s7 =	ssub.s32 $0x0, s20;
	[sflag:s22] =	ssyncset.done $0x0  }
0xa3: {  	[sflag:s22] =	ssyncadd.s32 s7;
	_ =	sdelay $0x1  }
0xa4: {  	s23 =	simm.s32 $0x1B8B  }
0xa5: {  	_ =	swait.ge [sflag:s23], $0x1  }
0xa6: {  	[sflag:s23] =	ssyncset.done $0x0  }
0xa7: {  	s25 =	simm.s32 $0x1B8E;
	s24 =	sld [smem:$0x3FFE];
	[sflag:s23] =	ssyncadd.s32 $0xFFFFFFFF  }
0xa8: {  	s26 =	simm.s32 $execute0_lowered;
	[smem:$0x3FD2] =	sst s25  }
0xa9: {  	s8 =	sshll.u32 s26, $0x1;
	_ =	strace $0x80000046;
	[dreg:$0x1] =	wrdreg $0xFFFFFFFF  }
0xaa: {  	s28 =	simm.s32 $_size_execute0_lowered;
	s6 =	sadd.s32 s6, s8;
	[dreg:$0x0] =	wrdreg $0x0  }
0xab: {  	s8 =	sshll.u32 s28, $0x1;
	[dreg:$0x2] =	wrdreg s6  }
0xac: {  	[dreg:$0x3] =	wrdreg s8  }
0xad: {  	[dreg:$0x4] =	wrdreg $0xC0  }
0xae: {  	_ =	task [dreg:s10], $0x5FFFF  }
0xaf: {  	[dreg:$0x1] =	wrdreg $0xFFFFFFFF  }
0xb0: {  	[dreg:$0x0] =	wrdreg $0x60  }
0xb1: {  	[dreg:$0x2] =	wrdreg s2  }
0xb2: {  	[dreg:$0x3] =	wrdreg s18  }
0xb3: {  	[dreg:$0x4] =	wrdreg s4  }
0xb4: {  	[dreg:$0x5] =	wrdreg s5  }
0xb5: {  	[dreg:$0x6] =	wrdreg s24  }
0xb6: {  	[dreg:$0x7] =	wrdreg $0x1E2000  }
0xb7: {  	[dreg:$0x8] =	wrdreg $0x9  }
0xb8: {  	_ =	task.clear_ibuf [dreg:s10], $0x9FFFF;
	_ =	strace $0x90000046  }
0xb9: {  	s29 =	simm.s32 $0x9;
	_ =	strace $0x80000048  }
0xba: {  	_ =	swait.ge [sflag:s29], $0x1  }
0xbb: {  	[sflag:s29] =	ssyncadd.s32 $0xFFFFFFFF  }
0xbc: {  	_ =	strace $0x90000048  }
0xbd: {  	_ =	sfence  }
0xbe: {  	s30 =	sld [smem:$0x0];
	_ =	sdelay $0x2  }
0xbf: {  	s31 =	sshll.u32 s1, $0xD;
	s1 =	sshrl.u32 s1, $0x2  }
0xc0: {  	s3 =	sand.u32 $0x4000, s31;
	s1 =	sadd.s32 s1, s30  }
0xc1: {  	s0 =	sor.u32 s3, s0;
	s1 =	sshll.u32 s1, $0x11  }
0xc2: {  	s0 =	sor.u32 s1, s0  }
0xc3: {  	s0 =	sadd.s32 $0x8F2B, s0  }
0xc4: {  	[sflag:s0] =	ssyncadd.remote.s32 $0x1  }
0xc5: {  	_ =	sfence.sel $0xFFFF  }
0xc6: {  	[dreg:$0x0] =	wrdreg $0xFFFFFFFF;
	(pc) =	sbr.abs _section_cstart, $3  }
0xc7: {  	[dreg:$0x1] =	wrdreg $0xFFFFFFFF  }
0xc8: {  	_ =	task.clear_ibuf [dreg:s10], $0x2FFFF;
	_ =	strace $0x9FFFFFFF  }
0xc9: {  	(tm) =	ssettm $0x7FFFFFFF  }
tec
execute0_lowered:
.L_overlay_start_1:
0x0: {  	(tag) =	ssettag $0x1  }
0x1: {  	s0 =	rddreg [dreg:$0x0]  }
0x2: {  	s2 =	rddreg [dreg:$0x1]  }
0x3: {  	s3 =	rddreg [dreg:$0x2]  }
0x4: {  	s5 =	rddreg [dreg:$0x3]  }
0x5: {  	s7 =	rddreg [dreg:$0x4]  }
0x6: {  	s4 =	rddreg [dreg:$0x5]  }
0x7: {  	s1 =	srdreg.scid;
	s6 =	simm.s32 $0x0;
	s15 =	stileid.u32  }
0x8: {  	s8 =	sand.u32 $0x1, s1;
	[smem:$0x7FF] =	sst s6;
	s10 =	smul.u32 $0x1870, s15  }
0x9: {  	s19 =	sshll.u32 s15, $0x1;
	s14 =	smul.u32 $0x61C0, s15;
	s26 =	sadd.s32 $0x2DD2, s5  }
0xa: {  	p0 =	seq.s32 s15, $0xF;
	s1 =	ssub.s32 $0x2, s8;
	_ =	strace $0x80000047  }
0xb: {  	[dreg:$0xf] =	wrdreg s26;
	s9 =	sshrl.u32 s1, $0x1;
	s11 =	sshrl.u32 s10, $0x3  }
0xc: {  	s12 =	sadd.s32 $0x640, s10;
	s13 =	sadd.s32 $0x12C0, s10;
	s11 =	sadd.s32 s5, s11  }
0xd: {  	s20 =	sshrl.u32 s12, $0x3;
	s12 =	sadd.s32 s12, s4;
	[dreg:$0x7] =	wrdreg s11  }
0xe: {  	s21 =	sadd.s32 $0xC80, s10;
	s25 =	sadd.s32 s13, s4;
	[dreg:$0xa] =	wrdreg s12  }
0xf: {  	s23 =	sshrl.u32 s13, $0x3;
	s13 =	sadd.s32 $0x2F62, s5;
	[dreg:$0xe] =	wrdreg s25  }
0x10: {  	s22 =	sshrl.u32 s21, $0x3;
	s11 =	sadd.s32 s5, s20;
	[dreg:$0x11] =	wrdreg s13  }
0x11: {  	s16 =	sadd.s32 s10, s4;
	s12 =	sadd.s32 s5, s22;
	[dreg:$0x9] =	wrdreg s11  }
0x12: {  	s1 =	ssub.s32 s1, s9;
	s24 =	sadd.s32 s5, s23;
	[dreg:$0xb] =	wrdreg s12  }
0x13: {  	s14 =	sshrl.u32 s14, $0x2;
	s1 =	smax.u32 s1, $0x1;
	[dreg:$0xd] =	wrdreg s24  }
0x14: {  	s9 =	sor.u32 s8, s19;
	s11 =	sadd.s32 s21, s4;
	[smem:$0x7F2] =	sst s1  }
0x15: {  	s8 =	smul.u32 $0x186A0, s8;
	s12 =	sadd.s32 $0x2E9A, s5;
	[dreg:$0xc] =	wrdreg s11  }
0x16: {  	s18 =	smul.u32 $0x61A8, s9;
	s5 =	sadd.s32 $0x302A, s5;
	[dreg:$0x10] =	wrdreg s12  }
0x17: {  	s17 =	smul.u32 $0x30D40, s9;
	s1 =	sadd.s32 $0x18150, s4;
	[dreg:$0x13] =	wrdreg s5  }
0x18: {  	s10 =	sadd.s32 s10, s8;
	s19 =	sadd.s32 s3, s18;
	[smem:$0x7FD] =	sst s1  }
0x19: {  	s8 =	sshrl.u32 s8, $0x3;
	s21 =	sadd.s32 s0, s18;
	[dreg:$0x15] =	wrdreg s19  }
0x1a: {  	s10 =	sshrl.u32 s10, $0x3;
	s11 =	sadd.s32 s14, s4;
	[dreg:$0x16] =	wrdreg s21  }
0x1b: {  	s12 =	smov.u32 s16;
	s13 =	sadd.s32 s7, s10;
	[dreg:$0x14] =	wrdreg s11  }
0x1c: {  	s7 =	sadd.s32 s7, s8;
	s8 =	sadd.s32 s2, s18;
	[dreg:$0x8] =	wrdreg s12  }
0x1d: {  	s5 =	sshrl.u32 s17, $0x3;
	s15 =	sadd.s32 $0x12C0, s11;
	[dreg:$0x17] =	wrdreg s8  }
0x1e: {  	s20 =	sadd.s32 $0xC8, s5;
	[smem:$0x7F5] =	sst s15  }
0x1f: {  	s22 =	sadd.s32 s3, s20;
	[dreg:$0x12] =	wrdreg s13  }
0x20: {  	s23 =	sadd.s32 s0, s20;
	[dreg:$0x18] =	wrdreg s22  }
0x21: {  	s25 =	sadd.s32 $0x190, s5;
	s24 =	sadd.s32 s2, s20;
	[dreg:$0x19] =	wrdreg s23  }
0x22: {  	s26 =	sadd.s32 s3, s25;
	[dreg:$0x1a] =	wrdreg s24  }
0x23: {  	s14 =	sadd.s32 s0, s25;
	[dreg:$0x1b] =	wrdreg s26  }
0x24: {  	s16 =	sadd.s32 $0x258, s5;
	s8 =	sadd.s32 s2, s25;
	[dreg:$0x1c] =	wrdreg s14  }
0x25: {  	s17 =	sadd.s32 s3, s16;
	[dreg:$0x1d] =	wrdreg s8  }
0x26: {  	s19 =	sadd.s32 s0, s16;
	[dreg:$0x1e] =	wrdreg s17  }
0x27: {  	s18 =	sadd.s32 $0x320, s5;
	s10 =	sadd.s32 s2, s16;
	[dreg:$0x1f] =	wrdreg s19  }
0x28: {  	s9 =	smul.u32 $0x7D, s9;
	s20 =	sadd.s32 s3, s18;
	[smem:$0x7DE] =	sst s10  }
0x29: {  	s21 =	sadd.s32 s0, s18;
	[smem:$0x7DF] =	sst s20  }
0x2a: {  	s16 =	sadd.s32 $0x3, s9;
	[smem:$0x7E0] =	sst s21  }
0x2b: {  	s8 =	sadd.s32 s2, s18;
	s22 =	sadd.s32 $0x4B0, s5;
	s24 =	sadd.s32 $0x3E8, s5  }
0x2c: {  	s17 =	sadd.s32 $0x2, s9;
	[smem:$0x7E1] =	sst s8;
	s23 =	sadd.s32 s3, s22  }
0x2d: {  	s19 =	sadd.s32 $0x4, s9;
	s8 =	sadd.s32 s0, s22;
	[smem:$0x7E2] =	sst s23  }
0x2e: {  	s21 =	sadd.s32 $0x5, s9;
	s25 =	sadd.s32 s3, s24;
	[smem:$0x7E3] =	sst s8  }
0x2f: {  	s10 =	sadd.s32 $0x6018, s5;
	s26 =	sadd.s32 s0, s24;
	[smem:$0x7E4] =	sst s25  }
0x30: {  	s22 =	sadd.s32 $0x6, s9;
	s14 =	sadd.s32 s3, s10;
	[smem:$0x7E5] =	sst s26  }
0x31: {  	s9 =	sadd.s32 s2, s5;
	s18 =	sadd.s32 s0, s10;
	[smem:$0x7E8] =	sst s14  }
0x32: {  	s5 =	sadd.s32 $0x60E0, s5;
	s8 =	sadd.s32 s2, s24;
	[smem:$0x7E9] =	sst s18  }
0x33: {  	s20 =	sadd.s32 s3, s5;
	[smem:$0x7E6] =	sst s8  }
0x34: {  	s23 =	sadd.s32 s0, s5;
	[smem:$0x7EB] =	sst s20  }
0x35: {  	s5 =	sadd.s32 s2, s5;
	[smem:$0x7EC] =	sst s23  }
0x36: {  	s24 =	sadd.s32 $0x2DD2, s7;
	[smem:$0x7ED] =	sst s5  }
0x37: {  	s25 =	sadd.s32 $0x2E9A, s7;
	[smem:$0x7EE] =	sst s24  }
0x38: {  	s26 =	sadd.s32 $0x2F62, s7;
	[smem:$0x7EF] =	sst s25  }
0x39: {  	s18 =	sadd.s32 $0x640, s12;
	[smem:$0x7F0] =	sst s26  }
0x3a: {  	s14 =	sadd.s32 $0x16E90, s4;
	[smem:$0x7F6] =	sst s18  }
0x3b: {  	s8 =	sadd.s32 $0x5F50, s9;
	[smem:$0x7FC] =	sst s14  }
0x3c: {  	s30 =	simm.s32 $0x1C800;
	s9 =	sadd.s32 $0x640, s11;
	[smem:$0x7E7] =	sst s8  }
0x3d: {  	s31 =	simm.s32 $0x1CE80;
	s20 =	sadd.s32 $0xC8, s13;
	[smem:$0x7F3] =	sst s9  }
0x3e: {  	s29 =	sadd.s32 $0x174D0, s4;
	s23 =	sadd.s32 $0xC80, s12;
	[smem:$0x7F7] =	sst s20  }
0x3f: {  	s28 =	sadd.s32 $0x17B10, s4;
	s24 =	sadd.s32 $0x190, s13;
	[smem:$0x7F8] =	sst s23  }
0x40: {  	s25 =	sadd.s32 $0x12C0, s12;
	s26 =	sadd.s32 $0x258, s13;
	[smem:$0x7F9] =	sst s24  }
0x41: {  	s5 =	simm.s32 $0x1A100;
	s18 =	simm.s32 $0x640;
	[smem:$0x7FA] =	sst s25  }
0x42: {  	s8 =	sadd.s32 s2, s10;
	s10 =	sadd.s32 $0xC80, s11;
	[smem:$0x7FB] =	sst s26  }
0x43: {  	s23 =	simm.s32 $0x1BB00;
	s24 =	simm.s32 $0x1C180;
	s25 =	simm.s32 $0x1  }
0x44: {  	s26 =	simm.s32 $0x2;
	s20 =	simm.s32 $0x1D500;
	[smem:$0x7EA] =	sst s8  }
0x45: {  	s11 =	simm.s32 $0x0;
	s8 =	sadd.s32 $0x302A, s7;
	[smem:$0x7F4] =	sst s10  }
0x46: {  	v0 =	vimm.f32 $0.0e+00;
	s10 =	simm.s32 $0x3;
	[smem:$0x7F1] =	sst s8;
	s8 =	simm.s32 $0x1DB80  }
.LBB2_1:
0x47: {  	[smem:$0x7DD] =	sst s11  }
0x48: {  	s7 =	simm.s32 @p0 $0x0;
	s9 =	simm.s32 @p0 $0x1D500;
	s11 =	rddreg [dreg:$0xf]  }
0x49: {  	[tilespmem:s9], [sflag:$0x4] =	stream.linear.gather @p0 [hbm4b:s11+s7], $0x640, $0x38;
	[tilespmem:$0x1FA70] =	vst v63  }
0x4a: {  	s11 =	simm.s32 @p0 $0x4  }
0x4b: {  	_ =	swait.ge @p0 [sflag:s11], $0x640  }
0x4c: {  	[sflag:s11] =	ssyncset.done @p0 $0x0  }
0x4d: {  	[sflag:s11] =	ssyncadd.s32 @p0 $0xFFFFF9C0  }
0x4e: {  	[spmem:s14] =	stream.linear.scatter @p0 [tilespmem:s9], [sflag:$0x4], $0x640, $0x38;
	[tilespmem:$0x1FA70] =	vst v63  }
0x4f: {  	_ =	swait.ge @p0 [sflag:s11], $0x640  }
0x50: {  	[sflag:s11] =	ssyncset.done @p0 $0x0  }
0x51: {  	s13 =	rddreg [dreg:$0x10];
	[sflag:s11] =	ssyncadd.s32 @p0 $0xFFFFF9C0  }
0x52: {  	[tilespmem:s9], [sflag:$0x4] =	stream.linear.gather @p0 [hbm4b:s13+s7], $0x640, $0x38;
	[tilespmem:$0x1FA70] =	vst v63  }
0x53: {  	_ =	swait.ge @p0 [sflag:s11], $0x640  }
0x54: {  	[sflag:s11] =	ssyncset.done @p0 $0x0  }
0x55: {  	[sflag:s11] =	ssyncadd.s32 @p0 $0xFFFFF9C0  }
0x56: {  	[spmem:s29] =	stream.linear.scatter @p0 [tilespmem:s9], [sflag:$0x4], $0x640, $0x38;
	[tilespmem:$0x1FA70] =	vst v63  }
0x57: {  	_ =	swait.ge @p0 [sflag:s11], $0x640  }
0x58: {  	[sflag:s11] =	ssyncset.done @p0 $0x0  }
0x59: {  	s13 =	rddreg [dreg:$0x11];
	[sflag:s11] =	ssyncadd.s32 @p0 $0xFFFFF9C0  }
0x5a: {  	[tilespmem:s9], [sflag:$0x4] =	stream.linear.gather @p0 [hbm4b:s13+s7], $0x640, $0x38;
	[tilespmem:$0x1FA70] =	vst v63  }
0x5b: {  	_ =	swait.ge @p0 [sflag:s11], $0x640  }
0x5c: {  	[sflag:s11] =	ssyncset.done @p0 $0x0  }
0x5d: {  	[sflag:s11] =	ssyncadd.s32 @p0 $0xFFFFF9C0  }
0x5e: {  	[spmem:s28] =	stream.linear.scatter @p0 [tilespmem:s9], [sflag:$0x4], $0x640, $0x38;
	[tilespmem:$0x1FA70] =	vst v63  }
0x5f: {  	_ =	swait.ge @p0 [sflag:s11], $0x640  }
0x60: {  	[sflag:s11] =	ssyncset.done @p0 $0x0  }
0x61: {  	s13 =	rddreg [dreg:$0x13];
	[sflag:s11] =	ssyncadd.s32 @p0 $0xFFFFF9C0  }
0x62: {  	[tilespmem:s9], [sflag:$0x4] =	stream.linear.gather @p0 [hbm4b:s13+s7], $0x550, $0x38;
	[tilespmem:$0x1FA70] =	vst v63  }
0x63: {  	_ =	swait.ge @p0 [sflag:s11], $0x550  }
0x64: {  	[sflag:s11] =	ssyncset.done @p0 $0x0  }
0x65: {  	[sflag:s11] =	ssyncadd.s32 @p0 $0xFFFFFAB0  }
0x66: {  	[spmem:s1] =	stream.linear.scatter @p0 [tilespmem:s9], [sflag:$0x4], $0x550, $0x38;
	[tilespmem:$0x1FA70] =	vst v63  }
0x67: {  	_ =	swait.ge @p0 [sflag:s11], $0x550  }
0x68: {  	s7 =	simm.s32 @!p0 $0x0;
	[sflag:s11] =	ssyncset.done @p0 $0x0  }
0x69: {  	s9 =	simm.s32 @!p0 $0x1D500;
	[sflag:s11] =	ssyncadd.s32 @p0 $0xFFFFFAB0;
	s11 =	rddreg [dreg:$0x7]  }
0x6a: {  	[tilespmem:s9], [sflag:$0x4] =	stream.linear.gather @!p0 [hbm4b:s11+s7], $0x640, $0x38;
	[tilespmem:$0x1FA70] =	vst v63  }
0x6b: {  	s11 =	simm.s32 @!p0 $0x4  }
0x6c: {  	_ =	swait.ge @!p0 [sflag:s11], $0x640  }
0x6d: {  	[sflag:s11] =	ssyncset.done @!p0 $0x0  }
0x6e: {  	[sflag:s11] =	ssyncadd.s32 @!p0 $0xFFFFF9C0  }
0x6f: {  	[spmem:s12] =	stream.linear.scatter @!p0 [tilespmem:s9], [sflag:$0x4], $0x640, $0x38;
	[tilespmem:$0x1FA70] =	vst v63  }
0x70: {  	_ =	swait.ge @!p0 [sflag:s11], $0x640  }
0x71: {  	[sflag:s11] =	ssyncset.done @!p0 $0x0  }
0x72: {  	s12 =	rddreg [dreg:$0x9];
	[sflag:s11] =	ssyncadd.s32 @!p0 $0xFFFFF9C0  }
0x73: {  	[tilespmem:s9], [sflag:$0x4] =	stream.linear.gather @!p0 [hbm4b:s12+s7], $0x640, $0x38;
	[tilespmem:$0x1FA70] =	vst v63  }
0x74: {  	_ =	swait.ge @!p0 [sflag:s11], $0x640  }
0x75: {  	[sflag:s11] =	ssyncset.done @!p0 $0x0  }
0x76: {  	s12 =	rddreg [dreg:$0xa];
	[sflag:s11] =	ssyncadd.s32 @!p0 $0xFFFFF9C0  }
0x77: {  	[spmem:s12] =	stream.linear.scatter @!p0 [tilespmem:s9], [sflag:$0x4], $0x640, $0x38;
	[tilespmem:$0x1FA70] =	vst v63  }
0x78: {  	_ =	swait.ge @!p0 [sflag:s11], $0x640  }
0x79: {  	[sflag:s11] =	ssyncset.done @!p0 $0x0  }
0x7a: {  	s12 =	rddreg [dreg:$0xb];
	[sflag:s11] =	ssyncadd.s32 @!p0 $0xFFFFF9C0  }
0x7b: {  	[tilespmem:s9], [sflag:$0x4] =	stream.linear.gather @!p0 [hbm4b:s12+s7], $0x640, $0x38;
	[tilespmem:$0x1FA70] =	vst v63  }
0x7c: {  	_ =	swait.ge @!p0 [sflag:s11], $0x640  }
0x7d: {  	[sflag:s11] =	ssyncset.done @!p0 $0x0  }
0x7e: {  	s12 =	rddreg [dreg:$0xc];
	[sflag:s11] =	ssyncadd.s32 @!p0 $0xFFFFF9C0  }
0x7f: {  	[spmem:s12] =	stream.linear.scatter @!p0 [tilespmem:s9], [sflag:$0x4], $0x640, $0x38;
	[tilespmem:$0x1FA70] =	vst v63  }
0x80: {  	_ =	swait.ge @!p0 [sflag:s11], $0x640  }
0x81: {  	[sflag:s11] =	ssyncset.done @!p0 $0x0  }
0x82: {  	s12 =	rddreg [dreg:$0xd];
	[sflag:s11] =	ssyncadd.s32 @!p0 $0xFFFFF9C0  }
0x83: {  	[tilespmem:s9], [sflag:$0x4] =	stream.linear.gather @!p0 [hbm4b:s12+s7], $0x5B0, $0x38;
	[tilespmem:$0x1FA70] =	vst v63  }
0x84: {  	_ =	swait.ge @!p0 [sflag:s11], $0x5B0  }
0x85: {  	[sflag:s11] =	ssyncset.done @!p0 $0x0  }
0x86: {  	s7 =	rddreg [dreg:$0xe];
	[sflag:s11] =	ssyncadd.s32 @!p0 $0xFFFFFA50  }
0x87: {  	[spmem:s7] =	stream.linear.scatter @!p0 [tilespmem:s9], [sflag:$0x4], $0x5B0, $0x38;
	[tilespmem:$0x1FA70] =	vst v63  }
0x88: {  	_ =	swait.ge @!p0 [sflag:s11], $0x5B0  }
0x89: {  	[sflag:s11] =	ssyncset.done @!p0 $0x0  }
0x8a: {  	[sflag:s11] =	ssyncadd.s32 @!p0 $0xFFFFFA50  }
0x8b: {  	s15 =	simm.s32 $0x4;
	[bflag:$0x0] =	sbarrier.arrive $0xFFFF  }
0x8c: {  	[tilespmem:s6], [sflag:$0x4] =	stream.linear.gather [spmem:s4], $0x18700, $0x38;
	[tilespmem:$0x1FA70] =	vst v63  }
0x8d: {  	_ =	swait.ge [sflag:s15], $0x18700  }
0x8e: {  	[sflag:s15] =	ssyncset.done $0x0  }
0x8f: {  	[sflag:s15] =	ssyncadd.s32 $0xFFFE7900  }
0x90: {  	s7 =	simm.s32 $0x40;
	s9 =	simm.s32 $0x0;
	[bflag:$0x0] =	sbarrier.arrive $0xFFFF  }
.LBB2_2:
0x91: {  	p1 =	sne.s32 s7, $0x18C0;
	[tilespmem:s9+$0x1D500] =	vst v0;
	s9 =	smov.u32 s7;
	s7 =	sadd.s32 $0x40, s7  }
.Ltmp0:
0x92: {  	(pc) =	sbr.rel @p1 .LBB2_2-.Ltmp0, $2  }
0x93: {  	_ =	sdelay $0x2  }
0x94: {  	s9 =	sshra.s32 s9, $0x2  }
0x95: {  	[tilespmem:s9+$0x1D500] =	vst v0;
	s7 =	simm.s32 @p0 $0x1D500;
	s9 =	simm.s32 @p0 $0x4  }
0x96: {  	[spmem:s14] =	stream.linear.scatter @p0 [tilespmem:s7], [sflag:$0x4], $0x640, $0x38;
	[tilespmem:$0x1FA70] =	vst v63  }
0x97: {  	_ =	swait.ge @p0 [sflag:s9], $0x640  }
0x98: {  	[sflag:s9] =	ssyncset.done @p0 $0x0  }
0x99: {  	[sflag:s9] =	ssyncadd.s32 @p0 $0xFFFFF9C0  }
0x9a: {  	[spmem:s29] =	stream.linear.scatter @p0 [tilespmem:s7], [sflag:$0x4], $0x640, $0x38;
	[tilespmem:$0x1FA70] =	vst v63  }
0x9b: {  	_ =	swait.ge @p0 [sflag:s9], $0x640  }
0x9c: {  	[sflag:s9] =	ssyncset.done @p0 $0x0  }
0x9d: {  	[sflag:s9] =	ssyncadd.s32 @p0 $0xFFFFF9C0  }
0x9e: {  	[spmem:s28] =	stream.linear.scatter @p0 [tilespmem:s7], [sflag:$0x4], $0x640, $0x38;
	[tilespmem:$0x1FA70] =	vst v63  }
0x9f: {  	_ =	swait.ge @p0 [sflag:s9], $0x640  }
0xa0: {  	[sflag:s9] =	ssyncset.done @p0 $0x0  }
0xa1: {  	[sflag:s9] =	ssyncadd.s32 @p0 $0xFFFFF9C0  }
0xa2: {  	[spmem:s1] =	stream.linear.scatter @p0 [tilespmem:s7], [sflag:$0x4], $0x550, $0x38;
	[tilespmem:$0x1FA70] =	vst v63  }
0xa3: {  	_ =	swait.ge @p0 [sflag:s9], $0x550  }
0xa4: {  	[sflag:s9] =	ssyncset.done @p0 $0x0  }
0xa5: {  	s7 =	simm.s32 @!p0 $0x1D500;
	[sflag:s9] =	ssyncadd.s32 @p0 $0xFFFFFAB0;
	s9 =	rddreg [dreg:$0x14]  }
0xa6: {  	[spmem:s9] =	stream.linear.scatter @!p0 [tilespmem:s7], [sflag:$0x4], $0x640, $0x38;
	[tilespmem:$0x1FA70] =	vst v63  }
0xa7: {  	s9 =	simm.s32 @!p0 $0x4  }
0xa8: {  	_ =	swait.ge @!p0 [sflag:s9], $0x640  }
0xa9: {  	s1 =	sld [smem:$0x7F3]  }
0xaa: {  	[sflag:s9] =	ssyncset.done @!p0 $0x0  }
0xab: {  	[sflag:s9] =	ssyncadd.s32 @!p0 $0xFFFFF9C0  }
0xac: {  	[spmem:s1] =	stream.linear.scatter @!p0 [tilespmem:s7], [sflag:$0x4], $0x640, $0x38;
	[tilespmem:$0x1FA70] =	vst v63  }
0xad: {  	_ =	swait.ge @!p0 [sflag:s9], $0x640  }
0xae: {  	s1 =	sld [smem:$0x7F4]  }
0xaf: {  	[sflag:s9] =	ssyncset.done @!p0 $0x0  }
0xb0: {  	[sflag:s9] =	ssyncadd.s32 @!p0 $0xFFFFF9C0  }
0xb1: {  	[spmem:s1] =	stream.linear.scatter @!p0 [tilespmem:s7], [sflag:$0x4], $0x640, $0x38;
	[tilespmem:$0x1FA70] =	vst v63  }
0xb2: {  	_ =	swait.ge @!p0 [sflag:s9], $0x640  }
0xb3: {  	s1 =	sld [smem:$0x7F5]  }
0xb4: {  	[sflag:s9] =	ssyncset.done @!p0 $0x0  }
0xb5: {  	[sflag:s9] =	ssyncadd.s32 @!p0 $0xFFFFF9C0  }
0xb6: {  	[spmem:s1] =	stream.linear.scatter @!p0 [tilespmem:s7], [sflag:$0x4], $0x5B0, $0x38;
	[tilespmem:$0x1FA70] =	vst v63  }
0xb7: {  	_ =	swait.ge @!p0 [sflag:s9], $0x5B0  }
0xb8: {  	[sflag:s9] =	ssyncset.done @!p0 $0x0  }
0xb9: {  	s12 =	simm.s32 $0x18700;
	s11 =	rddreg [dreg:$0x15];
	[sflag:s9] =	ssyncadd.s32 @!p0 $0xFFFFFA50  }
0xba: {  	[tilespmem:s12], [sflag:$0x1] =	stream.linear.gather [hbm4b:s11+s6], $0x640, $0x38;
	[tilespmem:$0x1FA70] =	vst v63  }
0xbb: {  	s13 =	rddreg [dreg:$0x16]  }
0xbc: {  	[tilespmem:s5], [sflag:$0x1] =	stream.linear.gather [hbm4b:s13+s6], $0x640, $0x38;
	[tilespmem:$0x1FA70] =	vst v63  }
0xbd: {  	s15 =	simm.s32 $0x18D80;
	s14 =	rddreg [dreg:$0x18]  }
0xbe: {  	[tilespmem:s15], [sflag:$0x1] =	stream.linear.gather [hbm4b:s14+s6], $0x640, $0x38;
	[tilespmem:$0x1FA70] =	vst v63  }
0xbf: {  	s1 =	rddreg [dreg:$0x19];
	s9 =	simm.s32 $0x1A780  }
0xc0: {  	[tilespmem:s9], [sflag:$0x1] =	stream.linear.gather [hbm4b:s1+s6], $0x640, $0x38;
	[tilespmem:$0x1FA70] =	vst v63  }
0xc1: {  	s11 =	rddreg [dreg:$0x1b];
	s12 =	simm.s32 $0x19400  }
0xc2: {  	[tilespmem:s12], [sflag:$0x1] =	stream.linear.gather [hbm4b:s11+s6], $0x640, $0x38;
	[tilespmem:$0x1FA70] =	vst v63  }
0xc3: {  	s13 =	rddreg [dreg:$0x1c];
	s14 =	simm.s32 $0x1AE00  }
0xc4: {  	[tilespmem:s14], [sflag:$0x1] =	stream.linear.gather [hbm4b:s13+s6], $0x640, $0x38;
	[tilespmem:$0x1FA70] =	vst v63  }
0xc5: {  	s15 =	rddreg [dreg:$0x17]  }
0xc6: {  	[tilespmem:s23], [sflag:$0x2] =	stream.linear.gather [hbm4b:s15+s6], $0x640, $0x38;
	[tilespmem:$0x1FA70] =	vst v63  }
0xc7: {  	s1 =	rddreg [dreg:$0x1a]  }
0xc8: {  	[tilespmem:s24], [sflag:$0x2] =	stream.linear.gather [hbm4b:s1+s6], $0x640, $0x38;
	[tilespmem:$0x1FA70] =	vst v63  }
0xc9: {  	[bflag:$0x0] =	sbarrier.arrive $0xFFFF  }
0xca: {  	_ =	swait.ge [sflag:s25], $0xC80  }
0xcb: {  	[sflag:s25] =	ssyncset.done $0x0  }
0xcc: {  	[sflag:s25] =	ssyncadd.s32 $0xFFFFF380  }
0xcd: {  	_ =	swait.ge [sflag:s26], $0x640  }
0xce: {  	[sflag:s26] =	ssyncset.done $0x0  }
0xcf: {  	s11 =	simm.s32 $0x19A80;
	s9 =	rddreg [dreg:$0x1e];
	[sflag:s26] =	ssyncadd.s32 $0xFFFFF9C0  }
0xd0: {  	[tilespmem:s11], [sflag:$0x1] =	stream.linear.gather [hbm4b:s9+s6], $0x640, $0x38;
	[tilespmem:$0x1FA70] =	vst v63  }
0xd1: {  	s13 =	simm.s32 $0x1B480;
	s12 =	rddreg [dreg:$0x1f]  }
0xd2: {  	[tilespmem:s13], [sflag:$0x1] =	stream.linear.gather [hbm4b:s12+s6], $0x640, $0x38;
	[tilespmem:$0x1FA70] =	vst v63  }
0xd3: {  	s15 =	simm.s32 $0x18740;
	s14 =	rddreg [dreg:$0x1d]  }
0xd4: {  	[tilespmem:s30], [sflag:$0x2] =	stream.linear.gather [hbm4b:s14+s6], $0x640, $0x38;
	[tilespmem:$0x1FA70] =	vst v63  }
0xd5: {  	v1 =	vld [tilespmem:s15+$0x30]  }
0xd6: {  	v2 =	vld [tilespmem:s15+$0xFFFFFFD0]  }
0xd7: {  	v3 =	vld [tilespmem:s15+$0xFFFFFFE0]  }
0xd8: {  	v4 =	vld [tilespmem:s15+$0xFFFFFFF0]  }
0xd9: {  	v6 =	vld [tilespmem:s15+$0x0]  }
0xda: {  	v7 =	vld [tilespmem:s15+$0x10]  }
0xdb: {  	v8 =	vld [tilespmem:s15+$0x20]  }
0xdc: {  	s11 =	simm.s32 $0x1A140;
	v9 =	vld [tilespmem:s15+$0xFFFFFFC0]  }
0xdd: {  	v12 =	vld [tilespmem:s11+$0x30]  }
0xde: {  	v15 =	vld [tilespmem:s11+$0xFFFFFFD0]  }
0xdf: {  	s7 =	simm.s32 $0x0;
	v10 =	vld [tilespmem:s11+$0xFFFFFFE0]  }
0xe0: {  	v11 =	vld.idx.msk [tilespmem:v1+s7+$0x0], $0xffff  }
0xe1: {  	v13 =	vld.idx.msk [tilespmem:v2+s7+$0x0], $0xffff  }
0xe2: {  	v5 =	vld.idx.msk [tilespmem:v3+s7+$0x0], $0xffff  }
0xe3: {  	v4 =	vld.idx.msk [tilespmem:v4+s7+$0x0], $0xffff  }
0xe4: {  	v14 =	vld.idx.msk [tilespmem:v9+s7+$0x0], $0xffff  }
0xe5: {  	v2 =	vld.idx.msk [tilespmem:v8+s7+$0x0], $0xffff  }
0xe6: {  	v8 =	vld [tilespmem:s11+$0xFFFFFFC0]  }
0xe7: {  	v3 =	vld.idx.msk [tilespmem:v6+s7+$0x0], $0xffff  }
0xe8: {  	v1 =	vld.idx.msk [tilespmem:v7+s7+$0x0], $0xffff  }
0xe9: {  	v9 =	vld [tilespmem:s11+$0xFFFFFFF0]  }
0xea: {  	v7 =	vld [tilespmem:s11+$0x0];
	v11 =	vmul.f32 v12, v11  }
0xeb: {  	s9 =	simm.s32 $0x1D540;
	v6 =	vld [tilespmem:s11+$0x10];
	v12 =	vmul.f32 v8, v14  }
0xec: {  	s12 =	simm.s32 $0x0;
	s13 =	simm.s32 $0x187C0;
	v8 =	vld [tilespmem:s11+$0x20];
	[tilespmem:s9+$0x30] =	vst v11;
	v11 =	vmul.f32 v15, v13  }
.LBB2_4:
0xed: {  	v13 =	vld [tilespmem:s13+$0x30];
	s12 =	sadd.s32 $0x8, s12;
	[tilespmem:s9+$0xFFFFFFC0] =	vst v12;
	v5 =	vmul.f32 v10, v5  }
0xee: {  	v10 =	vld [tilespmem:s13+$0xFFFFFFD0];
	p1 =	slt.u32 s12, $0x58;
	[tilespmem:s9+$0xFFFFFFD0] =	vst v11;
	v4 =	vmul.f32 v9, v4  }
0xef: {  	v9 =	vld [tilespmem:s13+$0xFFFFFFE0];
	[tilespmem:s9+$0xFFFFFFE0] =	vst v5;
	v3 =	vmul.f32 v7, v3  }
0xf0: {  	v7 =	vld [tilespmem:s13+$0xFFFFFFF0];
	[tilespmem:s9+$0xFFFFFFF0] =	vst v4;
	v1 =	vmul.f32 v6, v1  }
0xf1: {  	v6 =	vld [tilespmem:s13+$0x0];
	[tilespmem:s9+$0x0] =	vst v3;
	v2 =	vmul.f32 v8, v2  }
0xf2: {  	v8 =	vld [tilespmem:s13+$0x10];
	[tilespmem:s9+$0x10] =	vst v1  }
0xf3: {  	v11 =	vld [tilespmem:s13+$0x20];
	[tilespmem:s9+$0x20] =	vst v2  }
0xf4: {  	v2 =	vld [tilespmem:s13+$0xFFFFFFC0]  }
0xf5: {  	s11 =	sadd.s32 $0x80, s11;
	v12 =	vld.idx.msk [tilespmem:v13+s7+$0x0], $0xffff  }
0xf6: {  	v13 =	vld [tilespmem:s11+$0x30]  }
0xf7: {  	v14 =	vld.idx.msk [tilespmem:v10+s7+$0x0], $0xffff  }
0xf8: {  	v5 =	vld.idx.msk [tilespmem:v9+s7+$0x0], $0xffff  }
0xf9: {  	v4 =	vld.idx.msk [tilespmem:v7+s7+$0x0], $0xffff  }
0xfa: {  	v3 =	vld.idx.msk [tilespmem:v6+s7+$0x0], $0xffff  }
0xfb: {  	v1 =	vld.idx.msk [tilespmem:v8+s7+$0x0], $0xffff;
	v6 =	vmul.f32 v13, v12  }
0xfc: {  	s9 =	sadd.s32 $0x80, s9;
	v8 =	vld.idx.msk [tilespmem:v2+s7+$0x0], $0xffff  }
0xfd: {  	v2 =	vld.idx.msk [tilespmem:v11+s7+$0x0], $0xffff;
	[tilespmem:s9+$0x30] =	vst v6  }
0xfe: {  	v6 =	vld [tilespmem:s11+$0xFFFFFFC0]  }
0xff: {  	v11 =	vld [tilespmem:s11+$0xFFFFFFD0]  }
.Ltmp1:
0x100: {  	v10 =	vld [tilespmem:s11+$0xFFFFFFE0];
	(pc) =	sbr.rel @p1 .LBB2_4-.Ltmp1, $4  }
0x101: {  	v9 =	vld [tilespmem:s11+$0xFFFFFFF0]  }
0x102: {  	v7 =	vld [tilespmem:s11+$0x0]  }
0x103: {  	v12 =	vmul.f32 v6, v8;
	v6 =	vld [tilespmem:s11+$0x10]  }
0x104: {  	s13 =	sadd.s32 $0x80, s13;
	v11 =	vmul.f32 v11, v14;
	v8 =	vld [tilespmem:s11+$0x20]  }
0x105: {  	[tilespmem:s9+$0xFFFFFFC0] =	vst v12;
	v5 =	vmul.f32 v10, v5  }
0x106: {  	[tilespmem:s9+$0xFFFFFFD0] =	vst v11;
	v4 =	vmul.f32 v9, v4  }
0x107: {  	[tilespmem:s9+$0xFFFFFFE0] =	vst v5;
	v3 =	vmul.f32 v7, v3  }
0x108: {  	[tilespmem:s9+$0xFFFFFFF0] =	vst v4;
	v1 =	vmul.f32 v6, v1  }
0x109: {  	[tilespmem:s9+$0x0] =	vst v3;
	v2 =	vmul.f32 v8, v2  }
0x10a: {  	[tilespmem:s9+$0x10] =	vst v1  }
0x10b: {  	[tilespmem:s9+$0x20] =	vst v2  }
.LBB2_6:
0x10c: {  	s9 =	sshra.s32 s7, $0x2  }
0x10d: {  	v1 =	vld [tilespmem:s9+$0x18D00];
	_ =	sdelay $0x6  }
0x10e: {  	v2 =	vld [tilespmem:s9+$0x1A700]  }
0x10f: {  	v1 =	vld.idx.msk [tilespmem:v1+s6+$0x0], $0xffff;
	_ =	sdelay $0x1  }
0x110: {  	p1 =	sne.s32 s7, $0xC0  }
.Ltmp2:
0x111: {  	_ = 	snop;
	(pc) =	sbr.rel @p1 .LBB2_6-.Ltmp2, $3  }
0x112: {  	_ = 	snop  }
0x113: {  	v1 =	vmul.f32 v2, v1;
	_ =	sdelay $0x1  }
0x114: {  	s7 =	sadd.s32 $0x40, s7;
	[tilespmem:s9+$0x1DB00] =	vst v1  }
0x115: {  	[spmem:s4] =	stream.indirect.scatter.add.f32 [tilespmem:s20], [sflag:$0x3], $0x1, s23, s18, $0xb8;
	[tilespmem:$0x1FA70] =	vst v63  }
0x116: {  	_ =	swait.ge [sflag:s25], $0xC80  }
0x117: {  	[sflag:s25] =	ssyncset.done $0x0  }
0x118: {  	[sflag:s25] =	ssyncadd.s32 $0xFFFFF380  }
0x119: {  	_ =	swait.ge [sflag:s26], $0x640  }
0x11a: {  	s7 =	sld [smem:$0x7DF]  }
0x11b: {  	[sflag:s26] =	ssyncset.done $0x0  }
0x11c: {  	s1 =	simm.s32 $0x18700;
	s13 =	sld [smem:$0x7E0];
	[sflag:s26] =	ssyncadd.s32 $0xFFFFF9C0  }
0x11d: {  	[tilespmem:s1], [sflag:$0x1] =	stream.linear.gather [hbm4b:s7+s6], $0x640, $0x38;
	[tilespmem:$0x1FA70] =	vst v63  }
0x11e: {  	s14 =	sld [smem:$0x7DE]  }
0x11f: {  	[tilespmem:s5], [sflag:$0x1] =	stream.linear.gather [hbm4b:s13+s6], $0x640, $0x38;
	[tilespmem:$0x1FA70] =	vst v63  }
0x120: {  	s15 =	simm.s32 $0x18DC0  }
0x121: {  	[tilespmem:s31], [sflag:$0x2] =	stream.linear.gather [hbm4b:s14+s6], $0x640, $0x38;
	[tilespmem:$0x1FA70] =	vst v63  }
0x122: {  	v1 =	vld [tilespmem:s15+$0x30]  }
0x123: {  	v2 =	vld [tilespmem:s15+$0xFFFFFFD0]  }
0x124: {  	v3 =	vld [tilespmem:s15+$0xFFFFFFE0]  }
0x125: {  	v4 =	vld [tilespmem:s15+$0xFFFFFFF0]  }
0x126: {  	v6 =	vld [tilespmem:s15+$0x0]  }
0x127: {  	v7 =	vld [tilespmem:s15+$0x10]  }
0x128: {  	v8 =	vld [tilespmem:s15+$0x20]  }
0x129: {  	s11 =	simm.s32 $0x1A7C0;
	v9 =	vld [tilespmem:s15+$0xFFFFFFC0]  }
0x12a: {  	v12 =	vld [tilespmem:s11+$0x30]  }
0x12b: {  	v15 =	vld [tilespmem:s11+$0xFFFFFFD0]  }
0x12c: {  	s7 =	simm.s32 $0x0;
	v10 =	vld [tilespmem:s11+$0xFFFFFFE0]  }
0x12d: {  	v11 =	vld.idx.msk [tilespmem:v1+s7+$0x0], $0xffff  }
0x12e: {  	v13 =	vld.idx.msk [tilespmem:v2+s7+$0x0], $0xffff  }
0x12f: {  	v5 =	vld.idx.msk [tilespmem:v3+s7+$0x0], $0xffff  }
0x130: {  	v4 =	vld.idx.msk [tilespmem:v4+s7+$0x0], $0xffff  }
0x131: {  	v14 =	vld.idx.msk [tilespmem:v9+s7+$0x0], $0xffff  }
0x132: {  	v2 =	vld.idx.msk [tilespmem:v8+s7+$0x0], $0xffff  }
0x133: {  	v8 =	vld [tilespmem:s11+$0xFFFFFFC0]  }
0x134: {  	v3 =	vld.idx.msk [tilespmem:v6+s7+$0x0], $0xffff  }
0x135: {  	v1 =	vld.idx.msk [tilespmem:v7+s7+$0x0], $0xffff  }
0x136: {  	v9 =	vld [tilespmem:s11+$0xFFFFFFF0]  }
0x137: {  	v7 =	vld [tilespmem:s11+$0x0];
	v11 =	vmul.f32 v12, v11  }
0x138: {  	s9 =	simm.s32 $0x1DBC0;
	v6 =	vld [tilespmem:s11+$0x10];
	v12 =	vmul.f32 v8, v14  }
0x139: {  	s12 =	simm.s32 $0x0;
	s13 =	simm.s32 $0x18E40;
	v8 =	vld [tilespmem:s11+$0x20];
	[tilespmem:s9+$0x30] =	vst v11;
	v11 =	vmul.f32 v15, v13  }
.LBB2_8:
0x13a: {  	v13 =	vld [tilespmem:s13+$0x30];
	s12 =	sadd.s32 $0x8, s12;
	[tilespmem:s9+$0xFFFFFFC0] =	vst v12;
	v5 =	vmul.f32 v10, v5  }
0x13b: {  	v10 =	vld [tilespmem:s13+$0xFFFFFFD0];
	p1 =	slt.u32 s12, $0x58;
	[tilespmem:s9+$0xFFFFFFD0] =	vst v11;
	v4 =	vmul.f32 v9, v4  }
0x13c: {  	v9 =	vld [tilespmem:s13+$0xFFFFFFE0];
	[tilespmem:s9+$0xFFFFFFE0] =	vst v5;
	v3 =	vmul.f32 v7, v3  }
0x13d: {  	v7 =	vld [tilespmem:s13+$0xFFFFFFF0];
	[tilespmem:s9+$0xFFFFFFF0] =	vst v4;
	v1 =	vmul.f32 v6, v1  }
0x13e: {  	v6 =	vld [tilespmem:s13+$0x0];
	[tilespmem:s9+$0x0] =	vst v3;
	v2 =	vmul.f32 v8, v2  }
0x13f: {  	v8 =	vld [tilespmem:s13+$0x10];
	[tilespmem:s9+$0x10] =	vst v1  }
0x140: {  	v11 =	vld [tilespmem:s13+$0x20];
	[tilespmem:s9+$0x20] =	vst v2  }
0x141: {  	v2 =	vld [tilespmem:s13+$0xFFFFFFC0]  }
0x142: {  	s11 =	sadd.s32 $0x80, s11;
	v12 =	vld.idx.msk [tilespmem:v13+s7+$0x0], $0xffff  }
0x143: {  	v13 =	vld [tilespmem:s11+$0x30]  }
0x144: {  	v14 =	vld.idx.msk [tilespmem:v10+s7+$0x0], $0xffff  }
0x145: {  	v5 =	vld.idx.msk [tilespmem:v9+s7+$0x0], $0xffff  }
0x146: {  	v4 =	vld.idx.msk [tilespmem:v7+s7+$0x0], $0xffff  }
0x147: {  	v3 =	vld.idx.msk [tilespmem:v6+s7+$0x0], $0xffff  }
0x148: {  	v1 =	vld.idx.msk [tilespmem:v8+s7+$0x0], $0xffff;
	v6 =	vmul.f32 v13, v12  }
0x149: {  	s9 =	sadd.s32 $0x80, s9;
	v8 =	vld.idx.msk [tilespmem:v2+s7+$0x0], $0xffff  }
0x14a: {  	v2 =	vld.idx.msk [tilespmem:v11+s7+$0x0], $0xffff;
	[tilespmem:s9+$0x30] =	vst v6  }
0x14b: {  	v6 =	vld [tilespmem:s11+$0xFFFFFFC0]  }
0x14c: {  	v11 =	vld [tilespmem:s11+$0xFFFFFFD0]  }
.Ltmp3:
0x14d: {  	v10 =	vld [tilespmem:s11+$0xFFFFFFE0];
	(pc) =	sbr.rel @p1 .LBB2_8-.Ltmp3, $4  }
0x14e: {  	v9 =	vld [tilespmem:s11+$0xFFFFFFF0]  }
0x14f: {  	v7 =	vld [tilespmem:s11+$0x0]  }
0x150: {  	v12 =	vmul.f32 v6, v8;
	v6 =	vld [tilespmem:s11+$0x10]  }
0x151: {  	s13 =	sadd.s32 $0x80, s13;
	v11 =	vmul.f32 v11, v14;
	v8 =	vld [tilespmem:s11+$0x20]  }
0x152: {  	[tilespmem:s9+$0xFFFFFFC0] =	vst v12;
	v5 =	vmul.f32 v10, v5  }
0x153: {  	[tilespmem:s9+$0xFFFFFFD0] =	vst v11;
	v4 =	vmul.f32 v9, v4  }
0x154: {  	[tilespmem:s9+$0xFFFFFFE0] =	vst v5;
	v3 =	vmul.f32 v7, v3  }
0x155: {  	[tilespmem:s9+$0xFFFFFFF0] =	vst v4;
	v1 =	vmul.f32 v6, v1  }
0x156: {  	[tilespmem:s9+$0x0] =	vst v3;
	v2 =	vmul.f32 v8, v2  }
0x157: {  	[tilespmem:s9+$0x10] =	vst v1  }
0x158: {  	[tilespmem:s9+$0x20] =	vst v2  }
.LBB2_10:
0x159: {  	s9 =	sshra.s32 s7, $0x2  }
0x15a: {  	v1 =	vld [tilespmem:s9+$0x19380];
	_ =	sdelay $0x6  }
0x15b: {  	v2 =	vld [tilespmem:s9+$0x1AD80]  }
0x15c: {  	v1 =	vld.idx.msk [tilespmem:v1+s6+$0x0], $0xffff;
	_ =	sdelay $0x1  }
0x15d: {  	p1 =	sne.s32 s7, $0xC0  }
.Ltmp4:
0x15e: {  	_ = 	snop;
	(pc) =	sbr.rel @p1 .LBB2_10-.Ltmp4, $3  }
0x15f: {  	_ = 	snop  }
0x160: {  	v1 =	vmul.f32 v2, v1;
	_ =	sdelay $0x1  }
0x161: {  	s7 =	sadd.s32 $0x40, s7;
	[tilespmem:s9+$0x1E180] =	vst v1  }
0x162: {  	[spmem:s4] =	stream.indirect.scatter.add.f32 [tilespmem:s8], [sflag:$0x3], $0x1, s24, s18, $0xb8;
	[tilespmem:$0x1FA70] =	vst v63  }
0x163: {  	_ =	swait.ge [sflag:s25], $0xC80  }
0x164: {  	[sflag:s25] =	ssyncset.done $0x0  }
0x165: {  	[sflag:s25] =	ssyncadd.s32 $0xFFFFF380  }
0x166: {  	_ =	swait.ge [sflag:s26], $0x640  }
0x167: {  	[sflag:s26] =	ssyncset.done $0x0  }
0x168: {  	[sflag:s26] =	ssyncadd.s32 $0xFFFFF9C0  }
0x169: {  	_ =	swait.ge [sflag:s10], $0x640  }
0x16a: {  	s7 =	sld [smem:$0x7E4]  }
0x16b: {  	[sflag:s10] =	ssyncset.done $0x0  }
0x16c: {  	s1 =	simm.s32 $0x18D80;
	s12 =	sld [smem:$0x7E5];
	[sflag:s10] =	ssyncadd.s32 $0xFFFFF9C0  }
0x16d: {  	[tilespmem:s1], [sflag:$0x1] =	stream.linear.gather [hbm4b:s7+s6], $0x640, $0x38;
	[tilespmem:$0x1FA70] =	vst v63  }
0x16e: {  	s13 =	simm.s32 $0x1A780;
	s14 =	sld [smem:$0x7E1]  }
0x16f: {  	[tilespmem:s13], [sflag:$0x1] =	stream.linear.gather [hbm4b:s12+s6], $0x640, $0x38;
	[tilespmem:$0x1FA70] =	vst v63  }
0x170: {  	s15 =	simm.s32 $0x19440  }
0x171: {  	[tilespmem:s23], [sflag:$0x2] =	stream.linear.gather [hbm4b:s14+s6], $0x640, $0x38;
	[tilespmem:$0x1FA70] =	vst v63  }
0x172: {  	v1 =	vld [tilespmem:s15+$0x30]  }
0x173: {  	v2 =	vld [tilespmem:s15+$0xFFFFFFD0]  }
0x174: {  	v3 =	vld [tilespmem:s15+$0xFFFFFFE0]  }
0x175: {  	v4 =	vld [tilespmem:s15+$0xFFFFFFF0]  }
0x176: {  	v6 =	vld [tilespmem:s15+$0x0]  }
0x177: {  	v7 =	vld [tilespmem:s15+$0x10]  }
0x178: {  	v8 =	vld [tilespmem:s15+$0x20]  }
0x179: {  	s11 =	simm.s32 $0x1AE40;
	v9 =	vld [tilespmem:s15+$0xFFFFFFC0]  }
0x17a: {  	v12 =	vld [tilespmem:s11+$0x30]  }
0x17b: {  	v15 =	vld [tilespmem:s11+$0xFFFFFFD0]  }
0x17c: {  	s7 =	simm.s32 $0x0;
	v10 =	vld [tilespmem:s11+$0xFFFFFFE0]  }
0x17d: {  	v11 =	vld.idx.msk [tilespmem:v1+s7+$0x0], $0xffff  }
0x17e: {  	v13 =	vld.idx.msk [tilespmem:v2+s7+$0x0], $0xffff  }
0x17f: {  	v5 =	vld.idx.msk [tilespmem:v3+s7+$0x0], $0xffff  }
0x180: {  	v4 =	vld.idx.msk [tilespmem:v4+s7+$0x0], $0xffff  }
0x181: {  	v14 =	vld.idx.msk [tilespmem:v9+s7+$0x0], $0xffff  }
0x182: {  	v2 =	vld.idx.msk [tilespmem:v8+s7+$0x0], $0xffff  }
0x183: {  	v8 =	vld [tilespmem:s11+$0xFFFFFFC0]  }
0x184: {  	v3 =	vld.idx.msk [tilespmem:v6+s7+$0x0], $0xffff  }
0x185: {  	v1 =	vld.idx.msk [tilespmem:v7+s7+$0x0], $0xffff  }
0x186: {  	v9 =	vld [tilespmem:s11+$0xFFFFFFF0]  }
0x187: {  	v7 =	vld [tilespmem:s11+$0x0];
	v11 =	vmul.f32 v12, v11  }
0x188: {  	s9 =	simm.s32 $0x1D540;
	v6 =	vld [tilespmem:s11+$0x10];
	v12 =	vmul.f32 v8, v14  }
0x189: {  	s12 =	simm.s32 $0x0;
	s13 =	simm.s32 $0x194C0;
	v8 =	vld [tilespmem:s11+$0x20];
	[tilespmem:s9+$0x30] =	vst v11;
	v11 =	vmul.f32 v15, v13  }
.LBB2_12:
0x18a: {  	v13 =	vld [tilespmem:s13+$0x30];
	s12 =	sadd.s32 $0x8, s12;
	[tilespmem:s9+$0xFFFFFFC0] =	vst v12;
	v5 =	vmul.f32 v10, v5  }
0x18b: {  	v10 =	vld [tilespmem:s13+$0xFFFFFFD0];
	p1 =	slt.u32 s12, $0x58;
	[tilespmem:s9+$0xFFFFFFD0] =	vst v11;
	v4 =	vmul.f32 v9, v4  }
0x18c: {  	v9 =	vld [tilespmem:s13+$0xFFFFFFE0];
	[tilespmem:s9+$0xFFFFFFE0] =	vst v5;
	v3 =	vmul.f32 v7, v3  }
0x18d: {  	v7 =	vld [tilespmem:s13+$0xFFFFFFF0];
	[tilespmem:s9+$0xFFFFFFF0] =	vst v4;
	v1 =	vmul.f32 v6, v1  }
0x18e: {  	v6 =	vld [tilespmem:s13+$0x0];
	[tilespmem:s9+$0x0] =	vst v3;
	v2 =	vmul.f32 v8, v2  }
0x18f: {  	v8 =	vld [tilespmem:s13+$0x10];
	[tilespmem:s9+$0x10] =	vst v1  }
0x190: {  	v11 =	vld [tilespmem:s13+$0x20];
	[tilespmem:s9+$0x20] =	vst v2  }
0x191: {  	v2 =	vld [tilespmem:s13+$0xFFFFFFC0]  }
0x192: {  	s11 =	sadd.s32 $0x80, s11;
	v12 =	vld.idx.msk [tilespmem:v13+s7+$0x0], $0xffff  }
0x193: {  	v13 =	vld [tilespmem:s11+$0x30]  }
0x194: {  	v14 =	vld.idx.msk [tilespmem:v10+s7+$0x0], $0xffff  }
0x195: {  	v5 =	vld.idx.msk [tilespmem:v9+s7+$0x0], $0xffff  }
0x196: {  	v4 =	vld.idx.msk [tilespmem:v7+s7+$0x0], $0xffff  }
0x197: {  	v3 =	vld.idx.msk [tilespmem:v6+s7+$0x0], $0xffff  }
0x198: {  	v1 =	vld.idx.msk [tilespmem:v8+s7+$0x0], $0xffff;
	v6 =	vmul.f32 v13, v12  }
0x199: {  	s9 =	sadd.s32 $0x80, s9;
	v8 =	vld.idx.msk [tilespmem:v2+s7+$0x0], $0xffff  }
0x19a: {  	v2 =	vld.idx.msk [tilespmem:v11+s7+$0x0], $0xffff;
	[tilespmem:s9+$0x30] =	vst v6  }
0x19b: {  	v6 =	vld [tilespmem:s11+$0xFFFFFFC0]  }
0x19c: {  	v11 =	vld [tilespmem:s11+$0xFFFFFFD0]  }
.Ltmp5:
0x19d: {  	v10 =	vld [tilespmem:s11+$0xFFFFFFE0];
	(pc) =	sbr.rel @p1 .LBB2_12-.Ltmp5, $4  }
0x19e: {  	v9 =	vld [tilespmem:s11+$0xFFFFFFF0]  }
0x19f: {  	v7 =	vld [tilespmem:s11+$0x0]  }
0x1a0: {  	v12 =	vmul.f32 v6, v8;
	v6 =	vld [tilespmem:s11+$0x10]  }
0x1a1: {  	s13 =	sadd.s32 $0x80, s13;
	v11 =	vmul.f32 v11, v14;
	v8 =	vld [tilespmem:s11+$0x20]  }
0x1a2: {  	[tilespmem:s9+$0xFFFFFFC0] =	vst v12;
	v5 =	vmul.f32 v10, v5  }
0x1a3: {  	[tilespmem:s9+$0xFFFFFFD0] =	vst v11;
	v4 =	vmul.f32 v9, v4  }
0x1a4: {  	[tilespmem:s9+$0xFFFFFFE0] =	vst v5;
	v3 =	vmul.f32 v7, v3  }
0x1a5: {  	[tilespmem:s9+$0xFFFFFFF0] =	vst v4;
	v1 =	vmul.f32 v6, v1  }
0x1a6: {  	[tilespmem:s9+$0x0] =	vst v3;
	v2 =	vmul.f32 v8, v2  }
0x1a7: {  	[tilespmem:s9+$0x10] =	vst v1  }
0x1a8: {  	[tilespmem:s9+$0x20] =	vst v2  }
.LBB2_14:
0x1a9: {  	s9 =	sshra.s32 s7, $0x2  }
0x1aa: {  	v1 =	vld [tilespmem:s9+$0x19A00];
	_ =	sdelay $0x6  }
0x1ab: {  	v2 =	vld [tilespmem:s9+$0x1B400]  }
0x1ac: {  	v1 =	vld.idx.msk [tilespmem:v1+s6+$0x0], $0xffff;
	_ =	sdelay $0x1  }
0x1ad: {  	p1 =	sne.s32 s7, $0xC0  }
.Ltmp6:
0x1ae: {  	_ = 	snop;
	(pc) =	sbr.rel @p1 .LBB2_14-.Ltmp6, $3  }
0x1af: {  	_ = 	snop  }
0x1b0: {  	v1 =	vmul.f32 v2, v1;
	_ =	sdelay $0x1  }
0x1b1: {  	s7 =	sadd.s32 $0x40, s7;
	[tilespmem:s9+$0x1DB00] =	vst v1  }
0x1b2: {  	[spmem:s4] =	stream.indirect.scatter.add.f32 [tilespmem:s20], [sflag:$0x3], $0x1, s30, s18, $0xb8;
	[tilespmem:$0x1FA70] =	vst v63  }
0x1b3: {  	_ =	swait.ge [sflag:s25], $0xC80  }
0x1b4: {  	[sflag:s25] =	ssyncset.done $0x0  }
0x1b5: {  	[sflag:s25] =	ssyncadd.s32 $0xFFFFF380  }
0x1b6: {  	_ =	swait.ge [sflag:s26], $0x640  }
0x1b7: {  	[sflag:s26] =	ssyncset.done $0x0  }
0x1b8: {  	[sflag:s26] =	ssyncadd.s32 $0xFFFFF9C0  }
0x1b9: {  	_ =	swait.ge [sflag:s10], $0x640  }
0x1ba: {  	s7 =	sld [smem:$0x7E2]  }
0x1bb: {  	[sflag:s10] =	ssyncset.done $0x0  }
0x1bc: {  	s1 =	simm.s32 $0x19400;
	s12 =	sld [smem:$0x7E3];
	[sflag:s10] =	ssyncadd.s32 $0xFFFFF9C0  }
0x1bd: {  	[tilespmem:s1], [sflag:$0x1] =	stream.linear.gather [hbm4b:s7+s6], $0x640, $0x38;
	[tilespmem:$0x1FA70] =	vst v63  }
0x1be: {  	s13 =	simm.s32 $0x1AE00;
	s14 =	sld [smem:$0x7E6]  }
0x1bf: {  	[tilespmem:s13], [sflag:$0x1] =	stream.linear.gather [hbm4b:s12+s6], $0x640, $0x38;
	[tilespmem:$0x1FA70] =	vst v63  }
0x1c0: {  	s15 =	simm.s32 $0x19AC0  }
0x1c1: {  	[tilespmem:s24], [sflag:$0x2] =	stream.linear.gather [hbm4b:s14+s6], $0x640, $0x38;
	[tilespmem:$0x1FA70] =	vst v63  }
0x1c2: {  	v1 =	vld [tilespmem:s15+$0x30]  }
0x1c3: {  	v2 =	vld [tilespmem:s15+$0xFFFFFFD0]  }
0x1c4: {  	v3 =	vld [tilespmem:s15+$0xFFFFFFE0]  }
0x1c5: {  	v4 =	vld [tilespmem:s15+$0xFFFFFFF0]  }
0x1c6: {  	v6 =	vld [tilespmem:s15+$0x0]  }
0x1c7: {  	v7 =	vld [tilespmem:s15+$0x10]  }
0x1c8: {  	v8 =	vld [tilespmem:s15+$0x20]  }
0x1c9: {  	s11 =	simm.s32 $0x1B4C0;
	v9 =	vld [tilespmem:s15+$0xFFFFFFC0]  }
0x1ca: {  	v12 =	vld [tilespmem:s11+$0x30]  }
0x1cb: {  	v15 =	vld [tilespmem:s11+$0xFFFFFFD0]  }
0x1cc: {  	s7 =	simm.s32 $0x0;
	v10 =	vld [tilespmem:s11+$0xFFFFFFE0]  }
0x1cd: {  	v11 =	vld.idx.msk [tilespmem:v1+s7+$0x0], $0xffff  }
0x1ce: {  	v13 =	vld.idx.msk [tilespmem:v2+s7+$0x0], $0xffff  }
0x1cf: {  	v5 =	vld.idx.msk [tilespmem:v3+s7+$0x0], $0xffff  }
0x1d0: {  	v4 =	vld.idx.msk [tilespmem:v4+s7+$0x0], $0xffff  }
0x1d1: {  	v14 =	vld.idx.msk [tilespmem:v9+s7+$0x0], $0xffff  }
0x1d2: {  	v2 =	vld.idx.msk [tilespmem:v8+s7+$0x0], $0xffff  }
0x1d3: {  	v8 =	vld [tilespmem:s11+$0xFFFFFFC0]  }
0x1d4: {  	v3 =	vld.idx.msk [tilespmem:v6+s7+$0x0], $0xffff  }
0x1d5: {  	v1 =	vld.idx.msk [tilespmem:v7+s7+$0x0], $0xffff  }
0x1d6: {  	v9 =	vld [tilespmem:s11+$0xFFFFFFF0]  }
0x1d7: {  	v7 =	vld [tilespmem:s11+$0x0];
	v11 =	vmul.f32 v12, v11  }
0x1d8: {  	s9 =	simm.s32 $0x1DBC0;
	v6 =	vld [tilespmem:s11+$0x10];
	v12 =	vmul.f32 v8, v14  }
0x1d9: {  	s12 =	simm.s32 $0x0;
	s13 =	simm.s32 $0x19B40;
	v8 =	vld [tilespmem:s11+$0x20];
	[tilespmem:s9+$0x30] =	vst v11;
	v11 =	vmul.f32 v15, v13  }
.LBB2_16:
0x1da: {  	v13 =	vld [tilespmem:s13+$0x30];
	s12 =	sadd.s32 $0x8, s12;
	[tilespmem:s9+$0xFFFFFFC0] =	vst v12;
	v5 =	vmul.f32 v10, v5  }
0x1db: {  	v10 =	vld [tilespmem:s13+$0xFFFFFFD0];
	p1 =	slt.u32 s12, $0x58;
	[tilespmem:s9+$0xFFFFFFD0] =	vst v11;
	v4 =	vmul.f32 v9, v4  }
0x1dc: {  	v9 =	vld [tilespmem:s13+$0xFFFFFFE0];
	[tilespmem:s9+$0xFFFFFFE0] =	vst v5;
	v3 =	vmul.f32 v7, v3  }
0x1dd: {  	v7 =	vld [tilespmem:s13+$0xFFFFFFF0];
	[tilespmem:s9+$0xFFFFFFF0] =	vst v4;
	v1 =	vmul.f32 v6, v1  }
0x1de: {  	v6 =	vld [tilespmem:s13+$0x0];
	[tilespmem:s9+$0x0] =	vst v3;
	v2 =	vmul.f32 v8, v2  }
0x1df: {  	v8 =	vld [tilespmem:s13+$0x10];
	[tilespmem:s9+$0x10] =	vst v1  }
0x1e0: {  	v11 =	vld [tilespmem:s13+$0x20];
	[tilespmem:s9+$0x20] =	vst v2  }
0x1e1: {  	v2 =	vld [tilespmem:s13+$0xFFFFFFC0]  }
0x1e2: {  	s11 =	sadd.s32 $0x80, s11;
	v12 =	vld.idx.msk [tilespmem:v13+s7+$0x0], $0xffff  }
0x1e3: {  	v13 =	vld [tilespmem:s11+$0x30]  }
0x1e4: {  	v14 =	vld.idx.msk [tilespmem:v10+s7+$0x0], $0xffff  }
0x1e5: {  	v5 =	vld.idx.msk [tilespmem:v9+s7+$0x0], $0xffff  }
0x1e6: {  	v4 =	vld.idx.msk [tilespmem:v7+s7+$0x0], $0xffff  }
0x1e7: {  	v3 =	vld.idx.msk [tilespmem:v6+s7+$0x0], $0xffff  }
0x1e8: {  	v1 =	vld.idx.msk [tilespmem:v8+s7+$0x0], $0xffff;
	v6 =	vmul.f32 v13, v12  }
0x1e9: {  	s9 =	sadd.s32 $0x80, s9;
	v8 =	vld.idx.msk [tilespmem:v2+s7+$0x0], $0xffff  }
0x1ea: {  	v2 =	vld.idx.msk [tilespmem:v11+s7+$0x0], $0xffff;
	[tilespmem:s9+$0x30] =	vst v6  }
0x1eb: {  	v6 =	vld [tilespmem:s11+$0xFFFFFFC0]  }
0x1ec: {  	v11 =	vld [tilespmem:s11+$0xFFFFFFD0]  }
.Ltmp7:
0x1ed: {  	v10 =	vld [tilespmem:s11+$0xFFFFFFE0];
	(pc) =	sbr.rel @p1 .LBB2_16-.Ltmp7, $4  }
0x1ee: {  	v9 =	vld [tilespmem:s11+$0xFFFFFFF0]  }
0x1ef: {  	v7 =	vld [tilespmem:s11+$0x0]  }
0x1f0: {  	v12 =	vmul.f32 v6, v8;
	v6 =	vld [tilespmem:s11+$0x10]  }
0x1f1: {  	s13 =	sadd.s32 $0x80, s13;
	v11 =	vmul.f32 v11, v14;
	v8 =	vld [tilespmem:s11+$0x20]  }
0x1f2: {  	[tilespmem:s9+$0xFFFFFFC0] =	vst v12;
	v5 =	vmul.f32 v10, v5  }
0x1f3: {  	[tilespmem:s9+$0xFFFFFFD0] =	vst v11;
	v4 =	vmul.f32 v9, v4  }
0x1f4: {  	[tilespmem:s9+$0xFFFFFFE0] =	vst v5;
	v3 =	vmul.f32 v7, v3  }
0x1f5: {  	[tilespmem:s9+$0xFFFFFFF0] =	vst v4;
	v1 =	vmul.f32 v6, v1  }
0x1f6: {  	[tilespmem:s9+$0x0] =	vst v3;
	v2 =	vmul.f32 v8, v2  }
0x1f7: {  	[tilespmem:s9+$0x10] =	vst v1  }
0x1f8: {  	[tilespmem:s9+$0x20] =	vst v2  }
.LBB2_18:
0x1f9: {  	s9 =	sshra.s32 s7, $0x2  }
0x1fa: {  	v1 =	vld [tilespmem:s9+$0x1A080];
	_ =	sdelay $0x6  }
0x1fb: {  	v2 =	vld [tilespmem:s9+$0x1BA80]  }
0x1fc: {  	v1 =	vld.idx.msk [tilespmem:v1+s6+$0x0], $0xffff;
	_ =	sdelay $0x1  }
0x1fd: {  	p1 =	sne.s32 s7, $0xC0  }
.Ltmp8:
0x1fe: {  	_ = 	snop;
	(pc) =	sbr.rel @p1 .LBB2_18-.Ltmp8, $3  }
0x1ff: {  	_ = 	snop  }
0x200: {  	v1 =	vmul.f32 v2, v1;
	_ =	sdelay $0x1  }
0x201: {  	s7 =	sadd.s32 $0x40, s7;
	[tilespmem:s9+$0x1E180] =	vst v1  }
0x202: {  	[spmem:s4] =	stream.indirect.scatter.add.f32 [tilespmem:s8], [sflag:$0x3], $0x1, s31, s18, $0xb8;
	[tilespmem:$0x1FA70] =	vst v63  }
0x203: {  	s12 =	simm.s32 $0x1  }
.LBB2_20:
0x204: {  	_ =	swait.ge [sflag:s25], $0xC80  }
0x205: {  	[sflag:s25] =	ssyncset.done $0x0  }
0x206: {  	[sflag:s25] =	ssyncadd.s32 $0xFFFFF380  }
0x207: {  	_ =	swait.ge [sflag:s26], $0x640  }
0x208: {  	s13 =	sshll.u32 s12, $0x2;
	[sflag:s26] =	ssyncset.done $0x0  }
0x209: {  	s7 =	sadd.s32 s13, s16;
	[sflag:s26] =	ssyncadd.s32 $0xFFFFF9C0  }
0x20a: {  	s11 =	smul.u32 $0xC8, s7;
	_ =	swait.ge [sflag:s10], $0x640  }
0x20b: {  	s9 =	simm.s32 $0x19A80;
	[sflag:s10] =	ssyncset.done $0x0  }
0x20c: {  	s14 =	sadd.s32 s13, s17;
	s7 =	sadd.s32 s3, s11;
	[sflag:s10] =	ssyncadd.s32 $0xFFFFF9C0  }
0x20d: {  	[tilespmem:s9], [sflag:$0x1] =	stream.linear.gather [hbm4b:s7+s6], $0x640, $0x38;
	[tilespmem:$0x1FA70] =	vst v63  }
0x20e: {  	s15 =	sadd.s32 s0, s11;
	s7 =	smul.u32 $0xC8, s14;
	s14 =	simm.s32 $0x1B480  }
0x20f: {  	[tilespmem:s14], [sflag:$0x1] =	stream.linear.gather [hbm4b:s15+s6], $0x640, $0x38;
	[tilespmem:$0x1FA70] =	vst v63  }
0x210: {  	s7 =	sadd.s32 s2, s7;
	s15 =	simm.s32 $0x18740  }
0x211: {  	[tilespmem:s30], [sflag:$0x2] =	stream.linear.gather [hbm4b:s7+s6], $0x640, $0x38;
	[tilespmem:$0x1FA70] =	vst v63  }
0x212: {  	v1 =	vld [tilespmem:s15+$0x30]  }
0x213: {  	v2 =	vld [tilespmem:s15+$0xFFFFFFD0]  }
0x214: {  	v3 =	vld [tilespmem:s15+$0xFFFFFFE0]  }
0x215: {  	v4 =	vld [tilespmem:s15+$0xFFFFFFF0]  }
0x216: {  	v6 =	vld [tilespmem:s15+$0x0]  }
0x217: {  	v7 =	vld [tilespmem:s15+$0x10]  }
0x218: {  	v8 =	vld [tilespmem:s15+$0x20]  }
0x219: {  	s9 =	simm.s32 $0x1A140;
	v9 =	vld [tilespmem:s15+$0xFFFFFFC0]  }
0x21a: {  	v12 =	vld [tilespmem:s9+$0x30]  }
0x21b: {  	v15 =	vld [tilespmem:s9+$0xFFFFFFD0]  }
0x21c: {  	s7 =	simm.s32 $0x0;
	v10 =	vld [tilespmem:s9+$0xFFFFFFE0]  }
0x21d: {  	v11 =	vld.idx.msk [tilespmem:v1+s7+$0x0], $0xffff  }
0x21e: {  	v13 =	vld.idx.msk [tilespmem:v2+s7+$0x0], $0xffff  }
0x21f: {  	v5 =	vld.idx.msk [tilespmem:v3+s7+$0x0], $0xffff  }
0x220: {  	v4 =	vld.idx.msk [tilespmem:v4+s7+$0x0], $0xffff  }
0x221: {  	v14 =	vld.idx.msk [tilespmem:v9+s7+$0x0], $0xffff  }
0x222: {  	v2 =	vld.idx.msk [tilespmem:v8+s7+$0x0], $0xffff  }
0x223: {  	v8 =	vld [tilespmem:s9+$0xFFFFFFC0]  }
0x224: {  	v3 =	vld.idx.msk [tilespmem:v6+s7+$0x0], $0xffff  }
0x225: {  	v1 =	vld.idx.msk [tilespmem:v7+s7+$0x0], $0xffff  }
0x226: {  	v9 =	vld [tilespmem:s9+$0xFFFFFFF0]  }
0x227: {  	v7 =	vld [tilespmem:s9+$0x0];
	v11 =	vmul.f32 v12, v11  }
0x228: {  	s14 =	simm.s32 $0x1D540;
	v6 =	vld [tilespmem:s9+$0x10];
	v12 =	vmul.f32 v8, v14  }
0x229: {  	s1 =	smov.u32 s28;
	s28 =	simm.s32 $0x187C0;
	s15 =	simm.s32 $0x0;
	v8 =	vld [tilespmem:s9+$0x20];
	[tilespmem:s14+$0x30] =	vst v11;
	v11 =	vmul.f32 v15, v13  }
.LBB2_21:
0x22a: {  	v13 =	vld [tilespmem:s28+$0x30];
	s15 =	sadd.s32 $0x8, s15;
	[tilespmem:s14+$0xFFFFFFC0] =	vst v12;
	v5 =	vmul.f32 v10, v5  }
0x22b: {  	v10 =	vld [tilespmem:s28+$0xFFFFFFD0];
	p1 =	slt.u32 s15, $0x58;
	[tilespmem:s14+$0xFFFFFFD0] =	vst v11;
	v4 =	vmul.f32 v9, v4  }
0x22c: {  	v9 =	vld [tilespmem:s28+$0xFFFFFFE0];
	[tilespmem:s14+$0xFFFFFFE0] =	vst v5;
	v3 =	vmul.f32 v7, v3  }
0x22d: {  	v7 =	vld [tilespmem:s28+$0xFFFFFFF0];
	[tilespmem:s14+$0xFFFFFFF0] =	vst v4;
	v1 =	vmul.f32 v6, v1  }
0x22e: {  	v6 =	vld [tilespmem:s28+$0x0];
	[tilespmem:s14+$0x0] =	vst v3;
	v2 =	vmul.f32 v8, v2  }
0x22f: {  	v8 =	vld [tilespmem:s28+$0x10];
	[tilespmem:s14+$0x10] =	vst v1  }
0x230: {  	v11 =	vld [tilespmem:s28+$0x20];
	[tilespmem:s14+$0x20] =	vst v2  }
0x231: {  	v2 =	vld [tilespmem:s28+$0xFFFFFFC0]  }
0x232: {  	s9 =	sadd.s32 $0x80, s9;
	v12 =	vld.idx.msk [tilespmem:v13+s7+$0x0], $0xffff  }
0x233: {  	v13 =	vld [tilespmem:s9+$0x30]  }
0x234: {  	v14 =	vld.idx.msk [tilespmem:v10+s7+$0x0], $0xffff  }
0x235: {  	v5 =	vld.idx.msk [tilespmem:v9+s7+$0x0], $0xffff  }
0x236: {  	v4 =	vld.idx.msk [tilespmem:v7+s7+$0x0], $0xffff  }
0x237: {  	v3 =	vld.idx.msk [tilespmem:v6+s7+$0x0], $0xffff  }
0x238: {  	v1 =	vld.idx.msk [tilespmem:v8+s7+$0x0], $0xffff;
	v6 =	vmul.f32 v13, v12  }
0x239: {  	s14 =	sadd.s32 $0x80, s14;
	v8 =	vld.idx.msk [tilespmem:v2+s7+$0x0], $0xffff  }
0x23a: {  	v2 =	vld.idx.msk [tilespmem:v11+s7+$0x0], $0xffff;
	[tilespmem:s14+$0x30] =	vst v6  }
0x23b: {  	v6 =	vld [tilespmem:s9+$0xFFFFFFC0]  }
0x23c: {  	v11 =	vld [tilespmem:s9+$0xFFFFFFD0]  }
.Ltmp9:
0x23d: {  	v10 =	vld [tilespmem:s9+$0xFFFFFFE0];
	(pc) =	sbr.rel @p1 .LBB2_21-.Ltmp9, $4  }
0x23e: {  	v9 =	vld [tilespmem:s9+$0xFFFFFFF0]  }
0x23f: {  	v7 =	vld [tilespmem:s9+$0x0]  }
0x240: {  	v12 =	vmul.f32 v6, v8;
	v6 =	vld [tilespmem:s9+$0x10]  }
0x241: {  	s28 =	sadd.s32 $0x80, s28;
	v11 =	vmul.f32 v11, v14;
	v8 =	vld [tilespmem:s9+$0x20]  }
0x242: {  	[tilespmem:s14+$0xFFFFFFC0] =	vst v12;
	v5 =	vmul.f32 v10, v5  }
0x243: {  	[tilespmem:s14+$0xFFFFFFD0] =	vst v11;
	v4 =	vmul.f32 v9, v4  }
0x244: {  	[tilespmem:s14+$0xFFFFFFE0] =	vst v5;
	v3 =	vmul.f32 v7, v3  }
0x245: {  	[tilespmem:s14+$0xFFFFFFF0] =	vst v4;
	v1 =	vmul.f32 v6, v1  }
0x246: {  	[tilespmem:s14+$0x0] =	vst v3;
	v2 =	vmul.f32 v8, v2  }
0x247: {  	[tilespmem:s14+$0x10] =	vst v1  }
0x248: {  	[tilespmem:s14+$0x20] =	vst v2  }
.LBB2_23:
0x249: {  	s9 =	sshra.s32 s7, $0x2  }
0x24a: {  	v1 =	vld [tilespmem:s9+$0x18D00];
	_ =	sdelay $0x6  }
0x24b: {  	v2 =	vld [tilespmem:s9+$0x1A700]  }
0x24c: {  	v1 =	vld.idx.msk [tilespmem:v1+s6+$0x0], $0xffff;
	_ =	sdelay $0x1  }
0x24d: {  	p1 =	sne.s32 s7, $0xC0  }
.Ltmp10:
0x24e: {  	_ = 	snop;
	(pc) =	sbr.rel @p1 .LBB2_23-.Ltmp10, $3  }
0x24f: {  	_ = 	snop  }
0x250: {  	v1 =	vmul.f32 v2, v1;
	_ =	sdelay $0x1  }
0x251: {  	s7 =	sadd.s32 $0x40, s7;
	[tilespmem:s9+$0x1DB00] =	vst v1  }
0x252: {  	[spmem:s4] =	stream.indirect.scatter.add.f32 [tilespmem:s20], [sflag:$0x3], $0x1, s23, s18, $0xb8;
	[tilespmem:$0x1FA70] =	vst v63  }
0x253: {  	_ =	swait.ge [sflag:s25], $0xC80  }
0x254: {  	[sflag:s25] =	ssyncset.done $0x0  }
0x255: {  	[sflag:s25] =	ssyncadd.s32 $0xFFFFF380  }
0x256: {  	_ =	swait.ge [sflag:s26], $0x640  }
0x257: {  	[sflag:s26] =	ssyncset.done $0x0  }
0x258: {  	s7 =	sadd.s32 s13, s19;
	[sflag:s26] =	ssyncadd.s32 $0xFFFFF9C0  }
0x259: {  	s7 =	smul.u32 $0xC8, s7;
	_ =	swait.ge [sflag:s10], $0x640  }
0x25a: {  	[sflag:s10] =	ssyncset.done $0x0  }
0x25b: {  	s14 =	simm.s32 $0x18700;
	s9 =	sadd.s32 s3, s7;
	[sflag:s10] =	ssyncadd.s32 $0xFFFFF9C0  }
0x25c: {  	[tilespmem:s14], [sflag:$0x1] =	stream.linear.gather [hbm4b:s9+s6], $0x640, $0x38;
	[tilespmem:$0x1FA70] =	vst v63  }
0x25d: {  	s15 =	sadd.s32 s0, s7  }
0x25e: {  	[tilespmem:s5], [sflag:$0x1] =	stream.linear.gather [hbm4b:s15+s6], $0x640, $0x38;
	[tilespmem:$0x1FA70] =	vst v63  }
0x25f: {  	s14 =	sadd.s32 s2, s11;
	s15 =	simm.s32 $0x18DC0  }
0x260: {  	[tilespmem:s31], [sflag:$0x2] =	stream.linear.gather [hbm4b:s14+s6], $0x640, $0x38;
	[tilespmem:$0x1FA70] =	vst v63  }
0x261: {  	v1 =	vld [tilespmem:s15+$0x30]  }
0x262: {  	v2 =	vld [tilespmem:s15+$0xFFFFFFD0]  }
0x263: {  	v3 =	vld [tilespmem:s15+$0xFFFFFFE0]  }
0x264: {  	v4 =	vld [tilespmem:s15+$0xFFFFFFF0]  }
0x265: {  	v6 =	vld [tilespmem:s15+$0x0]  }
0x266: {  	v7 =	vld [tilespmem:s15+$0x10]  }
0x267: {  	v8 =	vld [tilespmem:s15+$0x20]  }
0x268: {  	s9 =	simm.s32 $0x1A7C0;
	v9 =	vld [tilespmem:s15+$0xFFFFFFC0]  }
0x269: {  	v12 =	vld [tilespmem:s9+$0x30]  }
0x26a: {  	v15 =	vld [tilespmem:s9+$0xFFFFFFD0]  }
0x26b: {  	s11 =	simm.s32 $0x0;
	v10 =	vld [tilespmem:s9+$0xFFFFFFE0]  }
0x26c: {  	v11 =	vld.idx.msk [tilespmem:v1+s11+$0x0], $0xffff  }
0x26d: {  	v13 =	vld.idx.msk [tilespmem:v2+s11+$0x0], $0xffff  }
0x26e: {  	v5 =	vld.idx.msk [tilespmem:v3+s11+$0x0], $0xffff  }
0x26f: {  	v4 =	vld.idx.msk [tilespmem:v4+s11+$0x0], $0xffff  }
0x270: {  	v14 =	vld.idx.msk [tilespmem:v9+s11+$0x0], $0xffff  }
0x271: {  	v2 =	vld.idx.msk [tilespmem:v8+s11+$0x0], $0xffff  }
0x272: {  	v8 =	vld [tilespmem:s9+$0xFFFFFFC0]  }
0x273: {  	v3 =	vld.idx.msk [tilespmem:v6+s11+$0x0], $0xffff  }
0x274: {  	v1 =	vld.idx.msk [tilespmem:v7+s11+$0x0], $0xffff  }
0x275: {  	v9 =	vld [tilespmem:s9+$0xFFFFFFF0]  }
0x276: {  	v7 =	vld [tilespmem:s9+$0x0];
	v11 =	vmul.f32 v12, v11  }
0x277: {  	s14 =	simm.s32 $0x1DBC0;
	v6 =	vld [tilespmem:s9+$0x10];
	v12 =	vmul.f32 v8, v14  }
0x278: {  	s28 =	simm.s32 $0x18E40;
	s15 =	simm.s32 $0x0;
	v8 =	vld [tilespmem:s9+$0x20];
	[tilespmem:s14+$0x30] =	vst v11;
	v11 =	vmul.f32 v15, v13  }
.LBB2_25:
0x279: {  	v13 =	vld [tilespmem:s28+$0x30];
	s15 =	sadd.s32 $0x8, s15;
	[tilespmem:s14+$0xFFFFFFC0] =	vst v12;
	v5 =	vmul.f32 v10, v5  }
0x27a: {  	v10 =	vld [tilespmem:s28+$0xFFFFFFD0];
	p1 =	slt.u32 s15, $0x58;
	[tilespmem:s14+$0xFFFFFFD0] =	vst v11;
	v4 =	vmul.f32 v9, v4  }
0x27b: {  	v9 =	vld [tilespmem:s28+$0xFFFFFFE0];
	[tilespmem:s14+$0xFFFFFFE0] =	vst v5;
	v3 =	vmul.f32 v7, v3  }
0x27c: {  	v7 =	vld [tilespmem:s28+$0xFFFFFFF0];
	[tilespmem:s14+$0xFFFFFFF0] =	vst v4;
	v1 =	vmul.f32 v6, v1  }
0x27d: {  	v6 =	vld [tilespmem:s28+$0x0];
	[tilespmem:s14+$0x0] =	vst v3;
	v2 =	vmul.f32 v8, v2  }
0x27e: {  	v8 =	vld [tilespmem:s28+$0x10];
	[tilespmem:s14+$0x10] =	vst v1  }
0x27f: {  	v11 =	vld [tilespmem:s28+$0x20];
	[tilespmem:s14+$0x20] =	vst v2  }
0x280: {  	v2 =	vld [tilespmem:s28+$0xFFFFFFC0]  }
0x281: {  	s9 =	sadd.s32 $0x80, s9;
	v12 =	vld.idx.msk [tilespmem:v13+s11+$0x0], $0xffff  }
0x282: {  	v13 =	vld [tilespmem:s9+$0x30]  }
0x283: {  	v14 =	vld.idx.msk [tilespmem:v10+s11+$0x0], $0xffff  }
0x284: {  	v5 =	vld.idx.msk [tilespmem:v9+s11+$0x0], $0xffff  }
0x285: {  	v4 =	vld.idx.msk [tilespmem:v7+s11+$0x0], $0xffff  }
0x286: {  	v3 =	vld.idx.msk [tilespmem:v6+s11+$0x0], $0xffff  }
0x287: {  	v1 =	vld.idx.msk [tilespmem:v8+s11+$0x0], $0xffff;
	v6 =	vmul.f32 v13, v12  }
0x288: {  	s14 =	sadd.s32 $0x80, s14;
	v8 =	vld.idx.msk [tilespmem:v2+s11+$0x0], $0xffff  }
0x289: {  	v2 =	vld.idx.msk [tilespmem:v11+s11+$0x0], $0xffff;
	[tilespmem:s14+$0x30] =	vst v6  }
0x28a: {  	v6 =	vld [tilespmem:s9+$0xFFFFFFC0]  }
0x28b: {  	v11 =	vld [tilespmem:s9+$0xFFFFFFD0]  }
.Ltmp11:
0x28c: {  	v10 =	vld [tilespmem:s9+$0xFFFFFFE0];
	(pc) =	sbr.rel @p1 .LBB2_25-.Ltmp11, $4  }
0x28d: {  	v9 =	vld [tilespmem:s9+$0xFFFFFFF0]  }
0x28e: {  	v7 =	vld [tilespmem:s9+$0x0]  }
0x28f: {  	v12 =	vmul.f32 v6, v8;
	v6 =	vld [tilespmem:s9+$0x10]  }
0x290: {  	s28 =	sadd.s32 $0x80, s28;
	v11 =	vmul.f32 v11, v14;
	v8 =	vld [tilespmem:s9+$0x20]  }
0x291: {  	[tilespmem:s14+$0xFFFFFFC0] =	vst v12;
	v5 =	vmul.f32 v10, v5  }
0x292: {  	[tilespmem:s14+$0xFFFFFFD0] =	vst v11;
	v4 =	vmul.f32 v9, v4  }
0x293: {  	[tilespmem:s14+$0xFFFFFFE0] =	vst v5;
	v3 =	vmul.f32 v7, v3  }
0x294: {  	[tilespmem:s14+$0xFFFFFFF0] =	vst v4;
	v1 =	vmul.f32 v6, v1  }
0x295: {  	[tilespmem:s14+$0x0] =	vst v3;
	v2 =	vmul.f32 v8, v2  }
0x296: {  	[tilespmem:s14+$0x10] =	vst v1  }
0x297: {  	[tilespmem:s14+$0x20] =	vst v2  }
.LBB2_27:
0x298: {  	s9 =	sshra.s32 s11, $0x2  }
0x299: {  	v1 =	vld [tilespmem:s9+$0x19380];
	_ =	sdelay $0x6  }
0x29a: {  	v2 =	vld [tilespmem:s9+$0x1AD80]  }
0x29b: {  	v1 =	vld.idx.msk [tilespmem:v1+s6+$0x0], $0xffff;
	_ =	sdelay $0x1  }
0x29c: {  	p1 =	sne.s32 s11, $0xC0  }
.Ltmp12:
0x29d: {  	_ = 	snop;
	(pc) =	sbr.rel @p1 .LBB2_27-.Ltmp12, $3  }
0x29e: {  	_ = 	snop  }
0x29f: {  	v1 =	vmul.f32 v2, v1;
	_ =	sdelay $0x1  }
0x2a0: {  	s11 =	sadd.s32 $0x40, s11;
	[tilespmem:s9+$0x1E180] =	vst v1  }
0x2a1: {  	[spmem:s4] =	stream.indirect.scatter.add.f32 [tilespmem:s8], [sflag:$0x3], $0x1, s24, s18, $0xb8;
	[tilespmem:$0x1FA70] =	vst v63  }
0x2a2: {  	_ =	swait.ge [sflag:s25], $0xC80  }
0x2a3: {  	[sflag:s25] =	ssyncset.done $0x0  }
0x2a4: {  	[sflag:s25] =	ssyncadd.s32 $0xFFFFF380  }
0x2a5: {  	_ =	swait.ge [sflag:s26], $0x640  }
0x2a6: {  	[sflag:s26] =	ssyncset.done $0x0  }
0x2a7: {  	s9 =	sadd.s32 s13, s21;
	[sflag:s26] =	ssyncadd.s32 $0xFFFFF9C0  }
0x2a8: {  	s11 =	smul.u32 $0xC8, s9;
	_ =	swait.ge [sflag:s10], $0x640  }
0x2a9: {  	[sflag:s10] =	ssyncset.done $0x0  }
0x2aa: {  	s14 =	simm.s32 $0x18D80;
	s9 =	sadd.s32 s3, s11;
	[sflag:s10] =	ssyncadd.s32 $0xFFFFF9C0  }
0x2ab: {  	[tilespmem:s14], [sflag:$0x1] =	stream.linear.gather [hbm4b:s9+s6], $0x640, $0x38;
	[tilespmem:$0x1FA70] =	vst v63  }
0x2ac: {  	s15 =	simm.s32 $0x1A780;
	s14 =	sadd.s32 s0, s11  }
0x2ad: {  	[tilespmem:s15], [sflag:$0x1] =	stream.linear.gather [hbm4b:s14+s6], $0x640, $0x38;
	[tilespmem:$0x1FA70] =	vst v63  }
0x2ae: {  	s7 =	sadd.s32 s2, s7;
	s15 =	simm.s32 $0x19440  }
0x2af: {  	[tilespmem:s23], [sflag:$0x2] =	stream.linear.gather [hbm4b:s7+s6], $0x640, $0x38;
	[tilespmem:$0x1FA70] =	vst v63  }
0x2b0: {  	v1 =	vld [tilespmem:s15+$0x30]  }
0x2b1: {  	v2 =	vld [tilespmem:s15+$0xFFFFFFD0]  }
0x2b2: {  	v3 =	vld [tilespmem:s15+$0xFFFFFFE0]  }
0x2b3: {  	v4 =	vld [tilespmem:s15+$0xFFFFFFF0]  }
0x2b4: {  	v6 =	vld [tilespmem:s15+$0x0]  }
0x2b5: {  	v7 =	vld [tilespmem:s15+$0x10]  }
0x2b6: {  	v8 =	vld [tilespmem:s15+$0x20]  }
0x2b7: {  	s9 =	simm.s32 $0x1AE40;
	v9 =	vld [tilespmem:s15+$0xFFFFFFC0]  }
0x2b8: {  	v12 =	vld [tilespmem:s9+$0x30]  }
0x2b9: {  	v15 =	vld [tilespmem:s9+$0xFFFFFFD0]  }
0x2ba: {  	s7 =	simm.s32 $0x0;
	v10 =	vld [tilespmem:s9+$0xFFFFFFE0]  }
0x2bb: {  	v11 =	vld.idx.msk [tilespmem:v1+s7+$0x0], $0xffff  }
0x2bc: {  	v13 =	vld.idx.msk [tilespmem:v2+s7+$0x0], $0xffff  }
0x2bd: {  	v5 =	vld.idx.msk [tilespmem:v3+s7+$0x0], $0xffff  }
0x2be: {  	v4 =	vld.idx.msk [tilespmem:v4+s7+$0x0], $0xffff  }
0x2bf: {  	v14 =	vld.idx.msk [tilespmem:v9+s7+$0x0], $0xffff  }
0x2c0: {  	v2 =	vld.idx.msk [tilespmem:v8+s7+$0x0], $0xffff  }
0x2c1: {  	v8 =	vld [tilespmem:s9+$0xFFFFFFC0]  }
0x2c2: {  	v3 =	vld.idx.msk [tilespmem:v6+s7+$0x0], $0xffff  }
0x2c3: {  	v1 =	vld.idx.msk [tilespmem:v7+s7+$0x0], $0xffff  }
0x2c4: {  	v9 =	vld [tilespmem:s9+$0xFFFFFFF0]  }
0x2c5: {  	v7 =	vld [tilespmem:s9+$0x0];
	v11 =	vmul.f32 v12, v11  }
0x2c6: {  	s14 =	simm.s32 $0x1D540;
	v6 =	vld [tilespmem:s9+$0x10];
	v12 =	vmul.f32 v8, v14  }
0x2c7: {  	s28 =	simm.s32 $0x194C0;
	s15 =	simm.s32 $0x0;
	v8 =	vld [tilespmem:s9+$0x20];
	[tilespmem:s14+$0x30] =	vst v11;
	v11 =	vmul.f32 v15, v13  }
.LBB2_29:
0x2c8: {  	v13 =	vld [tilespmem:s28+$0x30];
	s15 =	sadd.s32 $0x8, s15;
	[tilespmem:s14+$0xFFFFFFC0] =	vst v12;
	v5 =	vmul.f32 v10, v5  }
0x2c9: {  	v10 =	vld [tilespmem:s28+$0xFFFFFFD0];
	p1 =	slt.u32 s15, $0x58;
	[tilespmem:s14+$0xFFFFFFD0] =	vst v11;
	v4 =	vmul.f32 v9, v4  }
0x2ca: {  	v9 =	vld [tilespmem:s28+$0xFFFFFFE0];
	[tilespmem:s14+$0xFFFFFFE0] =	vst v5;
	v3 =	vmul.f32 v7, v3  }
0x2cb: {  	v7 =	vld [tilespmem:s28+$0xFFFFFFF0];
	[tilespmem:s14+$0xFFFFFFF0] =	vst v4;
	v1 =	vmul.f32 v6, v1  }
0x2cc: {  	v6 =	vld [tilespmem:s28+$0x0];
	[tilespmem:s14+$0x0] =	vst v3;
	v2 =	vmul.f32 v8, v2  }
0x2cd: {  	v8 =	vld [tilespmem:s28+$0x10];
	[tilespmem:s14+$0x10] =	vst v1  }
0x2ce: {  	v11 =	vld [tilespmem:s28+$0x20];
	[tilespmem:s14+$0x20] =	vst v2  }
0x2cf: {  	v2 =	vld [tilespmem:s28+$0xFFFFFFC0]  }
0x2d0: {  	s9 =	sadd.s32 $0x80, s9;
	v12 =	vld.idx.msk [tilespmem:v13+s7+$0x0], $0xffff  }
0x2d1: {  	v13 =	vld [tilespmem:s9+$0x30]  }
0x2d2: {  	v14 =	vld.idx.msk [tilespmem:v10+s7+$0x0], $0xffff  }
0x2d3: {  	v5 =	vld.idx.msk [tilespmem:v9+s7+$0x0], $0xffff  }
0x2d4: {  	v4 =	vld.idx.msk [tilespmem:v7+s7+$0x0], $0xffff  }
0x2d5: {  	v3 =	vld.idx.msk [tilespmem:v6+s7+$0x0], $0xffff  }
0x2d6: {  	v1 =	vld.idx.msk [tilespmem:v8+s7+$0x0], $0xffff;
	v6 =	vmul.f32 v13, v12  }
0x2d7: {  	s14 =	sadd.s32 $0x80, s14;
	v8 =	vld.idx.msk [tilespmem:v2+s7+$0x0], $0xffff  }
0x2d8: {  	v2 =	vld.idx.msk [tilespmem:v11+s7+$0x0], $0xffff;
	[tilespmem:s14+$0x30] =	vst v6  }
0x2d9: {  	v6 =	vld [tilespmem:s9+$0xFFFFFFC0]  }
0x2da: {  	v11 =	vld [tilespmem:s9+$0xFFFFFFD0]  }
.Ltmp13:
0x2db: {  	v10 =	vld [tilespmem:s9+$0xFFFFFFE0];
	(pc) =	sbr.rel @p1 .LBB2_29-.Ltmp13, $4  }
0x2dc: {  	v9 =	vld [tilespmem:s9+$0xFFFFFFF0]  }
0x2dd: {  	v7 =	vld [tilespmem:s9+$0x0]  }
0x2de: {  	v12 =	vmul.f32 v6, v8;
	v6 =	vld [tilespmem:s9+$0x10]  }
0x2df: {  	s28 =	sadd.s32 $0x80, s28;
	v11 =	vmul.f32 v11, v14;
	v8 =	vld [tilespmem:s9+$0x20]  }
0x2e0: {  	[tilespmem:s14+$0xFFFFFFC0] =	vst v12;
	v5 =	vmul.f32 v10, v5  }
0x2e1: {  	[tilespmem:s14+$0xFFFFFFD0] =	vst v11;
	v4 =	vmul.f32 v9, v4  }
0x2e2: {  	[tilespmem:s14+$0xFFFFFFE0] =	vst v5;
	v3 =	vmul.f32 v7, v3  }
0x2e3: {  	[tilespmem:s14+$0xFFFFFFF0] =	vst v4;
	v1 =	vmul.f32 v6, v1  }
0x2e4: {  	[tilespmem:s14+$0x0] =	vst v3;
	v2 =	vmul.f32 v8, v2  }
0x2e5: {  	[tilespmem:s14+$0x10] =	vst v1  }
0x2e6: {  	[tilespmem:s14+$0x20] =	vst v2  }
.LBB2_31:
0x2e7: {  	s9 =	sshra.s32 s7, $0x2  }
0x2e8: {  	v1 =	vld [tilespmem:s9+$0x19A00];
	_ =	sdelay $0x6  }
0x2e9: {  	v2 =	vld [tilespmem:s9+$0x1B400]  }
0x2ea: {  	v1 =	vld.idx.msk [tilespmem:v1+s6+$0x0], $0xffff;
	_ =	sdelay $0x1  }
0x2eb: {  	p1 =	sne.s32 s7, $0xC0  }
.Ltmp14:
0x2ec: {  	_ = 	snop;
	(pc) =	sbr.rel @p1 .LBB2_31-.Ltmp14, $3  }
0x2ed: {  	_ = 	snop  }
0x2ee: {  	v1 =	vmul.f32 v2, v1;
	_ =	sdelay $0x1  }
0x2ef: {  	s7 =	sadd.s32 $0x40, s7;
	[tilespmem:s9+$0x1DB00] =	vst v1  }
0x2f0: {  	[spmem:s4] =	stream.indirect.scatter.add.f32 [tilespmem:s20], [sflag:$0x3], $0x1, s30, s18, $0xb8;
	[tilespmem:$0x1FA70] =	vst v63  }
0x2f1: {  	_ =	swait.ge [sflag:s25], $0xC80  }
0x2f2: {  	[sflag:s25] =	ssyncset.done $0x0  }
0x2f3: {  	[sflag:s25] =	ssyncadd.s32 $0xFFFFF380  }
0x2f4: {  	_ =	swait.ge [sflag:s26], $0x640  }
0x2f5: {  	[sflag:s26] =	ssyncset.done $0x0  }
0x2f6: {  	s7 =	sadd.s32 s13, s22;
	[sflag:s26] =	ssyncadd.s32 $0xFFFFF9C0  }
0x2f7: {  	s7 =	smul.u32 $0xC8, s7;
	_ =	swait.ge [sflag:s10], $0x640  }
0x2f8: {  	[sflag:s10] =	ssyncset.done $0x0  }
0x2f9: {  	s15 =	simm.s32 $0x19400;
	s9 =	sadd.s32 s3, s7;
	[sflag:s10] =	ssyncadd.s32 $0xFFFFF9C0  }
0x2fa: {  	[tilespmem:s15], [sflag:$0x1] =	stream.linear.gather [hbm4b:s9+s6], $0x640, $0x38;
	[tilespmem:$0x1FA70] =	vst v63  }
0x2fb: {  	s13 =	simm.s32 $0x1AE00;
	s7 =	sadd.s32 s0, s7  }
0x2fc: {  	[tilespmem:s13], [sflag:$0x1] =	stream.linear.gather [hbm4b:s7+s6], $0x640, $0x38;
	[tilespmem:$0x1FA70] =	vst v63  }
0x2fd: {  	s14 =	sadd.s32 s2, s11;
	s15 =	simm.s32 $0x19AC0  }
0x2fe: {  	[tilespmem:s24], [sflag:$0x2] =	stream.linear.gather [hbm4b:s14+s6], $0x640, $0x38;
	[tilespmem:$0x1FA70] =	vst v63  }
0x2ff: {  	v1 =	vld [tilespmem:s15+$0x30]  }
0x300: {  	v2 =	vld [tilespmem:s15+$0xFFFFFFD0]  }
0x301: {  	v3 =	vld [tilespmem:s15+$0xFFFFFFE0]  }
0x302: {  	v4 =	vld [tilespmem:s15+$0xFFFFFFF0]  }
0x303: {  	v6 =	vld [tilespmem:s15+$0x0]  }
0x304: {  	v7 =	vld [tilespmem:s15+$0x10]  }
0x305: {  	v8 =	vld [tilespmem:s15+$0x20]  }
0x306: {  	s9 =	simm.s32 $0x1B4C0;
	v9 =	vld [tilespmem:s15+$0xFFFFFFC0]  }
0x307: {  	v12 =	vld [tilespmem:s9+$0x30]  }
0x308: {  	v15 =	vld [tilespmem:s9+$0xFFFFFFD0]  }
0x309: {  	s7 =	simm.s32 $0x0;
	v10 =	vld [tilespmem:s9+$0xFFFFFFE0]  }
0x30a: {  	v11 =	vld.idx.msk [tilespmem:v1+s7+$0x0], $0xffff  }
0x30b: {  	v13 =	vld.idx.msk [tilespmem:v2+s7+$0x0], $0xffff  }
0x30c: {  	v5 =	vld.idx.msk [tilespmem:v3+s7+$0x0], $0xffff  }
0x30d: {  	v4 =	vld.idx.msk [tilespmem:v4+s7+$0x0], $0xffff  }
0x30e: {  	v14 =	vld.idx.msk [tilespmem:v9+s7+$0x0], $0xffff  }
0x30f: {  	v2 =	vld.idx.msk [tilespmem:v8+s7+$0x0], $0xffff  }
0x310: {  	v8 =	vld [tilespmem:s9+$0xFFFFFFC0]  }
0x311: {  	v3 =	vld.idx.msk [tilespmem:v6+s7+$0x0], $0xffff  }
0x312: {  	v1 =	vld.idx.msk [tilespmem:v7+s7+$0x0], $0xffff  }
0x313: {  	v9 =	vld [tilespmem:s9+$0xFFFFFFF0]  }
0x314: {  	v7 =	vld [tilespmem:s9+$0x0];
	v11 =	vmul.f32 v12, v11  }
0x315: {  	s11 =	simm.s32 $0x1DBC0;
	v6 =	vld [tilespmem:s9+$0x10];
	v12 =	vmul.f32 v8, v14  }
0x316: {  	s28 =	smov.u32 s1;
	s13 =	simm.s32 $0x0;
	s14 =	simm.s32 $0x19B40;
	v8 =	vld [tilespmem:s9+$0x20];
	[tilespmem:s11+$0x30] =	vst v11;
	v11 =	vmul.f32 v15, v13  }
.LBB2_33:
0x317: {  	v13 =	vld [tilespmem:s14+$0x30];
	s13 =	sadd.s32 $0x8, s13;
	[tilespmem:s11+$0xFFFFFFC0] =	vst v12;
	v5 =	vmul.f32 v10, v5  }
0x318: {  	v10 =	vld [tilespmem:s14+$0xFFFFFFD0];
	p1 =	slt.u32 s13, $0x58;
	[tilespmem:s11+$0xFFFFFFD0] =	vst v11;
	v4 =	vmul.f32 v9, v4  }
0x319: {  	v9 =	vld [tilespmem:s14+$0xFFFFFFE0];
	[tilespmem:s11+$0xFFFFFFE0] =	vst v5;
	v3 =	vmul.f32 v7, v3  }
0x31a: {  	v7 =	vld [tilespmem:s14+$0xFFFFFFF0];
	[tilespmem:s11+$0xFFFFFFF0] =	vst v4;
	v1 =	vmul.f32 v6, v1  }
0x31b: {  	v6 =	vld [tilespmem:s14+$0x0];
	[tilespmem:s11+$0x0] =	vst v3;
	v2 =	vmul.f32 v8, v2  }
0x31c: {  	v8 =	vld [tilespmem:s14+$0x10];
	[tilespmem:s11+$0x10] =	vst v1  }
0x31d: {  	v11 =	vld [tilespmem:s14+$0x20];
	[tilespmem:s11+$0x20] =	vst v2  }
0x31e: {  	v2 =	vld [tilespmem:s14+$0xFFFFFFC0]  }
0x31f: {  	s9 =	sadd.s32 $0x80, s9;
	v12 =	vld.idx.msk [tilespmem:v13+s7+$0x0], $0xffff  }
0x320: {  	v13 =	vld [tilespmem:s9+$0x30]  }
0x321: {  	v14 =	vld.idx.msk [tilespmem:v10+s7+$0x0], $0xffff  }
0x322: {  	v5 =	vld.idx.msk [tilespmem:v9+s7+$0x0], $0xffff  }
0x323: {  	v4 =	vld.idx.msk [tilespmem:v7+s7+$0x0], $0xffff  }
0x324: {  	v3 =	vld.idx.msk [tilespmem:v6+s7+$0x0], $0xffff  }
0x325: {  	v1 =	vld.idx.msk [tilespmem:v8+s7+$0x0], $0xffff;
	v6 =	vmul.f32 v13, v12  }
0x326: {  	s11 =	sadd.s32 $0x80, s11;
	v8 =	vld.idx.msk [tilespmem:v2+s7+$0x0], $0xffff  }
0x327: {  	v2 =	vld.idx.msk [tilespmem:v11+s7+$0x0], $0xffff;
	[tilespmem:s11+$0x30] =	vst v6  }
0x328: {  	v6 =	vld [tilespmem:s9+$0xFFFFFFC0]  }
0x329: {  	v11 =	vld [tilespmem:s9+$0xFFFFFFD0]  }
.Ltmp15:
0x32a: {  	v10 =	vld [tilespmem:s9+$0xFFFFFFE0];
	(pc) =	sbr.rel @p1 .LBB2_33-.Ltmp15, $4  }
0x32b: {  	v9 =	vld [tilespmem:s9+$0xFFFFFFF0]  }
0x32c: {  	v7 =	vld [tilespmem:s9+$0x0]  }
0x32d: {  	v12 =	vmul.f32 v6, v8;
	v6 =	vld [tilespmem:s9+$0x10]  }
0x32e: {  	s14 =	sadd.s32 $0x80, s14;
	v11 =	vmul.f32 v11, v14;
	v8 =	vld [tilespmem:s9+$0x20]  }
0x32f: {  	[tilespmem:s11+$0xFFFFFFC0] =	vst v12;
	v5 =	vmul.f32 v10, v5  }
0x330: {  	[tilespmem:s11+$0xFFFFFFD0] =	vst v11;
	v4 =	vmul.f32 v9, v4  }
0x331: {  	[tilespmem:s11+$0xFFFFFFE0] =	vst v5;
	v3 =	vmul.f32 v7, v3  }
0x332: {  	[tilespmem:s11+$0xFFFFFFF0] =	vst v4;
	v1 =	vmul.f32 v6, v1  }
0x333: {  	[tilespmem:s11+$0x0] =	vst v3;
	v2 =	vmul.f32 v8, v2  }
0x334: {  	[tilespmem:s11+$0x10] =	vst v1  }
0x335: {  	[tilespmem:s11+$0x20] =	vst v2  }
.LBB2_35:
0x336: {  	s9 =	sshra.s32 s7, $0x2  }
0x337: {  	v1 =	vld [tilespmem:s9+$0x1A080];
	_ =	sdelay $0x6  }
0x338: {  	v2 =	vld [tilespmem:s9+$0x1BA80]  }
0x339: {  	v1 =	vld.idx.msk [tilespmem:v1+s6+$0x0], $0xffff;
	_ =	sdelay $0x1  }
0x33a: {  	p1 =	sne.s32 s7, $0xC0  }
.Ltmp16:
0x33b: {  	_ = 	snop;
	(pc) =	sbr.rel @p1 .LBB2_35-.Ltmp16, $3  }
0x33c: {  	_ = 	snop  }
0x33d: {  	v1 =	vmul.f32 v2, v1;
	_ =	sdelay $0x1  }
0x33e: {  	s7 =	sadd.s32 $0x40, s7;
	[tilespmem:s9+$0x1E180] =	vst v1  }
0x33f: {  	s12 =	sadd.s32 $0x1, s12  }
0x340: {  	p1 =	sne.s32 s12, $0x1E  }
.Ltmp17:
0x341: {  	_ = 	snop;
	(pc) =	sbr.rel @p1 .LBB2_20-.Ltmp17, $2  }
0x342: {  	_ =	sdelay $0x2  }
0x343: {  	[spmem:s4] =	stream.indirect.scatter.add.f32 [tilespmem:s8], [sflag:$0x3], $0x1, s31, s18, $0xb8;
	[tilespmem:$0x1FA70] =	vst v63  }
0x344: {  	_ =	swait.ge [sflag:s25], $0xC80  }
0x345: {  	[sflag:s25] =	ssyncset.done $0x0  }
0x346: {  	[sflag:s25] =	ssyncadd.s32 $0xFFFFF380  }
0x347: {  	_ =	swait.ge [sflag:s26], $0x640  }
0x348: {  	[sflag:s26] =	ssyncset.done $0x0  }
0x349: {  	[sflag:s26] =	ssyncadd.s32 $0xFFFFF9C0  }
0x34a: {  	_ =	swait.ge [sflag:s10], $0x640  }
0x34b: {  	s7 =	sld [smem:$0x7E8]  }
0x34c: {  	[sflag:s10] =	ssyncset.done $0x0  }
0x34d: {  	s1 =	simm.s32 $0x19A80;
	s12 =	sld [smem:$0x7E9];
	[sflag:s10] =	ssyncadd.s32 $0xFFFFF9C0  }
0x34e: {  	[tilespmem:s1], [sflag:$0x1] =	stream.linear.gather [hbm4b:s7+s6], $0x640, $0x38;
	[tilespmem:$0x1FA70] =	vst v63  }
0x34f: {  	s13 =	simm.s32 $0x1B480;
	s14 =	sld [smem:$0x7E7]  }
0x350: {  	[tilespmem:s13], [sflag:$0x1] =	stream.linear.gather [hbm4b:s12+s6], $0x640, $0x38;
	[tilespmem:$0x1FA70] =	vst v63  }
0x351: {  	s15 =	simm.s32 $0x18740  }
0x352: {  	[tilespmem:s30], [sflag:$0x2] =	stream.linear.gather [hbm4b:s14+s6], $0x640, $0x38;
	[tilespmem:$0x1FA70] =	vst v63  }
0x353: {  	v1 =	vld [tilespmem:s15+$0x30]  }
0x354: {  	v2 =	vld [tilespmem:s15+$0xFFFFFFD0]  }
0x355: {  	v3 =	vld [tilespmem:s15+$0xFFFFFFE0]  }
0x356: {  	v4 =	vld [tilespmem:s15+$0xFFFFFFF0]  }
0x357: {  	v6 =	vld [tilespmem:s15+$0x0]  }
0x358: {  	v7 =	vld [tilespmem:s15+$0x10]  }
0x359: {  	v8 =	vld [tilespmem:s15+$0x20]  }
0x35a: {  	s9 =	simm.s32 $0x1A140;
	v9 =	vld [tilespmem:s15+$0xFFFFFFC0]  }
0x35b: {  	v12 =	vld [tilespmem:s9+$0x30]  }
0x35c: {  	v15 =	vld [tilespmem:s9+$0xFFFFFFD0]  }
0x35d: {  	s7 =	simm.s32 $0x0;
	v10 =	vld [tilespmem:s9+$0xFFFFFFE0]  }
0x35e: {  	v11 =	vld.idx.msk [tilespmem:v1+s7+$0x0], $0xffff  }
0x35f: {  	v13 =	vld.idx.msk [tilespmem:v2+s7+$0x0], $0xffff  }
0x360: {  	v5 =	vld.idx.msk [tilespmem:v3+s7+$0x0], $0xffff  }
0x361: {  	v4 =	vld.idx.msk [tilespmem:v4+s7+$0x0], $0xffff  }
0x362: {  	v14 =	vld.idx.msk [tilespmem:v9+s7+$0x0], $0xffff  }
0x363: {  	v2 =	vld.idx.msk [tilespmem:v8+s7+$0x0], $0xffff  }
0x364: {  	v8 =	vld [tilespmem:s9+$0xFFFFFFC0]  }
0x365: {  	v3 =	vld.idx.msk [tilespmem:v6+s7+$0x0], $0xffff  }
0x366: {  	v1 =	vld.idx.msk [tilespmem:v7+s7+$0x0], $0xffff  }
0x367: {  	v9 =	vld [tilespmem:s9+$0xFFFFFFF0]  }
0x368: {  	v7 =	vld [tilespmem:s9+$0x0];
	v11 =	vmul.f32 v12, v11  }
0x369: {  	s11 =	simm.s32 $0x1D540;
	v6 =	vld [tilespmem:s9+$0x10];
	v12 =	vmul.f32 v8, v14  }
0x36a: {  	s12 =	simm.s32 $0x0;
	s13 =	simm.s32 $0x187C0;
	v8 =	vld [tilespmem:s9+$0x20];
	[tilespmem:s11+$0x30] =	vst v11;
	v11 =	vmul.f32 v15, v13  }
.LBB2_38:
0x36b: {  	v13 =	vld [tilespmem:s13+$0x30];
	s12 =	sadd.s32 $0x8, s12;
	[tilespmem:s11+$0xFFFFFFC0] =	vst v12;
	v5 =	vmul.f32 v10, v5  }
0x36c: {  	v10 =	vld [tilespmem:s13+$0xFFFFFFD0];
	p1 =	slt.u32 s12, $0x58;
	[tilespmem:s11+$0xFFFFFFD0] =	vst v11;
	v4 =	vmul.f32 v9, v4  }
0x36d: {  	v9 =	vld [tilespmem:s13+$0xFFFFFFE0];
	[tilespmem:s11+$0xFFFFFFE0] =	vst v5;
	v3 =	vmul.f32 v7, v3  }
0x36e: {  	v7 =	vld [tilespmem:s13+$0xFFFFFFF0];
	[tilespmem:s11+$0xFFFFFFF0] =	vst v4;
	v1 =	vmul.f32 v6, v1  }
0x36f: {  	v6 =	vld [tilespmem:s13+$0x0];
	[tilespmem:s11+$0x0] =	vst v3;
	v2 =	vmul.f32 v8, v2  }
0x370: {  	v8 =	vld [tilespmem:s13+$0x10];
	[tilespmem:s11+$0x10] =	vst v1  }
0x371: {  	v11 =	vld [tilespmem:s13+$0x20];
	[tilespmem:s11+$0x20] =	vst v2  }
0x372: {  	v2 =	vld [tilespmem:s13+$0xFFFFFFC0]  }
0x373: {  	s9 =	sadd.s32 $0x80, s9;
	v12 =	vld.idx.msk [tilespmem:v13+s7+$0x0], $0xffff  }
0x374: {  	v13 =	vld [tilespmem:s9+$0x30]  }
0x375: {  	v14 =	vld.idx.msk [tilespmem:v10+s7+$0x0], $0xffff  }
0x376: {  	v5 =	vld.idx.msk [tilespmem:v9+s7+$0x0], $0xffff  }
0x377: {  	v4 =	vld.idx.msk [tilespmem:v7+s7+$0x0], $0xffff  }
0x378: {  	v3 =	vld.idx.msk [tilespmem:v6+s7+$0x0], $0xffff  }
0x379: {  	v1 =	vld.idx.msk [tilespmem:v8+s7+$0x0], $0xffff;
	v6 =	vmul.f32 v13, v12  }
0x37a: {  	s11 =	sadd.s32 $0x80, s11;
	v8 =	vld.idx.msk [tilespmem:v2+s7+$0x0], $0xffff  }
0x37b: {  	v2 =	vld.idx.msk [tilespmem:v11+s7+$0x0], $0xffff;
	[tilespmem:s11+$0x30] =	vst v6  }
0x37c: {  	v6 =	vld [tilespmem:s9+$0xFFFFFFC0]  }
0x37d: {  	v11 =	vld [tilespmem:s9+$0xFFFFFFD0]  }
.Ltmp18:
0x37e: {  	v10 =	vld [tilespmem:s9+$0xFFFFFFE0];
	(pc) =	sbr.rel @p1 .LBB2_38-.Ltmp18, $4  }
0x37f: {  	v9 =	vld [tilespmem:s9+$0xFFFFFFF0]  }
0x380: {  	v7 =	vld [tilespmem:s9+$0x0]  }
0x381: {  	v12 =	vmul.f32 v6, v8;
	v6 =	vld [tilespmem:s9+$0x10]  }
0x382: {  	s13 =	sadd.s32 $0x80, s13;
	v11 =	vmul.f32 v11, v14;
	v8 =	vld [tilespmem:s9+$0x20]  }
0x383: {  	[tilespmem:s11+$0xFFFFFFC0] =	vst v12;
	v5 =	vmul.f32 v10, v5  }
0x384: {  	[tilespmem:s11+$0xFFFFFFD0] =	vst v11;
	v4 =	vmul.f32 v9, v4  }
0x385: {  	[tilespmem:s11+$0xFFFFFFE0] =	vst v5;
	v3 =	vmul.f32 v7, v3  }
0x386: {  	[tilespmem:s11+$0xFFFFFFF0] =	vst v4;
	v1 =	vmul.f32 v6, v1  }
0x387: {  	[tilespmem:s11+$0x0] =	vst v3;
	v2 =	vmul.f32 v8, v2  }
0x388: {  	[tilespmem:s11+$0x10] =	vst v1  }
0x389: {  	[tilespmem:s11+$0x20] =	vst v2  }
0x38a: {  	s14 =	sld [smem:$0x7FC]  }
.LBB2_40:
0x38b: {  	s9 =	sshra.s32 s7, $0x2  }
0x38c: {  	v1 =	vld [tilespmem:s9+$0x18D00];
	_ =	sdelay $0x6  }
0x38d: {  	v2 =	vld [tilespmem:s9+$0x1A700]  }
0x38e: {  	v1 =	vld.idx.msk [tilespmem:v1+s6+$0x0], $0xffff;
	_ =	sdelay $0x1  }
0x38f: {  	p1 =	sne.s32 s7, $0xC0  }
.Ltmp19:
0x390: {  	_ = 	snop;
	(pc) =	sbr.rel @p1 .LBB2_40-.Ltmp19, $3  }
0x391: {  	_ = 	snop  }
0x392: {  	v1 =	vmul.f32 v2, v1;
	_ =	sdelay $0x1  }
0x393: {  	s7 =	sadd.s32 $0x40, s7;
	[tilespmem:s9+$0x1DB00] =	vst v1  }
0x394: {  	[spmem:s4] =	stream.indirect.scatter.add.f32 [tilespmem:s20], [sflag:$0x3], $0x1, s23, s18, $0xb8;
	[tilespmem:$0x1FA70] =	vst v63  }
0x395: {  	_ =	swait.ge [sflag:s25], $0xC80  }
0x396: {  	[sflag:s25] =	ssyncset.done $0x0  }
0x397: {  	[sflag:s25] =	ssyncadd.s32 $0xFFFFF380  }
0x398: {  	_ =	swait.ge [sflag:s26], $0x640  }
0x399: {  	[sflag:s26] =	ssyncset.done $0x0  }
0x39a: {  	[sflag:s26] =	ssyncadd.s32 $0xFFFFF9C0  }
0x39b: {  	_ =	swait.ge [sflag:s10], $0x640  }
0x39c: {  	s7 =	sld [smem:$0x7EB]  }
0x39d: {  	[sflag:s10] =	ssyncset.done $0x0  }
0x39e: {  	s1 =	simm.s32 $0x18700;
	s12 =	sld [smem:$0x7EC];
	[sflag:s10] =	ssyncadd.s32 $0xFFFFF9C0  }
0x39f: {  	[tilespmem:s1], [sflag:$0x1] =	stream.linear.gather [hbm4b:s7+s6], $0x640, $0x38;
	[tilespmem:$0x1FA70] =	vst v63  }
0x3a0: {  	s13 =	sld [smem:$0x7EA]  }
0x3a1: {  	[tilespmem:s5], [sflag:$0x1] =	stream.linear.gather [hbm4b:s12+s6], $0x640, $0x38;
	[tilespmem:$0x1FA70] =	vst v63  }
0x3a2: {  	s15 =	simm.s32 $0x18DC0  }
0x3a3: {  	[tilespmem:s31], [sflag:$0x2] =	stream.linear.gather [hbm4b:s13+s6], $0x640, $0x38;
	[tilespmem:$0x1FA70] =	vst v63  }
0x3a4: {  	v1 =	vld [tilespmem:s15+$0x30]  }
0x3a5: {  	v2 =	vld [tilespmem:s15+$0xFFFFFFD0]  }
0x3a6: {  	v3 =	vld [tilespmem:s15+$0xFFFFFFE0]  }
0x3a7: {  	v4 =	vld [tilespmem:s15+$0xFFFFFFF0]  }
0x3a8: {  	v6 =	vld [tilespmem:s15+$0x0]  }
0x3a9: {  	v7 =	vld [tilespmem:s15+$0x10]  }
0x3aa: {  	v8 =	vld [tilespmem:s15+$0x20]  }
0x3ab: {  	s9 =	simm.s32 $0x1A7C0;
	v9 =	vld [tilespmem:s15+$0xFFFFFFC0]  }
0x3ac: {  	v12 =	vld [tilespmem:s9+$0x30]  }
0x3ad: {  	v15 =	vld [tilespmem:s9+$0xFFFFFFD0]  }
0x3ae: {  	s7 =	simm.s32 $0x0;
	v10 =	vld [tilespmem:s9+$0xFFFFFFE0]  }
0x3af: {  	v11 =	vld.idx.msk [tilespmem:v1+s7+$0x0], $0xffff  }
0x3b0: {  	v13 =	vld.idx.msk [tilespmem:v2+s7+$0x0], $0xffff  }
0x3b1: {  	v5 =	vld.idx.msk [tilespmem:v3+s7+$0x0], $0xffff  }
0x3b2: {  	v4 =	vld.idx.msk [tilespmem:v4+s7+$0x0], $0xffff  }
0x3b3: {  	v14 =	vld.idx.msk [tilespmem:v9+s7+$0x0], $0xffff  }
0x3b4: {  	v2 =	vld.idx.msk [tilespmem:v8+s7+$0x0], $0xffff  }
0x3b5: {  	v8 =	vld [tilespmem:s9+$0xFFFFFFC0]  }
0x3b6: {  	v3 =	vld.idx.msk [tilespmem:v6+s7+$0x0], $0xffff  }
0x3b7: {  	v1 =	vld.idx.msk [tilespmem:v7+s7+$0x0], $0xffff  }
0x3b8: {  	v9 =	vld [tilespmem:s9+$0xFFFFFFF0]  }
0x3b9: {  	v7 =	vld [tilespmem:s9+$0x0];
	v11 =	vmul.f32 v12, v11  }
0x3ba: {  	s11 =	simm.s32 $0x1DBC0;
	v6 =	vld [tilespmem:s9+$0x10];
	v12 =	vmul.f32 v8, v14  }
0x3bb: {  	s12 =	simm.s32 $0x0;
	s13 =	simm.s32 $0x18E40;
	v8 =	vld [tilespmem:s9+$0x20];
	[tilespmem:s11+$0x30] =	vst v11;
	v11 =	vmul.f32 v15, v13  }
.LBB2_42:
0x3bc: {  	v13 =	vld [tilespmem:s13+$0x30];
	s12 =	sadd.s32 $0x8, s12;
	[tilespmem:s11+$0xFFFFFFC0] =	vst v12;
	v5 =	vmul.f32 v10, v5  }
0x3bd: {  	v10 =	vld [tilespmem:s13+$0xFFFFFFD0];
	p1 =	slt.u32 s12, $0x58;
	[tilespmem:s11+$0xFFFFFFD0] =	vst v11;
	v4 =	vmul.f32 v9, v4  }
0x3be: {  	v9 =	vld [tilespmem:s13+$0xFFFFFFE0];
	[tilespmem:s11+$0xFFFFFFE0] =	vst v5;
	v3 =	vmul.f32 v7, v3  }
0x3bf: {  	v7 =	vld [tilespmem:s13+$0xFFFFFFF0];
	[tilespmem:s11+$0xFFFFFFF0] =	vst v4;
	v1 =	vmul.f32 v6, v1  }
0x3c0: {  	v6 =	vld [tilespmem:s13+$0x0];
	[tilespmem:s11+$0x0] =	vst v3;
	v2 =	vmul.f32 v8, v2  }
0x3c1: {  	v8 =	vld [tilespmem:s13+$0x10];
	[tilespmem:s11+$0x10] =	vst v1  }
0x3c2: {  	v11 =	vld [tilespmem:s13+$0x20];
	[tilespmem:s11+$0x20] =	vst v2  }
0x3c3: {  	v2 =	vld [tilespmem:s13+$0xFFFFFFC0]  }
0x3c4: {  	s9 =	sadd.s32 $0x80, s9;
	v12 =	vld.idx.msk [tilespmem:v13+s7+$0x0], $0xffff  }
0x3c5: {  	v13 =	vld [tilespmem:s9+$0x30]  }
0x3c6: {  	v14 =	vld.idx.msk [tilespmem:v10+s7+$0x0], $0xffff  }
0x3c7: {  	v5 =	vld.idx.msk [tilespmem:v9+s7+$0x0], $0xffff  }
0x3c8: {  	v4 =	vld.idx.msk [tilespmem:v7+s7+$0x0], $0xffff  }
0x3c9: {  	v3 =	vld.idx.msk [tilespmem:v6+s7+$0x0], $0xffff  }
0x3ca: {  	v1 =	vld.idx.msk [tilespmem:v8+s7+$0x0], $0xffff;
	v6 =	vmul.f32 v13, v12  }
0x3cb: {  	s11 =	sadd.s32 $0x80, s11;
	v8 =	vld.idx.msk [tilespmem:v2+s7+$0x0], $0xffff  }
0x3cc: {  	v2 =	vld.idx.msk [tilespmem:v11+s7+$0x0], $0xffff;
	[tilespmem:s11+$0x30] =	vst v6  }
0x3cd: {  	v6 =	vld [tilespmem:s9+$0xFFFFFFC0]  }
0x3ce: {  	v11 =	vld [tilespmem:s9+$0xFFFFFFD0]  }
.Ltmp20:
0x3cf: {  	v10 =	vld [tilespmem:s9+$0xFFFFFFE0];
	(pc) =	sbr.rel @p1 .LBB2_42-.Ltmp20, $4  }
0x3d0: {  	v9 =	vld [tilespmem:s9+$0xFFFFFFF0]  }
0x3d1: {  	v7 =	vld [tilespmem:s9+$0x0]  }
0x3d2: {  	v12 =	vmul.f32 v6, v8;
	v6 =	vld [tilespmem:s9+$0x10]  }
0x3d3: {  	s13 =	sadd.s32 $0x80, s13;
	v11 =	vmul.f32 v11, v14;
	v8 =	vld [tilespmem:s9+$0x20]  }
0x3d4: {  	[tilespmem:s11+$0xFFFFFFC0] =	vst v12;
	v5 =	vmul.f32 v10, v5  }
0x3d5: {  	[tilespmem:s11+$0xFFFFFFD0] =	vst v11;
	v4 =	vmul.f32 v9, v4  }
0x3d6: {  	[tilespmem:s11+$0xFFFFFFE0] =	vst v5;
	v3 =	vmul.f32 v7, v3  }
0x3d7: {  	[tilespmem:s11+$0xFFFFFFF0] =	vst v4;
	v1 =	vmul.f32 v6, v1  }
0x3d8: {  	[tilespmem:s11+$0x0] =	vst v3;
	v2 =	vmul.f32 v8, v2  }
0x3d9: {  	[tilespmem:s11+$0x10] =	vst v1  }
0x3da: {  	[tilespmem:s11+$0x20] =	vst v2  }
.LBB2_44:
0x3db: {  	s9 =	sshra.s32 s7, $0x2  }
0x3dc: {  	v1 =	vld [tilespmem:s9+$0x19380];
	_ =	sdelay $0x6  }
0x3dd: {  	v2 =	vld [tilespmem:s9+$0x1AD80]  }
0x3de: {  	v1 =	vld.idx.msk [tilespmem:v1+s6+$0x0], $0xffff;
	_ =	sdelay $0x1  }
0x3df: {  	p1 =	sne.s32 s7, $0xC0  }
.Ltmp21:
0x3e0: {  	_ = 	snop;
	(pc) =	sbr.rel @p1 .LBB2_44-.Ltmp21, $3  }
0x3e1: {  	_ = 	snop  }
0x3e2: {  	v1 =	vmul.f32 v2, v1;
	_ =	sdelay $0x1  }
0x3e3: {  	s7 =	sadd.s32 $0x40, s7;
	[tilespmem:s9+$0x1E180] =	vst v1  }
0x3e4: {  	[spmem:s4] =	stream.indirect.scatter.add.f32 [tilespmem:s8], [sflag:$0x3], $0x1, s24, s18, $0xb8;
	[tilespmem:$0x1FA70] =	vst v63  }
0x3e5: {  	_ =	swait.ge [sflag:s25], $0xC80  }
0x3e6: {  	[sflag:s25] =	ssyncset.done $0x0  }
0x3e7: {  	[sflag:s25] =	ssyncadd.s32 $0xFFFFF380  }
0x3e8: {  	_ =	swait.ge [sflag:s26], $0x640  }
0x3e9: {  	[sflag:s26] =	ssyncset.done $0x0  }
0x3ea: {  	[sflag:s26] =	ssyncadd.s32 $0xFFFFF9C0  }
0x3eb: {  	_ =	swait.ge [sflag:s10], $0x640  }
0x3ec: {  	s7 =	sld [smem:$0x7ED]  }
0x3ed: {  	[sflag:s10] =	ssyncset.done $0x0  }
0x3ee: {  	s15 =	simm.s32 $0x19440;
	[sflag:s10] =	ssyncadd.s32 $0xFFFFF9C0  }
0x3ef: {  	[tilespmem:s23], [sflag:$0x2] =	stream.linear.gather [hbm4b:s7+s6], $0x640, $0x38;
	[tilespmem:$0x1FA70] =	vst v63  }
0x3f0: {  	v1 =	vld [tilespmem:s15+$0x30]  }
0x3f1: {  	v2 =	vld [tilespmem:s15+$0xFFFFFFD0]  }
0x3f2: {  	v3 =	vld [tilespmem:s15+$0xFFFFFFE0]  }
0x3f3: {  	v4 =	vld [tilespmem:s15+$0xFFFFFFF0]  }
0x3f4: {  	v6 =	vld [tilespmem:s15+$0x0]  }
0x3f5: {  	v7 =	vld [tilespmem:s15+$0x10]  }
0x3f6: {  	v8 =	vld [tilespmem:s15+$0x20]  }
0x3f7: {  	s9 =	simm.s32 $0x1AE40;
	v9 =	vld [tilespmem:s15+$0xFFFFFFC0]  }
0x3f8: {  	v12 =	vld [tilespmem:s9+$0x30]  }
0x3f9: {  	v15 =	vld [tilespmem:s9+$0xFFFFFFD0]  }
0x3fa: {  	s7 =	simm.s32 $0x0;
	v10 =	vld [tilespmem:s9+$0xFFFFFFE0]  }
0x3fb: {  	v11 =	vld.idx.msk [tilespmem:v1+s7+$0x0], $0xffff  }
0x3fc: {  	v13 =	vld.idx.msk [tilespmem:v2+s7+$0x0], $0xffff  }
0x3fd: {  	v5 =	vld.idx.msk [tilespmem:v3+s7+$0x0], $0xffff  }
0x3fe: {  	v4 =	vld.idx.msk [tilespmem:v4+s7+$0x0], $0xffff  }
0x3ff: {  	v14 =	vld.idx.msk [tilespmem:v9+s7+$0x0], $0xffff  }
0x400: {  	v2 =	vld.idx.msk [tilespmem:v8+s7+$0x0], $0xffff  }
0x401: {  	v8 =	vld [tilespmem:s9+$0xFFFFFFC0]  }
0x402: {  	v3 =	vld.idx.msk [tilespmem:v6+s7+$0x0], $0xffff  }
0x403: {  	v1 =	vld.idx.msk [tilespmem:v7+s7+$0x0], $0xffff  }
0x404: {  	v9 =	vld [tilespmem:s9+$0xFFFFFFF0]  }
0x405: {  	v7 =	vld [tilespmem:s9+$0x0];
	v11 =	vmul.f32 v12, v11  }
0x406: {  	s11 =	simm.s32 $0x1D540;
	v6 =	vld [tilespmem:s9+$0x10];
	v12 =	vmul.f32 v8, v14  }
0x407: {  	s12 =	simm.s32 $0x0;
	s13 =	simm.s32 $0x194C0;
	v8 =	vld [tilespmem:s9+$0x20];
	[tilespmem:s11+$0x30] =	vst v11;
	v11 =	vmul.f32 v15, v13  }
.LBB2_46:
0x408: {  	v13 =	vld [tilespmem:s13+$0x30];
	s12 =	sadd.s32 $0x8, s12;
	[tilespmem:s11+$0xFFFFFFC0] =	vst v12;
	v5 =	vmul.f32 v10, v5  }
0x409: {  	v10 =	vld [tilespmem:s13+$0xFFFFFFD0];
	p1 =	slt.u32 s12, $0x58;
	[tilespmem:s11+$0xFFFFFFD0] =	vst v11;
	v4 =	vmul.f32 v9, v4  }
0x40a: {  	v9 =	vld [tilespmem:s13+$0xFFFFFFE0];
	[tilespmem:s11+$0xFFFFFFE0] =	vst v5;
	v3 =	vmul.f32 v7, v3  }
0x40b: {  	v7 =	vld [tilespmem:s13+$0xFFFFFFF0];
	[tilespmem:s11+$0xFFFFFFF0] =	vst v4;
	v1 =	vmul.f32 v6, v1  }
0x40c: {  	v6 =	vld [tilespmem:s13+$0x0];
	[tilespmem:s11+$0x0] =	vst v3;
	v2 =	vmul.f32 v8, v2  }
0x40d: {  	v8 =	vld [tilespmem:s13+$0x10];
	[tilespmem:s11+$0x10] =	vst v1  }
0x40e: {  	v11 =	vld [tilespmem:s13+$0x20];
	[tilespmem:s11+$0x20] =	vst v2  }
0x40f: {  	v2 =	vld [tilespmem:s13+$0xFFFFFFC0]  }
0x410: {  	s9 =	sadd.s32 $0x80, s9;
	v12 =	vld.idx.msk [tilespmem:v13+s7+$0x0], $0xffff  }
0x411: {  	v13 =	vld [tilespmem:s9+$0x30]  }
0x412: {  	v14 =	vld.idx.msk [tilespmem:v10+s7+$0x0], $0xffff  }
0x413: {  	v5 =	vld.idx.msk [tilespmem:v9+s7+$0x0], $0xffff  }
0x414: {  	v4 =	vld.idx.msk [tilespmem:v7+s7+$0x0], $0xffff  }
0x415: {  	v3 =	vld.idx.msk [tilespmem:v6+s7+$0x0], $0xffff  }
0x416: {  	v1 =	vld.idx.msk [tilespmem:v8+s7+$0x0], $0xffff;
	v6 =	vmul.f32 v13, v12  }
0x417: {  	s11 =	sadd.s32 $0x80, s11;
	v8 =	vld.idx.msk [tilespmem:v2+s7+$0x0], $0xffff  }
0x418: {  	v2 =	vld.idx.msk [tilespmem:v11+s7+$0x0], $0xffff;
	[tilespmem:s11+$0x30] =	vst v6  }
0x419: {  	v6 =	vld [tilespmem:s9+$0xFFFFFFC0]  }
0x41a: {  	v11 =	vld [tilespmem:s9+$0xFFFFFFD0]  }
.Ltmp22:
0x41b: {  	v10 =	vld [tilespmem:s9+$0xFFFFFFE0];
	(pc) =	sbr.rel @p1 .LBB2_46-.Ltmp22, $4  }
0x41c: {  	v9 =	vld [tilespmem:s9+$0xFFFFFFF0]  }
0x41d: {  	v7 =	vld [tilespmem:s9+$0x0]  }
0x41e: {  	v12 =	vmul.f32 v6, v8;
	v6 =	vld [tilespmem:s9+$0x10]  }
0x41f: {  	s13 =	sadd.s32 $0x80, s13;
	v11 =	vmul.f32 v11, v14;
	v8 =	vld [tilespmem:s9+$0x20]  }
0x420: {  	[tilespmem:s11+$0xFFFFFFC0] =	vst v12;
	v5 =	vmul.f32 v10, v5  }
0x421: {  	[tilespmem:s11+$0xFFFFFFD0] =	vst v11;
	v4 =	vmul.f32 v9, v4  }
0x422: {  	[tilespmem:s11+$0xFFFFFFE0] =	vst v5;
	v3 =	vmul.f32 v7, v3  }
0x423: {  	[tilespmem:s11+$0xFFFFFFF0] =	vst v4;
	v1 =	vmul.f32 v6, v1  }
0x424: {  	[tilespmem:s11+$0x0] =	vst v3;
	v2 =	vmul.f32 v8, v2  }
0x425: {  	[tilespmem:s11+$0x10] =	vst v1  }
0x426: {  	[tilespmem:s11+$0x20] =	vst v2  }
.LBB2_48:
0x427: {  	s9 =	sshra.s32 s7, $0x2  }
0x428: {  	v1 =	vld [tilespmem:s9+$0x19A00];
	_ =	sdelay $0x6  }
0x429: {  	v2 =	vld [tilespmem:s9+$0x1B400]  }
0x42a: {  	v1 =	vld.idx.msk [tilespmem:v1+s6+$0x0], $0xffff;
	_ =	sdelay $0x1  }
0x42b: {  	p1 =	sne.s32 s7, $0xC0  }
.Ltmp23:
0x42c: {  	_ = 	snop;
	(pc) =	sbr.rel @p1 .LBB2_48-.Ltmp23, $3  }
0x42d: {  	_ = 	snop  }
0x42e: {  	v1 =	vmul.f32 v2, v1;
	_ =	sdelay $0x1  }
0x42f: {  	s7 =	sadd.s32 $0x40, s7;
	[tilespmem:s9+$0x1DB00] =	vst v1  }
0x430: {  	[spmem:s4] =	stream.indirect.scatter.add.f32 [tilespmem:s20], [sflag:$0x3], $0x1, s30, s18, $0xb8;
	[tilespmem:$0x1FA70] =	vst v63  }
0x431: {  	_ =	swait.ge [sflag:s25], $0xC80  }
0x432: {  	[sflag:s25] =	ssyncset.done $0x0  }
0x433: {  	[sflag:s25] =	ssyncadd.s32 $0xFFFFF380  }
0x434: {  	_ =	swait.ge [sflag:s26], $0x640  }
0x435: {  	[sflag:s26] =	ssyncset.done $0x0  }
0x436: {  	[sflag:s26] =	ssyncadd.s32 $0xFFFFF9C0  }
0x437: {  	_ =	swait.ge [sflag:s10], $0x640  }
0x438: {  	[sflag:s10] =	ssyncset.done $0x0  }
0x439: {  	s7 =	simm.s32 $0x19AC0;
	[sflag:s10] =	ssyncadd.s32 $0xFFFFF9C0  }
0x43a: {  	v1 =	vld [tilespmem:s7+$0x30]  }
0x43b: {  	v2 =	vld [tilespmem:s7+$0xFFFFFFD0]  }
0x43c: {  	v3 =	vld [tilespmem:s7+$0xFFFFFFE0]  }
0x43d: {  	v4 =	vld [tilespmem:s7+$0xFFFFFFF0]  }
0x43e: {  	v6 =	vld [tilespmem:s7+$0x0]  }
0x43f: {  	v7 =	vld [tilespmem:s7+$0x10]  }
0x440: {  	v8 =	vld [tilespmem:s7+$0x20]  }
0x441: {  	s9 =	simm.s32 $0x1B4C0;
	v9 =	vld [tilespmem:s7+$0xFFFFFFC0]  }
0x442: {  	v12 =	vld [tilespmem:s9+$0x30]  }
0x443: {  	v15 =	vld [tilespmem:s9+$0xFFFFFFD0]  }
0x444: {  	s7 =	simm.s32 $0x0;
	v10 =	vld [tilespmem:s9+$0xFFFFFFE0]  }
0x445: {  	v11 =	vld.idx.msk [tilespmem:v1+s7+$0x0], $0xffff  }
0x446: {  	v13 =	vld.idx.msk [tilespmem:v2+s7+$0x0], $0xffff  }
0x447: {  	v5 =	vld.idx.msk [tilespmem:v3+s7+$0x0], $0xffff  }
0x448: {  	v4 =	vld.idx.msk [tilespmem:v4+s7+$0x0], $0xffff  }
0x449: {  	v14 =	vld.idx.msk [tilespmem:v9+s7+$0x0], $0xffff  }
0x44a: {  	v2 =	vld.idx.msk [tilespmem:v8+s7+$0x0], $0xffff  }
0x44b: {  	v8 =	vld [tilespmem:s9+$0xFFFFFFC0]  }
0x44c: {  	v3 =	vld.idx.msk [tilespmem:v6+s7+$0x0], $0xffff  }
0x44d: {  	v1 =	vld.idx.msk [tilespmem:v7+s7+$0x0], $0xffff  }
0x44e: {  	v9 =	vld [tilespmem:s9+$0xFFFFFFF0]  }
0x44f: {  	v7 =	vld [tilespmem:s9+$0x0];
	v11 =	vmul.f32 v12, v11  }
0x450: {  	s11 =	simm.s32 $0x1DBC0;
	v6 =	vld [tilespmem:s9+$0x10];
	v12 =	vmul.f32 v8, v14  }
0x451: {  	s12 =	simm.s32 $0x0;
	s13 =	simm.s32 $0x19B40;
	v8 =	vld [tilespmem:s9+$0x20];
	[tilespmem:s11+$0x30] =	vst v11;
	v11 =	vmul.f32 v15, v13  }
.LBB2_50:
0x452: {  	v13 =	vld [tilespmem:s13+$0x30];
	s12 =	sadd.s32 $0x8, s12;
	[tilespmem:s11+$0xFFFFFFC0] =	vst v12;
	v5 =	vmul.f32 v10, v5  }
0x453: {  	v10 =	vld [tilespmem:s13+$0xFFFFFFD0];
	p1 =	slt.u32 s12, $0x58;
	[tilespmem:s11+$0xFFFFFFD0] =	vst v11;
	v4 =	vmul.f32 v9, v4  }
0x454: {  	v9 =	vld [tilespmem:s13+$0xFFFFFFE0];
	[tilespmem:s11+$0xFFFFFFE0] =	vst v5;
	v3 =	vmul.f32 v7, v3  }
0x455: {  	v7 =	vld [tilespmem:s13+$0xFFFFFFF0];
	[tilespmem:s11+$0xFFFFFFF0] =	vst v4;
	v1 =	vmul.f32 v6, v1  }
0x456: {  	v6 =	vld [tilespmem:s13+$0x0];
	[tilespmem:s11+$0x0] =	vst v3;
	v2 =	vmul.f32 v8, v2  }
0x457: {  	v8 =	vld [tilespmem:s13+$0x10];
	[tilespmem:s11+$0x10] =	vst v1  }
0x458: {  	v11 =	vld [tilespmem:s13+$0x20];
	[tilespmem:s11+$0x20] =	vst v2  }
0x459: {  	v2 =	vld [tilespmem:s13+$0xFFFFFFC0]  }
0x45a: {  	s9 =	sadd.s32 $0x80, s9;
	v12 =	vld.idx.msk [tilespmem:v13+s7+$0x0], $0xffff  }
0x45b: {  	v13 =	vld [tilespmem:s9+$0x30]  }
0x45c: {  	v14 =	vld.idx.msk [tilespmem:v10+s7+$0x0], $0xffff  }
0x45d: {  	v5 =	vld.idx.msk [tilespmem:v9+s7+$0x0], $0xffff  }
0x45e: {  	v4 =	vld.idx.msk [tilespmem:v7+s7+$0x0], $0xffff  }
0x45f: {  	v3 =	vld.idx.msk [tilespmem:v6+s7+$0x0], $0xffff  }
0x460: {  	v1 =	vld.idx.msk [tilespmem:v8+s7+$0x0], $0xffff;
	v6 =	vmul.f32 v13, v12  }
0x461: {  	s11 =	sadd.s32 $0x80, s11;
	v8 =	vld.idx.msk [tilespmem:v2+s7+$0x0], $0xffff  }
0x462: {  	v2 =	vld.idx.msk [tilespmem:v11+s7+$0x0], $0xffff;
	[tilespmem:s11+$0x30] =	vst v6  }
0x463: {  	v6 =	vld [tilespmem:s9+$0xFFFFFFC0]  }
0x464: {  	v11 =	vld [tilespmem:s9+$0xFFFFFFD0]  }
.Ltmp24:
0x465: {  	v10 =	vld [tilespmem:s9+$0xFFFFFFE0];
	(pc) =	sbr.rel @p1 .LBB2_50-.Ltmp24, $4  }
0x466: {  	v9 =	vld [tilespmem:s9+$0xFFFFFFF0]  }
0x467: {  	v7 =	vld [tilespmem:s9+$0x0]  }
0x468: {  	v12 =	vmul.f32 v6, v8;
	v6 =	vld [tilespmem:s9+$0x10]  }
0x469: {  	s13 =	sadd.s32 $0x80, s13;
	v11 =	vmul.f32 v11, v14;
	v8 =	vld [tilespmem:s9+$0x20]  }
0x46a: {  	[tilespmem:s11+$0xFFFFFFC0] =	vst v12;
	v5 =	vmul.f32 v10, v5  }
0x46b: {  	[tilespmem:s11+$0xFFFFFFD0] =	vst v11;
	v4 =	vmul.f32 v9, v4  }
0x46c: {  	[tilespmem:s11+$0xFFFFFFE0] =	vst v5;
	v3 =	vmul.f32 v7, v3  }
0x46d: {  	[tilespmem:s11+$0xFFFFFFF0] =	vst v4;
	v1 =	vmul.f32 v6, v1  }
0x46e: {  	[tilespmem:s11+$0x0] =	vst v3;
	v2 =	vmul.f32 v8, v2  }
0x46f: {  	[tilespmem:s11+$0x10] =	vst v1  }
0x470: {  	[tilespmem:s11+$0x20] =	vst v2  }
.LBB2_52:
0x471: {  	s9 =	sshra.s32 s7, $0x2  }
0x472: {  	v1 =	vld [tilespmem:s9+$0x1A080];
	_ =	sdelay $0x6  }
0x473: {  	v2 =	vld [tilespmem:s9+$0x1BA80]  }
0x474: {  	v1 =	vld.idx.msk [tilespmem:v1+s6+$0x0], $0xffff;
	_ =	sdelay $0x1  }
0x475: {  	p1 =	sne.s32 s7, $0xC0  }
.Ltmp25:
0x476: {  	_ = 	snop;
	(pc) =	sbr.rel @p1 .LBB2_52-.Ltmp25, $3  }
0x477: {  	_ = 	snop  }
0x478: {  	v1 =	vmul.f32 v2, v1;
	_ =	sdelay $0x1  }
0x479: {  	s7 =	sadd.s32 $0x40, s7;
	[tilespmem:s9+$0x1E180] =	vst v1  }
0x47a: {  	[spmem:s4] =	stream.indirect.scatter.add.f32 [tilespmem:s8], [sflag:$0x3], $0x1, s31, s18, $0xb8;
	[tilespmem:$0x1FA70] =	vst v63  }
0x47b: {  	_ =	swait.ge [sflag:s25], $0xC80  }
0x47c: {  	[sflag:s25] =	ssyncset.done $0x0  }
0x47d: {  	[sflag:s25] =	ssyncadd.s32 $0xFFFFF380  }
0x47e: {  	_ =	swait.ge [sflag:s26], $0x640  }
0x47f: {  	[sflag:s26] =	ssyncset.done $0x0  }
0x480: {  	[sflag:s26] =	ssyncadd.s32 $0xFFFFF9C0  }
0x481: {  	_ =	swait.ge [sflag:s10], $0x640  }
0x482: {  	[sflag:s10] =	ssyncset.done $0x0  }
0x483: {  	s7 =	simm.s32 $0x18740;
	[sflag:s10] =	ssyncadd.s32 $0xFFFFF9C0  }
0x484: {  	v1 =	vld [tilespmem:s7+$0x30]  }
0x485: {  	v2 =	vld [tilespmem:s7+$0xFFFFFFD0]  }
0x486: {  	v3 =	vld [tilespmem:s7+$0xFFFFFFE0]  }
0x487: {  	v4 =	vld [tilespmem:s7+$0xFFFFFFF0]  }
0x488: {  	v6 =	vld [tilespmem:s7+$0x0]  }
0x489: {  	v7 =	vld [tilespmem:s7+$0x10]  }
0x48a: {  	v8 =	vld [tilespmem:s7+$0x20]  }
0x48b: {  	s9 =	simm.s32 $0x1A140;
	v9 =	vld [tilespmem:s7+$0xFFFFFFC0]  }
0x48c: {  	v12 =	vld [tilespmem:s9+$0x30]  }
0x48d: {  	v15 =	vld [tilespmem:s9+$0xFFFFFFD0]  }
0x48e: {  	s7 =	simm.s32 $0x0;
	v10 =	vld [tilespmem:s9+$0xFFFFFFE0]  }
0x48f: {  	v11 =	vld.idx.msk [tilespmem:v1+s7+$0x0], $0xffff  }
0x490: {  	v13 =	vld.idx.msk [tilespmem:v2+s7+$0x0], $0xffff  }
0x491: {  	v5 =	vld.idx.msk [tilespmem:v3+s7+$0x0], $0xffff  }
0x492: {  	v4 =	vld.idx.msk [tilespmem:v4+s7+$0x0], $0xffff  }
0x493: {  	v14 =	vld.idx.msk [tilespmem:v9+s7+$0x0], $0xffff  }
0x494: {  	v2 =	vld.idx.msk [tilespmem:v8+s7+$0x0], $0xffff  }
0x495: {  	v8 =	vld [tilespmem:s9+$0xFFFFFFC0]  }
0x496: {  	v3 =	vld.idx.msk [tilespmem:v6+s7+$0x0], $0xffff  }
0x497: {  	v1 =	vld.idx.msk [tilespmem:v7+s7+$0x0], $0xffff  }
0x498: {  	v9 =	vld [tilespmem:s9+$0xFFFFFFF0]  }
0x499: {  	v7 =	vld [tilespmem:s9+$0x0];
	v11 =	vmul.f32 v12, v11  }
0x49a: {  	s11 =	simm.s32 $0x1D540;
	v6 =	vld [tilespmem:s9+$0x10];
	v12 =	vmul.f32 v8, v14  }
0x49b: {  	s12 =	simm.s32 $0x0;
	s13 =	simm.s32 $0x187C0;
	v8 =	vld [tilespmem:s9+$0x20];
	[tilespmem:s11+$0x30] =	vst v11;
	v11 =	vmul.f32 v15, v13  }
.LBB2_54:
0x49c: {  	v13 =	vld [tilespmem:s13+$0x30];
	s12 =	sadd.s32 $0x8, s12;
	[tilespmem:s11+$0xFFFFFFC0] =	vst v12;
	v5 =	vmul.f32 v10, v5  }
0x49d: {  	v10 =	vld [tilespmem:s13+$0xFFFFFFD0];
	p1 =	slt.u32 s12, $0x58;
	[tilespmem:s11+$0xFFFFFFD0] =	vst v11;
	v4 =	vmul.f32 v9, v4  }
0x49e: {  	v9 =	vld [tilespmem:s13+$0xFFFFFFE0];
	[tilespmem:s11+$0xFFFFFFE0] =	vst v5;
	v3 =	vmul.f32 v7, v3  }
0x49f: {  	v7 =	vld [tilespmem:s13+$0xFFFFFFF0];
	[tilespmem:s11+$0xFFFFFFF0] =	vst v4;
	v1 =	vmul.f32 v6, v1  }
0x4a0: {  	v6 =	vld [tilespmem:s13+$0x0];
	[tilespmem:s11+$0x0] =	vst v3;
	v2 =	vmul.f32 v8, v2  }
0x4a1: {  	v8 =	vld [tilespmem:s13+$0x10];
	[tilespmem:s11+$0x10] =	vst v1  }
0x4a2: {  	v11 =	vld [tilespmem:s13+$0x20];
	[tilespmem:s11+$0x20] =	vst v2  }
0x4a3: {  	v2 =	vld [tilespmem:s13+$0xFFFFFFC0]  }
0x4a4: {  	s9 =	sadd.s32 $0x80, s9;
	v12 =	vld.idx.msk [tilespmem:v13+s7+$0x0], $0xffff  }
0x4a5: {  	v13 =	vld [tilespmem:s9+$0x30]  }
0x4a6: {  	v14 =	vld.idx.msk [tilespmem:v10+s7+$0x0], $0xffff  }
0x4a7: {  	v5 =	vld.idx.msk [tilespmem:v9+s7+$0x0], $0xffff  }
0x4a8: {  	v4 =	vld.idx.msk [tilespmem:v7+s7+$0x0], $0xffff  }
0x4a9: {  	v3 =	vld.idx.msk [tilespmem:v6+s7+$0x0], $0xffff  }
0x4aa: {  	v1 =	vld.idx.msk [tilespmem:v8+s7+$0x0], $0xffff;
	v6 =	vmul.f32 v13, v12  }
0x4ab: {  	s11 =	sadd.s32 $0x80, s11;
	v8 =	vld.idx.msk [tilespmem:v2+s7+$0x0], $0xffff  }
0x4ac: {  	v2 =	vld.idx.msk [tilespmem:v11+s7+$0x0], $0xffff;
	[tilespmem:s11+$0x30] =	vst v6  }
0x4ad: {  	v6 =	vld [tilespmem:s9+$0xFFFFFFC0]  }
0x4ae: {  	v11 =	vld [tilespmem:s9+$0xFFFFFFD0]  }
.Ltmp26:
0x4af: {  	v10 =	vld [tilespmem:s9+$0xFFFFFFE0];
	(pc) =	sbr.rel @p1 .LBB2_54-.Ltmp26, $4  }
0x4b0: {  	v9 =	vld [tilespmem:s9+$0xFFFFFFF0]  }
0x4b1: {  	v7 =	vld [tilespmem:s9+$0x0]  }
0x4b2: {  	v12 =	vmul.f32 v6, v8;
	v6 =	vld [tilespmem:s9+$0x10]  }
0x4b3: {  	s13 =	sadd.s32 $0x80, s13;
	v11 =	vmul.f32 v11, v14;
	v8 =	vld [tilespmem:s9+$0x20]  }
0x4b4: {  	[tilespmem:s11+$0xFFFFFFC0] =	vst v12;
	v5 =	vmul.f32 v10, v5  }
0x4b5: {  	[tilespmem:s11+$0xFFFFFFD0] =	vst v11;
	v4 =	vmul.f32 v9, v4  }
0x4b6: {  	[tilespmem:s11+$0xFFFFFFE0] =	vst v5;
	v3 =	vmul.f32 v7, v3  }
0x4b7: {  	[tilespmem:s11+$0xFFFFFFF0] =	vst v4;
	v1 =	vmul.f32 v6, v1  }
0x4b8: {  	[tilespmem:s11+$0x0] =	vst v3;
	v2 =	vmul.f32 v8, v2  }
0x4b9: {  	[tilespmem:s11+$0x10] =	vst v1  }
0x4ba: {  	[tilespmem:s11+$0x20] =	vst v2  }
.LBB2_56:
0x4bb: {  	s9 =	sshra.s32 s7, $0x2  }
0x4bc: {  	v1 =	vld [tilespmem:s9+$0x18D00];
	_ =	sdelay $0x6  }
0x4bd: {  	v2 =	vld [tilespmem:s9+$0x1A700]  }
0x4be: {  	v1 =	vld.idx.msk [tilespmem:v1+s6+$0x0], $0xffff;
	_ =	sdelay $0x1  }
0x4bf: {  	p1 =	sne.s32 s7, $0xC0  }
.Ltmp27:
0x4c0: {  	_ = 	snop;
	(pc) =	sbr.rel @p1 .LBB2_56-.Ltmp27, $3  }
0x4c1: {  	_ = 	snop  }
0x4c2: {  	v1 =	vmul.f32 v2, v1;
	_ =	sdelay $0x1  }
0x4c3: {  	s7 =	sadd.s32 $0x40, s7;
	[tilespmem:s9+$0x1DB00] =	vst v1  }
0x4c4: {  	[spmem:s4] =	stream.indirect.scatter.add.f32 [tilespmem:s20], [sflag:$0x3], $0x1, s23, s18, $0xb8;
	[tilespmem:$0x1FA70] =	vst v63  }
0x4c5: {  	_ =	swait.ge [sflag:s10], $0x640  }
0x4c6: {  	[sflag:s10] =	ssyncset.done $0x0  }
0x4c7: {  	[sflag:s10] =	ssyncadd.s32 $0xFFFFF9C0  }
0x4c8: {  	_ =	swait.ge [sflag:s10], $0x640  }
0x4c9: {  	[sflag:s10] =	ssyncset.done $0x0  }
0x4ca: {  	[sflag:s10] =	ssyncadd.s32 $0xFFFFF9C0  }
0x4cb: {  	s7 =	simm.s32 @p0 $0x1D500;
	s9 =	simm.s32 @p0 $0x4;
	[bflag:$0x0] =	sbarrier.arrive $0xFFFF  }
0x4cc: {  	[tilespmem:s7], [sflag:$0x4] =	stream.linear.gather @p0 [spmem:s14], $0x640, $0x38;
	[tilespmem:$0x1FA70] =	vst v63  }
0x4cd: {  	_ =	swait.ge @p0 [sflag:s9], $0x640  }
0x4ce: {  	s12 =	sld [smem:$0x7EE]  }
0x4cf: {  	[sflag:s9] =	ssyncset.done @p0 $0x0  }
0x4d0: {  	s11 =	simm.s32 @p0 $0x0;
	[sflag:s9] =	ssyncadd.s32 @p0 $0xFFFFF9C0  }
0x4d1: {  	[hbm4b:s12+s11] =	stream.linear.scatter @p0 [tilespmem:s7], [sflag:$0x4], $0x640, $0x38;
	[tilespmem:$0x1FA70] =	vst v63  }
0x4d2: {  	_ =	swait.ge @p0 [sflag:s9], $0x640  }
0x4d3: {  	[sflag:s9] =	ssyncset.done @p0 $0x0  }
0x4d4: {  	[sflag:s9] =	ssyncadd.s32 @p0 $0xFFFFF9C0  }
0x4d5: {  	[tilespmem:s7], [sflag:$0x4] =	stream.linear.gather @p0 [spmem:s29], $0x640, $0x38;
	[tilespmem:$0x1FA70] =	vst v63  }
0x4d6: {  	_ =	swait.ge @p0 [sflag:s9], $0x640  }
0x4d7: {  	s12 =	sld [smem:$0x7EF]  }
0x4d8: {  	[sflag:s9] =	ssyncset.done @p0 $0x0  }
0x4d9: {  	[sflag:s9] =	ssyncadd.s32 @p0 $0xFFFFF9C0  }
0x4da: {  	[hbm4b:s12+s11] =	stream.linear.scatter @p0 [tilespmem:s7], [sflag:$0x4], $0x640, $0x38;
	[tilespmem:$0x1FA70] =	vst v63  }
0x4db: {  	_ =	swait.ge @p0 [sflag:s9], $0x640  }
0x4dc: {  	[sflag:s9] =	ssyncset.done @p0 $0x0  }
0x4dd: {  	[sflag:s9] =	ssyncadd.s32 @p0 $0xFFFFF9C0  }
0x4de: {  	[tilespmem:s7], [sflag:$0x4] =	stream.linear.gather @p0 [spmem:s28], $0x640, $0x38;
	[tilespmem:$0x1FA70] =	vst v63  }
0x4df: {  	_ =	swait.ge @p0 [sflag:s9], $0x640  }
0x4e0: {  	s12 =	sld [smem:$0x7F0]  }
0x4e1: {  	[sflag:s9] =	ssyncset.done @p0 $0x0  }
0x4e2: {  	[sflag:s9] =	ssyncadd.s32 @p0 $0xFFFFF9C0  }
0x4e3: {  	[hbm4b:s12+s11] =	stream.linear.scatter @p0 [tilespmem:s7], [sflag:$0x4], $0x640, $0x38;
	[tilespmem:$0x1FA70] =	vst v63  }
0x4e4: {  	_ =	swait.ge @p0 [sflag:s9], $0x640  }
0x4e5: {  	s1 =	sld [smem:$0x7FD]  }
0x4e6: {  	[sflag:s9] =	ssyncset.done @p0 $0x0  }
0x4e7: {  	[sflag:s9] =	ssyncadd.s32 @p0 $0xFFFFF9C0  }
0x4e8: {  	[tilespmem:s7], [sflag:$0x4] =	stream.linear.gather @p0 [spmem:s1], $0x550, $0x38;
	[tilespmem:$0x1FA70] =	vst v63  }
0x4e9: {  	_ =	swait.ge @p0 [sflag:s9], $0x550  }
0x4ea: {  	s12 =	sld [smem:$0x7F1]  }
0x4eb: {  	[sflag:s9] =	ssyncset.done @p0 $0x0  }
0x4ec: {  	[sflag:s9] =	ssyncadd.s32 @p0 $0xFFFFFAB0  }
0x4ed: {  	[hbm4b:s12+s11] =	stream.linear.scatter @p0 [tilespmem:s7], [sflag:$0x4], $0x550, $0x38;
	[tilespmem:$0x1FA70] =	vst v63  }
0x4ee: {  	_ =	swait.ge @p0 [sflag:s9], $0x550  }
0x4ef: {  	s7 =	simm.s32 @!p0 $0x1D500;
	[sflag:s9] =	ssyncset.done @p0 $0x0  }
0x4f0: {  	s12 =	rddreg [dreg:$0x8];
	[sflag:s9] =	ssyncadd.s32 @p0 $0xFFFFFAB0;
	s9 =	simm.s32 @!p0 $0x4  }
0x4f1: {  	[tilespmem:s7], [sflag:$0x4] =	stream.linear.gather @!p0 [spmem:s12], $0x640, $0x38;
	[tilespmem:$0x1FA70] =	vst v63  }
0x4f2: {  	_ =	swait.ge @!p0 [sflag:s9], $0x640  }
0x4f3: {  	[sflag:s9] =	ssyncset.done @!p0 $0x0  }
0x4f4: {  	s11 =	simm.s32 @!p0 $0x0;
	s13 =	rddreg [dreg:$0x12];
	[sflag:s9] =	ssyncadd.s32 @!p0 $0xFFFFF9C0  }
0x4f5: {  	[hbm4b:s13+s11] =	stream.linear.scatter @!p0 [tilespmem:s7], [sflag:$0x4], $0x640, $0x38;
	[tilespmem:$0x1FA70] =	vst v63  }
0x4f6: {  	_ =	swait.ge @!p0 [sflag:s9], $0x640  }
0x4f7: {  	s13 =	sld [smem:$0x7F6]  }
0x4f8: {  	[sflag:s9] =	ssyncset.done @!p0 $0x0  }
0x4f9: {  	[sflag:s9] =	ssyncadd.s32 @!p0 $0xFFFFF9C0  }
0x4fa: {  	[tilespmem:s7], [sflag:$0x4] =	stream.linear.gather @!p0 [spmem:s13], $0x640, $0x38;
	[tilespmem:$0x1FA70] =	vst v63  }
0x4fb: {  	_ =	swait.ge @!p0 [sflag:s9], $0x640  }
0x4fc: {  	s13 =	sld [smem:$0x7F7]  }
0x4fd: {  	[sflag:s9] =	ssyncset.done @!p0 $0x0  }
0x4fe: {  	[sflag:s9] =	ssyncadd.s32 @!p0 $0xFFFFF9C0  }
0x4ff: {  	[hbm4b:s13+s11] =	stream.linear.scatter @!p0 [tilespmem:s7], [sflag:$0x4], $0x640, $0x38;
	[tilespmem:$0x1FA70] =	vst v63  }
0x500: {  	_ =	swait.ge @!p0 [sflag:s9], $0x640  }
0x501: {  	s13 =	sld [smem:$0x7F8]  }
0x502: {  	[sflag:s9] =	ssyncset.done @!p0 $0x0  }
0x503: {  	[sflag:s9] =	ssyncadd.s32 @!p0 $0xFFFFF9C0  }
0x504: {  	[tilespmem:s7], [sflag:$0x4] =	stream.linear.gather @!p0 [spmem:s13], $0x640, $0x38;
	[tilespmem:$0x1FA70] =	vst v63  }
0x505: {  	_ =	swait.ge @!p0 [sflag:s9], $0x640  }
0x506: {  	s13 =	sld [smem:$0x7F9]  }
0x507: {  	[sflag:s9] =	ssyncset.done @!p0 $0x0  }
0x508: {  	[sflag:s9] =	ssyncadd.s32 @!p0 $0xFFFFF9C0  }
0x509: {  	[hbm4b:s13+s11] =	stream.linear.scatter @!p0 [tilespmem:s7], [sflag:$0x4], $0x640, $0x38;
	[tilespmem:$0x1FA70] =	vst v63  }
0x50a: {  	_ =	swait.ge @!p0 [sflag:s9], $0x640  }
0x50b: {  	s13 =	sld [smem:$0x7FA]  }
0x50c: {  	[sflag:s9] =	ssyncset.done @!p0 $0x0  }
0x50d: {  	[sflag:s9] =	ssyncadd.s32 @!p0 $0xFFFFF9C0  }
0x50e: {  	[tilespmem:s7], [sflag:$0x4] =	stream.linear.gather @!p0 [spmem:s13], $0x5B0, $0x38;
	[tilespmem:$0x1FA70] =	vst v63  }
0x50f: {  	_ =	swait.ge @!p0 [sflag:s9], $0x5B0  }
0x510: {  	s13 =	sld [smem:$0x7FB]  }
0x511: {  	[sflag:s9] =	ssyncset.done @!p0 $0x0  }
0x512: {  	[sflag:s9] =	ssyncadd.s32 @!p0 $0xFFFFFA50  }
0x513: {  	[hbm4b:s13+s11] =	stream.linear.scatter @!p0 [tilespmem:s7], [sflag:$0x4], $0x5B0, $0x38;
	[tilespmem:$0x1FA70] =	vst v63  }
0x514: {  	_ =	swait.ge @!p0 [sflag:s9], $0x5B0  }
0x515: {  	s13 =	sld [smem:$0x7DD]  }
0x516: {  	s15 =	sld [smem:$0x7F2];
	_ =	sdelay $0x1  }
0x517: {  	s11 =	sadd.s32 $0x1, s13  }
0x518: {  	p1 =	sne.s32 s11, s15  }
.Ltmp28:
0x519: {  	_ = 	snop;
	(pc) =	sbr.rel @p1 .LBB2_1-.Ltmp28, $3  }
0x51a: {  	_ =	sdelay $0x1  }
0x51b: {  	[sflag:s9] =	ssyncset.done @!p0 $0x0  }
0x51c: {  	[sflag:s9] =	ssyncadd.s32 @!p0 $0xFFFFFA50  }
0x51d: {  	_ =	sfence.sel $0x180000  }
0x51e: {  	[bflag:$0x0] =	sbarrier.arrive $0xFFFF  }
0x51f: {  	_ =	strace $0x90000047  }
0x520: {  	s0 =	stileid.u32;
	[bflag:$0x2] =	sbarrier.arrive $0xFFFF  }
0x521: {  	p0 =	sne.s32 s0, $0x0;
	s0 =	rddreg [dreg:$0x6]  }
0x522: {  	s0 =	sadd.s32 @!p0 $0x100000, s0  }
0x523: {  	[sflag:s0] =	ssyncadd.tile.s32 @!p0 $0x1;
	_ =	shalt  }
.Lfunc_end2:
_tile_overlayer_lowered:
.L_overlay_start_2:
0x524: {  	(tag) =	ssettag $0x2  }
0x525: {  	s0 =	rddreg [dreg:$0x0];
	s2 =	stileid.u32  }
0x526: {  	s1 =	rddreg [dreg:$0x1];
	p0 =	sne.s32 s2, $0x0  }
0x527: {  	s3 =	rddreg [dreg:$0x2];
	[bflag:$0x3] =	sbarrier.arrive $0xFFFF;
	s2 =	simm.s32 @!p0 $0x1C04  }
0x528: {  	[timem:s3], [sflag:s2] =	dma.local @!p0 [hbm:s0], s1  }
0x529: {  	s0 =	simm.s32 @!p0 $0x4  }
0x52a: {  	_ =	swait.ge @!p0 [sflag:s0], s1  }
0x52b: {  	s1 =	ssub.s32 @!p0 $0x0, s1;
	[sflag:s0] =	ssyncset.done @!p0 $0x0  }
0x52c: {  	[sflag:s0] =	ssyncadd.s32 @!p0 s1  }
0x52d: {  	[bflag:$0x3] =	sbarrier.arrive $0xFFFF  }
0x52e: {  	_ =	shalt  }

</sc_bundles>
